<compile_context>
chip_gen: v7x
topology: tpu7x:2x2x1
jax: 0.10.2.dev20260603
libtpu: 0.0.44.dev20260713+nightly
codegen_flags: <defaults>
</compile_context>

<pallas_src>
import functools

import jax
import jax.numpy as jnp
from jax import lax
from jax.experimental import pallas as pl
from jax.experimental.pallas import tpu as pltpu
from jax.experimental.pallas import tpu_sc as plsc

NC, NS, L = 2, 16, 16
NW = NC * NS
N_SRC = 4096
N_TGT = 16384
SRC_PER_TILE = N_SRC // NW
S = 8
G = 8
N_GROUPS = N_TGT // (G * L)
BIG = 3.0e38


def _round_bf16(x):
    u = lax.bitcast_convert_type(x, jnp.int32)
    r = (u + 0x7FFF + ((u >> 16) & 1)) & jnp.int32(-65536)
    return lax.bitcast_convert_type(r, jnp.float32)


def _sc_body(tgt_hbm, src_hbm, par_hbm, out_hbm,
             tgt_v, q_v, src_v, a_v, sq_v, p_v, res_v):
    c = lax.axis_index("c")
    s_ = lax.axis_index("s")
    wid = s_ * NC + c
    base = wid * SRC_PER_TILE

    pltpu.sync_copy(par_hbm, p_v)
    pltpu.sync_copy(tgt_hbm, tgt_v)
    for d in range(3):
        pltpu.sync_copy(src_hbm.at[pl.ds(d * N_SRC + base, SRC_PER_TILE)],
                        src_v.at[pl.ds(d * SRC_PER_TILE, SRC_PER_TILE)])

    pv = p_v[...]
    ev = jnp.exp(pv)
    sc = ev[0]
    t0 = pv[1]
    t1 = pv[2]
    t2 = pv[3]

    def src_prep(k, carry):
        px = src_v[pl.ds(k * L, L)] * sc + t0
        py = src_v[pl.ds(SRC_PER_TILE + k * L, L)] * sc + t1
        pz = src_v[pl.ds(2 * SRC_PER_TILE + k * L, L)] * sc + t2
        a_v[pl.ds(k * L, L)] = _round_bf16(px) * (-2.0)
        a_v[pl.ds(SRC_PER_TILE + k * L, L)] = _round_bf16(py) * (-2.0)
        a_v[pl.ds(2 * SRC_PER_TILE + k * L, L)] = _round_bf16(pz) * (-2.0)
        sq_v[pl.ds(k * L, L)] = px * px + py * py + pz * pz
        return carry

    lax.fori_loop(0, SRC_PER_TILE // L, src_prep, 0)

    def q_prep(j, carry):
        tx = tgt_v[pl.ds(j * L, L)]
        ty = tgt_v[pl.ds(N_TGT + j * L, L)]
        tz = tgt_v[pl.ds(2 * N_TGT + j * L, L)]
        q_v[pl.ds(j * L, L)] = tx * tx + ty * ty + tz * tz
        tgt_v[pl.ds(j * L, L)] = _round_bf16(tx)
        tgt_v[pl.ds(N_TGT + j * L, L)] = _round_bf16(ty)
        tgt_v[pl.ds(2 * N_TGT + j * L, L)] = _round_bf16(tz)
        return carry

    lax.fori_loop(0, N_TGT // L, q_prep, 0)

    def src_chunk(k, total):
        axv = a_v[pl.ds(k * L, L)]
        ayv = a_v[pl.ds(SRC_PER_TILE + k * L, L)]
        azv = a_v[pl.ds(2 * SRC_PER_TILE + k * L, L)]
        sqv = sq_v[pl.ds(k * L, L)]

        for sub in range(L // S):
            ax = [axv[sub * S + i] for i in range(S)]
            ay = [ayv[sub * S + i] for i in range(S)]
            az = [azv[sub * S + i] for i in range(S)]

            def group(g, maccs):
                off = g * (G * L)
                new = list(maccs)
                for cd in range(G):
                    o = off + cd * L
                    tx = tgt_v[pl.ds(o, L)]
                    ty = tgt_v[pl.ds(N_TGT + o, L)]
                    tz = tgt_v[pl.ds(2 * N_TGT + o, L)]
                    q = q_v[pl.ds(o, L)]
                    for i in range(S):
                        e = q + az[i] * tz
                        e = e + ay[i] * ty
                        e = e + ax[i] * tx
                        new[i] = jnp.minimum(new[i], e)
                return tuple(new)

            init = tuple(jnp.full((L,), BIG, jnp.float32) for _ in range(S))
            maccs = lax.fori_loop(0, N_GROUPS, group, init)
            for i in range(S):
                total = total + (sqv[sub * S + i] + jnp.min(maccs[i]))
        return total

    total = lax.fori_loop(0, SRC_PER_TILE // L, src_chunk, jnp.float32(0.0))

    res_v[...] = jnp.zeros((L,), jnp.float32) + total
    pltpu.sync_copy(res_v, out_hbm.at[wid])


_sc_nn = pl.kernel(
    _sc_body,
    out_type=jax.ShapeDtypeStruct((NW, L), jnp.float32),
    mesh=plsc.VectorSubcoreMesh(core_axis_name="c", subcore_axis_name="s",
                                num_cores=NC, num_subcores=NS),
    compiler_params=pltpu.CompilerParams(needs_layout_passes=False),
    scratch_types=[
        pltpu.VMEM((3 * N_TGT,), jnp.float32),
        pltpu.VMEM((N_TGT,), jnp.float32),
        pltpu.VMEM((3 * SRC_PER_TILE,), jnp.float32),
        pltpu.VMEM((3 * SRC_PER_TILE,), jnp.float32),
        pltpu.VMEM((SRC_PER_TILE,), jnp.float32),
        pltpu.VMEM((L,), jnp.float32),
        pltpu.VMEM((L,), jnp.float32),
    ],
)


def _finish_body(part_ref, scale_ref, out_ref):
    tot = jnp.sum(part_ref[:, 0:1], keepdims=True)
    out_ref[...] = tot / N_SRC + 0.1 * jnp.maximum(-scale_ref[...], 0.0)


def _finish(partials, scale2d):
    return pl.pallas_call(
        _finish_body,
        out_shape=jax.ShapeDtypeStruct((1, 1), jnp.float32),
    )(partials, scale2d)


def kernel(source_points, target_points, scale, translation):
    src_flat = source_points.T.reshape(-1)
    tgt_flat = target_points.T.reshape(-1)
    params = jnp.concatenate(
        [scale, translation, jnp.zeros((12,), jnp.float32)])
    partials = _sc_nn(tgt_flat, src_flat, params)
    loss = _finish(partials, scale.reshape(1, 1))
    return loss.reshape(1)

# --- scband reference (transcript-rebuilt; emitter-appended) ---
"""Pipeline reference for scband-point-cloud-aligner-72911364817425 (READ-ONLY COPY).

The authoritative reference and input builder live on the scoring server;
editing this copy changes nothing except your own understanding.
"""

import jax, jax.numpy as jnp
import numpy as np


def setup_inputs(seed: int = 0) -> dict:
    key = jax.random.key(seed)
    k1, k2 = jax.random.split(key)
    return {
        "source_points": jax.random.normal(k1, (4096, 3), dtype=jnp.float32),
        "target_points": jax.random.normal(k2, (16384, 3), dtype=jnp.float32),
        "scale": jnp.zeros((1,), dtype=jnp.float32),
        "translation": jnp.zeros((3,), dtype=jnp.float32),
    }


def reference(source_points, target_points, scale, translation):
    # scale = exp(self.scale); transform source cloud
    s = jnp.exp(scale)
    transformed = source_points * s + translation  # (N, 3)
    # knn_points(transformed[None], target[None], K=1) -> squared L2 dists (1, N, 1)
    sq_src = jnp.sum(transformed * transformed, axis=1, keepdims=True)  # (N, 1)
    sq_tgt = jnp.sum(target_points * target_points, axis=1)  # (M,)
    d2 = sq_src - 2.0 * (transformed @ target_points.T) + sq_tgt[None, :]  # (N, M)
    neg_top, _ = jax.lax.top_k(-d2, 1)  # nearest neighbor via top-k on negated dists
    dists = -neg_top  # (N, 1) squared distances
    loss = dists.mean() + 0.1 * jax.nn.relu(-scale)  # shape (1,) like torch
    return loss

if __name__ == "__main__":
    import jax
    _d = setup_inputs()
    print(jax.jit(kernel)(*tuple(_d.values())))

</pallas_src>

<mosaic_0001>
#map = affine_map<(d0, d1) -> (0)>
#map1 = affine_map<(d0, d1) -> (0, 0)>
module attributes {stable_mosaic.version = 14 : i64} {
  func.func @_sc_body(%arg0: i32, %arg1: i32, %arg2: memref<49152xf32, #tpu.memory_space<hbm>>, %arg3: memref<12288xf32, #tpu.memory_space<hbm>>, %arg4: memref<16xf32, #tpu.memory_space<hbm>>, %arg5: memref<32x16xf32, #tpu.memory_space<hbm>>, %arg6: memref<49152xf32, #tpu.memory_space<vmem>>, %arg7: memref<16384xf32, #tpu.memory_space<vmem>>, %arg8: memref<384xf32, #tpu.memory_space<vmem>>, %arg9: memref<384xf32, #tpu.memory_space<vmem>>, %arg10: memref<128xf32, #tpu.memory_space<vmem>>, %arg11: memref<16xf32, #tpu.memory_space<vmem>>, %arg12: memref<16xf32, #tpu.memory_space<vmem>>) attributes {dimension_semantics = [#tpu.dimension_semantics<core_parallel>, #tpu.dimension_semantics<subcore_parallel>], iteration_bounds = array<i64: 2, 16>, scalar_prefetch = 0 : i64, scratch_operands = 7 : i64, tpu.core_type = #tpu.core_type<sc_vector_subcore>, window_params = [{transform_indices = #map}, {transform_indices = #map}, {transform_indices = #map}, {transform_indices = #map1}]} {
    %mul3A = arith.constant 2 : i32
    %mul3A_0 = arith.muli %arg1, %mul3A : i32
    %add3A = arith.addi %mul3A_0, %arg0 : i32
    %mul3A_1 = arith.constant 128 : i32
    %mul3A_2 = arith.muli %add3A, %mul3A_1 : i32
    "tpu.region"() ({
      %run_scoped3A = tpu.sem_alloc : memref<!tpu.dma_semaphore, #tpu.memory_space<semaphore_mem>>
      tpu.enqueue_dma source(%arg4 : memref<16xf32, #tpu.memory_space<hbm>>) target(%arg11 : memref<16xf32, #tpu.memory_space<vmem>>) target_semaphore(%run_scoped3A : memref<!tpu.dma_semaphore, #tpu.memory_space<semaphore_mem>>)
      tpu.wait_dma2 semaphore(%run_scoped3A : memref<!tpu.dma_semaphore, #tpu.memory_space<semaphore_mem>>) src(%arg4 : memref<16xf32, #tpu.memory_space<hbm>>) dst(%arg11 : memref<16xf32, #tpu.memory_space<vmem>>)
      tpu.yield
    }) : () -> ()
    "tpu.region"() ({
      %run_scoped3A = tpu.sem_alloc : memref<!tpu.dma_semaphore, #tpu.memory_space<semaphore_mem>>
      tpu.enqueue_dma source(%arg2 : memref<49152xf32, #tpu.memory_space<hbm>>) target(%arg6 : memref<49152xf32, #tpu.memory_space<vmem>>) target_semaphore(%run_scoped3A : memref<!tpu.dma_semaphore, #tpu.memory_space<semaphore_mem>>)
      tpu.wait_dma2 semaphore(%run_scoped3A : memref<!tpu.dma_semaphore, #tpu.memory_space<semaphore_mem>>) src(%arg2 : memref<49152xf32, #tpu.memory_space<hbm>>) dst(%arg6 : memref<49152xf32, #tpu.memory_space<vmem>>)
      tpu.yield
    }) : () -> ()
    %add3A_3 = arith.constant 0 : i32
    %add3A_4 = arith.addi %add3A_3, %mul3A_2 : i32
    "tpu.region"() ({
      %run_scoped3A = tpu.sem_alloc : memref<!tpu.dma_semaphore, #tpu.memory_space<semaphore_mem>>
      %dma_start3A = arith.constant 0 : i32
      %dma_start3A_38 = tpu.memref_slice %arg8[%dma_start3A] : memref<384xf32, #tpu.memory_space<vmem>> -> memref<128xf32, #tpu.memory_space<vmem>>
      %dma_start3A_39 = tpu.memref_slice %arg3[%add3A_4] : memref<12288xf32, #tpu.memory_space<hbm>> -> memref<128xf32, #tpu.memory_space<hbm>>
      %dma_start3A_40 = arith.constant 0 : i32
      %dma_start3A_41 = tpu.memref_slice %arg8[%dma_start3A_40] : memref<384xf32, #tpu.memory_space<vmem>> -> memref<128xf32, #tpu.memory_space<vmem>>
      %dma_start3A_42 = tpu.memref_slice %arg3[%add3A_4] : memref<12288xf32, #tpu.memory_space<hbm>> -> memref<128xf32, #tpu.memory_space<hbm>>
      tpu.enqueue_dma source(%dma_start3A_42 : memref<128xf32, #tpu.memory_space<hbm>>) target(%dma_start3A_41 : memref<128xf32, #tpu.memory_space<vmem>>) target_semaphore(%run_scoped3A : memref<!tpu.dma_semaphore, #tpu.memory_space<semaphore_mem>>)
      %dma_wait3A = arith.constant 0 : i32
      %dma_wait3A_43 = tpu.memref_slice %arg8[%dma_wait3A] : memref<384xf32, #tpu.memory_space<vmem>> -> memref<128xf32, #tpu.memory_space<vmem>>
      %dma_wait3A_44 = tpu.memref_slice %arg3[%add3A_4] : memref<12288xf32, #tpu.memory_space<hbm>> -> memref<128xf32, #tpu.memory_space<hbm>>
      %dma_wait3A_45 = arith.constant 0 : i32
      %dma_wait3A_46 = tpu.memref_slice %arg8[%dma_wait3A_45] : memref<384xf32, #tpu.memory_space<vmem>> -> memref<128xf32, #tpu.memory_space<vmem>>
      %dma_wait3A_47 = tpu.memref_slice %arg3[%add3A_4] : memref<12288xf32, #tpu.memory_space<hbm>> -> memref<128xf32, #tpu.memory_space<hbm>>
      tpu.wait_dma2 semaphore(%run_scoped3A : memref<!tpu.dma_semaphore, #tpu.memory_space<semaphore_mem>>) src(%dma_wait3A_47 : memref<128xf32, #tpu.memory_space<hbm>>) dst(%dma_wait3A_46 : memref<128xf32, #tpu.memory_space<vmem>>)
      tpu.yield
    }) : () -> ()
    %add3A_5 = arith.constant 4096 : i32
    %add3A_6 = arith.addi %add3A_5, %mul3A_2 : i32
    "tpu.region"() ({
      %run_scoped3A = tpu.sem_alloc : memref<!tpu.dma_semaphore, #tpu.memory_space<semaphore_mem>>
      %dma_start3A = arith.constant 128 : i32
      %dma_start3A_38 = tpu.memref_slice %arg8[%dma_start3A] : memref<384xf32, #tpu.memory_space<vmem>> -> memref<128xf32, #tpu.memory_space<vmem>>
      %dma_start3A_39 = tpu.memref_slice %arg3[%add3A_6] : memref<12288xf32, #tpu.memory_space<hbm>> -> memref<128xf32, #tpu.memory_space<hbm>>
      %dma_start3A_40 = arith.constant 128 : i32
      %dma_start3A_41 = tpu.memref_slice %arg8[%dma_start3A_40] : memref<384xf32, #tpu.memory_space<vmem>> -> memref<128xf32, #tpu.memory_space<vmem>>
      %dma_start3A_42 = tpu.memref_slice %arg3[%add3A_6] : memref<12288xf32, #tpu.memory_space<hbm>> -> memref<128xf32, #tpu.memory_space<hbm>>
      tpu.enqueue_dma source(%dma_start3A_42 : memref<128xf32, #tpu.memory_space<hbm>>) target(%dma_start3A_41 : memref<128xf32, #tpu.memory_space<vmem>>) target_semaphore(%run_scoped3A : memref<!tpu.dma_semaphore, #tpu.memory_space<semaphore_mem>>)
      %dma_wait3A = arith.constant 128 : i32
      %dma_wait3A_43 = tpu.memref_slice %arg8[%dma_wait3A] : memref<384xf32, #tpu.memory_space<vmem>> -> memref<128xf32, #tpu.memory_space<vmem>>
      %dma_wait3A_44 = tpu.memref_slice %arg3[%add3A_6] : memref<12288xf32, #tpu.memory_space<hbm>> -> memref<128xf32, #tpu.memory_space<hbm>>
      %dma_wait3A_45 = arith.constant 128 : i32
      %dma_wait3A_46 = tpu.memref_slice %arg8[%dma_wait3A_45] : memref<384xf32, #tpu.memory_space<vmem>> -> memref<128xf32, #tpu.memory_space<vmem>>
      %dma_wait3A_47 = tpu.memref_slice %arg3[%add3A_6] : memref<12288xf32, #tpu.memory_space<hbm>> -> memref<128xf32, #tpu.memory_space<hbm>>
      tpu.wait_dma2 semaphore(%run_scoped3A : memref<!tpu.dma_semaphore, #tpu.memory_space<semaphore_mem>>) src(%dma_wait3A_47 : memref<128xf32, #tpu.memory_space<hbm>>) dst(%dma_wait3A_46 : memref<128xf32, #tpu.memory_space<vmem>>)
      tpu.yield
    }) : () -> ()
    %add3A_7 = arith.constant 8192 : i32
    %add3A_8 = arith.addi %add3A_7, %mul3A_2 : i32
    "tpu.region"() ({
      %run_scoped3A = tpu.sem_alloc : memref<!tpu.dma_semaphore, #tpu.memory_space<semaphore_mem>>
      %dma_start3A = arith.constant 256 : i32
      %dma_start3A_38 = tpu.memref_slice %arg8[%dma_start3A] : memref<384xf32, #tpu.memory_space<vmem>> -> memref<128xf32, #tpu.memory_space<vmem>>
      %dma_start3A_39 = tpu.memref_slice %arg3[%add3A_8] : memref<12288xf32, #tpu.memory_space<hbm>> -> memref<128xf32, #tpu.memory_space<hbm>>
      %dma_start3A_40 = arith.constant 256 : i32
      %dma_start3A_41 = tpu.memref_slice %arg8[%dma_start3A_40] : memref<384xf32, #tpu.memory_space<vmem>> -> memref<128xf32, #tpu.memory_space<vmem>>
      %dma_start3A_42 = tpu.memref_slice %arg3[%add3A_8] : memref<12288xf32, #tpu.memory_space<hbm>> -> memref<128xf32, #tpu.memory_space<hbm>>
      tpu.enqueue_dma source(%dma_start3A_42 : memref<128xf32, #tpu.memory_space<hbm>>) target(%dma_start3A_41 : memref<128xf32, #tpu.memory_space<vmem>>) target_semaphore(%run_scoped3A : memref<!tpu.dma_semaphore, #tpu.memory_space<semaphore_mem>>)
      %dma_wait3A = arith.constant 256 : i32
      %dma_wait3A_43 = tpu.memref_slice %arg8[%dma_wait3A] : memref<384xf32, #tpu.memory_space<vmem>> -> memref<128xf32, #tpu.memory_space<vmem>>
      %dma_wait3A_44 = tpu.memref_slice %arg3[%add3A_8] : memref<12288xf32, #tpu.memory_space<hbm>> -> memref<128xf32, #tpu.memory_space<hbm>>
      %dma_wait3A_45 = arith.constant 256 : i32
      %dma_wait3A_46 = tpu.memref_slice %arg8[%dma_wait3A_45] : memref<384xf32, #tpu.memory_space<vmem>> -> memref<128xf32, #tpu.memory_space<vmem>>
      %dma_wait3A_47 = tpu.memref_slice %arg3[%add3A_8] : memref<12288xf32, #tpu.memory_space<hbm>> -> memref<128xf32, #tpu.memory_space<hbm>>
      tpu.wait_dma2 semaphore(%run_scoped3A : memref<!tpu.dma_semaphore, #tpu.memory_space<semaphore_mem>>) src(%dma_wait3A_47 : memref<128xf32, #tpu.memory_space<hbm>>) dst(%dma_wait3A_46 : memref<128xf32, #tpu.memory_space<vmem>>)
      tpu.yield
    }) : () -> ()
    %get3A = arith.constant 0 : index
    %get3A_9 = tpu.vector_load %arg11[%get3A] {strides = array<i32>} : memref<16xf32, #tpu.memory_space<vmem>>, vector<16xf32>,
    %exp3A = math.exp %get3A_9 : vector<16xf32>
    %slice3A = vector.extract_strided_slice %exp3A {offsets = [0], sizes = [1], strides = [1]} : vector<16xf32> to vector<1xf32>
    %squeeze3A = vector.extract %slice3A[0] : f32 from vector<1xf32>
    %slice3A_10 = vector.extract_strided_slice %get3A_9 {offsets = [1], sizes = [1], strides = [1]} : vector<16xf32> to vector<1xf32>
    %squeeze3A_11 = vector.extract %slice3A_10[0] : f32 from vector<1xf32>
    %slice3A_12 = vector.extract_strided_slice %get3A_9 {offsets = [2], sizes = [1], strides = [1]} : vector<16xf32> to vector<1xf32>
    %squeeze3A_13 = vector.extract %slice3A_12[0] : f32 from vector<1xf32>
    %slice3A_14 = vector.extract_strided_slice %get3A_9 {offsets = [3], sizes = [1], strides = [1]} : vector<16xf32> to vector<1xf32>
    %squeeze3A_15 = vector.extract %slice3A_14[0] : f32 from vector<1xf32>
    %scan3A = arith.constant 0 : i32
    %scan3A_16 = arith.constant 0 : i32
    %scan3A_17 = arith.constant 8 : i32
    %scan3A_18 = arith.addi %scan3A_16, %scan3A_17 : i32
    %scan3A_19 = arith.constant 1 : i32
    scf.for %scan3A_38 = %scan3A_16 to %scan3A_18 step %scan3A_19  : i32 {
      %mul3A_39 = arith.constant 16 : i32
      %mul3A_40 = arith.muli %scan3A_38, %mul3A_39 : i32
      %get3A_41 = arith.index_cast %mul3A_40 : i32 to index
      %get3A_42 = tpu.vector_load %arg8[%get3A_41] {strides = array<i32>} : memref<384xf32, #tpu.memory_space<vmem>>, vector<16xf32>,
      %mul3A_43 = vector.broadcast %squeeze3A : f32 to vector<16xf32>
      %mul3A_44 = arith.mulf %get3A_42, %mul3A_43 : vector<16xf32>
      %add3A_45 = vector.broadcast %squeeze3A_11 : f32 to vector<16xf32>
      %add3A_46 = arith.addf %mul3A_44, %add3A_45 : vector<16xf32>
      %mul3A_47 = arith.constant 16 : i32
      %mul3A_48 = arith.muli %scan3A_38, %mul3A_47 : i32
      %add3A_49 = arith.constant 128 : i32
      %add3A_50 = arith.addi %add3A_49, %mul3A_48 : i32
      %get3A_51 = arith.index_cast %add3A_50 : i32 to index
      %get3A_52 = tpu.vector_load %arg8[%get3A_51] {strides = array<i32>} : memref<384xf32, #tpu.memory_space<vmem>>, vector<16xf32>,
      %mul3A_53 = vector.broadcast %squeeze3A : f32 to vector<16xf32>
      %mul3A_54 = arith.mulf %get3A_52, %mul3A_53 : vector<16xf32>
      %add3A_55 = vector.broadcast %squeeze3A_13 : f32 to vector<16xf32>
      %add3A_56 = arith.addf %mul3A_54, %add3A_55 : vector<16xf32>
      %mul3A_57 = arith.constant 16 : i32
      %mul3A_58 = arith.muli %scan3A_38, %mul3A_57 : i32
      %add3A_59 = arith.constant 256 : i32
      %add3A_60 = arith.addi %add3A_59, %mul3A_58 : i32
      %get3A_61 = arith.index_cast %add3A_60 : i32 to index
      %get3A_62 = tpu.vector_load %arg8[%get3A_61] {strides = array<i32>} : memref<384xf32, #tpu.memory_space<vmem>>, vector<16xf32>,
      %mul3A_63 = vector.broadcast %squeeze3A : f32 to vector<16xf32>
      %mul3A_64 = arith.mulf %get3A_62, %mul3A_63 : vector<16xf32>
      %add3A_65 = vector.broadcast %squeeze3A_15 : f32 to vector<16xf32>
      %add3A_66 = arith.addf %mul3A_64, %add3A_65 : vector<16xf32>
      %bitcast_convert_type3A = tpu.bitcast %add3A_46 : vector<16xf32> -> vector<16xi32>
      %add3A_67 = arith.constant 32767 : i32
      %add3A_68 = vector.broadcast %add3A_67 : i32 to vector<16xi32>
      %add3A_69 = arith.addi %bitcast_convert_type3A, %add3A_68 : vector<16xi32>
      %shift_right_arithmetic3A = arith.constant 16 : i32
      %shift_right_arithmetic3A_70 = vector.broadcast %shift_right_arithmetic3A : i32 to vector<16xi32>
      %shift_right_arithmetic3A_71 = arith.shrsi %bitcast_convert_type3A, %shift_right_arithmetic3A_70 : vector<16xi32>
      %and3A = arith.constant 1 : i32
      %and3A_72 = vector.broadcast %and3A : i32 to vector<16xi32>
      %and3A_73 = arith.andi %shift_right_arithmetic3A_71, %and3A_72 : vector<16xi32>
      %add3A_74 = arith.addi %add3A_69, %and3A_73 : vector<16xi32>
      %and3A_75 = arith.constant -65536 : i32
      %and3A_76 = vector.broadcast %and3A_75 : i32 to vector<16xi32>
      %and3A_77 = arith.andi %add3A_74, %and3A_76 : vector<16xi32>
      %bitcast_convert_type3A_78 = tpu.bitcast %and3A_77 : vector<16xi32> -> vector<16xf32>
      %mul3A_79 = arith.constant -2.000000e+00 : f32
      %mul3A_80 = vector.broadcast %mul3A_79 : f32 to vector<16xf32>
      %mul3A_81 = arith.mulf %bitcast_convert_type3A_78, %mul3A_80 : vector<16xf32>
      %mul3A_82 = arith.constant 16 : i32
      %mul3A_83 = arith.muli %scan3A_38, %mul3A_82 : i32
      %swap3A_84 = arith.index_cast %mul3A_83 : i32 to index
      %swap3A_85 = tpu.vector_load %arg9[%swap3A_84] {strides = array<i32>} : memref<384xf32, #tpu.memory_space<vmem>>, vector<16xf32>,
      tpu.vector_store %arg9[%swap3A_84], %mul3A_81 {strides = array<i32>} : memref<384xf32, #tpu.memory_space<vmem>>, vector<16xf32>,
      %bitcast_convert_type3A_86 = tpu.bitcast %add3A_56 : vector<16xf32> -> vector<16xi32>
      %add3A_87 = arith.constant 32767 : i32
      %add3A_88 = vector.broadcast %add3A_87 : i32 to vector<16xi32>
      %add3A_89 = arith.addi %bitcast_convert_type3A_86, %add3A_88 : vector<16xi32>
      %shift_right_arithmetic3A_90 = arith.constant 16 : i32
      %shift_right_arithmetic3A_91 = vector.broadcast %shift_right_arithmetic3A_90 : i32 to vector<16xi32>
      %shift_right_arithmetic3A_92 = arith.shrsi %bitcast_convert_type3A_86, %shift_right_arithmetic3A_91 : vector<16xi32>
      %and3A_93 = arith.constant 1 : i32
      %and3A_94 = vector.broadcast %and3A_93 : i32 to vector<16xi32>
      %and3A_95 = arith.andi %shift_right_arithmetic3A_92, %and3A_94 : vector<16xi32>
      %add3A_96 = arith.addi %add3A_89, %and3A_95 : vector<16xi32>
      %and3A_97 = arith.constant -65536 : i32
      %and3A_98 = vector.broadcast %and3A_97 : i32 to vector<16xi32>
      %and3A_99 = arith.andi %add3A_96, %and3A_98 : vector<16xi32>
      %bitcast_convert_type3A_100 = tpu.bitcast %and3A_99 : vector<16xi32> -> vector<16xf32>
      %mul3A_101 = arith.constant -2.000000e+00 : f32
      %mul3A_102 = vector.broadcast %mul3A_101 : f32 to vector<16xf32>
      %mul3A_103 = arith.mulf %bitcast_convert_type3A_100, %mul3A_102 : vector<16xf32>
      %mul3A_104 = arith.constant 16 : i32
      %mul3A_105 = arith.muli %scan3A_38, %mul3A_104 : i32
      %add3A_106 = arith.constant 128 : i32
      %add3A_107 = arith.addi %add3A_106, %mul3A_105 : i32
      %swap3A_108 = arith.index_cast %add3A_107 : i32 to index
      %swap3A_109 = tpu.vector_load %arg9[%swap3A_108] {strides = array<i32>} : memref<384xf32, #tpu.memory_space<vmem>>, vector<16xf32>,
      tpu.vector_store %arg9[%swap3A_108], %mul3A_103 {strides = array<i32>} : memref<384xf32, #tpu.memory_space<vmem>>, vector<16xf32>,
      %bitcast_convert_type3A_110 = tpu.bitcast %add3A_66 : vector<16xf32> -> vector<16xi32>
      %add3A_111 = arith.constant 32767 : i32
      %add3A_112 = vector.broadcast %add3A_111 : i32 to vector<16xi32>
      %add3A_113 = arith.addi %bitcast_convert_type3A_110, %add3A_112 : vector<16xi32>
      %shift_right_arithmetic3A_114 = arith.constant 16 : i32
      %shift_right_arithmetic3A_115 = vector.broadcast %shift_right_arithmetic3A_114 : i32 to vector<16xi32>
      %shift_right_arithmetic3A_116 = arith.shrsi %bitcast_convert_type3A_110, %shift_right_arithmetic3A_115 : vector<16xi32>
      %and3A_117 = arith.constant 1 : i32
      %and3A_118 = vector.broadcast %and3A_117 : i32 to vector<16xi32>
      %and3A_119 = arith.andi %shift_right_arithmetic3A_116, %and3A_118 : vector<16xi32>
      %add3A_120 = arith.addi %add3A_113, %and3A_119 : vector<16xi32>
      %and3A_121 = arith.constant -65536 : i32
      %and3A_122 = vector.broadcast %and3A_121 : i32 to vector<16xi32>
      %and3A_123 = arith.andi %add3A_120, %and3A_122 : vector<16xi32>
      %bitcast_convert_type3A_124 = tpu.bitcast %and3A_123 : vector<16xi32> -> vector<16xf32>
      %mul3A_125 = arith.constant -2.000000e+00 : f32
      %mul3A_126 = vector.broadcast %mul3A_125 : f32 to vector<16xf32>
      %mul3A_127 = arith.mulf %bitcast_convert_type3A_124, %mul3A_126 : vector<16xf32>
      %mul3A_128 = arith.constant 16 : i32
      %mul3A_129 = arith.muli %scan3A_38, %mul3A_128 : i32
      %add3A_130 = arith.constant 256 : i32
      %add3A_131 = arith.addi %add3A_130, %mul3A_129 : i32
      %swap3A_132 = arith.index_cast %add3A_131 : i32 to index
      %swap3A_133 = tpu.vector_load %arg9[%swap3A_132] {strides = array<i32>} : memref<384xf32, #tpu.memory_space<vmem>>, vector<16xf32>,
      tpu.vector_store %arg9[%swap3A_132], %mul3A_127 {strides = array<i32>} : memref<384xf32, #tpu.memory_space<vmem>>, vector<16xf32>,
      %mul3A_134 = arith.mulf %add3A_46, %add3A_46 : vector<16xf32>
      %mul3A_135 = arith.mulf %add3A_56, %add3A_56 : vector<16xf32>
      %add3A_136 = arith.addf %mul3A_134, %mul3A_135 : vector<16xf32>
      %mul3A_137 = arith.mulf %add3A_66, %add3A_66 : vector<16xf32>
      %add3A_138 = arith.addf %add3A_136, %mul3A_137 : vector<16xf32>
      %mul3A_139 = arith.constant 16 : i32
      %mul3A_140 = arith.muli %scan3A_38, %mul3A_139 : i32
      %swap3A_141 = arith.index_cast %mul3A_140 : i32 to index
      %swap3A_142 = tpu.vector_load %arg10[%swap3A_141] {strides = array<i32>} : memref<128xf32, #tpu.memory_space<vmem>>, vector<16xf32>,
      tpu.vector_store %arg10[%swap3A_141], %add3A_138 {strides = array<i32>} : memref<128xf32, #tpu.memory_space<vmem>>, vector<16xf32>,
    }
    %scan3A_20 = arith.constant 8 : i32
    %scan3A_21 = arith.constant 0 : i32
    %scan3A_22 = arith.constant 0 : i32
    %scan3A_23 = arith.constant 1024 : i32
    %scan3A_24 = arith.addi %scan3A_22, %scan3A_23 : i32
    %scan3A_25 = arith.constant 1 : i32
    scf.for %scan3A_38 = %scan3A_22 to %scan3A_24 step %scan3A_25  : i32 {
      %mul3A_39 = arith.constant 16 : i32
      %mul3A_40 = arith.muli %scan3A_38, %mul3A_39 : i32
      %get3A_41 = arith.index_cast %mul3A_40 : i32 to index
      %get3A_42 = tpu.vector_load %arg6[%get3A_41] {strides = array<i32>} : memref<49152xf32, #tpu.memory_space<vmem>>, vector<16xf32>,
      %mul3A_43 = arith.constant 16 : i32
      %mul3A_44 = arith.muli %scan3A_38, %mul3A_43 : i32
      %add3A_45 = arith.constant 16384 : i32
      %add3A_46 = arith.addi %add3A_45, %mul3A_44 : i32
      %get3A_47 = arith.index_cast %add3A_46 : i32 to index
      %get3A_48 = tpu.vector_load %arg6[%get3A_47] {strides = array<i32>} : memref<49152xf32, #tpu.memory_space<vmem>>, vector<16xf32>,
      %mul3A_49 = arith.constant 16 : i32
      %mul3A_50 = arith.muli %scan3A_38, %mul3A_49 : i32
      %add3A_51 = arith.constant 32768 : i32
      %add3A_52 = arith.addi %add3A_51, %mul3A_50 : i32
      %get3A_53 = arith.index_cast %add3A_52 : i32 to index
      %get3A_54 = tpu.vector_load %arg6[%get3A_53] {strides = array<i32>} : memref<49152xf32, #tpu.memory_space<vmem>>, vector<16xf32>,
      %mul3A_55 = arith.mulf %get3A_42, %get3A_42 : vector<16xf32>
      %mul3A_56 = arith.mulf %get3A_48, %get3A_48 : vector<16xf32>
      %add3A_57 = arith.addf %mul3A_55, %mul3A_56 : vector<16xf32>
      %mul3A_58 = arith.mulf %get3A_54, %get3A_54 : vector<16xf32>
      %add3A_59 = arith.addf %add3A_57, %mul3A_58 : vector<16xf32>
      %mul3A_60 = arith.constant 16 : i32
      %mul3A_61 = arith.muli %scan3A_38, %mul3A_60 : i32
      %swap3A_62 = arith.index_cast %mul3A_61 : i32 to index
      %swap3A_63 = tpu.vector_load %arg7[%swap3A_62] {strides = array<i32>} : memref<16384xf32, #tpu.memory_space<vmem>>, vector<16xf32>,
      tpu.vector_store %arg7[%swap3A_62], %add3A_59 {strides = array<i32>} : memref<16384xf32, #tpu.memory_space<vmem>>, vector<16xf32>,
      %bitcast_convert_type3A = tpu.bitcast %get3A_42 : vector<16xf32> -> vector<16xi32>
      %add3A_64 = arith.constant 32767 : i32
      %add3A_65 = vector.broadcast %add3A_64 : i32 to vector<16xi32>
      %add3A_66 = arith.addi %bitcast_convert_type3A, %add3A_65 : vector<16xi32>
      %shift_right_arithmetic3A = arith.constant 16 : i32
      %shift_right_arithmetic3A_67 = vector.broadcast %shift_right_arithmetic3A : i32 to vector<16xi32>
      %shift_right_arithmetic3A_68 = arith.shrsi %bitcast_convert_type3A, %shift_right_arithmetic3A_67 : vector<16xi32>
      %and3A = arith.constant 1 : i32
      %and3A_69 = vector.broadcast %and3A : i32 to vector<16xi32>
      %and3A_70 = arith.andi %shift_right_arithmetic3A_68, %and3A_69 : vector<16xi32>
      %add3A_71 = arith.addi %add3A_66, %and3A_70 : vector<16xi32>
      %and3A_72 = arith.constant -65536 : i32
      %and3A_73 = vector.broadcast %and3A_72 : i32 to vector<16xi32>
      %and3A_74 = arith.andi %add3A_71, %and3A_73 : vector<16xi32>
      %bitcast_convert_type3A_75 = tpu.bitcast %and3A_74 : vector<16xi32> -> vector<16xf32>
      %mul3A_76 = arith.constant 16 : i32
      %mul3A_77 = arith.muli %scan3A_38, %mul3A_76 : i32
      %swap3A_78 = arith.index_cast %mul3A_77 : i32 to index
      %swap3A_79 = tpu.vector_load %arg6[%swap3A_78] {strides = array<i32>} : memref<49152xf32, #tpu.memory_space<vmem>>, vector<16xf32>,
      tpu.vector_store %arg6[%swap3A_78], %bitcast_convert_type3A_75 {strides = array<i32>} : memref<49152xf32, #tpu.memory_space<vmem>>, vector<16xf32>,
      %bitcast_convert_type3A_80 = tpu.bitcast %get3A_48 : vector<16xf32> -> vector<16xi32>
      %add3A_81 = arith.constant 32767 : i32
      %add3A_82 = vector.broadcast %add3A_81 : i32 to vector<16xi32>
      %add3A_83 = arith.addi %bitcast_convert_type3A_80, %add3A_82 : vector<16xi32>
      %shift_right_arithmetic3A_84 = arith.constant 16 : i32
      %shift_right_arithmetic3A_85 = vector.broadcast %shift_right_arithmetic3A_84 : i32 to vector<16xi32>
      %shift_right_arithmetic3A_86 = arith.shrsi %bitcast_convert_type3A_80, %shift_right_arithmetic3A_85 : vector<16xi32>
      %and3A_87 = arith.constant 1 : i32
      %and3A_88 = vector.broadcast %and3A_87 : i32 to vector<16xi32>
      %and3A_89 = arith.andi %shift_right_arithmetic3A_86, %and3A_88 : vector<16xi32>
      %add3A_90 = arith.addi %add3A_83, %and3A_89 : vector<16xi32>
      %and3A_91 = arith.constant -65536 : i32
      %and3A_92 = vector.broadcast %and3A_91 : i32 to vector<16xi32>
      %and3A_93 = arith.andi %add3A_90, %and3A_92 : vector<16xi32>
      %bitcast_convert_type3A_94 = tpu.bitcast %and3A_93 : vector<16xi32> -> vector<16xf32>
      %mul3A_95 = arith.constant 16 : i32
      %mul3A_96 = arith.muli %scan3A_38, %mul3A_95 : i32
      %add3A_97 = arith.constant 16384 : i32
      %add3A_98 = arith.addi %add3A_97, %mul3A_96 : i32
      %swap3A_99 = arith.index_cast %add3A_98 : i32 to index
      %swap3A_100 = tpu.vector_load %arg6[%swap3A_99] {strides = array<i32>} : memref<49152xf32, #tpu.memory_space<vmem>>, vector<16xf32>,
      tpu.vector_store %arg6[%swap3A_99], %bitcast_convert_type3A_94 {strides = array<i32>} : memref<49152xf32, #tpu.memory_space<vmem>>, vector<16xf32>,
      %bitcast_convert_type3A_101 = tpu.bitcast %get3A_54 : vector<16xf32> -> vector<16xi32>
      %add3A_102 = arith.constant 32767 : i32
      %add3A_103 = vector.broadcast %add3A_102 : i32 to vector<16xi32>
      %add3A_104 = arith.addi %bitcast_convert_type3A_101, %add3A_103 : vector<16xi32>
      %shift_right_arithmetic3A_105 = arith.constant 16 : i32
      %shift_right_arithmetic3A_106 = vector.broadcast %shift_right_arithmetic3A_105 : i32 to vector<16xi32>
      %shift_right_arithmetic3A_107 = arith.shrsi %bitcast_convert_type3A_101, %shift_right_arithmetic3A_106 : vector<16xi32>
      %and3A_108 = arith.constant 1 : i32
      %and3A_109 = vector.broadcast %and3A_108 : i32 to vector<16xi32>
      %and3A_110 = arith.andi %shift_right_arithmetic3A_107, %and3A_109 : vector<16xi32>
      %add3A_111 = arith.addi %add3A_104, %and3A_110 : vector<16xi32>
      %and3A_112 = arith.constant -65536 : i32
      %and3A_113 = vector.broadcast %and3A_112 : i32 to vector<16xi32>
      %and3A_114 = arith.andi %add3A_111, %and3A_113 : vector<16xi32>
      %bitcast_convert_type3A_115 = tpu.bitcast %and3A_114 : vector<16xi32> -> vector<16xf32>
      %mul3A_116 = arith.constant 16 : i32
      %mul3A_117 = arith.muli %scan3A_38, %mul3A_116 : i32
      %add3A_118 = arith.constant 32768 : i32
      %add3A_119 = arith.addi %add3A_118, %mul3A_117 : i32
      %swap3A_120 = arith.index_cast %add3A_119 : i32 to index
      %swap3A_121 = tpu.vector_load %arg6[%swap3A_120] {strides = array<i32>} : memref<49152xf32, #tpu.memory_space<vmem>>, vector<16xf32>,
      tpu.vector_store %arg6[%swap3A_120], %bitcast_convert_type3A_115 {strides = array<i32>} : memref<49152xf32, #tpu.memory_space<vmem>>, vector<16xf32>,
    }
    %scan3A_26 = arith.constant 1024 : i32
    %scan3A_27 = arith.constant 0.000000e+00 : f32
    %scan3A_28 = arith.constant 0 : i32
    %scan3A_29 = arith.constant 8 : i32
    %scan3A_30 = arith.addi %scan3A_28, %scan3A_29 : i32
    %scan3A_31 = arith.constant 1 : i32
    %scan3A_32 = scf.for %scan3A_38 = %scan3A_28 to %scan3A_30 step %scan3A_31 iter_args(%scan3A_39 = %scan3A_27) -> (f32)  : i32 {
      %mul3A_40 = arith.constant 16 : i32
      %mul3A_41 = arith.muli %scan3A_38, %mul3A_40 : i32
      %get3A_42 = arith.index_cast %mul3A_41 : i32 to index
      %get3A_43 = tpu.vector_load %arg9[%get3A_42] {strides = array<i32>} : memref<384xf32, #tpu.memory_space<vmem>>, vector<16xf32>,
      %mul3A_44 = arith.constant 16 : i32
      %mul3A_45 = arith.muli %scan3A_38, %mul3A_44 : i32
      %add3A_46 = arith.constant 128 : i32
      %add3A_47 = arith.addi %add3A_46, %mul3A_45 : i32
      %get3A_48 = arith.index_cast %add3A_47 : i32 to index
      %get3A_49 = tpu.vector_load %arg9[%get3A_48] {strides = array<i32>} : memref<384xf32, #tpu.memory_space<vmem>>, vector<16xf32>,
      %mul3A_50 = arith.constant 16 : i32
      %mul3A_51 = arith.muli %scan3A_38, %mul3A_50 : i32
      %add3A_52 = arith.constant 256 : i32
      %add3A_53 = arith.addi %add3A_52, %mul3A_51 : i32
      %get3A_54 = arith.index_cast %add3A_53 : i32 to index
      %get3A_55 = tpu.vector_load %arg9[%get3A_54] {strides = array<i32>} : memref<384xf32, #tpu.memory_space<vmem>>, vector<16xf32>,
      %mul3A_56 = arith.constant 16 : i32
      %mul3A_57 = arith.muli %scan3A_38, %mul3A_56 : i32
      %get3A_58 = arith.index_cast %mul3A_57 : i32 to index
      %get3A_59 = tpu.vector_load %arg10[%get3A_58] {strides = array<i32>} : memref<128xf32, #tpu.memory_space<vmem>>, vector<16xf32>,
      %slice3A_60 = vector.extract_strided_slice %get3A_43 {offsets = [0], sizes = [1], strides = [1]} : vector<16xf32> to vector<1xf32>
      %squeeze3A_61 = vector.extract %slice3A_60[0] : f32 from vector<1xf32>
      %slice3A_62 = vector.extract_strided_slice %get3A_43 {offsets = [1], sizes = [1], strides = [1]} : vector<16xf32> to vector<1xf32>
      %squeeze3A_63 = vector.extract %slice3A_62[0] : f32 from vector<1xf32>
      %slice3A_64 = vector.extract_strided_slice %get3A_43 {offsets = [2], sizes = [1], strides = [1]} : vector<16xf32> to vector<1xf32>
      %squeeze3A_65 = vector.extract %slice3A_64[0] : f32 from vector<1xf32>
      %slice3A_66 = vector.extract_strided_slice %get3A_43 {offsets = [3], sizes = [1], strides = [1]} : vector<16xf32> to vector<1xf32>
      %squeeze3A_67 = vector.extract %slice3A_66[0] : f32 from vector<1xf32>
      %slice3A_68 = vector.extract_strided_slice %get3A_43 {offsets = [4], sizes = [1], strides = [1]} : vector<16xf32> to vector<1xf32>
      %squeeze3A_69 = vector.extract %slice3A_68[0] : f32 from vector<1xf32>
      %slice3A_70 = vector.extract_strided_slice %get3A_43 {offsets = [5], sizes = [1], strides = [1]} : vector<16xf32> to vector<1xf32>
      %squeeze3A_71 = vector.extract %slice3A_70[0] : f32 from vector<1xf32>
      %slice3A_72 = vector.extract_strided_slice %get3A_43 {offsets = [6], sizes = [1], strides = [1]} : vector<16xf32> to vector<1xf32>
      %squeeze3A_73 = vector.extract %slice3A_72[0] : f32 from vector<1xf32>
      %slice3A_74 = vector.extract_strided_slice %get3A_43 {offsets = [7], sizes = [1], strides = [1]} : vector<16xf32> to vector<1xf32>
      %squeeze3A_75 = vector.extract %slice3A_74[0] : f32 from vector<1xf32>
      %slice3A_76 = vector.extract_strided_slice %get3A_49 {offsets = [0], sizes = [1], strides = [1]} : vector<16xf32> to vector<1xf32>
      %squeeze3A_77 = vector.extract %slice3A_76[0] : f32 from vector<1xf32>
      %slice3A_78 = vector.extract_strided_slice %get3A_49 {offsets = [1], sizes = [1], strides = [1]} : vector<16xf32> to vector<1xf32>
      %squeeze3A_79 = vector.extract %slice3A_78[0] : f32 from vector<1xf32>
      %slice3A_80 = vector.extract_strided_slice %get3A_49 {offsets = [2], sizes = [1], strides = [1]} : vector<16xf32> to vector<1xf32>
      %squeeze3A_81 = vector.extract %slice3A_80[0] : f32 from vector<1xf32>
      %slice3A_82 = vector.extract_strided_slice %get3A_49 {offsets = [3], sizes = [1], strides = [1]} : vector<16xf32> to vector<1xf32>
      %squeeze3A_83 = vector.extract %slice3A_82[0] : f32 from vector<1xf32>
      %slice3A_84 = vector.extract_strided_slice %get3A_49 {offsets = [4], sizes = [1], strides = [1]} : vector<16xf32> to vector<1xf32>
      %squeeze3A_85 = vector.extract %slice3A_84[0] : f32 from vector<1xf32>
      %slice3A_86 = vector.extract_strided_slice %get3A_49 {offsets = [5], sizes = [1], strides = [1]} : vector<16xf32> to vector<1xf32>
      %squeeze3A_87 = vector.extract %slice3A_86[0] : f32 from vector<1xf32>
      %slice3A_88 = vector.extract_strided_slice %get3A_49 {offsets = [6], sizes = [1], strides = [1]} : vector<16xf32> to vector<1xf32>
      %squeeze3A_89 = vector.extract %slice3A_88[0] : f32 from vector<1xf32>
      %slice3A_90 = vector.extract_strided_slice %get3A_49 {offsets = [7], sizes = [1], strides = [1]} : vector<16xf32> to vector<1xf32>
      %squeeze3A_91 = vector.extract %slice3A_90[0] : f32 from vector<1xf32>
      %slice3A_92 = vector.extract_strided_slice %get3A_55 {offsets = [0], sizes = [1], strides = [1]} : vector<16xf32> to vector<1xf32>
      %squeeze3A_93 = vector.extract %slice3A_92[0] : f32 from vector<1xf32>
      %slice3A_94 = vector.extract_strided_slice %get3A_55 {offsets = [1], sizes = [1], strides = [1]} : vector<16xf32> to vector<1xf32>
      %squeeze3A_95 = vector.extract %slice3A_94[0] : f32 from vector<1xf32>
      %slice3A_96 = vector.extract_strided_slice %get3A_55 {offsets = [2], sizes = [1], strides = [1]} : vector<16xf32> to vector<1xf32>
      %squeeze3A_97 = vector.extract %slice3A_96[0] : f32 from vector<1xf32>
      %slice3A_98 = vector.extract_strided_slice %get3A_55 {offsets = [3], sizes = [1], strides = [1]} : vector<16xf32> to vector<1xf32>
      %squeeze3A_99 = vector.extract %slice3A_98[0] : f32 from vector<1xf32>
      %slice3A_100 = vector.extract_strided_slice %get3A_55 {offsets = [4], sizes = [1], strides = [1]} : vector<16xf32> to vector<1xf32>
      %squeeze3A_101 = vector.extract %slice3A_100[0] : f32 from vector<1xf32>
      %slice3A_102 = vector.extract_strided_slice %get3A_55 {offsets = [5], sizes = [1], strides = [1]} : vector<16xf32> to vector<1xf32>
      %squeeze3A_103 = vector.extract %slice3A_102[0] : f32 from vector<1xf32>
      %slice3A_104 = vector.extract_strided_slice %get3A_55 {offsets = [6], sizes = [1], strides = [1]} : vector<16xf32> to vector<1xf32>
      %squeeze3A_105 = vector.extract %slice3A_104[0] : f32 from vector<1xf32>
      %slice3A_106 = vector.extract_strided_slice %get3A_55 {offsets = [7], sizes = [1], strides = [1]} : vector<16xf32> to vector<1xf32>
      %squeeze3A_107 = vector.extract %slice3A_106[0] : f32 from vector<1xf32>
      %broadcast_in_dim3A_108 = arith.constant 3.000000e+38 : f32
      %broadcast_in_dim3A_109 = vector.broadcast %broadcast_in_dim3A_108 : f32 to vector<16xf32>
      %broadcast_in_dim3A_110 = arith.constant 3.000000e+38 : f32
      %broadcast_in_dim3A_111 = vector.broadcast %broadcast_in_dim3A_110 : f32 to vector<16xf32>
      %broadcast_in_dim3A_112 = arith.constant 3.000000e+38 : f32
      %broadcast_in_dim3A_113 = vector.broadcast %broadcast_in_dim3A_112 : f32 to vector<16xf32>
      %broadcast_in_dim3A_114 = arith.constant 3.000000e+38 : f32
      %broadcast_in_dim3A_115 = vector.broadcast %broadcast_in_dim3A_114 : f32 to vector<16xf32>
      %broadcast_in_dim3A_116 = arith.constant 3.000000e+38 : f32
      %broadcast_in_dim3A_117 = vector.broadcast %broadcast_in_dim3A_116 : f32 to vector<16xf32>
      %broadcast_in_dim3A_118 = arith.constant 3.000000e+38 : f32
      %broadcast_in_dim3A_119 = vector.broadcast %broadcast_in_dim3A_118 : f32 to vector<16xf32>
      %broadcast_in_dim3A_120 = arith.constant 3.000000e+38 : f32
      %broadcast_in_dim3A_121 = vector.broadcast %broadcast_in_dim3A_120 : f32 to vector<16xf32>
      %broadcast_in_dim3A_122 = arith.constant 3.000000e+38 : f32
      %broadcast_in_dim3A_123 = vector.broadcast %broadcast_in_dim3A_122 : f32 to vector<16xf32>
      %scan3A_124 = arith.constant 0 : i32
      %scan3A_125 = arith.constant 128 : i32
      %scan3A_126 = arith.addi %scan3A_124, %scan3A_125 : i32
      %scan3A_127 = arith.constant 1 : i32
      %scan3A_128:8 = scf.for %scan3A_327 = %scan3A_124 to %scan3A_126 step %scan3A_127 iter_args(%scan3A_328 = %broadcast_in_dim3A_109, %scan3A_329 = %broadcast_in_dim3A_111, %scan3A_330 = %broadcast_in_dim3A_113, %scan3A_331 = %broadcast_in_dim3A_115, %scan3A_332 = %broadcast_in_dim3A_117, %scan3A_333 = %broadcast_in_dim3A_119, %scan3A_334 = %broadcast_in_dim3A_121, %scan3A_335 = %broadcast_in_dim3A_123) -> (vector<16xf32>, vector<16xf32>, vector<16xf32>, vector<16xf32>, vector<16xf32>, vector<16xf32>, vector<16xf32>, vector<16xf32>)  : i32 {
        %mul3A_336 = arith.constant 128 : i32
        %mul3A_337 = arith.muli %scan3A_327, %mul3A_336 : i32
        %add3A_338 = arith.constant 0 : i32
        %add3A_339 = arith.addi %mul3A_337, %add3A_338 : i32
        %get3A_340 = arith.index_cast %add3A_339 : i32 to index
        %get3A_341 = tpu.vector_load %arg6[%get3A_340] {strides = array<i32>} : memref<49152xf32, #tpu.memory_space<vmem>>, vector<16xf32>,
        %add3A_342 = arith.constant 16384 : i32
        %add3A_343 = arith.addi %add3A_342, %add3A_339 : i32
        %get3A_344 = arith.index_cast %add3A_343 : i32 to index
        %get3A_345 = tpu.vector_load %arg6[%get3A_344] {strides = array<i32>} : memref<49152xf32, #tpu.memory_space<vmem>>, vector<16xf32>,
        %add3A_346 = arith.constant 32768 : i32
        %add3A_347 = arith.addi %add3A_346, %add3A_339 : i32
        %get3A_348 = arith.index_cast %add3A_347 : i32 to index
        %get3A_349 = tpu.vector_load %arg6[%get3A_348] {strides = array<i32>} : memref<49152xf32, #tpu.memory_space<vmem>>, vector<16xf32>,
        %get3A_350 = arith.index_cast %add3A_339 : i32 to index
        %get3A_351 = tpu.vector_load %arg7[%get3A_350] {strides = array<i32>} : memref<16384xf32, #tpu.memory_space<vmem>>, vector<16xf32>,
        %mul3A_352 = vector.broadcast %squeeze3A_93 : f32 to vector<16xf32>
        %mul3A_353 = arith.mulf %mul3A_352, %get3A_349 : vector<16xf32>
        %add3A_354 = arith.addf %get3A_351, %mul3A_353 : vector<16xf32>
        %mul3A_355 = vector.broadcast %squeeze3A_77 : f32 to vector<16xf32>
        %mul3A_356 = arith.mulf %mul3A_355, %get3A_345 : vector<16xf32>
        %add3A_357 = arith.addf %add3A_354, %mul3A_356 : vector<16xf32>
        %mul3A_358 = vector.broadcast %squeeze3A_61 : f32 to vector<16xf32>
        %mul3A_359 = arith.mulf %mul3A_358, %get3A_341 : vector<16xf32>
        %add3A_360 = arith.addf %add3A_357, %mul3A_359 : vector<16xf32>
        %min3A = arith.minimumf %scan3A_328, %add3A_360 : vector<16xf32>
        %mul3A_361 = vector.broadcast %squeeze3A_95 : f32 to vector<16xf32>
        %mul3A_362 = arith.mulf %mul3A_361, %get3A_349 : vector<16xf32>
        %add3A_363 = arith.addf %get3A_351, %mul3A_362 : vector<16xf32>
        %mul3A_364 = vector.broadcast %squeeze3A_79 : f32 to vector<16xf32>
        %mul3A_365 = arith.mulf %mul3A_364, %get3A_345 : vector<16xf32>
        %add3A_366 = arith.addf %add3A_363, %mul3A_365 : vector<16xf32>
        %mul3A_367 = vector.broadcast %squeeze3A_63 : f32 to vector<16xf32>
        %mul3A_368 = arith.mulf %mul3A_367, %get3A_341 : vector<16xf32>
        %add3A_369 = arith.addf %add3A_366, %mul3A_368 : vector<16xf32>
        %min3A_370 = arith.minimumf %scan3A_329, %add3A_369 : vector<16xf32>
        %mul3A_371 = vector.broadcast %squeeze3A_97 : f32 to vector<16xf32>
        %mul3A_372 = arith.mulf %mul3A_371, %get3A_349 : vector<16xf32>
        %add3A_373 = arith.addf %get3A_351, %mul3A_372 : vector<16xf32>
        %mul3A_374 = vector.broadcast %squeeze3A_81 : f32 to vector<16xf32>
        %mul3A_375 = arith.mulf %mul3A_374, %get3A_345 : vector<16xf32>
        %add3A_376 = arith.addf %add3A_373, %mul3A_375 : vector<16xf32>
        %mul3A_377 = vector.broadcast %squeeze3A_65 : f32 to vector<16xf32>
        %mul3A_378 = arith.mulf %mul3A_377, %get3A_341 : vector<16xf32>
        %add3A_379 = arith.addf %add3A_376, %mul3A_378 : vector<16xf32>
        %min3A_380 = arith.minimumf %scan3A_330, %add3A_379 : vector<16xf32>
        %mul3A_381 = vector.broadcast %squeeze3A_99 : f32 to vector<16xf32>
        %mul3A_382 = arith.mulf %mul3A_381, %get3A_349 : vector<16xf32>
        %add3A_383 = arith.addf %get3A_351, %mul3A_382 : vector<16xf32>
        %mul3A_384 = vector.broadcast %squeeze3A_83 : f32 to vector<16xf32>
        %mul3A_385 = arith.mulf %mul3A_384, %get3A_345 : vector<16xf32>
        %add3A_386 = arith.addf %add3A_383, %mul3A_385 : vector<16xf32>
        %mul3A_387 = vector.broadcast %squeeze3A_67 : f32 to vector<16xf32>
        %mul3A_388 = arith.mulf %mul3A_387, %get3A_341 : vector<16xf32>
        %add3A_389 = arith.addf %add3A_386, %mul3A_388 : vector<16xf32>
        %min3A_390 = arith.minimumf %scan3A_331, %add3A_389 : vector<16xf32>
        %mul3A_391 = vector.broadcast %squeeze3A_101 : f32 to vector<16xf32>
        %mul3A_392 = arith.mulf %mul3A_391, %get3A_349 : vector<16xf32>
        %add3A_393 = arith.addf %get3A_351, %mul3A_392 : vector<16xf32>
        %mul3A_394 = vector.broadcast %squeeze3A_85 : f32 to vector<16xf32>
        %mul3A_395 = arith.mulf %mul3A_394, %get3A_345 : vector<16xf32>
        %add3A_396 = arith.addf %add3A_393, %mul3A_395 : vector<16xf32>
        %mul3A_397 = vector.broadcast %squeeze3A_69 : f32 to vector<16xf32>
        %mul3A_398 = arith.mulf %mul3A_397, %get3A_341 : vector<16xf32>
        %add3A_399 = arith.addf %add3A_396, %mul3A_398 : vector<16xf32>
        %min3A_400 = arith.minimumf %scan3A_332, %add3A_399 : vector<16xf32>
        %mul3A_401 = vector.broadcast %squeeze3A_103 : f32 to vector<16xf32>
        %mul3A_402 = arith.mulf %mul3A_401, %get3A_349 : vector<16xf32>
        %add3A_403 = arith.addf %get3A_351, %mul3A_402 : vector<16xf32>
        %mul3A_404 = vector.broadcast %squeeze3A_87 : f32 to vector<16xf32>
        %mul3A_405 = arith.mulf %mul3A_404, %get3A_345 : vector<16xf32>
        %add3A_406 = arith.addf %add3A_403, %mul3A_405 : vector<16xf32>
        %mul3A_407 = vector.broadcast %squeeze3A_71 : f32 to vector<16xf32>
        %mul3A_408 = arith.mulf %mul3A_407, %get3A_341 : vector<16xf32>
        %add3A_409 = arith.addf %add3A_406, %mul3A_408 : vector<16xf32>
        %min3A_410 = arith.minimumf %scan3A_333, %add3A_409 : vector<16xf32>
        %mul3A_411 = vector.broadcast %squeeze3A_105 : f32 to vector<16xf32>
        %mul3A_412 = arith.mulf %mul3A_411, %get3A_349 : vector<16xf32>
        %add3A_413 = arith.addf %get3A_351, %mul3A_412 : vector<16xf32>
        %mul3A_414 = vector.broadcast %squeeze3A_89 : f32 to vector<16xf32>
        %mul3A_415 = arith.mulf %mul3A_414, %get3A_345 : vector<16xf32>
        %add3A_416 = arith.addf %add3A_413, %mul3A_415 : vector<16xf32>
        %mul3A_417 = vector.broadcast %squeeze3A_73 : f32 to vector<16xf32>
        %mul3A_418 = arith.mulf %mul3A_417, %get3A_341 : vector<16xf32>
        %add3A_419 = arith.addf %add3A_416, %mul3A_418 : vector<16xf32>
        %min3A_420 = arith.minimumf %scan3A_334, %add3A_419 : vector<16xf32>
        %mul3A_421 = vector.broadcast %squeeze3A_107 : f32 to vector<16xf32>
        %mul3A_422 = arith.mulf %mul3A_421, %get3A_349 : vector<16xf32>
        %add3A_423 = arith.addf %get3A_351, %mul3A_422 : vector<16xf32>
        %mul3A_424 = vector.broadcast %squeeze3A_91 : f32 to vector<16xf32>
        %mul3A_425 = arith.mulf %mul3A_424, %get3A_345 : vector<16xf32>
        %add3A_426 = arith.addf %add3A_423, %mul3A_425 : vector<16xf32>
        %mul3A_427 = vector.broadcast %squeeze3A_75 : f32 to vector<16xf32>
        %mul3A_428 = arith.mulf %mul3A_427, %get3A_341 : vector<16xf32>
        %add3A_429 = arith.addf %add3A_426, %mul3A_428 : vector<16xf32>
        %min3A_430 = arith.minimumf %scan3A_335, %add3A_429 : vector<16xf32>
        %add3A_431 = arith.constant 16 : i32
        %add3A_432 = arith.addi %mul3A_337, %add3A_431 : i32
        %get3A_433 = arith.index_cast %add3A_432 : i32 to index
        %get3A_434 = tpu.vector_load %arg6[%get3A_433] {strides = array<i32>} : memref<49152xf32, #tpu.memory_space<vmem>>, vector<16xf32>,
        %add3A_435 = arith.constant 16384 : i32
        %add3A_436 = arith.addi %add3A_435, %add3A_432 : i32
        %get3A_437 = arith.index_cast %add3A_436 : i32 to index
        %get3A_438 = tpu.vector_load %arg6[%get3A_437] {strides = array<i32>} : memref<49152xf32, #tpu.memory_space<vmem>>, vector<16xf32>,
        %add3A_439 = arith.constant 32768 : i32
        %add3A_440 = arith.addi %add3A_439, %add3A_432 : i32
        %get3A_441 = arith.index_cast %add3A_440 : i32 to index
        %get3A_442 = tpu.vector_load %arg6[%get3A_441] {strides = array<i32>} : memref<49152xf32, #tpu.memory_space<vmem>>, vector<16xf32>,
        %get3A_443 = arith.index_cast %add3A_432 : i32 to index
        %get3A_444 = tpu.vector_load %arg7[%get3A_443] {strides = array<i32>} : memref<16384xf32, #tpu.memory_space<vmem>>, vector<16xf32>,
        %mul3A_445 = vector.broadcast %squeeze3A_93 : f32 to vector<16xf32>
        %mul3A_446 = arith.mulf %mul3A_445, %get3A_442 : vector<16xf32>
        %add3A_447 = arith.addf %get3A_444, %mul3A_446 : vector<16xf32>
        %mul3A_448 = vector.broadcast %squeeze3A_77 : f32 to vector<16xf32>
        %mul3A_449 = arith.mulf %mul3A_448, %get3A_438 : vector<16xf32>
        %add3A_450 = arith.addf %add3A_447, %mul3A_449 : vector<16xf32>
        %mul3A_451 = vector.broadcast %squeeze3A_61 : f32 to vector<16xf32>
        %mul3A_452 = arith.mulf %mul3A_451, %get3A_434 : vector<16xf32>
        %add3A_453 = arith.addf %add3A_450, %mul3A_452 : vector<16xf32>
        %min3A_454 = arith.minimumf %min3A, %add3A_453 : vector<16xf32>
        %mul3A_455 = vector.broadcast %squeeze3A_95 : f32 to vector<16xf32>
        %mul3A_456 = arith.mulf %mul3A_455, %get3A_442 : vector<16xf32>
        %add3A_457 = arith.addf %get3A_444, %mul3A_456 : vector<16xf32>
        %mul3A_458 = vector.broadcast %squeeze3A_79 : f32 to vector<16xf32>
        %mul3A_459 = arith.mulf %mul3A_458, %get3A_438 : vector<16xf32>
        %add3A_460 = arith.addf %add3A_457, %mul3A_459 : vector<16xf32>
        %mul3A_461 = vector.broadcast %squeeze3A_63 : f32 to vector<16xf32>
        %mul3A_462 = arith.mulf %mul3A_461, %get3A_434 : vector<16xf32>
        %add3A_463 = arith.addf %add3A_460, %mul3A_462 : vector<16xf32>
        %min3A_464 = arith.minimumf %min3A_370, %add3A_463 : vector<16xf32>
        %mul3A_465 = vector.broadcast %squeeze3A_97 : f32 to vector<16xf32>
        %mul3A_466 = arith.mulf %mul3A_465, %get3A_442 : vector<16xf32>
        %add3A_467 = arith.addf %get3A_444, %mul3A_466 : vector<16xf32>
        %mul3A_468 = vector.broadcast %squeeze3A_81 : f32 to vector<16xf32>
        %mul3A_469 = arith.mulf %mul3A_468, %get3A_438 : vector<16xf32>
        %add3A_470 = arith.addf %add3A_467, %mul3A_469 : vector<16xf32>
        %mul3A_471 = vector.broadcast %squeeze3A_65 : f32 to vector<16xf32>
        %mul3A_472 = arith.mulf %mul3A_471, %get3A_434 : vector<16xf32>
        %add3A_473 = arith.addf %add3A_470, %mul3A_472 : vector<16xf32>
        %min3A_474 = arith.minimumf %min3A_380, %add3A_473 : vector<16xf32>
        %mul3A_475 = vector.broadcast %squeeze3A_99 : f32 to vector<16xf32>
        %mul3A_476 = arith.mulf %mul3A_475, %get3A_442 : vector<16xf32>
        %add3A_477 = arith.addf %get3A_444, %mul3A_476 : vector<16xf32>
        %mul3A_478 = vector.broadcast %squeeze3A_83 : f32 to vector<16xf32>
        %mul3A_479 = arith.mulf %mul3A_478, %get3A_438 : vector<16xf32>
        %add3A_480 = arith.addf %add3A_477, %mul3A_479 : vector<16xf32>
        %mul3A_481 = vector.broadcast %squeeze3A_67 : f32 to vector<16xf32>
        %mul3A_482 = arith.mulf %mul3A_481, %get3A_434 : vector<16xf32>
        %add3A_483 = arith.addf %add3A_480, %mul3A_482 : vector<16xf32>
        %min3A_484 = arith.minimumf %min3A_390, %add3A_483 : vector<16xf32>
        %mul3A_485 = vector.broadcast %squeeze3A_101 : f32 to vector<16xf32>
        %mul3A_486 = arith.mulf %mul3A_485, %get3A_442 : vector<16xf32>
        %add3A_487 = arith.addf %get3A_444, %mul3A_486 : vector<16xf32>
        %mul3A_488 = vector.broadcast %squeeze3A_85 : f32 to vector<16xf32>
        %mul3A_489 = arith.mulf %mul3A_488, %get3A_438 : vector<16xf32>
        %add3A_490 = arith.addf %add3A_487, %mul3A_489 : vector<16xf32>
        %mul3A_491 = vector.broadcast %squeeze3A_69 : f32 to vector<16xf32>
        %mul3A_492 = arith.mulf %mul3A_491, %get3A_434 : vector<16xf32>
        %add3A_493 = arith.addf %add3A_490, %mul3A_492 : vector<16xf32>
        %min3A_494 = arith.minimumf %min3A_400, %add3A_493 : vector<16xf32>
        %mul3A_495 = vector.broadcast %squeeze3A_103 : f32 to vector<16xf32>
        %mul3A_496 = arith.mulf %mul3A_495, %get3A_442 : vector<16xf32>
        %add3A_497 = arith.addf %get3A_444, %mul3A_496 : vector<16xf32>
        %mul3A_498 = vector.broadcast %squeeze3A_87 : f32 to vector<16xf32>
        %mul3A_499 = arith.mulf %mul3A_498, %get3A_438 : vector<16xf32>
        %add3A_500 = arith.addf %add3A_497, %mul3A_499 : vector<16xf32>
        %mul3A_501 = vector.broadcast %squeeze3A_71 : f32 to vector<16xf32>
        %mul3A_502 = arith.mulf %mul3A_501, %get3A_434 : vector<16xf32>
        %add3A_503 = arith.addf %add3A_500, %mul3A_502 : vector<16xf32>
        %min3A_504 = arith.minimumf %min3A_410, %add3A_503 : vector<16xf32>
        %mul3A_505 = vector.broadcast %squeeze3A_105 : f32 to vector<16xf32>
        %mul3A_506 = arith.mulf %mul3A_505, %get3A_442 : vector<16xf32>
        %add3A_507 = arith.addf %get3A_444, %mul3A_506 : vector<16xf32>
        %mul3A_508 = vector.broadcast %squeeze3A_89 : f32 to vector<16xf32>
        %mul3A_509 = arith.mulf %mul3A_508, %get3A_438 : vector<16xf32>
        %add3A_510 = arith.addf %add3A_507, %mul3A_509 : vector<16xf32>
        %mul3A_511 = vector.broadcast %squeeze3A_73 : f32 to vector<16xf32>
        %mul3A_512 = arith.mulf %mul3A_511, %get3A_434 : vector<16xf32>
        %add3A_513 = arith.addf %add3A_510, %mul3A_512 : vector<16xf32>
        %min3A_514 = arith.minimumf %min3A_420, %add3A_513 : vector<16xf32>
        %mul3A_515 = vector.broadcast %squeeze3A_107 : f32 to vector<16xf32>
        %mul3A_516 = arith.mulf %mul3A_515, %get3A_442 : vector<16xf32>
        %add3A_517 = arith.addf %get3A_444, %mul3A_516 : vector<16xf32>
        %mul3A_518 = vector.broadcast %squeeze3A_91 : f32 to vector<16xf32>
        %mul3A_519 = arith.mulf %mul3A_518, %get3A_438 : vector<16xf32>
        %add3A_520 = arith.addf %add3A_517, %mul3A_519 : vector<16xf32>
        %mul3A_521 = vector.broadcast %squeeze3A_75 : f32 to vector<16xf32>
        %mul3A_522 = arith.mulf %mul3A_521, %get3A_434 : vector<16xf32>
        %add3A_523 = arith.addf %add3A_520, %mul3A_522 : vector<16xf32>
        %min3A_524 = arith.minimumf %min3A_430, %add3A_523 : vector<16xf32>
        %add3A_525 = arith.constant 32 : i32
        %add3A_526 = arith.addi %mul3A_337, %add3A_525 : i32
        %get3A_527 = arith.index_cast %add3A_526 : i32 to index
        %get3A_528 = tpu.vector_load %arg6[%get3A_527] {strides = array<i32>} : memref<49152xf32, #tpu.memory_space<vmem>>, vector<16xf32>,
        %add3A_529 = arith.constant 16384 : i32
        %add3A_530 = arith.addi %add3A_529, %add3A_526 : i32
        %get3A_531 = arith.index_cast %add3A_530 : i32 to index
        %get3A_532 = tpu.vector_load %arg6[%get3A_531] {strides = array<i32>} : memref<49152xf32, #tpu.memory_space<vmem>>, vector<16xf32>,
        %add3A_533 = arith.constant 32768 : i32
        %add3A_534 = arith.addi %add3A_533, %add3A_526 : i32
        %get3A_535 = arith.index_cast %add3A_534 : i32 to index
        %get3A_536 = tpu.vector_load %arg6[%get3A_535] {strides = array<i32>} : memref<49152xf32, #tpu.memory_space<vmem>>, vector<16xf32>,
        %get3A_537 = arith.index_cast %add3A_526 : i32 to index
        %get3A_538 = tpu.vector_load %arg7[%get3A_537] {strides = array<i32>} : memref<16384xf32, #tpu.memory_space<vmem>>, vector<16xf32>,
        %mul3A_539 = vector.broadcast %squeeze3A_93 : f32 to vector<16xf32>
        %mul3A_540 = arith.mulf %mul3A_539, %get3A_536 : vector<16xf32>
        %add3A_541 = arith.addf %get3A_538, %mul3A_540 : vector<16xf32>
        %mul3A_542 = vector.broadcast %squeeze3A_77 : f32 to vector<16xf32>
        %mul3A_543 = arith.mulf %mul3A_542, %get3A_532 : vector<16xf32>
        %add3A_544 = arith.addf %add3A_541, %mul3A_543 : vector<16xf32>
        %mul3A_545 = vector.broadcast %squeeze3A_61 : f32 to vector<16xf32>
        %mul3A_546 = arith.mulf %mul3A_545, %get3A_528 : vector<16xf32>
        %add3A_547 = arith.addf %add3A_544, %mul3A_546 : vector<16xf32>
        %min3A_548 = arith.minimumf %min3A_454, %add3A_547 : vector<16xf32>
        %mul3A_549 = vector.broadcast %squeeze3A_95 : f32 to vector<16xf32>
        %mul3A_550 = arith.mulf %mul3A_549, %get3A_536 : vector<16xf32>
        %add3A_551 = arith.addf %get3A_538, %mul3A_550 : vector<16xf32>
        %mul3A_552 = vector.broadcast %squeeze3A_79 : f32 to vector<16xf32>
        %mul3A_553 = arith.mulf %mul3A_552, %get3A_532 : vector<16xf32>
        %add3A_554 = arith.addf %add3A_551, %mul3A_553 : vector<16xf32>
        %mul3A_555 = vector.broadcast %squeeze3A_63 : f32 to vector<16xf32>
        %mul3A_556 = arith.mulf %mul3A_555, %get3A_528 : vector<16xf32>
        %add3A_557 = arith.addf %add3A_554, %mul3A_556 : vector<16xf32>
        %min3A_558 = arith.minimumf %min3A_464, %add3A_557 : vector<16xf32>
        %mul3A_559 = vector.broadcast %squeeze3A_97 : f32 to vector<16xf32>
        %mul3A_560 = arith.mulf %mul3A_559, %get3A_536 : vector<16xf32>
        %add3A_561 = arith.addf %get3A_538, %mul3A_560 : vector<16xf32>
        %mul3A_562 = vector.broadcast %squeeze3A_81 : f32 to vector<16xf32>
        %mul3A_563 = arith.mulf %mul3A_562, %get3A_532 : vector<16xf32>
        %add3A_564 = arith.addf %add3A_561, %mul3A_563 : vector<16xf32>
        %mul3A_565 = vector.broadcast %squeeze3A_65 : f32 to vector<16xf32>
        %mul3A_566 = arith.mulf %mul3A_565, %get3A_528 : vector<16xf32>
        %add3A_567 = arith.addf %add3A_564, %mul3A_566 : vector<16xf32>
        %min3A_568 = arith.minimumf %min3A_474, %add3A_567 : vector<16xf32>
        %mul3A_569 = vector.broadcast %squeeze3A_99 : f32 to vector<16xf32>
        %mul3A_570 = arith.mulf %mul3A_569, %get3A_536 : vector<16xf32>
        %add3A_571 = arith.addf %get3A_538, %mul3A_570 : vector<16xf32>
        %mul3A_572 = vector.broadcast %squeeze3A_83 : f32 to vector<16xf32>
        %mul3A_573 = arith.mulf %mul3A_572, %get3A_532 : vector<16xf32>
        %add3A_574 = arith.addf %add3A_571, %mul3A_573 : vector<16xf32>
        %mul3A_575 = vector.broadcast %squeeze3A_67 : f32 to vector<16xf32>
        %mul3A_576 = arith.mulf %mul3A_575, %get3A_528 : vector<16xf32>
        %add3A_577 = arith.addf %add3A_574, %mul3A_576 : vector<16xf32>
        %min3A_578 = arith.minimumf %min3A_484, %add3A_577 : vector<16xf32>
        %mul3A_579 = vector.broadcast %squeeze3A_101 : f32 to vector<16xf32>
        %mul3A_580 = arith.mulf %mul3A_579, %get3A_536 : vector<16xf32>
        %add3A_581 = arith.addf %get3A_538, %mul3A_580 : vector<16xf32>
        %mul3A_582 = vector.broadcast %squeeze3A_85 : f32 to vector<16xf32>
        %mul3A_583 = arith.mulf %mul3A_582, %get3A_532 : vector<16xf32>
        %add3A_584 = arith.addf %add3A_581, %mul3A_583 : vector<16xf32>
        %mul3A_585 = vector.broadcast %squeeze3A_69 : f32 to vector<16xf32>
        %mul3A_586 = arith.mulf %mul3A_585, %get3A_528 : vector<16xf32>
        %add3A_587 = arith.addf %add3A_584, %mul3A_586 : vector<16xf32>
        %min3A_588 = arith.minimumf %min3A_494, %add3A_587 : vector<16xf32>
        %mul3A_589 = vector.broadcast %squeeze3A_103 : f32 to vector<16xf32>
        %mul3A_590 = arith.mulf %mul3A_589, %get3A_536 : vector<16xf32>
        %add3A_591 = arith.addf %get3A_538, %mul3A_590 : vector<16xf32>
        %mul3A_592 = vector.broadcast %squeeze3A_87 : f32 to vector<16xf32>
        %mul3A_593 = arith.mulf %mul3A_592, %get3A_532 : vector<16xf32>
        %add3A_594 = arith.addf %add3A_591, %mul3A_593 : vector<16xf32>
        %mul3A_595 = vector.broadcast %squeeze3A_71 : f32 to vector<16xf32>
        %mul3A_596 = arith.mulf %mul3A_595, %get3A_528 : vector<16xf32>
        %add3A_597 = arith.addf %add3A_594, %mul3A_596 : vector<16xf32>
        %min3A_598 = arith.minimumf %min3A_504, %add3A_597 : vector<16xf32>
        %mul3A_599 = vector.broadcast %squeeze3A_105 : f32 to vector<16xf32>
        %mul3A_600 = arith.mulf %mul3A_599, %get3A_536 : vector<16xf32>
        %add3A_601 = arith.addf %get3A_538, %mul3A_600 : vector<16xf32>
        %mul3A_602 = vector.broadcast %squeeze3A_89 : f32 to vector<16xf32>
        %mul3A_603 = arith.mulf %mul3A_602, %get3A_532 : vector<16xf32>
        %add3A_604 = arith.addf %add3A_601, %mul3A_603 : vector<16xf32>
        %mul3A_605 = vector.broadcast %squeeze3A_73 : f32 to vector<16xf32>
        %mul3A_606 = arith.mulf %mul3A_605, %get3A_528 : vector<16xf32>
        %add3A_607 = arith.addf %add3A_604, %mul3A_606 : vector<16xf32>
        %min3A_608 = arith.minimumf %min3A_514, %add3A_607 : vector<16xf32>
        %mul3A_609 = vector.broadcast %squeeze3A_107 : f32 to vector<16xf32>
        %mul3A_610 = arith.mulf %mul3A_609, %get3A_536 : vector<16xf32>
        %add3A_611 = arith.addf %get3A_538, %mul3A_610 : vector<16xf32>
        %mul3A_612 = vector.broadcast %squeeze3A_91 : f32 to vector<16xf32>
        %mul3A_613 = arith.mulf %mul3A_612, %get3A_532 : vector<16xf32>
        %add3A_614 = arith.addf %add3A_611, %mul3A_613 : vector<16xf32>
        %mul3A_615 = vector.broadcast %squeeze3A_75 : f32 to vector<16xf32>
        %mul3A_616 = arith.mulf %mul3A_615, %get3A_528 : vector<16xf32>
        %add3A_617 = arith.addf %add3A_614, %mul3A_616 : vector<16xf32>
        %min3A_618 = arith.minimumf %min3A_524, %add3A_617 : vector<16xf32>
        %add3A_619 = arith.constant 48 : i32
        %add3A_620 = arith.addi %mul3A_337, %add3A_619 : i32
        %get3A_621 = arith.index_cast %add3A_620 : i32 to index
        %get3A_622 = tpu.vector_load %arg6[%get3A_621] {strides = array<i32>} : memref<49152xf32, #tpu.memory_space<vmem>>, vector<16xf32>,
        %add3A_623 = arith.constant 16384 : i32
        %add3A_624 = arith.addi %add3A_623, %add3A_620 : i32
        %get3A_625 = arith.index_cast %add3A_624 : i32 to index
        %get3A_626 = tpu.vector_load %arg6[%get3A_625] {strides = array<i32>} : memref<49152xf32, #tpu.memory_space<vmem>>, vector<16xf32>,
        %add3A_627 = arith.constant 32768 : i32
        %add3A_628 = arith.addi %add3A_627, %add3A_620 : i32
        %get3A_629 = arith.index_cast %add3A_628 : i32 to index
        %get3A_630 = tpu.vector_load %arg6[%get3A_629] {strides = array<i32>} : memref<49152xf32, #tpu.memory_space<vmem>>, vector<16xf32>,
        %get3A_631 = arith.index_cast %add3A_620 : i32 to index
        %get3A_632 = tpu.vector_load %arg7[%get3A_631] {strides = array<i32>} : memref<16384xf32, #tpu.memory_space<vmem>>, vector<16xf32>,
        %mul3A_633 = vector.broadcast %squeeze3A_93 : f32 to vector<16xf32>
        %mul3A_634 = arith.mulf %mul3A_633, %get3A_630 : vector<16xf32>
        %add3A_635 = arith.addf %get3A_632, %mul3A_634 : vector<16xf32>
        %mul3A_636 = vector.broadcast %squeeze3A_77 : f32 to vector<16xf32>
        %mul3A_637 = arith.mulf %mul3A_636, %get3A_626 : vector<16xf32>
        %add3A_638 = arith.addf %add3A_635, %mul3A_637 : vector<16xf32>
        %mul3A_639 = vector.broadcast %squeeze3A_61 : f32 to vector<16xf32>
        %mul3A_640 = arith.mulf %mul3A_639, %get3A_622 : vector<16xf32>
        %add3A_641 = arith.addf %add3A_638, %mul3A_640 : vector<16xf32>
        %min3A_642 = arith.minimumf %min3A_548, %add3A_641 : vector<16xf32>
        %mul3A_643 = vector.broadcast %squeeze3A_95 : f32 to vector<16xf32>
        %mul3A_644 = arith.mulf %mul3A_643, %get3A_630 : vector<16xf32>
        %add3A_645 = arith.addf %get3A_632, %mul3A_644 : vector<16xf32>
        %mul3A_646 = vector.broadcast %squeeze3A_79 : f32 to vector<16xf32>
        %mul3A_647 = arith.mulf %mul3A_646, %get3A_626 : vector<16xf32>
        %add3A_648 = arith.addf %add3A_645, %mul3A_647 : vector<16xf32>
        %mul3A_649 = vector.broadcast %squeeze3A_63 : f32 to vector<16xf32>
        %mul3A_650 = arith.mulf %mul3A_649, %get3A_622 : vector<16xf32>
        %add3A_651 = arith.addf %add3A_648, %mul3A_650 : vector<16xf32>
        %min3A_652 = arith.minimumf %min3A_558, %add3A_651 : vector<16xf32>
        %mul3A_653 = vector.broadcast %squeeze3A_97 : f32 to vector<16xf32>
        %mul3A_654 = arith.mulf %mul3A_653, %get3A_630 : vector<16xf32>
        %add3A_655 = arith.addf %get3A_632, %mul3A_654 : vector<16xf32>
        %mul3A_656 = vector.broadcast %squeeze3A_81 : f32 to vector<16xf32>
        %mul3A_657 = arith.mulf %mul3A_656, %get3A_626 : vector<16xf32>
        %add3A_658 = arith.addf %add3A_655, %mul3A_657 : vector<16xf32>
        %mul3A_659 = vector.broadcast %squeeze3A_65 : f32 to vector<16xf32>
        %mul3A_660 = arith.mulf %mul3A_659, %get3A_622 : vector<16xf32>
        %add3A_661 = arith.addf %add3A_658, %mul3A_660 : vector<16xf32>
        %min3A_662 = arith.minimumf %min3A_568, %add3A_661 : vector<16xf32>
        %mul3A_663 = vector.broadcast %squeeze3A_99 : f32 to vector<16xf32>
        %mul3A_664 = arith.mulf %mul3A_663, %get3A_630 : vector<16xf32>
        %add3A_665 = arith.addf %get3A_632, %mul3A_664 : vector<16xf32>
        %mul3A_666 = vector.broadcast %squeeze3A_83 : f32 to vector<16xf32>
        %mul3A_667 = arith.mulf %mul3A_666, %get3A_626 : vector<16xf32>
        %add3A_668 = arith.addf %add3A_665, %mul3A_667 : vector<16xf32>
        %mul3A_669 = vector.broadcast %squeeze3A_67 : f32 to vector<16xf32>
        %mul3A_670 = arith.mulf %mul3A_669, %get3A_622 : vector<16xf32>
        %add3A_671 = arith.addf %add3A_668, %mul3A_670 : vector<16xf32>
        %min3A_672 = arith.minimumf %min3A_578, %add3A_671 : vector<16xf32>
        %mul3A_673 = vector.broadcast %squeeze3A_101 : f32 to vector<16xf32>
        %mul3A_674 = arith.mulf %mul3A_673, %get3A_630 : vector<16xf32>
        %add3A_675 = arith.addf %get3A_632, %mul3A_674 : vector<16xf32>
        %mul3A_676 = vector.broadcast %squeeze3A_85 : f32 to vector<16xf32>
        %mul3A_677 = arith.mulf %mul3A_676, %get3A_626 : vector<16xf32>
        %add3A_678 = arith.addf %add3A_675, %mul3A_677 : vector<16xf32>
        %mul3A_679 = vector.broadcast %squeeze3A_69 : f32 to vector<16xf32>
        %mul3A_680 = arith.mulf %mul3A_679, %get3A_622 : vector<16xf32>
        %add3A_681 = arith.addf %add3A_678, %mul3A_680 : vector<16xf32>
        %min3A_682 = arith.minimumf %min3A_588, %add3A_681 : vector<16xf32>
        %mul3A_683 = vector.broadcast %squeeze3A_103 : f32 to vector<16xf32>
        %mul3A_684 = arith.mulf %mul3A_683, %get3A_630 : vector<16xf32>
        %add3A_685 = arith.addf %get3A_632, %mul3A_684 : vector<16xf32>
        %mul3A_686 = vector.broadcast %squeeze3A_87 : f32 to vector<16xf32>
        %mul3A_687 = arith.mulf %mul3A_686, %get3A_626 : vector<16xf32>
        %add3A_688 = arith.addf %add3A_685, %mul3A_687 : vector<16xf32>
        %mul3A_689 = vector.broadcast %squeeze3A_71 : f32 to vector<16xf32>
        %mul3A_690 = arith.mulf %mul3A_689, %get3A_622 : vector<16xf32>
        %add3A_691 = arith.addf %add3A_688, %mul3A_690 : vector<16xf32>
        %min3A_692 = arith.minimumf %min3A_598, %add3A_691 : vector<16xf32>
        %mul3A_693 = vector.broadcast %squeeze3A_105 : f32 to vector<16xf32>
        %mul3A_694 = arith.mulf %mul3A_693, %get3A_630 : vector<16xf32>
        %add3A_695 = arith.addf %get3A_632, %mul3A_694 : vector<16xf32>
        %mul3A_696 = vector.broadcast %squeeze3A_89 : f32 to vector<16xf32>
        %mul3A_697 = arith.mulf %mul3A_696, %get3A_626 : vector<16xf32>
        %add3A_698 = arith.addf %add3A_695, %mul3A_697 : vector<16xf32>
        %mul3A_699 = vector.broadcast %squeeze3A_73 : f32 to vector<16xf32>
        %mul3A_700 = arith.mulf %mul3A_699, %get3A_622 : vector<16xf32>
        %add3A_701 = arith.addf %add3A_698, %mul3A_700 : vector<16xf32>
        %min3A_702 = arith.minimumf %min3A_608, %add3A_701 : vector<16xf32>
        %mul3A_703 = vector.broadcast %squeeze3A_107 : f32 to vector<16xf32>
        %mul3A_704 = arith.mulf %mul3A_703, %get3A_630 : vector<16xf32>
        %add3A_705 = arith.addf %get3A_632, %mul3A_704 : vector<16xf32>
        %mul3A_706 = vector.broadcast %squeeze3A_91 : f32 to vector<16xf32>
        %mul3A_707 = arith.mulf %mul3A_706, %get3A_626 : vector<16xf32>
        %add3A_708 = arith.addf %add3A_705, %mul3A_707 : vector<16xf32>
        %mul3A_709 = vector.broadcast %squeeze3A_75 : f32 to vector<16xf32>
        %mul3A_710 = arith.mulf %mul3A_709, %get3A_622 : vector<16xf32>
        %add3A_711 = arith.addf %add3A_708, %mul3A_710 : vector<16xf32>
        %min3A_712 = arith.minimumf %min3A_618, %add3A_711 : vector<16xf32>
        %add3A_713 = arith.constant 64 : i32
        %add3A_714 = arith.addi %mul3A_337, %add3A_713 : i32
        %get3A_715 = arith.index_cast %add3A_714 : i32 to index
        %get3A_716 = tpu.vector_load %arg6[%get3A_715] {strides = array<i32>} : memref<49152xf32, #tpu.memory_space<vmem>>, vector<16xf32>,
        %add3A_717 = arith.constant 16384 : i32
        %add3A_718 = arith.addi %add3A_717, %add3A_714 : i32
        %get3A_719 = arith.index_cast %add3A_718 : i32 to index
        %get3A_720 = tpu.vector_load %arg6[%get3A_719] {strides = array<i32>} : memref<49152xf32, #tpu.memory_space<vmem>>, vector<16xf32>,
        %add3A_721 = arith.constant 32768 : i32
        %add3A_722 = arith.addi %add3A_721, %add3A_714 : i32
        %get3A_723 = arith.index_cast %add3A_722 : i32 to index
        %get3A_724 = tpu.vector_load %arg6[%get3A_723] {strides = array<i32>} : memref<49152xf32, #tpu.memory_space<vmem>>, vector<16xf32>,
        %get3A_725 = arith.index_cast %add3A_714 : i32 to index
        %get3A_726 = tpu.vector_load %arg7[%get3A_725] {strides = array<i32>} : memref<16384xf32, #tpu.memory_space<vmem>>, vector<16xf32>,
        %mul3A_727 = vector.broadcast %squeeze3A_93 : f32 to vector<16xf32>
        %mul3A_728 = arith.mulf %mul3A_727, %get3A_724 : vector<16xf32>
        %add3A_729 = arith.addf %get3A_726, %mul3A_728 : vector<16xf32>
        %mul3A_730 = vector.broadcast %squeeze3A_77 : f32 to vector<16xf32>
        %mul3A_731 = arith.mulf %mul3A_730, %get3A_720 : vector<16xf32>
        %add3A_732 = arith.addf %add3A_729, %mul3A_731 : vector<16xf32>
        %mul3A_733 = vector.broadcast %squeeze3A_61 : f32 to vector<16xf32>
        %mul3A_734 = arith.mulf %mul3A_733, %get3A_716 : vector<16xf32>
        %add3A_735 = arith.addf %add3A_732, %mul3A_734 : vector<16xf32>
        %min3A_736 = arith.minimumf %min3A_642, %add3A_735 : vector<16xf32>
        %mul3A_737 = vector.broadcast %squeeze3A_95 : f32 to vector<16xf32>
        %mul3A_738 = arith.mulf %mul3A_737, %get3A_724 : vector<16xf32>
        %add3A_739 = arith.addf %get3A_726, %mul3A_738 : vector<16xf32>
        %mul3A_740 = vector.broadcast %squeeze3A_79 : f32 to vector<16xf32>
        %mul3A_741 = arith.mulf %mul3A_740, %get3A_720 : vector<16xf32>
        %add3A_742 = arith.addf %add3A_739, %mul3A_741 : vector<16xf32>
        %mul3A_743 = vector.broadcast %squeeze3A_63 : f32 to vector<16xf32>
        %mul3A_744 = arith.mulf %mul3A_743, %get3A_716 : vector<16xf32>
        %add3A_745 = arith.addf %add3A_742, %mul3A_744 : vector<16xf32>
        %min3A_746 = arith.minimumf %min3A_652, %add3A_745 : vector<16xf32>
        %mul3A_747 = vector.broadcast %squeeze3A_97 : f32 to vector<16xf32>
        %mul3A_748 = arith.mulf %mul3A_747, %get3A_724 : vector<16xf32>
        %add3A_749 = arith.addf %get3A_726, %mul3A_748 : vector<16xf32>
        %mul3A_750 = vector.broadcast %squeeze3A_81 : f32 to vector<16xf32>
        %mul3A_751 = arith.mulf %mul3A_750, %get3A_720 : vector<16xf32>
        %add3A_752 = arith.addf %add3A_749, %mul3A_751 : vector<16xf32>
        %mul3A_753 = vector.broadcast %squeeze3A_65 : f32 to vector<16xf32>
        %mul3A_754 = arith.mulf %mul3A_753, %get3A_716 : vector<16xf32>
        %add3A_755 = arith.addf %add3A_752, %mul3A_754 : vector<16xf32>
        %min3A_756 = arith.minimumf %min3A_662, %add3A_755 : vector<16xf32>
        %mul3A_757 = vector.broadcast %squeeze3A_99 : f32 to vector<16xf32>
        %mul3A_758 = arith.mulf %mul3A_757, %get3A_724 : vector<16xf32>
        %add3A_759 = arith.addf %get3A_726, %mul3A_758 : vector<16xf32>
        %mul3A_760 = vector.broadcast %squeeze3A_83 : f32 to vector<16xf32>
        %mul3A_761 = arith.mulf %mul3A_760, %get3A_720 : vector<16xf32>
        %add3A_762 = arith.addf %add3A_759, %mul3A_761 : vector<16xf32>
        %mul3A_763 = vector.broadcast %squeeze3A_67 : f32 to vector<16xf32>
        %mul3A_764 = arith.mulf %mul3A_763, %get3A_716 : vector<16xf32>
        %add3A_765 = arith.addf %add3A_762, %mul3A_764 : vector<16xf32>
        %min3A_766 = arith.minimumf %min3A_672, %add3A_765 : vector<16xf32>
        %mul3A_767 = vector.broadcast %squeeze3A_101 : f32 to vector<16xf32>
        %mul3A_768 = arith.mulf %mul3A_767, %get3A_724 : vector<16xf32>
        %add3A_769 = arith.addf %get3A_726, %mul3A_768 : vector<16xf32>
        %mul3A_770 = vector.broadcast %squeeze3A_85 : f32 to vector<16xf32>
        %mul3A_771 = arith.mulf %mul3A_770, %get3A_720 : vector<16xf32>
        %add3A_772 = arith.addf %add3A_769, %mul3A_771 : vector<16xf32>
        %mul3A_773 = vector.broadcast %squeeze3A_69 : f32 to vector<16xf32>
        %mul3A_774 = arith.mulf %mul3A_773, %get3A_716 : vector<16xf32>
        %add3A_775 = arith.addf %add3A_772, %mul3A_774 : vector<16xf32>
        %min3A_776 = arith.minimumf %min3A_682, %add3A_775 : vector<16xf32>
        %mul3A_777 = vector.broadcast %squeeze3A_103 : f32 to vector<16xf32>
        %mul3A_778 = arith.mulf %mul3A_777, %get3A_724 : vector<16xf32>
        %add3A_779 = arith.addf %get3A_726, %mul3A_778 : vector<16xf32>
        %mul3A_780 = vector.broadcast %squeeze3A_87 : f32 to vector<16xf32>
        %mul3A_781 = arith.mulf %mul3A_780, %get3A_720 : vector<16xf32>
        %add3A_782 = arith.addf %add3A_779, %mul3A_781 : vector<16xf32>
        %mul3A_783 = vector.broadcast %squeeze3A_71 : f32 to vector<16xf32>
        %mul3A_784 = arith.mulf %mul3A_783, %get3A_716 : vector<16xf32>
        %add3A_785 = arith.addf %add3A_782, %mul3A_784 : vector<16xf32>
        %min3A_786 = arith.minimumf %min3A_692, %add3A_785 : vector<16xf32>
        %mul3A_787 = vector.broadcast %squeeze3A_105 : f32 to vector<16xf32>
        %mul3A_788 = arith.mulf %mul3A_787, %get3A_724 : vector<16xf32>
        %add3A_789 = arith.addf %get3A_726, %mul3A_788 : vector<16xf32>
        %mul3A_790 = vector.broadcast %squeeze3A_89 : f32 to vector<16xf32>
        %mul3A_791 = arith.mulf %mul3A_790, %get3A_720 : vector<16xf32>
        %add3A_792 = arith.addf %add3A_789, %mul3A_791 : vector<16xf32>
        %mul3A_793 = vector.broadcast %squeeze3A_73 : f32 to vector<16xf32>
        %mul3A_794 = arith.mulf %mul3A_793, %get3A_716 : vector<16xf32>
        %add3A_795 = arith.addf %add3A_792, %mul3A_794 : vector<16xf32>
        %min3A_796 = arith.minimumf %min3A_702, %add3A_795 : vector<16xf32>
        %mul3A_797 = vector.broadcast %squeeze3A_107 : f32 to vector<16xf32>
        %mul3A_798 = arith.mulf %mul3A_797, %get3A_724 : vector<16xf32>
        %add3A_799 = arith.addf %get3A_726, %mul3A_798 : vector<16xf32>
        %mul3A_800 = vector.broadcast %squeeze3A_91 : f32 to vector<16xf32>
        %mul3A_801 = arith.mulf %mul3A_800, %get3A_720 : vector<16xf32>
        %add3A_802 = arith.addf %add3A_799, %mul3A_801 : vector<16xf32>
        %mul3A_803 = vector.broadcast %squeeze3A_75 : f32 to vector<16xf32>
        %mul3A_804 = arith.mulf %mul3A_803, %get3A_716 : vector<16xf32>
        %add3A_805 = arith.addf %add3A_802, %mul3A_804 : vector<16xf32>
        %min3A_806 = arith.minimumf %min3A_712, %add3A_805 : vector<16xf32>
        %add3A_807 = arith.constant 80 : i32
        %add3A_808 = arith.addi %mul3A_337, %add3A_807 : i32
        %get3A_809 = arith.index_cast %add3A_808 : i32 to index
        %get3A_810 = tpu.vector_load %arg6[%get3A_809] {strides = array<i32>} : memref<49152xf32, #tpu.memory_space<vmem>>, vector<16xf32>,
        %add3A_811 = arith.constant 16384 : i32
        %add3A_812 = arith.addi %add3A_811, %add3A_808 : i32
        %get3A_813 = arith.index_cast %add3A_812 : i32 to index
        %get3A_814 = tpu.vector_load %arg6[%get3A_813] {strides = array<i32>} : memref<49152xf32, #tpu.memory_space<vmem>>, vector<16xf32>,
        %add3A_815 = arith.constant 32768 : i32
        %add3A_816 = arith.addi %add3A_815, %add3A_808 : i32
        %get3A_817 = arith.index_cast %add3A_816 : i32 to index
        %get3A_818 = tpu.vector_load %arg6[%get3A_817] {strides = array<i32>} : memref<49152xf32, #tpu.memory_space<vmem>>, vector<16xf32>,
        %get3A_819 = arith.index_cast %add3A_808 : i32 to index
        %get3A_820 = tpu.vector_load %arg7[%get3A_819] {strides = array<i32>} : memref<16384xf32, #tpu.memory_space<vmem>>, vector<16xf32>,
        %mul3A_821 = vector.broadcast %squeeze3A_93 : f32 to vector<16xf32>
        %mul3A_822 = arith.mulf %mul3A_821, %get3A_818 : vector<16xf32>
        %add3A_823 = arith.addf %get3A_820, %mul3A_822 : vector<16xf32>
        %mul3A_824 = vector.broadcast %squeeze3A_77 : f32 to vector<16xf32>
        %mul3A_825 = arith.mulf %mul3A_824, %get3A_814 : vector<16xf32>
        %add3A_826 = arith.addf %add3A_823, %mul3A_825 : vector<16xf32>
        %mul3A_827 = vector.broadcast %squeeze3A_61 : f32 to vector<16xf32>
        %mul3A_828 = arith.mulf %mul3A_827, %get3A_810 : vector<16xf32>
        %add3A_829 = arith.addf %add3A_826, %mul3A_828 : vector<16xf32>
        %min3A_830 = arith.minimumf %min3A_736, %add3A_829 : vector<16xf32>
        %mul3A_831 = vector.broadcast %squeeze3A_95 : f32 to vector<16xf32>
        %mul3A_832 = arith.mulf %mul3A_831, %get3A_818 : vector<16xf32>
        %add3A_833 = arith.addf %get3A_820, %mul3A_832 : vector<16xf32>
        %mul3A_834 = vector.broadcast %squeeze3A_79 : f32 to vector<16xf32>
        %mul3A_835 = arith.mulf %mul3A_834, %get3A_814 : vector<16xf32>
        %add3A_836 = arith.addf %add3A_833, %mul3A_835 : vector<16xf32>
        %mul3A_837 = vector.broadcast %squeeze3A_63 : f32 to vector<16xf32>
        %mul3A_838 = arith.mulf %mul3A_837, %get3A_810 : vector<16xf32>
        %add3A_839 = arith.addf %add3A_836, %mul3A_838 : vector<16xf32>
        %min3A_840 = arith.minimumf %min3A_746, %add3A_839 : vector<16xf32>
        %mul3A_841 = vector.broadcast %squeeze3A_97 : f32 to vector<16xf32>
        %mul3A_842 = arith.mulf %mul3A_841, %get3A_818 : vector<16xf32>
        %add3A_843 = arith.addf %get3A_820, %mul3A_842 : vector<16xf32>
        %mul3A_844 = vector.broadcast %squeeze3A_81 : f32 to vector<16xf32>
        %mul3A_845 = arith.mulf %mul3A_844, %get3A_814 : vector<16xf32>
        %add3A_846 = arith.addf %add3A_843, %mul3A_845 : vector<16xf32>
        %mul3A_847 = vector.broadcast %squeeze3A_65 : f32 to vector<16xf32>
        %mul3A_848 = arith.mulf %mul3A_847, %get3A_810 : vector<16xf32>
        %add3A_849 = arith.addf %add3A_846, %mul3A_848 : vector<16xf32>
        %min3A_850 = arith.minimumf %min3A_756, %add3A_849 : vector<16xf32>
        %mul3A_851 = vector.broadcast %squeeze3A_99 : f32 to vector<16xf32>
        %mul3A_852 = arith.mulf %mul3A_851, %get3A_818 : vector<16xf32>
        %add3A_853 = arith.addf %get3A_820, %mul3A_852 : vector<16xf32>
        %mul3A_854 = vector.broadcast %squeeze3A_83 : f32 to vector<16xf32>
        %mul3A_855 = arith.mulf %mul3A_854, %get3A_814 : vector<16xf32>
        %add3A_856 = arith.addf %add3A_853, %mul3A_855 : vector<16xf32>
        %mul3A_857 = vector.broadcast %squeeze3A_67 : f32 to vector<16xf32>
        %mul3A_858 = arith.mulf %mul3A_857, %get3A_810 : vector<16xf32>
        %add3A_859 = arith.addf %add3A_856, %mul3A_858 : vector<16xf32>
        %min3A_860 = arith.minimumf %min3A_766, %add3A_859 : vector<16xf32>
        %mul3A_861 = vector.broadcast %squeeze3A_101 : f32 to vector<16xf32>
        %mul3A_862 = arith.mulf %mul3A_861, %get3A_818 : vector<16xf32>
        %add3A_863 = arith.addf %get3A_820, %mul3A_862 : vector<16xf32>
        %mul3A_864 = vector.broadcast %squeeze3A_85 : f32 to vector<16xf32>
        %mul3A_865 = arith.mulf %mul3A_864, %get3A_814 : vector<16xf32>
        %add3A_866 = arith.addf %add3A_863, %mul3A_865 : vector<16xf32>
        %mul3A_867 = vector.broadcast %squeeze3A_69 : f32 to vector<16xf32>
        %mul3A_868 = arith.mulf %mul3A_867, %get3A_810 : vector<16xf32>
        %add3A_869 = arith.addf %add3A_866, %mul3A_868 : vector<16xf32>
        %min3A_870 = arith.minimumf %min3A_776, %add3A_869 : vector<16xf32>
        %mul3A_871 = vector.broadcast %squeeze3A_103 : f32 to vector<16xf32>
        %mul3A_872 = arith.mulf %mul3A_871, %get3A_818 : vector<16xf32>
        %add3A_873 = arith.addf %get3A_820, %mul3A_872 : vector<16xf32>
        %mul3A_874 = vector.broadcast %squeeze3A_87 : f32 to vector<16xf32>
        %mul3A_875 = arith.mulf %mul3A_874, %get3A_814 : vector<16xf32>
        %add3A_876 = arith.addf %add3A_873, %mul3A_875 : vector<16xf32>
        %mul3A_877 = vector.broadcast %squeeze3A_71 : f32 to vector<16xf32>
        %mul3A_878 = arith.mulf %mul3A_877, %get3A_810 : vector<16xf32>
        %add3A_879 = arith.addf %add3A_876, %mul3A_878 : vector<16xf32>
        %min3A_880 = arith.minimumf %min3A_786, %add3A_879 : vector<16xf32>
        %mul3A_881 = vector.broadcast %squeeze3A_105 : f32 to vector<16xf32>
        %mul3A_882 = arith.mulf %mul3A_881, %get3A_818 : vector<16xf32>
        %add3A_883 = arith.addf %get3A_820, %mul3A_882 : vector<16xf32>
        %mul3A_884 = vector.broadcast %squeeze3A_89 : f32 to vector<16xf32>
        %mul3A_885 = arith.mulf %mul3A_884, %get3A_814 : vector<16xf32>
        %add3A_886 = arith.addf %add3A_883, %mul3A_885 : vector<16xf32>
        %mul3A_887 = vector.broadcast %squeeze3A_73 : f32 to vector<16xf32>
        %mul3A_888 = arith.mulf %mul3A_887, %get3A_810 : vector<16xf32>
        %add3A_889 = arith.addf %add3A_886, %mul3A_888 : vector<16xf32>
        %min3A_890 = arith.minimumf %min3A_796, %add3A_889 : vector<16xf32>
        %mul3A_891 = vector.broadcast %squeeze3A_107 : f32 to vector<16xf32>
        %mul3A_892 = arith.mulf %mul3A_891, %get3A_818 : vector<16xf32>
        %add3A_893 = arith.addf %get3A_820, %mul3A_892 : vector<16xf32>
        %mul3A_894 = vector.broadcast %squeeze3A_91 : f32 to vector<16xf32>
        %mul3A_895 = arith.mulf %mul3A_894, %get3A_814 : vector<16xf32>
        %add3A_896 = arith.addf %add3A_893, %mul3A_895 : vector<16xf32>
        %mul3A_897 = vector.broadcast %squeeze3A_75 : f32 to vector<16xf32>
        %mul3A_898 = arith.mulf %mul3A_897, %get3A_810 : vector<16xf32>
        %add3A_899 = arith.addf %add3A_896, %mul3A_898 : vector<16xf32>
        %min3A_900 = arith.minimumf %min3A_806, %add3A_899 : vector<16xf32>
        %add3A_901 = arith.constant 96 : i32
        %add3A_902 = arith.addi %mul3A_337, %add3A_901 : i32
        %get3A_903 = arith.index_cast %add3A_902 : i32 to index
        %get3A_904 = tpu.vector_load %arg6[%get3A_903] {strides = array<i32>} : memref<49152xf32, #tpu.memory_space<vmem>>, vector<16xf32>,
        %add3A_905 = arith.constant 16384 : i32
        %add3A_906 = arith.addi %add3A_905, %add3A_902 : i32
        %get3A_907 = arith.index_cast %add3A_906 : i32 to index
        %get3A_908 = tpu.vector_load %arg6[%get3A_907] {strides = array<i32>} : memref<49152xf32, #tpu.memory_space<vmem>>, vector<16xf32>,
        %add3A_909 = arith.constant 32768 : i32
        %add3A_910 = arith.addi %add3A_909, %add3A_902 : i32
        %get3A_911 = arith.index_cast %add3A_910 : i32 to index
        %get3A_912 = tpu.vector_load %arg6[%get3A_911] {strides = array<i32>} : memref<49152xf32, #tpu.memory_space<vmem>>, vector<16xf32>,
        %get3A_913 = arith.index_cast %add3A_902 : i32 to index
        %get3A_914 = tpu.vector_load %arg7[%get3A_913] {strides = array<i32>} : memref<16384xf32, #tpu.memory_space<vmem>>, vector<16xf32>,
        %mul3A_915 = vector.broadcast %squeeze3A_93 : f32 to vector<16xf32>
        %mul3A_916 = arith.mulf %mul3A_915, %get3A_912 : vector<16xf32>
        %add3A_917 = arith.addf %get3A_914, %mul3A_916 : vector<16xf32>
        %mul3A_918 = vector.broadcast %squeeze3A_77 : f32 to vector<16xf32>
        %mul3A_919 = arith.mulf %mul3A_918, %get3A_908 : vector<16xf32>
        %add3A_920 = arith.addf %add3A_917, %mul3A_919 : vector<16xf32>
        %mul3A_921 = vector.broadcast %squeeze3A_61 : f32 to vector<16xf32>
        %mul3A_922 = arith.mulf %mul3A_921, %get3A_904 : vector<16xf32>
        %add3A_923 = arith.addf %add3A_920, %mul3A_922 : vector<16xf32>
        %min3A_924 = arith.minimumf %min3A_830, %add3A_923 : vector<16xf32>
        %mul3A_925 = vector.broadcast %squeeze3A_95 : f32 to vector<16xf32>
        %mul3A_926 = arith.mulf %mul3A_925, %get3A_912 : vector<16xf32>
        %add3A_927 = arith.addf %get3A_914, %mul3A_926 : vector<16xf32>
        %mul3A_928 = vector.broadcast %squeeze3A_79 : f32 to vector<16xf32>
        %mul3A_929 = arith.mulf %mul3A_928, %get3A_908 : vector<16xf32>
        %add3A_930 = arith.addf %add3A_927, %mul3A_929 : vector<16xf32>
        %mul3A_931 = vector.broadcast %squeeze3A_63 : f32 to vector<16xf32>
        %mul3A_932 = arith.mulf %mul3A_931, %get3A_904 : vector<16xf32>
        %add3A_933 = arith.addf %add3A_930, %mul3A_932 : vector<16xf32>
        %min3A_934 = arith.minimumf %min3A_840, %add3A_933 : vector<16xf32>
        %mul3A_935 = vector.broadcast %squeeze3A_97 : f32 to vector<16xf32>
        %mul3A_936 = arith.mulf %mul3A_935, %get3A_912 : vector<16xf32>
        %add3A_937 = arith.addf %get3A_914, %mul3A_936 : vector<16xf32>
        %mul3A_938 = vector.broadcast %squeeze3A_81 : f32 to vector<16xf32>
        %mul3A_939 = arith.mulf %mul3A_938, %get3A_908 : vector<16xf32>
        %add3A_940 = arith.addf %add3A_937, %mul3A_939 : vector<16xf32>
        %mul3A_941 = vector.broadcast %squeeze3A_65 : f32 to vector<16xf32>
        %mul3A_942 = arith.mulf %mul3A_941, %get3A_904 : vector<16xf32>
        %add3A_943 = arith.addf %add3A_940, %mul3A_942 : vector<16xf32>
        %min3A_944 = arith.minimumf %min3A_850, %add3A_943 : vector<16xf32>
        %mul3A_945 = vector.broadcast %squeeze3A_99 : f32 to vector<16xf32>
        %mul3A_946 = arith.mulf %mul3A_945, %get3A_912 : vector<16xf32>
        %add3A_947 = arith.addf %get3A_914, %mul3A_946 : vector<16xf32>
        %mul3A_948 = vector.broadcast %squeeze3A_83 : f32 to vector<16xf32>
        %mul3A_949 = arith.mulf %mul3A_948, %get3A_908 : vector<16xf32>
        %add3A_950 = arith.addf %add3A_947, %mul3A_949 : vector<16xf32>
        %mul3A_951 = vector.broadcast %squeeze3A_67 : f32 to vector<16xf32>
        %mul3A_952 = arith.mulf %mul3A_951, %get3A_904 : vector<16xf32>
        %add3A_953 = arith.addf %add3A_950, %mul3A_952 : vector<16xf32>
        %min3A_954 = arith.minimumf %min3A_860, %add3A_953 : vector<16xf32>
        %mul3A_955 = vector.broadcast %squeeze3A_101 : f32 to vector<16xf32>
        %mul3A_956 = arith.mulf %mul3A_955, %get3A_912 : vector<16xf32>
        %add3A_957 = arith.addf %get3A_914, %mul3A_956 : vector<16xf32>
        %mul3A_958 = vector.broadcast %squeeze3A_85 : f32 to vector<16xf32>
        %mul3A_959 = arith.mulf %mul3A_958, %get3A_908 : vector<16xf32>
        %add3A_960 = arith.addf %add3A_957, %mul3A_959 : vector<16xf32>
        %mul3A_961 = vector.broadcast %squeeze3A_69 : f32 to vector<16xf32>
        %mul3A_962 = arith.mulf %mul3A_961, %get3A_904 : vector<16xf32>
        %add3A_963 = arith.addf %add3A_960, %mul3A_962 : vector<16xf32>
        %min3A_964 = arith.minimumf %min3A_870, %add3A_963 : vector<16xf32>
        %mul3A_965 = vector.broadcast %squeeze3A_103 : f32 to vector<16xf32>
        %mul3A_966 = arith.mulf %mul3A_965, %get3A_912 : vector<16xf32>
        %add3A_967 = arith.addf %get3A_914, %mul3A_966 : vector<16xf32>
        %mul3A_968 = vector.broadcast %squeeze3A_87 : f32 to vector<16xf32>
        %mul3A_969 = arith.mulf %mul3A_968, %get3A_908 : vector<16xf32>
        %add3A_970 = arith.addf %add3A_967, %mul3A_969 : vector<16xf32>
        %mul3A_971 = vector.broadcast %squeeze3A_71 : f32 to vector<16xf32>
        %mul3A_972 = arith.mulf %mul3A_971, %get3A_904 : vector<16xf32>
        %add3A_973 = arith.addf %add3A_970, %mul3A_972 : vector<16xf32>
        %min3A_974 = arith.minimumf %min3A_880, %add3A_973 : vector<16xf32>
        %mul3A_975 = vector.broadcast %squeeze3A_105 : f32 to vector<16xf32>
        %mul3A_976 = arith.mulf %mul3A_975, %get3A_912 : vector<16xf32>
        %add3A_977 = arith.addf %get3A_914, %mul3A_976 : vector<16xf32>
        %mul3A_978 = vector.broadcast %squeeze3A_89 : f32 to vector<16xf32>
        %mul3A_979 = arith.mulf %mul3A_978, %get3A_908 : vector<16xf32>
        %add3A_980 = arith.addf %add3A_977, %mul3A_979 : vector<16xf32>
        %mul3A_981 = vector.broadcast %squeeze3A_73 : f32 to vector<16xf32>
        %mul3A_982 = arith.mulf %mul3A_981, %get3A_904 : vector<16xf32>
        %add3A_983 = arith.addf %add3A_980, %mul3A_982 : vector<16xf32>
        %min3A_984 = arith.minimumf %min3A_890, %add3A_983 : vector<16xf32>
        %mul3A_985 = vector.broadcast %squeeze3A_107 : f32 to vector<16xf32>
        %mul3A_986 = arith.mulf %mul3A_985, %get3A_912 : vector<16xf32>
        %add3A_987 = arith.addf %get3A_914, %mul3A_986 : vector<16xf32>
        %mul3A_988 = vector.broadcast %squeeze3A_91 : f32 to vector<16xf32>
        %mul3A_989 = arith.mulf %mul3A_988, %get3A_908 : vector<16xf32>
        %add3A_990 = arith.addf %add3A_987, %mul3A_989 : vector<16xf32>
        %mul3A_991 = vector.broadcast %squeeze3A_75 : f32 to vector<16xf32>
        %mul3A_992 = arith.mulf %mul3A_991, %get3A_904 : vector<16xf32>
        %add3A_993 = arith.addf %add3A_990, %mul3A_992 : vector<16xf32>
        %min3A_994 = arith.minimumf %min3A_900, %add3A_993 : vector<16xf32>
        %add3A_995 = arith.constant 112 : i32
        %add3A_996 = arith.addi %mul3A_337, %add3A_995 : i32
        %get3A_997 = arith.index_cast %add3A_996 : i32 to index
        %get3A_998 = tpu.vector_load %arg6[%get3A_997] {strides = array<i32>} : memref<49152xf32, #tpu.memory_space<vmem>>, vector<16xf32>,
        %add3A_999 = arith.constant 16384 : i32
        %add3A_1000 = arith.addi %add3A_999, %add3A_996 : i32
        %get3A_1001 = arith.index_cast %add3A_1000 : i32 to index
        %get3A_1002 = tpu.vector_load %arg6[%get3A_1001] {strides = array<i32>} : memref<49152xf32, #tpu.memory_space<vmem>>, vector<16xf32>,
        %add3A_1003 = arith.constant 32768 : i32
        %add3A_1004 = arith.addi %add3A_1003, %add3A_996 : i32
        %get3A_1005 = arith.index_cast %add3A_1004 : i32 to index
        %get3A_1006 = tpu.vector_load %arg6[%get3A_1005] {strides = array<i32>} : memref<49152xf32, #tpu.memory_space<vmem>>, vector<16xf32>,
        %get3A_1007 = arith.index_cast %add3A_996 : i32 to index
        %get3A_1008 = tpu.vector_load %arg7[%get3A_1007] {strides = array<i32>} : memref<16384xf32, #tpu.memory_space<vmem>>, vector<16xf32>,
        %mul3A_1009 = vector.broadcast %squeeze3A_93 : f32 to vector<16xf32>
        %mul3A_1010 = arith.mulf %mul3A_1009, %get3A_1006 : vector<16xf32>
        %add3A_1011 = arith.addf %get3A_1008, %mul3A_1010 : vector<16xf32>
        %mul3A_1012 = vector.broadcast %squeeze3A_77 : f32 to vector<16xf32>
        %mul3A_1013 = arith.mulf %mul3A_1012, %get3A_1002 : vector<16xf32>
        %add3A_1014 = arith.addf %add3A_1011, %mul3A_1013 : vector<16xf32>
        %mul3A_1015 = vector.broadcast %squeeze3A_61 : f32 to vector<16xf32>
        %mul3A_1016 = arith.mulf %mul3A_1015, %get3A_998 : vector<16xf32>
        %add3A_1017 = arith.addf %add3A_1014, %mul3A_1016 : vector<16xf32>
        %min3A_1018 = arith.minimumf %min3A_924, %add3A_1017 : vector<16xf32>
        %mul3A_1019 = vector.broadcast %squeeze3A_95 : f32 to vector<16xf32>
        %mul3A_1020 = arith.mulf %mul3A_1019, %get3A_1006 : vector<16xf32>
        %add3A_1021 = arith.addf %get3A_1008, %mul3A_1020 : vector<16xf32>
        %mul3A_1022 = vector.broadcast %squeeze3A_79 : f32 to vector<16xf32>
        %mul3A_1023 = arith.mulf %mul3A_1022, %get3A_1002 : vector<16xf32>
        %add3A_1024 = arith.addf %add3A_1021, %mul3A_1023 : vector<16xf32>
        %mul3A_1025 = vector.broadcast %squeeze3A_63 : f32 to vector<16xf32>
        %mul3A_1026 = arith.mulf %mul3A_1025, %get3A_998 : vector<16xf32>
        %add3A_1027 = arith.addf %add3A_1024, %mul3A_1026 : vector<16xf32>
        %min3A_1028 = arith.minimumf %min3A_934, %add3A_1027 : vector<16xf32>
        %mul3A_1029 = vector.broadcast %squeeze3A_97 : f32 to vector<16xf32>
        %mul3A_1030 = arith.mulf %mul3A_1029, %get3A_1006 : vector<16xf32>
        %add3A_1031 = arith.addf %get3A_1008, %mul3A_1030 : vector<16xf32>
        %mul3A_1032 = vector.broadcast %squeeze3A_81 : f32 to vector<16xf32>
        %mul3A_1033 = arith.mulf %mul3A_1032, %get3A_1002 : vector<16xf32>
        %add3A_1034 = arith.addf %add3A_1031, %mul3A_1033 : vector<16xf32>
        %mul3A_1035 = vector.broadcast %squeeze3A_65 : f32 to vector<16xf32>
        %mul3A_1036 = arith.mulf %mul3A_1035, %get3A_998 : vector<16xf32>
        %add3A_1037 = arith.addf %add3A_1034, %mul3A_1036 : vector<16xf32>
        %min3A_1038 = arith.minimumf %min3A_944, %add3A_1037 : vector<16xf32>
        %mul3A_1039 = vector.broadcast %squeeze3A_99 : f32 to vector<16xf32>
        %mul3A_1040 = arith.mulf %mul3A_1039, %get3A_1006 : vector<16xf32>
        %add3A_1041 = arith.addf %get3A_1008, %mul3A_1040 : vector<16xf32>
        %mul3A_1042 = vector.broadcast %squeeze3A_83 : f32 to vector<16xf32>
        %mul3A_1043 = arith.mulf %mul3A_1042, %get3A_1002 : vector<16xf32>
        %add3A_1044 = arith.addf %add3A_1041, %mul3A_1043 : vector<16xf32>
        %mul3A_1045 = vector.broadcast %squeeze3A_67 : f32 to vector<16xf32>
        %mul3A_1046 = arith.mulf %mul3A_1045, %get3A_998 : vector<16xf32>
        %add3A_1047 = arith.addf %add3A_1044, %mul3A_1046 : vector<16xf32>
        %min3A_1048 = arith.minimumf %min3A_954, %add3A_1047 : vector<16xf32>
        %mul3A_1049 = vector.broadcast %squeeze3A_101 : f32 to vector<16xf32>
        %mul3A_1050 = arith.mulf %mul3A_1049, %get3A_1006 : vector<16xf32>
        %add3A_1051 = arith.addf %get3A_1008, %mul3A_1050 : vector<16xf32>
        %mul3A_1052 = vector.broadcast %squeeze3A_85 : f32 to vector<16xf32>
        %mul3A_1053 = arith.mulf %mul3A_1052, %get3A_1002 : vector<16xf32>
        %add3A_1054 = arith.addf %add3A_1051, %mul3A_1053 : vector<16xf32>
        %mul3A_1055 = vector.broadcast %squeeze3A_69 : f32 to vector<16xf32>
        %mul3A_1056 = arith.mulf %mul3A_1055, %get3A_998 : vector<16xf32>
        %add3A_1057 = arith.addf %add3A_1054, %mul3A_1056 : vector<16xf32>
        %min3A_1058 = arith.minimumf %min3A_964, %add3A_1057 : vector<16xf32>
        %mul3A_1059 = vector.broadcast %squeeze3A_103 : f32 to vector<16xf32>
        %mul3A_1060 = arith.mulf %mul3A_1059, %get3A_1006 : vector<16xf32>
        %add3A_1061 = arith.addf %get3A_1008, %mul3A_1060 : vector<16xf32>
        %mul3A_1062 = vector.broadcast %squeeze3A_87 : f32 to vector<16xf32>
        %mul3A_1063 = arith.mulf %mul3A_1062, %get3A_1002 : vector<16xf32>
        %add3A_1064 = arith.addf %add3A_1061, %mul3A_1063 : vector<16xf32>
        %mul3A_1065 = vector.broadcast %squeeze3A_71 : f32 to vector<16xf32>
        %mul3A_1066 = arith.mulf %mul3A_1065, %get3A_998 : vector<16xf32>
        %add3A_1067 = arith.addf %add3A_1064, %mul3A_1066 : vector<16xf32>
        %min3A_1068 = arith.minimumf %min3A_974, %add3A_1067 : vector<16xf32>
        %mul3A_1069 = vector.broadcast %squeeze3A_105 : f32 to vector<16xf32>
        %mul3A_1070 = arith.mulf %mul3A_1069, %get3A_1006 : vector<16xf32>
        %add3A_1071 = arith.addf %get3A_1008, %mul3A_1070 : vector<16xf32>
        %mul3A_1072 = vector.broadcast %squeeze3A_89 : f32 to vector<16xf32>
        %mul3A_1073 = arith.mulf %mul3A_1072, %get3A_1002 : vector<16xf32>
        %add3A_1074 = arith.addf %add3A_1071, %mul3A_1073 : vector<16xf32>
        %mul3A_1075 = vector.broadcast %squeeze3A_73 : f32 to vector<16xf32>
        %mul3A_1076 = arith.mulf %mul3A_1075, %get3A_998 : vector<16xf32>
        %add3A_1077 = arith.addf %add3A_1074, %mul3A_1076 : vector<16xf32>
        %min3A_1078 = arith.minimumf %min3A_984, %add3A_1077 : vector<16xf32>
        %mul3A_1079 = vector.broadcast %squeeze3A_107 : f32 to vector<16xf32>
        %mul3A_1080 = arith.mulf %mul3A_1079, %get3A_1006 : vector<16xf32>
        %add3A_1081 = arith.addf %get3A_1008, %mul3A_1080 : vector<16xf32>
        %mul3A_1082 = vector.broadcast %squeeze3A_91 : f32 to vector<16xf32>
        %mul3A_1083 = arith.mulf %mul3A_1082, %get3A_1002 : vector<16xf32>
        %add3A_1084 = arith.addf %add3A_1081, %mul3A_1083 : vector<16xf32>
        %mul3A_1085 = vector.broadcast %squeeze3A_75 : f32 to vector<16xf32>
        %mul3A_1086 = arith.mulf %mul3A_1085, %get3A_998 : vector<16xf32>
        %add3A_1087 = arith.addf %add3A_1084, %mul3A_1086 : vector<16xf32>
        %min3A_1088 = arith.minimumf %min3A_994, %add3A_1087 : vector<16xf32>
        scf.yield %min3A_1018, %min3A_1028, %min3A_1038, %min3A_1048, %min3A_1058, %min3A_1068, %min3A_1078, %min3A_1088 : vector<16xf32>, vector<16xf32>, vector<16xf32>, vector<16xf32>, vector<16xf32>, vector<16xf32>, vector<16xf32>, vector<16xf32>
      }
      %scan3A_129 = arith.constant 128 : i32
      %slice3A_130 = vector.extract_strided_slice %get3A_59 {offsets = [0], sizes = [1], strides = [1]} : vector<16xf32> to vector<1xf32>
      %squeeze3A_131 = vector.extract %slice3A_130[0] : f32 from vector<1xf32>
      %reduce_min3A = arith.constant true
      %reduce_min3A_132 = vector.broadcast %reduce_min3A : i1 to vector<16xi1>
      %reduce_min3A_133 = tpu.scan <min>, %scan3A_128#0 masked %reduce_min3A_132 : vector<16xf32>, vector<16xi1> -> vector<16xf32>
      %reduce_min3A_134 = vector.extract %reduce_min3A_133[15] : f32 from vector<16xf32>
      %add3A_135 = arith.addf %squeeze3A_131, %reduce_min3A_134 : f32
      %add3A_136 = arith.addf %scan3A_39, %add3A_135 : f32
      %slice3A_137 = vector.extract_strided_slice %get3A_59 {offsets = [1], sizes = [1], strides = [1]} : vector<16xf32> to vector<1xf32>
      %squeeze3A_138 = vector.extract %slice3A_137[0] : f32 from vector<1xf32>
      %reduce_min3A_139 = arith.constant true
      %reduce_min3A_140 = vector.broadcast %reduce_min3A_139 : i1 to vector<16xi1>
      %reduce_min3A_141 = tpu.scan <min>, %scan3A_128#1 masked %reduce_min3A_140 : vector<16xf32>, vector<16xi1> -> vector<16xf32>
      %reduce_min3A_142 = vector.extract %reduce_min3A_141[15] : f32 from vector<16xf32>
      %add3A_143 = arith.addf %squeeze3A_138, %reduce_min3A_142 : f32
      %add3A_144 = arith.addf %add3A_136, %add3A_143 : f32
      %slice3A_145 = vector.extract_strided_slice %get3A_59 {offsets = [2], sizes = [1], strides = [1]} : vector<16xf32> to vector<1xf32>
      %squeeze3A_146 = vector.extract %slice3A_145[0] : f32 from vector<1xf32>
      %reduce_min3A_147 = arith.constant true
      %reduce_min3A_148 = vector.broadcast %reduce_min3A_147 : i1 to vector<16xi1>
      %reduce_min3A_149 = tpu.scan <min>, %scan3A_128#2 masked %reduce_min3A_148 : vector<16xf32>, vector<16xi1> -> vector<16xf32>
      %reduce_min3A_150 = vector.extract %reduce_min3A_149[15] : f32 from vector<16xf32>
      %add3A_151 = arith.addf %squeeze3A_146, %reduce_min3A_150 : f32
      %add3A_152 = arith.addf %add3A_144, %add3A_151 : f32
      %slice3A_153 = vector.extract_strided_slice %get3A_59 {offsets = [3], sizes = [1], strides = [1]} : vector<16xf32> to vector<1xf32>
      %squeeze3A_154 = vector.extract %slice3A_153[0] : f32 from vector<1xf32>
      %reduce_min3A_155 = arith.constant true
      %reduce_min3A_156 = vector.broadcast %reduce_min3A_155 : i1 to vector<16xi1>
      %reduce_min3A_157 = tpu.scan <min>, %scan3A_128#3 masked %reduce_min3A_156 : vector<16xf32>, vector<16xi1> -> vector<16xf32>
      %reduce_min3A_158 = vector.extract %reduce_min3A_157[15] : f32 from vector<16xf32>
      %add3A_159 = arith.addf %squeeze3A_154, %reduce_min3A_158 : f32
      %add3A_160 = arith.addf %add3A_152, %add3A_159 : f32
      %slice3A_161 = vector.extract_strided_slice %get3A_59 {offsets = [4], sizes = [1], strides = [1]} : vector<16xf32> to vector<1xf32>
      %squeeze3A_162 = vector.extract %slice3A_161[0] : f32 from vector<1xf32>
      %reduce_min3A_163 = arith.constant true
      %reduce_min3A_164 = vector.broadcast %reduce_min3A_163 : i1 to vector<16xi1>
      %reduce_min3A_165 = tpu.scan <min>, %scan3A_128#4 masked %reduce_min3A_164 : vector<16xf32>, vector<16xi1> -> vector<16xf32>
      %reduce_min3A_166 = vector.extract %reduce_min3A_165[15] : f32 from vector<16xf32>
      %add3A_167 = arith.addf %squeeze3A_162, %reduce_min3A_166 : f32
      %add3A_168 = arith.addf %add3A_160, %add3A_167 : f32
      %slice3A_169 = vector.extract_strided_slice %get3A_59 {offsets = [5], sizes = [1], strides = [1]} : vector<16xf32> to vector<1xf32>
      %squeeze3A_170 = vector.extract %slice3A_169[0] : f32 from vector<1xf32>
      %reduce_min3A_171 = arith.constant true
      %reduce_min3A_172 = vector.broadcast %reduce_min3A_171 : i1 to vector<16xi1>
      %reduce_min3A_173 = tpu.scan <min>, %scan3A_128#5 masked %reduce_min3A_172 : vector<16xf32>, vector<16xi1> -> vector<16xf32>
      %reduce_min3A_174 = vector.extract %reduce_min3A_173[15] : f32 from vector<16xf32>
      %add3A_175 = arith.addf %squeeze3A_170, %reduce_min3A_174 : f32
      %add3A_176 = arith.addf %add3A_168, %add3A_175 : f32
      %slice3A_177 = vector.extract_strided_slice %get3A_59 {offsets = [6], sizes = [1], strides = [1]} : vector<16xf32> to vector<1xf32>
      %squeeze3A_178 = vector.extract %slice3A_177[0] : f32 from vector<1xf32>
      %reduce_min3A_179 = arith.constant true
      %reduce_min3A_180 = vector.broadcast %reduce_min3A_179 : i1 to vector<16xi1>
      %reduce_min3A_181 = tpu.scan <min>, %scan3A_128#6 masked %reduce_min3A_180 : vector<16xf32>, vector<16xi1> -> vector<16xf32>
      %reduce_min3A_182 = vector.extract %reduce_min3A_181[15] : f32 from vector<16xf32>
      %add3A_183 = arith.addf %squeeze3A_178, %reduce_min3A_182 : f32
      %add3A_184 = arith.addf %add3A_176, %add3A_183 : f32
      %slice3A_185 = vector.extract_strided_slice %get3A_59 {offsets = [7], sizes = [1], strides = [1]} : vector<16xf32> to vector<1xf32>
      %squeeze3A_186 = vector.extract %slice3A_185[0] : f32 from vector<1xf32>
      %reduce_min3A_187 = arith.constant true
      %reduce_min3A_188 = vector.broadcast %reduce_min3A_187 : i1 to vector<16xi1>
      %reduce_min3A_189 = tpu.scan <min>, %scan3A_128#7 masked %reduce_min3A_188 : vector<16xf32>, vector<16xi1> -> vector<16xf32>
      %reduce_min3A_190 = vector.extract %reduce_min3A_189[15] : f32 from vector<16xf32>
      %add3A_191 = arith.addf %squeeze3A_186, %reduce_min3A_190 : f32
      %add3A_192 = arith.addf %add3A_184, %add3A_191 : f32
      %slice3A_193 = vector.extract_strided_slice %get3A_43 {offsets = [8], sizes = [1], strides = [1]} : vector<16xf32> to vector<1xf32>
      %squeeze3A_194 = vector.extract %slice3A_193[0] : f32 from vector<1xf32>
      %slice3A_195 = vector.extract_strided_slice %get3A_43 {offsets = [9], sizes = [1], strides = [1]} : vector<16xf32> to vector<1xf32>
      %squeeze3A_196 = vector.extract %slice3A_195[0] : f32 from vector<1xf32>
      %slice3A_197 = vector.extract_strided_slice %get3A_43 {offsets = [10], sizes = [1], strides = [1]} : vector<16xf32> to vector<1xf32>
      %squeeze3A_198 = vector.extract %slice3A_197[0] : f32 from vector<1xf32>
      %slice3A_199 = vector.extract_strided_slice %get3A_43 {offsets = [11], sizes = [1], strides = [1]} : vector<16xf32> to vector<1xf32>
      %squeeze3A_200 = vector.extract %slice3A_199[0] : f32 from vector<1xf32>
      %slice3A_201 = vector.extract_strided_slice %get3A_43 {offsets = [12], sizes = [1], strides = [1]} : vector<16xf32> to vector<1xf32>
      %squeeze3A_202 = vector.extract %slice3A_201[0] : f32 from vector<1xf32>
      %slice3A_203 = vector.extract_strided_slice %get3A_43 {offsets = [13], sizes = [1], strides = [1]} : vector<16xf32> to vector<1xf32>
      %squeeze3A_204 = vector.extract %slice3A_203[0] : f32 from vector<1xf32>
      %slice3A_205 = vector.extract_strided_slice %get3A_43 {offsets = [14], sizes = [1], strides = [1]} : vector<16xf32> to vector<1xf32>
      %squeeze3A_206 = vector.extract %slice3A_205[0] : f32 from vector<1xf32>
      %slice3A_207 = vector.extract_strided_slice %get3A_43 {offsets = [15], sizes = [1], strides = [1]} : vector<16xf32> to vector<1xf32>
      %squeeze3A_208 = vector.extract %slice3A_207[0] : f32 from vector<1xf32>
      %slice3A_209 = vector.extract_strided_slice %get3A_49 {offsets = [8], sizes = [1], strides = [1]} : vector<16xf32> to vector<1xf32>
      %squeeze3A_210 = vector.extract %slice3A_209[0] : f32 from vector<1xf32>
      %slice3A_211 = vector.extract_strided_slice %get3A_49 {offsets = [9], sizes = [1], strides = [1]} : vector<16xf32> to vector<1xf32>
      %squeeze3A_212 = vector.extract %slice3A_211[0] : f32 from vector<1xf32>
      %slice3A_213 = vector.extract_strided_slice %get3A_49 {offsets = [10], sizes = [1], strides = [1]} : vector<16xf32> to vector<1xf32>
      %squeeze3A_214 = vector.extract %slice3A_213[0] : f32 from vector<1xf32>
      %slice3A_215 = vector.extract_strided_slice %get3A_49 {offsets = [11], sizes = [1], strides = [1]} : vector<16xf32> to vector<1xf32>
      %squeeze3A_216 = vector.extract %slice3A_215[0] : f32 from vector<1xf32>
      %slice3A_217 = vector.extract_strided_slice %get3A_49 {offsets = [12], sizes = [1], strides = [1]} : vector<16xf32> to vector<1xf32>
      %squeeze3A_218 = vector.extract %slice3A_217[0] : f32 from vector<1xf32>
      %slice3A_219 = vector.extract_strided_slice %get3A_49 {offsets = [13], sizes = [1], strides = [1]} : vector<16xf32> to vector<1xf32>
      %squeeze3A_220 = vector.extract %slice3A_219[0] : f32 from vector<1xf32>
      %slice3A_221 = vector.extract_strided_slice %get3A_49 {offsets = [14], sizes = [1], strides = [1]} : vector<16xf32> to vector<1xf32>
      %squeeze3A_222 = vector.extract %slice3A_221[0] : f32 from vector<1xf32>
      %slice3A_223 = vector.extract_strided_slice %get3A_49 {offsets = [15], sizes = [1], strides = [1]} : vector<16xf32> to vector<1xf32>
      %squeeze3A_224 = vector.extract %slice3A_223[0] : f32 from vector<1xf32>
      %slice3A_225 = vector.extract_strided_slice %get3A_55 {offsets = [8], sizes = [1], strides = [1]} : vector<16xf32> to vector<1xf32>
      %squeeze3A_226 = vector.extract %slice3A_225[0] : f32 from vector<1xf32>
      %slice3A_227 = vector.extract_strided_slice %get3A_55 {offsets = [9], sizes = [1], strides = [1]} : vector<16xf32> to vector<1xf32>
      %squeeze3A_228 = vector.extract %slice3A_227[0] : f32 from vector<1xf32>
      %slice3A_229 = vector.extract_strided_slice %get3A_55 {offsets = [10], sizes = [1], strides = [1]} : vector<16xf32> to vector<1xf32>
      %squeeze3A_230 = vector.extract %slice3A_229[0] : f32 from vector<1xf32>
      %slice3A_231 = vector.extract_strided_slice %get3A_55 {offsets = [11], sizes = [1], strides = [1]} : vector<16xf32> to vector<1xf32>
      %squeeze3A_232 = vector.extract %slice3A_231[0] : f32 from vector<1xf32>
      %slice3A_233 = vector.extract_strided_slice %get3A_55 {offsets = [12], sizes = [1], strides = [1]} : vector<16xf32> to vector<1xf32>
      %squeeze3A_234 = vector.extract %slice3A_233[0] : f32 from vector<1xf32>
      %slice3A_235 = vector.extract_strided_slice %get3A_55 {offsets = [13], sizes = [1], strides = [1]} : vector<16xf32> to vector<1xf32>
      %squeeze3A_236 = vector.extract %slice3A_235[0] : f32 from vector<1xf32>
      %slice3A_237 = vector.extract_strided_slice %get3A_55 {offsets = [14], sizes = [1], strides = [1]} : vector<16xf32> to vector<1xf32>
      %squeeze3A_238 = vector.extract %slice3A_237[0] : f32 from vector<1xf32>
      %slice3A_239 = vector.extract_strided_slice %get3A_55 {offsets = [15], sizes = [1], strides = [1]} : vector<16xf32> to vector<1xf32>
      %squeeze3A_240 = vector.extract %slice3A_239[0] : f32 from vector<1xf32>
      %broadcast_in_dim3A_241 = arith.constant 3.000000e+38 : f32
      %broadcast_in_dim3A_242 = vector.broadcast %broadcast_in_dim3A_241 : f32 to vector<16xf32>
      %broadcast_in_dim3A_243 = arith.constant 3.000000e+38 : f32
      %broadcast_in_dim3A_244 = vector.broadcast %broadcast_in_dim3A_243 : f32 to vector<16xf32>
      %broadcast_in_dim3A_245 = arith.constant 3.000000e+38 : f32
      %broadcast_in_dim3A_246 = vector.broadcast %broadcast_in_dim3A_245 : f32 to vector<16xf32>
      %broadcast_in_dim3A_247 = arith.constant 3.000000e+38 : f32
      %broadcast_in_dim3A_248 = vector.broadcast %broadcast_in_dim3A_247 : f32 to vector<16xf32>
      %broadcast_in_dim3A_249 = arith.constant 3.000000e+38 : f32
      %broadcast_in_dim3A_250 = vector.broadcast %broadcast_in_dim3A_249 : f32 to vector<16xf32>
      %broadcast_in_dim3A_251 = arith.constant 3.000000e+38 : f32
      %broadcast_in_dim3A_252 = vector.broadcast %broadcast_in_dim3A_251 : f32 to vector<16xf32>
      %broadcast_in_dim3A_253 = arith.constant 3.000000e+38 : f32
      %broadcast_in_dim3A_254 = vector.broadcast %broadcast_in_dim3A_253 : f32 to vector<16xf32>
      %broadcast_in_dim3A_255 = arith.constant 3.000000e+38 : f32
      %broadcast_in_dim3A_256 = vector.broadcast %broadcast_in_dim3A_255 : f32 to vector<16xf32>
      %scan3A_257 = arith.constant 0 : i32
      %scan3A_258 = arith.constant 128 : i32
      %scan3A_259 = arith.addi %scan3A_257, %scan3A_258 : i32
      %scan3A_260 = arith.constant 1 : i32
      %scan3A_261:8 = scf.for %scan3A_327 = %scan3A_257 to %scan3A_259 step %scan3A_260 iter_args(%scan3A_328 = %broadcast_in_dim3A_242, %scan3A_329 = %broadcast_in_dim3A_244, %scan3A_330 = %broadcast_in_dim3A_246, %scan3A_331 = %broadcast_in_dim3A_248, %scan3A_332 = %broadcast_in_dim3A_250, %scan3A_333 = %broadcast_in_dim3A_252, %scan3A_334 = %broadcast_in_dim3A_254, %scan3A_335 = %broadcast_in_dim3A_256) -> (vector<16xf32>, vector<16xf32>, vector<16xf32>, vector<16xf32>, vector<16xf32>, vector<16xf32>, vector<16xf32>, vector<16xf32>)  : i32 {
        %mul3A_336 = arith.constant 128 : i32
        %mul3A_337 = arith.muli %scan3A_327, %mul3A_336 : i32
        %add3A_338 = arith.constant 0 : i32
        %add3A_339 = arith.addi %mul3A_337, %add3A_338 : i32
        %get3A_340 = arith.index_cast %add3A_339 : i32 to index
        %get3A_341 = tpu.vector_load %arg6[%get3A_340] {strides = array<i32>} : memref<49152xf32, #tpu.memory_space<vmem>>, vector<16xf32>,
        %add3A_342 = arith.constant 16384 : i32
        %add3A_343 = arith.addi %add3A_342, %add3A_339 : i32
        %get3A_344 = arith.index_cast %add3A_343 : i32 to index
        %get3A_345 = tpu.vector_load %arg6[%get3A_344] {strides = array<i32>} : memref<49152xf32, #tpu.memory_space<vmem>>, vector<16xf32>,
        %add3A_346 = arith.constant 32768 : i32
        %add3A_347 = arith.addi %add3A_346, %add3A_339 : i32
        %get3A_348 = arith.index_cast %add3A_347 : i32 to index
        %get3A_349 = tpu.vector_load %arg6[%get3A_348] {strides = array<i32>} : memref<49152xf32, #tpu.memory_space<vmem>>, vector<16xf32>,
        %get3A_350 = arith.index_cast %add3A_339 : i32 to index
        %get3A_351 = tpu.vector_load %arg7[%get3A_350] {strides = array<i32>} : memref<16384xf32, #tpu.memory_space<vmem>>, vector<16xf32>,
        %mul3A_352 = vector.broadcast %squeeze3A_226 : f32 to vector<16xf32>
        %mul3A_353 = arith.mulf %mul3A_352, %get3A_349 : vector<16xf32>
        %add3A_354 = arith.addf %get3A_351, %mul3A_353 : vector<16xf32>
        %mul3A_355 = vector.broadcast %squeeze3A_210 : f32 to vector<16xf32>
        %mul3A_356 = arith.mulf %mul3A_355, %get3A_345 : vector<16xf32>
        %add3A_357 = arith.addf %add3A_354, %mul3A_356 : vector<16xf32>
        %mul3A_358 = vector.broadcast %squeeze3A_194 : f32 to vector<16xf32>
        %mul3A_359 = arith.mulf %mul3A_358, %get3A_341 : vector<16xf32>
        %add3A_360 = arith.addf %add3A_357, %mul3A_359 : vector<16xf32>
        %min3A = arith.minimumf %scan3A_328, %add3A_360 : vector<16xf32>
        %mul3A_361 = vector.broadcast %squeeze3A_228 : f32 to vector<16xf32>
        %mul3A_362 = arith.mulf %mul3A_361, %get3A_349 : vector<16xf32>
        %add3A_363 = arith.addf %get3A_351, %mul3A_362 : vector<16xf32>
        %mul3A_364 = vector.broadcast %squeeze3A_212 : f32 to vector<16xf32>
        %mul3A_365 = arith.mulf %mul3A_364, %get3A_345 : vector<16xf32>
        %add3A_366 = arith.addf %add3A_363, %mul3A_365 : vector<16xf32>
        %mul3A_367 = vector.broadcast %squeeze3A_196 : f32 to vector<16xf32>
        %mul3A_368 = arith.mulf %mul3A_367, %get3A_341 : vector<16xf32>
        %add3A_369 = arith.addf %add3A_366, %mul3A_368 : vector<16xf32>
        %min3A_370 = arith.minimumf %scan3A_329, %add3A_369 : vector<16xf32>
        %mul3A_371 = vector.broadcast %squeeze3A_230 : f32 to vector<16xf32>
        %mul3A_372 = arith.mulf %mul3A_371, %get3A_349 : vector<16xf32>
        %add3A_373 = arith.addf %get3A_351, %mul3A_372 : vector<16xf32>
        %mul3A_374 = vector.broadcast %squeeze3A_214 : f32 to vector<16xf32>
        %mul3A_375 = arith.mulf %mul3A_374, %get3A_345 : vector<16xf32>
        %add3A_376 = arith.addf %add3A_373, %mul3A_375 : vector<16xf32>
        %mul3A_377 = vector.broadcast %squeeze3A_198 : f32 to vector<16xf32>
        %mul3A_378 = arith.mulf %mul3A_377, %get3A_341 : vector<16xf32>
        %add3A_379 = arith.addf %add3A_376, %mul3A_378 : vector<16xf32>
        %min3A_380 = arith.minimumf %scan3A_330, %add3A_379 : vector<16xf32>
        %mul3A_381 = vector.broadcast %squeeze3A_232 : f32 to vector<16xf32>
        %mul3A_382 = arith.mulf %mul3A_381, %get3A_349 : vector<16xf32>
        %add3A_383 = arith.addf %get3A_351, %mul3A_382 : vector<16xf32>
        %mul3A_384 = vector.broadcast %squeeze3A_216 : f32 to vector<16xf32>
        %mul3A_385 = arith.mulf %mul3A_384, %get3A_345 : vector<16xf32>
        %add3A_386 = arith.addf %add3A_383, %mul3A_385 : vector<16xf32>
        %mul3A_387 = vector.broadcast %squeeze3A_200 : f32 to vector<16xf32>
        %mul3A_388 = arith.mulf %mul3A_387, %get3A_341 : vector<16xf32>
        %add3A_389 = arith.addf %add3A_386, %mul3A_388 : vector<16xf32>
        %min3A_390 = arith.minimumf %scan3A_331, %add3A_389 : vector<16xf32>
        %mul3A_391 = vector.broadcast %squeeze3A_234 : f32 to vector<16xf32>
        %mul3A_392 = arith.mulf %mul3A_391, %get3A_349 : vector<16xf32>
        %add3A_393 = arith.addf %get3A_351, %mul3A_392 : vector<16xf32>
        %mul3A_394 = vector.broadcast %squeeze3A_218 : f32 to vector<16xf32>
        %mul3A_395 = arith.mulf %mul3A_394, %get3A_345 : vector<16xf32>
        %add3A_396 = arith.addf %add3A_393, %mul3A_395 : vector<16xf32>
        %mul3A_397 = vector.broadcast %squeeze3A_202 : f32 to vector<16xf32>
        %mul3A_398 = arith.mulf %mul3A_397, %get3A_341 : vector<16xf32>
        %add3A_399 = arith.addf %add3A_396, %mul3A_398 : vector<16xf32>
        %min3A_400 = arith.minimumf %scan3A_332, %add3A_399 : vector<16xf32>
        %mul3A_401 = vector.broadcast %squeeze3A_236 : f32 to vector<16xf32>
        %mul3A_402 = arith.mulf %mul3A_401, %get3A_349 : vector<16xf32>
        %add3A_403 = arith.addf %get3A_351, %mul3A_402 : vector<16xf32>
        %mul3A_404 = vector.broadcast %squeeze3A_220 : f32 to vector<16xf32>
        %mul3A_405 = arith.mulf %mul3A_404, %get3A_345 : vector<16xf32>
        %add3A_406 = arith.addf %add3A_403, %mul3A_405 : vector<16xf32>
        %mul3A_407 = vector.broadcast %squeeze3A_204 : f32 to vector<16xf32>
        %mul3A_408 = arith.mulf %mul3A_407, %get3A_341 : vector<16xf32>
        %add3A_409 = arith.addf %add3A_406, %mul3A_408 : vector<16xf32>
        %min3A_410 = arith.minimumf %scan3A_333, %add3A_409 : vector<16xf32>
        %mul3A_411 = vector.broadcast %squeeze3A_238 : f32 to vector<16xf32>
        %mul3A_412 = arith.mulf %mul3A_411, %get3A_349 : vector<16xf32>
        %add3A_413 = arith.addf %get3A_351, %mul3A_412 : vector<16xf32>
        %mul3A_414 = vector.broadcast %squeeze3A_222 : f32 to vector<16xf32>
        %mul3A_415 = arith.mulf %mul3A_414, %get3A_345 : vector<16xf32>
        %add3A_416 = arith.addf %add3A_413, %mul3A_415 : vector<16xf32>
        %mul3A_417 = vector.broadcast %squeeze3A_206 : f32 to vector<16xf32>
        %mul3A_418 = arith.mulf %mul3A_417, %get3A_341 : vector<16xf32>
        %add3A_419 = arith.addf %add3A_416, %mul3A_418 : vector<16xf32>
        %min3A_420 = arith.minimumf %scan3A_334, %add3A_419 : vector<16xf32>
        %mul3A_421 = vector.broadcast %squeeze3A_240 : f32 to vector<16xf32>
        %mul3A_422 = arith.mulf %mul3A_421, %get3A_349 : vector<16xf32>
        %add3A_423 = arith.addf %get3A_351, %mul3A_422 : vector<16xf32>
        %mul3A_424 = vector.broadcast %squeeze3A_224 : f32 to vector<16xf32>
        %mul3A_425 = arith.mulf %mul3A_424, %get3A_345 : vector<16xf32>
        %add3A_426 = arith.addf %add3A_423, %mul3A_425 : vector<16xf32>
        %mul3A_427 = vector.broadcast %squeeze3A_208 : f32 to vector<16xf32>
        %mul3A_428 = arith.mulf %mul3A_427, %get3A_341 : vector<16xf32>
        %add3A_429 = arith.addf %add3A_426, %mul3A_428 : vector<16xf32>
        %min3A_430 = arith.minimumf %scan3A_335, %add3A_429 : vector<16xf32>
        %add3A_431 = arith.constant 16 : i32
        %add3A_432 = arith.addi %mul3A_337, %add3A_431 : i32
        %get3A_433 = arith.index_cast %add3A_432 : i32 to index
        %get3A_434 = tpu.vector_load %arg6[%get3A_433] {strides = array<i32>} : memref<49152xf32, #tpu.memory_space<vmem>>, vector<16xf32>,
        %add3A_435 = arith.constant 16384 : i32
        %add3A_436 = arith.addi %add3A_435, %add3A_432 : i32
        %get3A_437 = arith.index_cast %add3A_436 : i32 to index
        %get3A_438 = tpu.vector_load %arg6[%get3A_437] {strides = array<i32>} : memref<49152xf32, #tpu.memory_space<vmem>>, vector<16xf32>,
        %add3A_439 = arith.constant 32768 : i32
        %add3A_440 = arith.addi %add3A_439, %add3A_432 : i32
        %get3A_441 = arith.index_cast %add3A_440 : i32 to index
        %get3A_442 = tpu.vector_load %arg6[%get3A_441] {strides = array<i32>} : memref<49152xf32, #tpu.memory_space<vmem>>, vector<16xf32>,
        %get3A_443 = arith.index_cast %add3A_432 : i32 to index
        %get3A_444 = tpu.vector_load %arg7[%get3A_443] {strides = array<i32>} : memref<16384xf32, #tpu.memory_space<vmem>>, vector<16xf32>,
        %mul3A_445 = vector.broadcast %squeeze3A_226 : f32 to vector<16xf32>
        %mul3A_446 = arith.mulf %mul3A_445, %get3A_442 : vector<16xf32>
        %add3A_447 = arith.addf %get3A_444, %mul3A_446 : vector<16xf32>
        %mul3A_448 = vector.broadcast %squeeze3A_210 : f32 to vector<16xf32>
        %mul3A_449 = arith.mulf %mul3A_448, %get3A_438 : vector<16xf32>
        %add3A_450 = arith.addf %add3A_447, %mul3A_449 : vector<16xf32>
        %mul3A_451 = vector.broadcast %squeeze3A_194 : f32 to vector<16xf32>
        %mul3A_452 = arith.mulf %mul3A_451, %get3A_434 : vector<16xf32>
        %add3A_453 = arith.addf %add3A_450, %mul3A_452 : vector<16xf32>
        %min3A_454 = arith.minimumf %min3A, %add3A_453 : vector<16xf32>
        %mul3A_455 = vector.broadcast %squeeze3A_228 : f32 to vector<16xf32>
        %mul3A_456 = arith.mulf %mul3A_455, %get3A_442 : vector<16xf32>
        %add3A_457 = arith.addf %get3A_444, %mul3A_456 : vector<16xf32>
        %mul3A_458 = vector.broadcast %squeeze3A_212 : f32 to vector<16xf32>
        %mul3A_459 = arith.mulf %mul3A_458, %get3A_438 : vector<16xf32>
        %add3A_460 = arith.addf %add3A_457, %mul3A_459 : vector<16xf32>
        %mul3A_461 = vector.broadcast %squeeze3A_196 : f32 to vector<16xf32>
        %mul3A_462 = arith.mulf %mul3A_461, %get3A_434 : vector<16xf32>
        %add3A_463 = arith.addf %add3A_460, %mul3A_462 : vector<16xf32>
        %min3A_464 = arith.minimumf %min3A_370, %add3A_463 : vector<16xf32>
        %mul3A_465 = vector.broadcast %squeeze3A_230 : f32 to vector<16xf32>
        %mul3A_466 = arith.mulf %mul3A_465, %get3A_442 : vector<16xf32>
        %add3A_467 = arith.addf %get3A_444, %mul3A_466 : vector<16xf32>
        %mul3A_468 = vector.broadcast %squeeze3A_214 : f32 to vector<16xf32>
        %mul3A_469 = arith.mulf %mul3A_468, %get3A_438 : vector<16xf32>
        %add3A_470 = arith.addf %add3A_467, %mul3A_469 : vector<16xf32>
        %mul3A_471 = vector.broadcast %squeeze3A_198 : f32 to vector<16xf32>
        %mul3A_472 = arith.mulf %mul3A_471, %get3A_434 : vector<16xf32>
        %add3A_473 = arith.addf %add3A_470, %mul3A_472 : vector<16xf32>
        %min3A_474 = arith.minimumf %min3A_380, %add3A_473 : vector<16xf32>
        %mul3A_475 = vector.broadcast %squeeze3A_232 : f32 to vector<16xf32>
        %mul3A_476 = arith.mulf %mul3A_475, %get3A_442 : vector<16xf32>
        %add3A_477 = arith.addf %get3A_444, %mul3A_476 : vector<16xf32>
        %mul3A_478 = vector.broadcast %squeeze3A_216 : f32 to vector<16xf32>
        %mul3A_479 = arith.mulf %mul3A_478, %get3A_438 : vector<16xf32>
        %add3A_480 = arith.addf %add3A_477, %mul3A_479 : vector<16xf32>
        %mul3A_481 = vector.broadcast %squeeze3A_200 : f32 to vector<16xf32>
        %mul3A_482 = arith.mulf %mul3A_481, %get3A_434 : vector<16xf32>
        %add3A_483 = arith.addf %add3A_480, %mul3A_482 : vector<16xf32>
        %min3A_484 = arith.minimumf %min3A_390, %add3A_483 : vector<16xf32>
        %mul3A_485 = vector.broadcast %squeeze3A_234 : f32 to vector<16xf32>
        %mul3A_486 = arith.mulf %mul3A_485, %get3A_442 : vector<16xf32>
        %add3A_487 = arith.addf %get3A_444, %mul3A_486 : vector<16xf32>
        %mul3A_488 = vector.broadcast %squeeze3A_218 : f32 to vector<16xf32>
        %mul3A_489 = arith.mulf %mul3A_488, %get3A_438 : vector<16xf32>
        %add3A_490 = arith.addf %add3A_487, %mul3A_489 : vector<16xf32>
        %mul3A_491 = vector.broadcast %squeeze3A_202 : f32 to vector<16xf32>
        %mul3A_492 = arith.mulf %mul3A_491, %get3A_434 : vector<16xf32>
        %add3A_493 = arith.addf %add3A_490, %mul3A_492 : vector<16xf32>
        %min3A_494 = arith.minimumf %min3A_400, %add3A_493 : vector<16xf32>
        %mul3A_495 = vector.broadcast %squeeze3A_236 : f32 to vector<16xf32>
        %mul3A_496 = arith.mulf %mul3A_495, %get3A_442 : vector<16xf32>
        %add3A_497 = arith.addf %get3A_444, %mul3A_496 : vector<16xf32>
        %mul3A_498 = vector.broadcast %squeeze3A_220 : f32 to vector<16xf32>
        %mul3A_499 = arith.mulf %mul3A_498, %get3A_438 : vector<16xf32>
        %add3A_500 = arith.addf %add3A_497, %mul3A_499 : vector<16xf32>
        %mul3A_501 = vector.broadcast %squeeze3A_204 : f32 to vector<16xf32>
        %mul3A_502 = arith.mulf %mul3A_501, %get3A_434 : vector<16xf32>
        %add3A_503 = arith.addf %add3A_500, %mul3A_502 : vector<16xf32>
        %min3A_504 = arith.minimumf %min3A_410, %add3A_503 : vector<16xf32>
        %mul3A_505 = vector.broadcast %squeeze3A_238 : f32 to vector<16xf32>
        %mul3A_506 = arith.mulf %mul3A_505, %get3A_442 : vector<16xf32>
        %add3A_507 = arith.addf %get3A_444, %mul3A_506 : vector<16xf32>
        %mul3A_508 = vector.broadcast %squeeze3A_222 : f32 to vector<16xf32>
        %mul3A_509 = arith.mulf %mul3A_508, %get3A_438 : vector<16xf32>
        %add3A_510 = arith.addf %add3A_507, %mul3A_509 : vector<16xf32>
        %mul3A_511 = vector.broadcast %squeeze3A_206 : f32 to vector<16xf32>
        %mul3A_512 = arith.mulf %mul3A_511, %get3A_434 : vector<16xf32>
        %add3A_513 = arith.addf %add3A_510, %mul3A_512 : vector<16xf32>
        %min3A_514 = arith.minimumf %min3A_420, %add3A_513 : vector<16xf32>
        %mul3A_515 = vector.broadcast %squeeze3A_240 : f32 to vector<16xf32>
        %mul3A_516 = arith.mulf %mul3A_515, %get3A_442 : vector<16xf32>
        %add3A_517 = arith.addf %get3A_444, %mul3A_516 : vector<16xf32>
        %mul3A_518 = vector.broadcast %squeeze3A_224 : f32 to vector<16xf32>
        %mul3A_519 = arith.mulf %mul3A_518, %get3A_438 : vector<16xf32>
        %add3A_520 = arith.addf %add3A_517, %mul3A_519 : vector<16xf32>
        %mul3A_521 = vector.broadcast %squeeze3A_208 : f32 to vector<16xf32>
        %mul3A_522 = arith.mulf %mul3A_521, %get3A_434 : vector<16xf32>
        %add3A_523 = arith.addf %add3A_520, %mul3A_522 : vector<16xf32>
        %min3A_524 = arith.minimumf %min3A_430, %add3A_523 : vector<16xf32>
        %add3A_525 = arith.constant 32 : i32
        %add3A_526 = arith.addi %mul3A_337, %add3A_525 : i32
        %get3A_527 = arith.index_cast %add3A_526 : i32 to index
        %get3A_528 = tpu.vector_load %arg6[%get3A_527] {strides = array<i32>} : memref<49152xf32, #tpu.memory_space<vmem>>, vector<16xf32>,
        %add3A_529 = arith.constant 16384 : i32
        %add3A_530 = arith.addi %add3A_529, %add3A_526 : i32
        %get3A_531 = arith.index_cast %add3A_530 : i32 to index
        %get3A_532 = tpu.vector_load %arg6[%get3A_531] {strides = array<i32>} : memref<49152xf32, #tpu.memory_space<vmem>>, vector<16xf32>,
        %add3A_533 = arith.constant 32768 : i32
        %add3A_534 = arith.addi %add3A_533, %add3A_526 : i32
        %get3A_535 = arith.index_cast %add3A_534 : i32 to index
        %get3A_536 = tpu.vector_load %arg6[%get3A_535] {strides = array<i32>} : memref<49152xf32, #tpu.memory_space<vmem>>, vector<16xf32>,
        %get3A_537 = arith.index_cast %add3A_526 : i32 to index
        %get3A_538 = tpu.vector_load %arg7[%get3A_537] {strides = array<i32>} : memref<16384xf32, #tpu.memory_space<vmem>>, vector<16xf32>,
        %mul3A_539 = vector.broadcast %squeeze3A_226 : f32 to vector<16xf32>
        %mul3A_540 = arith.mulf %mul3A_539, %get3A_536 : vector<16xf32>
        %add3A_541 = arith.addf %get3A_538, %mul3A_540 : vector<16xf32>
        %mul3A_542 = vector.broadcast %squeeze3A_210 : f32 to vector<16xf32>
        %mul3A_543 = arith.mulf %mul3A_542, %get3A_532 : vector<16xf32>
        %add3A_544 = arith.addf %add3A_541, %mul3A_543 : vector<16xf32>
        %mul3A_545 = vector.broadcast %squeeze3A_194 : f32 to vector<16xf32>
        %mul3A_546 = arith.mulf %mul3A_545, %get3A_528 : vector<16xf32>
        %add3A_547 = arith.addf %add3A_544, %mul3A_546 : vector<16xf32>
        %min3A_548 = arith.minimumf %min3A_454, %add3A_547 : vector<16xf32>
        %mul3A_549 = vector.broadcast %squeeze3A_228 : f32 to vector<16xf32>
        %mul3A_550 = arith.mulf %mul3A_549, %get3A_536 : vector<16xf32>
        %add3A_551 = arith.addf %get3A_538, %mul3A_550 : vector<16xf32>
        %mul3A_552 = vector.broadcast %squeeze3A_212 : f32 to vector<16xf32>
        %mul3A_553 = arith.mulf %mul3A_552, %get3A_532 : vector<16xf32>
        %add3A_554 = arith.addf %add3A_551, %mul3A_553 : vector<16xf32>
        %mul3A_555 = vector.broadcast %squeeze3A_196 : f32 to vector<16xf32>
        %mul3A_556 = arith.mulf %mul3A_555, %get3A_528 : vector<16xf32>
        %add3A_557 = arith.addf %add3A_554, %mul3A_556 : vector<16xf32>
        %min3A_558 = arith.minimumf %min3A_464, %add3A_557 : vector<16xf32>
        %mul3A_559 = vector.broadcast %squeeze3A_230 : f32 to vector<16xf32>
        %mul3A_560 = arith.mulf %mul3A_559, %get3A_536 : vector<16xf32>
        %add3A_561 = arith.addf %get3A_538, %mul3A_560 : vector<16xf32>
        %mul3A_562 = vector.broadcast %squeeze3A_214 : f32 to vector<16xf32>
        %mul3A_563 = arith.mulf %mul3A_562, %get3A_532 : vector<16xf32>
        %add3A_564 = arith.addf %add3A_561, %mul3A_563 : vector<16xf32>
        %mul3A_565 = vector.broadcast %squeeze3A_198 : f32 to vector<16xf32>
        %mul3A_566 = arith.mulf %mul3A_565, %get3A_528 : vector<16xf32>
        %add3A_567 = arith.addf %add3A_564, %mul3A_566 : vector<16xf32>
        %min3A_568 = arith.minimumf %min3A_474, %add3A_567 : vector<16xf32>
        %mul3A_569 = vector.broadcast %squeeze3A_232 : f32 to vector<16xf32>
        %mul3A_570 = arith.mulf %mul3A_569, %get3A_536 : vector<16xf32>
        %add3A_571 = arith.addf %get3A_538, %mul3A_570 : vector<16xf32>
        %mul3A_572 = vector.broadcast %squeeze3A_216 : f32 to vector<16xf32>
        %mul3A_573 = arith.mulf %mul3A_572, %get3A_532 : vector<16xf32>
        %add3A_574 = arith.addf %add3A_571, %mul3A_573 : vector<16xf32>
        %mul3A_575 = vector.broadcast %squeeze3A_200 : f32 to vector<16xf32>
        %mul3A_576 = arith.mulf %mul3A_575, %get3A_528 : vector<16xf32>
        %add3A_577 = arith.addf %add3A_574, %mul3A_576 : vector<16xf32>
        %min3A_578 = arith.minimumf %min3A_484, %add3A_577 : vector<16xf32>
        %mul3A_579 = vector.broadcast %squeeze3A_234 : f32 to vector<16xf32>
        %mul3A_580 = arith.mulf %mul3A_579, %get3A_536 : vector<16xf32>
        %add3A_581 = arith.addf %get3A_538, %mul3A_580 : vector<16xf32>
        %mul3A_582 = vector.broadcast %squeeze3A_218 : f32 to vector<16xf32>
        %mul3A_583 = arith.mulf %mul3A_582, %get3A_532 : vector<16xf32>
        %add3A_584 = arith.addf %add3A_581, %mul3A_583 : vector<16xf32>
        %mul3A_585 = vector.broadcast %squeeze3A_202 : f32 to vector<16xf32>
        %mul3A_586 = arith.mulf %mul3A_585, %get3A_528 : vector<16xf32>
        %add3A_587 = arith.addf %add3A_584, %mul3A_586 : vector<16xf32>
        %min3A_588 = arith.minimumf %min3A_494, %add3A_587 : vector<16xf32>
        %mul3A_589 = vector.broadcast %squeeze3A_236 : f32 to vector<16xf32>
        %mul3A_590 = arith.mulf %mul3A_589, %get3A_536 : vector<16xf32>
        %add3A_591 = arith.addf %get3A_538, %mul3A_590 : vector<16xf32>
        %mul3A_592 = vector.broadcast %squeeze3A_220 : f32 to vector<16xf32>
        %mul3A_593 = arith.mulf %mul3A_592, %get3A_532 : vector<16xf32>
        %add3A_594 = arith.addf %add3A_591, %mul3A_593 : vector<16xf32>
        %mul3A_595 = vector.broadcast %squeeze3A_204 : f32 to vector<16xf32>
        %mul3A_596 = arith.mulf %mul3A_595, %get3A_528 : vector<16xf32>
        %add3A_597 = arith.addf %add3A_594, %mul3A_596 : vector<16xf32>
        %min3A_598 = arith.minimumf %min3A_504, %add3A_597 : vector<16xf32>
        %mul3A_599 = vector.broadcast %squeeze3A_238 : f32 to vector<16xf32>
        %mul3A_600 = arith.mulf %mul3A_599, %get3A_536 : vector<16xf32>
        %add3A_601 = arith.addf %get3A_538, %mul3A_600 : vector<16xf32>
        %mul3A_602 = vector.broadcast %squeeze3A_222 : f32 to vector<16xf32>
        %mul3A_603 = arith.mulf %mul3A_602, %get3A_532 : vector<16xf32>
        %add3A_604 = arith.addf %add3A_601, %mul3A_603 : vector<16xf32>
        %mul3A_605 = vector.broadcast %squeeze3A_206 : f32 to vector<16xf32>
        %mul3A_606 = arith.mulf %mul3A_605, %get3A_528 : vector<16xf32>
        %add3A_607 = arith.addf %add3A_604, %mul3A_606 : vector<16xf32>
        %min3A_608 = arith.minimumf %min3A_514, %add3A_607 : vector<16xf32>
        %mul3A_609 = vector.broadcast %squeeze3A_240 : f32 to vector<16xf32>
        %mul3A_610 = arith.mulf %mul3A_609, %get3A_536 : vector<16xf32>
        %add3A_611 = arith.addf %get3A_538, %mul3A_610 : vector<16xf32>
        %mul3A_612 = vector.broadcast %squeeze3A_224 : f32 to vector<16xf32>
        %mul3A_613 = arith.mulf %mul3A_612, %get3A_532 : vector<16xf32>
        %add3A_614 = arith.addf %add3A_611, %mul3A_613 : vector<16xf32>
        %mul3A_615 = vector.broadcast %squeeze3A_208 : f32 to vector<16xf32>
        %mul3A_616 = arith.mulf %mul3A_615, %get3A_528 : vector<16xf32>
        %add3A_617 = arith.addf %add3A_614, %mul3A_616 : vector<16xf32>
        %min3A_618 = arith.minimumf %min3A_524, %add3A_617 : vector<16xf32>
        %add3A_619 = arith.constant 48 : i32
        %add3A_620 = arith.addi %mul3A_337, %add3A_619 : i32
        %get3A_621 = arith.index_cast %add3A_620 : i32 to index
        %get3A_622 = tpu.vector_load %arg6[%get3A_621] {strides = array<i32>} : memref<49152xf32, #tpu.memory_space<vmem>>, vector<16xf32>,
        %add3A_623 = arith.constant 16384 : i32
        %add3A_624 = arith.addi %add3A_623, %add3A_620 : i32
        %get3A_625 = arith.index_cast %add3A_624 : i32 to index
        %get3A_626 = tpu.vector_load %arg6[%get3A_625] {strides = array<i32>} : memref<49152xf32, #tpu.memory_space<vmem>>, vector<16xf32>,
        %add3A_627 = arith.constant 32768 : i32
        %add3A_628 = arith.addi %add3A_627, %add3A_620 : i32
        %get3A_629 = arith.index_cast %add3A_628 : i32 to index
        %get3A_630 = tpu.vector_load %arg6[%get3A_629] {strides = array<i32>} : memref<49152xf32, #tpu.memory_space<vmem>>, vector<16xf32>,
        %get3A_631 = arith.index_cast %add3A_620 : i32 to index
        %get3A_632 = tpu.vector_load %arg7[%get3A_631] {strides = array<i32>} : memref<16384xf32, #tpu.memory_space<vmem>>, vector<16xf32>,
        %mul3A_633 = vector.broadcast %squeeze3A_226 : f32 to vector<16xf32>
        %mul3A_634 = arith.mulf %mul3A_633, %get3A_630 : vector<16xf32>
        %add3A_635 = arith.addf %get3A_632, %mul3A_634 : vector<16xf32>
        %mul3A_636 = vector.broadcast %squeeze3A_210 : f32 to vector<16xf32>
        %mul3A_637 = arith.mulf %mul3A_636, %get3A_626 : vector<16xf32>
        %add3A_638 = arith.addf %add3A_635, %mul3A_637 : vector<16xf32>
        %mul3A_639 = vector.broadcast %squeeze3A_194 : f32 to vector<16xf32>
        %mul3A_640 = arith.mulf %mul3A_639, %get3A_622 : vector<16xf32>
        %add3A_641 = arith.addf %add3A_638, %mul3A_640 : vector<16xf32>
        %min3A_642 = arith.minimumf %min3A_548, %add3A_641 : vector<16xf32>
        %mul3A_643 = vector.broadcast %squeeze3A_228 : f32 to vector<16xf32>
        %mul3A_644 = arith.mulf %mul3A_643, %get3A_630 : vector<16xf32>
        %add3A_645 = arith.addf %get3A_632, %mul3A_644 : vector<16xf32>
        %mul3A_646 = vector.broadcast %squeeze3A_212 : f32 to vector<16xf32>
        %mul3A_647 = arith.mulf %mul3A_646, %get3A_626 : vector<16xf32>
        %add3A_648 = arith.addf %add3A_645, %mul3A_647 : vector<16xf32>
        %mul3A_649 = vector.broadcast %squeeze3A_196 : f32 to vector<16xf32>
        %mul3A_650 = arith.mulf %mul3A_649, %get3A_622 : vector<16xf32>
        %add3A_651 = arith.addf %add3A_648, %mul3A_650 : vector<16xf32>
        %min3A_652 = arith.minimumf %min3A_558, %add3A_651 : vector<16xf32>
        %mul3A_653 = vector.broadcast %squeeze3A_230 : f32 to vector<16xf32>
        %mul3A_654 = arith.mulf %mul3A_653, %get3A_630 : vector<16xf32>
        %add3A_655 = arith.addf %get3A_632, %mul3A_654 : vector<16xf32>
        %mul3A_656 = vector.broadcast %squeeze3A_214 : f32 to vector<16xf32>
        %mul3A_657 = arith.mulf %mul3A_656, %get3A_626 : vector<16xf32>
        %add3A_658 = arith.addf %add3A_655, %mul3A_657 : vector<16xf32>
        %mul3A_659 = vector.broadcast %squeeze3A_198 : f32 to vector<16xf32>
        %mul3A_660 = arith.mulf %mul3A_659, %get3A_622 : vector<16xf32>
        %add3A_661 = arith.addf %add3A_658, %mul3A_660 : vector<16xf32>
        %min3A_662 = arith.minimumf %min3A_568, %add3A_661 : vector<16xf32>
        %mul3A_663 = vector.broadcast %squeeze3A_232 : f32 to vector<16xf32>
        %mul3A_664 = arith.mulf %mul3A_663, %get3A_630 : vector<16xf32>
        %add3A_665 = arith.addf %get3A_632, %mul3A_664 : vector<16xf32>
        %mul3A_666 = vector.broadcast %squeeze3A_216 : f32 to vector<16xf32>
        %mul3A_667 = arith.mulf %mul3A_666, %get3A_626 : vector<16xf32>
        %add3A_668 = arith.addf %add3A_665, %mul3A_667 : vector<16xf32>
        %mul3A_669 = vector.broadcast %squeeze3A_200 : f32 to vector<16xf32>
        %mul3A_670 = arith.mulf %mul3A_669, %get3A_622 : vector<16xf32>
        %add3A_671 = arith.addf %add3A_668, %mul3A_670 : vector<16xf32>
        %min3A_672 = arith.minimumf %min3A_578, %add3A_671 : vector<16xf32>
        %mul3A_673 = vector.broadcast %squeeze3A_234 : f32 to vector<16xf32>
        %mul3A_674 = arith.mulf %mul3A_673, %get3A_630 : vector<16xf32>
        %add3A_675 = arith.addf %get3A_632, %mul3A_674 : vector<16xf32>
        %mul3A_676 = vector.broadcast %squeeze3A_218 : f32 to vector<16xf32>
        %mul3A_677 = arith.mulf %mul3A_676, %get3A_626 : vector<16xf32>
        %add3A_678 = arith.addf %add3A_675, %mul3A_677 : vector<16xf32>
        %mul3A_679 = vector.broadcast %squeeze3A_202 : f32 to vector<16xf32>
        %mul3A_680 = arith.mulf %mul3A_679, %get3A_622 : vector<16xf32>
        %add3A_681 = arith.addf %add3A_678, %mul3A_680 : vector<16xf32>
        %min3A_682 = arith.minimumf %min3A_588, %add3A_681 : vector<16xf32>
        %mul3A_683 = vector.broadcast %squeeze3A_236 : f32 to vector<16xf32>
        %mul3A_684 = arith.mulf %mul3A_683, %get3A_630 : vector<16xf32>
        %add3A_685 = arith.addf %get3A_632, %mul3A_684 : vector<16xf32>
        %mul3A_686 = vector.broadcast %squeeze3A_220 : f32 to vector<16xf32>
        %mul3A_687 = arith.mulf %mul3A_686, %get3A_626 : vector<16xf32>
        %add3A_688 = arith.addf %add3A_685, %mul3A_687 : vector<16xf32>
        %mul3A_689 = vector.broadcast %squeeze3A_204 : f32 to vector<16xf32>
        %mul3A_690 = arith.mulf %mul3A_689, %get3A_622 : vector<16xf32>
        %add3A_691 = arith.addf %add3A_688, %mul3A_690 : vector<16xf32>
        %min3A_692 = arith.minimumf %min3A_598, %add3A_691 : vector<16xf32>
        %mul3A_693 = vector.broadcast %squeeze3A_238 : f32 to vector<16xf32>
        %mul3A_694 = arith.mulf %mul3A_693, %get3A_630 : vector<16xf32>
        %add3A_695 = arith.addf %get3A_632, %mul3A_694 : vector<16xf32>
        %mul3A_696 = vector.broadcast %squeeze3A_222 : f32 to vector<16xf32>
        %mul3A_697 = arith.mulf %mul3A_696, %get3A_626 : vector<16xf32>
        %add3A_698 = arith.addf %add3A_695, %mul3A_697 : vector<16xf32>
        %mul3A_699 = vector.broadcast %squeeze3A_206 : f32 to vector<16xf32>
        %mul3A_700 = arith.mulf %mul3A_699, %get3A_622 : vector<16xf32>
        %add3A_701 = arith.addf %add3A_698, %mul3A_700 : vector<16xf32>
        %min3A_702 = arith.minimumf %min3A_608, %add3A_701 : vector<16xf32>
        %mul3A_703 = vector.broadcast %squeeze3A_240 : f32 to vector<16xf32>
        %mul3A_704 = arith.mulf %mul3A_703, %get3A_630 : vector<16xf32>
        %add3A_705 = arith.addf %get3A_632, %mul3A_704 : vector<16xf32>
        %mul3A_706 = vector.broadcast %squeeze3A_224 : f32 to vector<16xf32>
        %mul3A_707 = arith.mulf %mul3A_706, %get3A_626 : vector<16xf32>
        %add3A_708 = arith.addf %add3A_705, %mul3A_707 : vector<16xf32>
        %mul3A_709 = vector.broadcast %squeeze3A_208 : f32 to vector<16xf32>
        %mul3A_710 = arith.mulf %mul3A_709, %get3A_622 : vector<16xf32>
        %add3A_711 = arith.addf %add3A_708, %mul3A_710 : vector<16xf32>
        %min3A_712 = arith.minimumf %min3A_618, %add3A_711 : vector<16xf32>
        %add3A_713 = arith.constant 64 : i32
        %add3A_714 = arith.addi %mul3A_337, %add3A_713 : i32
        %get3A_715 = arith.index_cast %add3A_714 : i32 to index
        %get3A_716 = tpu.vector_load %arg6[%get3A_715] {strides = array<i32>} : memref<49152xf32, #tpu.memory_space<vmem>>, vector<16xf32>,
        %add3A_717 = arith.constant 16384 : i32
        %add3A_718 = arith.addi %add3A_717, %add3A_714 : i32
        %get3A_719 = arith.index_cast %add3A_718 : i32 to index
        %get3A_720 = tpu.vector_load %arg6[%get3A_719] {strides = array<i32>} : memref<49152xf32, #tpu.memory_space<vmem>>, vector<16xf32>,
        %add3A_721 = arith.constant 32768 : i32
        %add3A_722 = arith.addi %add3A_721, %add3A_714 : i32
        %get3A_723 = arith.index_cast %add3A_722 : i32 to index
        %get3A_724 = tpu.vector_load %arg6[%get3A_723] {strides = array<i32>} : memref<49152xf32, #tpu.memory_space<vmem>>, vector<16xf32>,
        %get3A_725 = arith.index_cast %add3A_714 : i32 to index
        %get3A_726 = tpu.vector_load %arg7[%get3A_725] {strides = array<i32>} : memref<16384xf32, #tpu.memory_space<vmem>>, vector<16xf32>,
        %mul3A_727 = vector.broadcast %squeeze3A_226 : f32 to vector<16xf32>
        %mul3A_728 = arith.mulf %mul3A_727, %get3A_724 : vector<16xf32>
        %add3A_729 = arith.addf %get3A_726, %mul3A_728 : vector<16xf32>
        %mul3A_730 = vector.broadcast %squeeze3A_210 : f32 to vector<16xf32>
        %mul3A_731 = arith.mulf %mul3A_730, %get3A_720 : vector<16xf32>
        %add3A_732 = arith.addf %add3A_729, %mul3A_731 : vector<16xf32>
        %mul3A_733 = vector.broadcast %squeeze3A_194 : f32 to vector<16xf32>
        %mul3A_734 = arith.mulf %mul3A_733, %get3A_716 : vector<16xf32>
        %add3A_735 = arith.addf %add3A_732, %mul3A_734 : vector<16xf32>
        %min3A_736 = arith.minimumf %min3A_642, %add3A_735 : vector<16xf32>
        %mul3A_737 = vector.broadcast %squeeze3A_228 : f32 to vector<16xf32>
        %mul3A_738 = arith.mulf %mul3A_737, %get3A_724 : vector<16xf32>
        %add3A_739 = arith.addf %get3A_726, %mul3A_738 : vector<16xf32>
        %mul3A_740 = vector.broadcast %squeeze3A_212 : f32 to vector<16xf32>
        %mul3A_741 = arith.mulf %mul3A_740, %get3A_720 : vector<16xf32>
        %add3A_742 = arith.addf %add3A_739, %mul3A_741 : vector<16xf32>
        %mul3A_743 = vector.broadcast %squeeze3A_196 : f32 to vector<16xf32>
        %mul3A_744 = arith.mulf %mul3A_743, %get3A_716 : vector<16xf32>
        %add3A_745 = arith.addf %add3A_742, %mul3A_744 : vector<16xf32>
        %min3A_746 = arith.minimumf %min3A_652, %add3A_745 : vector<16xf32>
        %mul3A_747 = vector.broadcast %squeeze3A_230 : f32 to vector<16xf32>
        %mul3A_748 = arith.mulf %mul3A_747, %get3A_724 : vector<16xf32>
        %add3A_749 = arith.addf %get3A_726, %mul3A_748 : vector<16xf32>
        %mul3A_750 = vector.broadcast %squeeze3A_214 : f32 to vector<16xf32>
        %mul3A_751 = arith.mulf %mul3A_750, %get3A_720 : vector<16xf32>
        %add3A_752 = arith.addf %add3A_749, %mul3A_751 : vector<16xf32>
        %mul3A_753 = vector.broadcast %squeeze3A_198 : f32 to vector<16xf32>
        %mul3A_754 = arith.mulf %mul3A_753, %get3A_716 : vector<16xf32>
        %add3A_755 = arith.addf %add3A_752, %mul3A_754 : vector<16xf32>
        %min3A_756 = arith.minimumf %min3A_662, %add3A_755 : vector<16xf32>
        %mul3A_757 = vector.broadcast %squeeze3A_232 : f32 to vector<16xf32>
        %mul3A_758 = arith.mulf %mul3A_757, %get3A_724 : vector<16xf32>
        %add3A_759 = arith.addf %get3A_726, %mul3A_758 : vector<16xf32>
        %mul3A_760 = vector.broadcast %squeeze3A_216 : f32 to vector<16xf32>
        %mul3A_761 = arith.mulf %mul3A_760, %get3A_720 : vector<16xf32>
        %add3A_762 = arith.addf %add3A_759, %mul3A_761 : vector<16xf32>
        %mul3A_763 = vector.broadcast %squeeze3A_200 : f32 to vector<16xf32>
        %mul3A_764 = arith.mulf %mul3A_763, %get3A_716 : vector<16xf32>
        %add3A_765 = arith.addf %add3A_762, %mul3A_764 : vector<16xf32>
        %min3A_766 = arith.minimumf %min3A_672, %add3A_765 : vector<16xf32>
        %mul3A_767 = vector.broadcast %squeeze3A_234 : f32 to vector<16xf32>
        %mul3A_768 = arith.mulf %mul3A_767, %get3A_724 : vector<16xf32>
        %add3A_769 = arith.addf %get3A_726, %mul3A_768 : vector<16xf32>
        %mul3A_770 = vector.broadcast %squeeze3A_218 : f32 to vector<16xf32>
        %mul3A_771 = arith.mulf %mul3A_770, %get3A_720 : vector<16xf32>
        %add3A_772 = arith.addf %add3A_769, %mul3A_771 : vector<16xf32>
        %mul3A_773 = vector.broadcast %squeeze3A_202 : f32 to vector<16xf32>
        %mul3A_774 = arith.mulf %mul3A_773, %get3A_716 : vector<16xf32>
        %add3A_775 = arith.addf %add3A_772, %mul3A_774 : vector<16xf32>
        %min3A_776 = arith.minimumf %min3A_682, %add3A_775 : vector<16xf32>
        %mul3A_777 = vector.broadcast %squeeze3A_236 : f32 to vector<16xf32>
        %mul3A_778 = arith.mulf %mul3A_777, %get3A_724 : vector<16xf32>
        %add3A_779 = arith.addf %get3A_726, %mul3A_778 : vector<16xf32>
        %mul3A_780 = vector.broadcast %squeeze3A_220 : f32 to vector<16xf32>
        %mul3A_781 = arith.mulf %mul3A_780, %get3A_720 : vector<16xf32>
        %add3A_782 = arith.addf %add3A_779, %mul3A_781 : vector<16xf32>
        %mul3A_783 = vector.broadcast %squeeze3A_204 : f32 to vector<16xf32>
        %mul3A_784 = arith.mulf %mul3A_783, %get3A_716 : vector<16xf32>
        %add3A_785 = arith.addf %add3A_782, %mul3A_784 : vector<16xf32>
        %min3A_786 = arith.minimumf %min3A_692, %add3A_785 : vector<16xf32>
        %mul3A_787 = vector.broadcast %squeeze3A_238 : f32 to vector<16xf32>
        %mul3A_788 = arith.mulf %mul3A_787, %get3A_724 : vector<16xf32>
        %add3A_789 = arith.addf %get3A_726, %mul3A_788 : vector<16xf32>
        %mul3A_790 = vector.broadcast %squeeze3A_222 : f32 to vector<16xf32>
        %mul3A_791 = arith.mulf %mul3A_790, %get3A_720 : vector<16xf32>
        %add3A_792 = arith.addf %add3A_789, %mul3A_791 : vector<16xf32>
        %mul3A_793 = vector.broadcast %squeeze3A_206 : f32 to vector<16xf32>
        %mul3A_794 = arith.mulf %mul3A_793, %get3A_716 : vector<16xf32>
        %add3A_795 = arith.addf %add3A_792, %mul3A_794 : vector<16xf32>
        %min3A_796 = arith.minimumf %min3A_702, %add3A_795 : vector<16xf32>
        %mul3A_797 = vector.broadcast %squeeze3A_240 : f32 to vector<16xf32>
        %mul3A_798 = arith.mulf %mul3A_797, %get3A_724 : vector<16xf32>
        %add3A_799 = arith.addf %get3A_726, %mul3A_798 : vector<16xf32>
        %mul3A_800 = vector.broadcast %squeeze3A_224 : f32 to vector<16xf32>
        %mul3A_801 = arith.mulf %mul3A_800, %get3A_720 : vector<16xf32>
        %add3A_802 = arith.addf %add3A_799, %mul3A_801 : vector<16xf32>
        %mul3A_803 = vector.broadcast %squeeze3A_208 : f32 to vector<16xf32>
        %mul3A_804 = arith.mulf %mul3A_803, %get3A_716 : vector<16xf32>
        %add3A_805 = arith.addf %add3A_802, %mul3A_804 : vector<16xf32>
        %min3A_806 = arith.minimumf %min3A_712, %add3A_805 : vector<16xf32>
        %add3A_807 = arith.constant 80 : i32
        %add3A_808 = arith.addi %mul3A_337, %add3A_807 : i32
        %get3A_809 = arith.index_cast %add3A_808 : i32 to index
        %get3A_810 = tpu.vector_load %arg6[%get3A_809] {strides = array<i32>} : memref<49152xf32, #tpu.memory_space<vmem>>, vector<16xf32>,
        %add3A_811 = arith.constant 16384 : i32
        %add3A_812 = arith.addi %add3A_811, %add3A_808 : i32
        %get3A_813 = arith.index_cast %add3A_812 : i32 to index
        %get3A_814 = tpu.vector_load %arg6[%get3A_813] {strides = array<i32>} : memref<49152xf32, #tpu.memory_space<vmem>>, vector<16xf32>,
        %add3A_815 = arith.constant 32768 : i32
        %add3A_816 = arith.addi %add3A_815, %add3A_808 : i32
        %get3A_817 = arith.index_cast %add3A_816 : i32 to index
        %get3A_818 = tpu.vector_load %arg6[%get3A_817] {strides = array<i32>} : memref<49152xf32, #tpu.memory_space<vmem>>, vector<16xf32>,
        %get3A_819 = arith.index_cast %add3A_808 : i32 to index
        %get3A_820 = tpu.vector_load %arg7[%get3A_819] {strides = array<i32>} : memref<16384xf32, #tpu.memory_space<vmem>>, vector<16xf32>,
        %mul3A_821 = vector.broadcast %squeeze3A_226 : f32 to vector<16xf32>
        %mul3A_822 = arith.mulf %mul3A_821, %get3A_818 : vector<16xf32>
        %add3A_823 = arith.addf %get3A_820, %mul3A_822 : vector<16xf32>
        %mul3A_824 = vector.broadcast %squeeze3A_210 : f32 to vector<16xf32>
        %mul3A_825 = arith.mulf %mul3A_824, %get3A_814 : vector<16xf32>
        %add3A_826 = arith.addf %add3A_823, %mul3A_825 : vector<16xf32>
        %mul3A_827 = vector.broadcast %squeeze3A_194 : f32 to vector<16xf32>
        %mul3A_828 = arith.mulf %mul3A_827, %get3A_810 : vector<16xf32>
        %add3A_829 = arith.addf %add3A_826, %mul3A_828 : vector<16xf32>
        %min3A_830 = arith.minimumf %min3A_736, %add3A_829 : vector<16xf32>
        %mul3A_831 = vector.broadcast %squeeze3A_228 : f32 to vector<16xf32>
        %mul3A_832 = arith.mulf %mul3A_831, %get3A_818 : vector<16xf32>
        %add3A_833 = arith.addf %get3A_820, %mul3A_832 : vector<16xf32>
        %mul3A_834 = vector.broadcast %squeeze3A_212 : f32 to vector<16xf32>
        %mul3A_835 = arith.mulf %mul3A_834, %get3A_814 : vector<16xf32>
        %add3A_836 = arith.addf %add3A_833, %mul3A_835 : vector<16xf32>
        %mul3A_837 = vector.broadcast %squeeze3A_196 : f32 to vector<16xf32>
        %mul3A_838 = arith.mulf %mul3A_837, %get3A_810 : vector<16xf32>
        %add3A_839 = arith.addf %add3A_836, %mul3A_838 : vector<16xf32>
        %min3A_840 = arith.minimumf %min3A_746, %add3A_839 : vector<16xf32>
        %mul3A_841 = vector.broadcast %squeeze3A_230 : f32 to vector<16xf32>
        %mul3A_842 = arith.mulf %mul3A_841, %get3A_818 : vector<16xf32>
        %add3A_843 = arith.addf %get3A_820, %mul3A_842 : vector<16xf32>
        %mul3A_844 = vector.broadcast %squeeze3A_214 : f32 to vector<16xf32>
        %mul3A_845 = arith.mulf %mul3A_844, %get3A_814 : vector<16xf32>
        %add3A_846 = arith.addf %add3A_843, %mul3A_845 : vector<16xf32>
        %mul3A_847 = vector.broadcast %squeeze3A_198 : f32 to vector<16xf32>
        %mul3A_848 = arith.mulf %mul3A_847, %get3A_810 : vector<16xf32>
        %add3A_849 = arith.addf %add3A_846, %mul3A_848 : vector<16xf32>
        %min3A_850 = arith.minimumf %min3A_756, %add3A_849 : vector<16xf32>
        %mul3A_851 = vector.broadcast %squeeze3A_232 : f32 to vector<16xf32>
        %mul3A_852 = arith.mulf %mul3A_851, %get3A_818 : vector<16xf32>
        %add3A_853 = arith.addf %get3A_820, %mul3A_852 : vector<16xf32>
        %mul3A_854 = vector.broadcast %squeeze3A_216 : f32 to vector<16xf32>
        %mul3A_855 = arith.mulf %mul3A_854, %get3A_814 : vector<16xf32>
        %add3A_856 = arith.addf %add3A_853, %mul3A_855 : vector<16xf32>
        %mul3A_857 = vector.broadcast %squeeze3A_200 : f32 to vector<16xf32>
        %mul3A_858 = arith.mulf %mul3A_857, %get3A_810 : vector<16xf32>
        %add3A_859 = arith.addf %add3A_856, %mul3A_858 : vector<16xf32>
        %min3A_860 = arith.minimumf %min3A_766, %add3A_859 : vector<16xf32>
        %mul3A_861 = vector.broadcast %squeeze3A_234 : f32 to vector<16xf32>
        %mul3A_862 = arith.mulf %mul3A_861, %get3A_818 : vector<16xf32>
        %add3A_863 = arith.addf %get3A_820, %mul3A_862 : vector<16xf32>
        %mul3A_864 = vector.broadcast %squeeze3A_218 : f32 to vector<16xf32>
        %mul3A_865 = arith.mulf %mul3A_864, %get3A_814 : vector<16xf32>
        %add3A_866 = arith.addf %add3A_863, %mul3A_865 : vector<16xf32>
        %mul3A_867 = vector.broadcast %squeeze3A_202 : f32 to vector<16xf32>
        %mul3A_868 = arith.mulf %mul3A_867, %get3A_810 : vector<16xf32>
        %add3A_869 = arith.addf %add3A_866, %mul3A_868 : vector<16xf32>
        %min3A_870 = arith.minimumf %min3A_776, %add3A_869 : vector<16xf32>
        %mul3A_871 = vector.broadcast %squeeze3A_236 : f32 to vector<16xf32>
        %mul3A_872 = arith.mulf %mul3A_871, %get3A_818 : vector<16xf32>
        %add3A_873 = arith.addf %get3A_820, %mul3A_872 : vector<16xf32>
        %mul3A_874 = vector.broadcast %squeeze3A_220 : f32 to vector<16xf32>
        %mul3A_875 = arith.mulf %mul3A_874, %get3A_814 : vector<16xf32>
        %add3A_876 = arith.addf %add3A_873, %mul3A_875 : vector<16xf32>
        %mul3A_877 = vector.broadcast %squeeze3A_204 : f32 to vector<16xf32>
        %mul3A_878 = arith.mulf %mul3A_877, %get3A_810 : vector<16xf32>
        %add3A_879 = arith.addf %add3A_876, %mul3A_878 : vector<16xf32>
        %min3A_880 = arith.minimumf %min3A_786, %add3A_879 : vector<16xf32>
        %mul3A_881 = vector.broadcast %squeeze3A_238 : f32 to vector<16xf32>
        %mul3A_882 = arith.mulf %mul3A_881, %get3A_818 : vector<16xf32>
        %add3A_883 = arith.addf %get3A_820, %mul3A_882 : vector<16xf32>
        %mul3A_884 = vector.broadcast %squeeze3A_222 : f32 to vector<16xf32>
        %mul3A_885 = arith.mulf %mul3A_884, %get3A_814 : vector<16xf32>
        %add3A_886 = arith.addf %add3A_883, %mul3A_885 : vector<16xf32>
        %mul3A_887 = vector.broadcast %squeeze3A_206 : f32 to vector<16xf32>
        %mul3A_888 = arith.mulf %mul3A_887, %get3A_810 : vector<16xf32>
        %add3A_889 = arith.addf %add3A_886, %mul3A_888 : vector<16xf32>
        %min3A_890 = arith.minimumf %min3A_796, %add3A_889 : vector<16xf32>
        %mul3A_891 = vector.broadcast %squeeze3A_240 : f32 to vector<16xf32>
        %mul3A_892 = arith.mulf %mul3A_891, %get3A_818 : vector<16xf32>
        %add3A_893 = arith.addf %get3A_820, %mul3A_892 : vector<16xf32>
        %mul3A_894 = vector.broadcast %squeeze3A_224 : f32 to vector<16xf32>
        %mul3A_895 = arith.mulf %mul3A_894, %get3A_814 : vector<16xf32>
        %add3A_896 = arith.addf %add3A_893, %mul3A_895 : vector<16xf32>
        %mul3A_897 = vector.broadcast %squeeze3A_208 : f32 to vector<16xf32>
        %mul3A_898 = arith.mulf %mul3A_897, %get3A_810 : vector<16xf32>
        %add3A_899 = arith.addf %add3A_896, %mul3A_898 : vector<16xf32>
        %min3A_900 = arith.minimumf %min3A_806, %add3A_899 : vector<16xf32>
        %add3A_901 = arith.constant 96 : i32
        %add3A_902 = arith.addi %mul3A_337, %add3A_901 : i32
        %get3A_903 = arith.index_cast %add3A_902 : i32 to index
        %get3A_904 = tpu.vector_load %arg6[%get3A_903] {strides = array<i32>} : memref<49152xf32, #tpu.memory_space<vmem>>, vector<16xf32>,
        %add3A_905 = arith.constant 16384 : i32
        %add3A_906 = arith.addi %add3A_905, %add3A_902 : i32
        %get3A_907 = arith.index_cast %add3A_906 : i32 to index
        %get3A_908 = tpu.vector_load %arg6[%get3A_907] {strides = array<i32>} : memref<49152xf32, #tpu.memory_space<vmem>>, vector<16xf32>,
        %add3A_909 = arith.constant 32768 : i32
        %add3A_910 = arith.addi %add3A_909, %add3A_902 : i32
        %get3A_911 = arith.index_cast %add3A_910 : i32 to index
        %get3A_912 = tpu.vector_load %arg6[%get3A_911] {strides = array<i32>} : memref<49152xf32, #tpu.memory_space<vmem>>, vector<16xf32>,
        %get3A_913 = arith.index_cast %add3A_902 : i32 to index
        %get3A_914 = tpu.vector_load %arg7[%get3A_913] {strides = array<i32>} : memref<16384xf32, #tpu.memory_space<vmem>>, vector<16xf32>,
        %mul3A_915 = vector.broadcast %squeeze3A_226 : f32 to vector<16xf32>
        %mul3A_916 = arith.mulf %mul3A_915, %get3A_912 : vector<16xf32>
        %add3A_917 = arith.addf %get3A_914, %mul3A_916 : vector<16xf32>
        %mul3A_918 = vector.broadcast %squeeze3A_210 : f32 to vector<16xf32>
        %mul3A_919 = arith.mulf %mul3A_918, %get3A_908 : vector<16xf32>
        %add3A_920 = arith.addf %add3A_917, %mul3A_919 : vector<16xf32>
        %mul3A_921 = vector.broadcast %squeeze3A_194 : f32 to vector<16xf32>
        %mul3A_922 = arith.mulf %mul3A_921, %get3A_904 : vector<16xf32>
        %add3A_923 = arith.addf %add3A_920, %mul3A_922 : vector<16xf32>
        %min3A_924 = arith.minimumf %min3A_830, %add3A_923 : vector<16xf32>
        %mul3A_925 = vector.broadcast %squeeze3A_228 : f32 to vector<16xf32>
        %mul3A_926 = arith.mulf %mul3A_925, %get3A_912 : vector<16xf32>
        %add3A_927 = arith.addf %get3A_914, %mul3A_926 : vector<16xf32>
        %mul3A_928 = vector.broadcast %squeeze3A_212 : f32 to vector<16xf32>
        %mul3A_929 = arith.mulf %mul3A_928, %get3A_908 : vector<16xf32>
        %add3A_930 = arith.addf %add3A_927, %mul3A_929 : vector<16xf32>
        %mul3A_931 = vector.broadcast %squeeze3A_196 : f32 to vector<16xf32>
        %mul3A_932 = arith.mulf %mul3A_931, %get3A_904 : vector<16xf32>
        %add3A_933 = arith.addf %add3A_930, %mul3A_932 : vector<16xf32>
        %min3A_934 = arith.minimumf %min3A_840, %add3A_933 : vector<16xf32>
        %mul3A_935 = vector.broadcast %squeeze3A_230 : f32 to vector<16xf32>
        %mul3A_936 = arith.mulf %mul3A_935, %get3A_912 : vector<16xf32>
        %add3A_937 = arith.addf %get3A_914, %mul3A_936 : vector<16xf32>
        %mul3A_938 = vector.broadcast %squeeze3A_214 : f32 to vector<16xf32>
        %mul3A_939 = arith.mulf %mul3A_938, %get3A_908 : vector<16xf32>
        %add3A_940 = arith.addf %add3A_937, %mul3A_939 : vector<16xf32>
        %mul3A_941 = vector.broadcast %squeeze3A_198 : f32 to vector<16xf32>
        %mul3A_942 = arith.mulf %mul3A_941, %get3A_904 : vector<16xf32>
        %add3A_943 = arith.addf %add3A_940, %mul3A_942 : vector<16xf32>
        %min3A_944 = arith.minimumf %min3A_850, %add3A_943 : vector<16xf32>
        %mul3A_945 = vector.broadcast %squeeze3A_232 : f32 to vector<16xf32>
        %mul3A_946 = arith.mulf %mul3A_945, %get3A_912 : vector<16xf32>
        %add3A_947 = arith.addf %get3A_914, %mul3A_946 : vector<16xf32>
        %mul3A_948 = vector.broadcast %squeeze3A_216 : f32 to vector<16xf32>
        %mul3A_949 = arith.mulf %mul3A_948, %get3A_908 : vector<16xf32>
        %add3A_950 = arith.addf %add3A_947, %mul3A_949 : vector<16xf32>
        %mul3A_951 = vector.broadcast %squeeze3A_200 : f32 to vector<16xf32>
        %mul3A_952 = arith.mulf %mul3A_951, %get3A_904 : vector<16xf32>
        %add3A_953 = arith.addf %add3A_950, %mul3A_952 : vector<16xf32>
        %min3A_954 = arith.minimumf %min3A_860, %add3A_953 : vector<16xf32>
        %mul3A_955 = vector.broadcast %squeeze3A_234 : f32 to vector<16xf32>
        %mul3A_956 = arith.mulf %mul3A_955, %get3A_912 : vector<16xf32>
        %add3A_957 = arith.addf %get3A_914, %mul3A_956 : vector<16xf32>
        %mul3A_958 = vector.broadcast %squeeze3A_218 : f32 to vector<16xf32>
        %mul3A_959 = arith.mulf %mul3A_958, %get3A_908 : vector<16xf32>
        %add3A_960 = arith.addf %add3A_957, %mul3A_959 : vector<16xf32>
        %mul3A_961 = vector.broadcast %squeeze3A_202 : f32 to vector<16xf32>
        %mul3A_962 = arith.mulf %mul3A_961, %get3A_904 : vector<16xf32>
        %add3A_963 = arith.addf %add3A_960, %mul3A_962 : vector<16xf32>
        %min3A_964 = arith.minimumf %min3A_870, %add3A_963 : vector<16xf32>
        %mul3A_965 = vector.broadcast %squeeze3A_236 : f32 to vector<16xf32>
        %mul3A_966 = arith.mulf %mul3A_965, %get3A_912 : vector<16xf32>
        %add3A_967 = arith.addf %get3A_914, %mul3A_966 : vector<16xf32>
        %mul3A_968 = vector.broadcast %squeeze3A_220 : f32 to vector<16xf32>
        %mul3A_969 = arith.mulf %mul3A_968, %get3A_908 : vector<16xf32>
        %add3A_970 = arith.addf %add3A_967, %mul3A_969 : vector<16xf32>
        %mul3A_971 = vector.broadcast %squeeze3A_204 : f32 to vector<16xf32>
        %mul3A_972 = arith.mulf %mul3A_971, %get3A_904 : vector<16xf32>
        %add3A_973 = arith.addf %add3A_970, %mul3A_972 : vector<16xf32>
        %min3A_974 = arith.minimumf %min3A_880, %add3A_973 : vector<16xf32>
        %mul3A_975 = vector.broadcast %squeeze3A_238 : f32 to vector<16xf32>
        %mul3A_976 = arith.mulf %mul3A_975, %get3A_912 : vector<16xf32>
        %add3A_977 = arith.addf %get3A_914, %mul3A_976 : vector<16xf32>
        %mul3A_978 = vector.broadcast %squeeze3A_222 : f32 to vector<16xf32>
        %mul3A_979 = arith.mulf %mul3A_978, %get3A_908 : vector<16xf32>
        %add3A_980 = arith.addf %add3A_977, %mul3A_979 : vector<16xf32>
        %mul3A_981 = vector.broadcast %squeeze3A_206 : f32 to vector<16xf32>
        %mul3A_982 = arith.mulf %mul3A_981, %get3A_904 : vector<16xf32>
        %add3A_983 = arith.addf %add3A_980, %mul3A_982 : vector<16xf32>
        %min3A_984 = arith.minimumf %min3A_890, %add3A_983 : vector<16xf32>
        %mul3A_985 = vector.broadcast %squeeze3A_240 : f32 to vector<16xf32>
        %mul3A_986 = arith.mulf %mul3A_985, %get3A_912 : vector<16xf32>
        %add3A_987 = arith.addf %get3A_914, %mul3A_986 : vector<16xf32>
        %mul3A_988 = vector.broadcast %squeeze3A_224 : f32 to vector<16xf32>
        %mul3A_989 = arith.mulf %mul3A_988, %get3A_908 : vector<16xf32>
        %add3A_990 = arith.addf %add3A_987, %mul3A_989 : vector<16xf32>
        %mul3A_991 = vector.broadcast %squeeze3A_208 : f32 to vector<16xf32>
        %mul3A_992 = arith.mulf %mul3A_991, %get3A_904 : vector<16xf32>
        %add3A_993 = arith.addf %add3A_990, %mul3A_992 : vector<16xf32>
        %min3A_994 = arith.minimumf %min3A_900, %add3A_993 : vector<16xf32>
        %add3A_995 = arith.constant 112 : i32
        %add3A_996 = arith.addi %mul3A_337, %add3A_995 : i32
        %get3A_997 = arith.index_cast %add3A_996 : i32 to index
        %get3A_998 = tpu.vector_load %arg6[%get3A_997] {strides = array<i32>} : memref<49152xf32, #tpu.memory_space<vmem>>, vector<16xf32>,
        %add3A_999 = arith.constant 16384 : i32
        %add3A_1000 = arith.addi %add3A_999, %add3A_996 : i32
        %get3A_1001 = arith.index_cast %add3A_1000 : i32 to index
        %get3A_1002 = tpu.vector_load %arg6[%get3A_1001] {strides = array<i32>} : memref<49152xf32, #tpu.memory_space<vmem>>, vector<16xf32>,
        %add3A_1003 = arith.constant 32768 : i32
        %add3A_1004 = arith.addi %add3A_1003, %add3A_996 : i32
        %get3A_1005 = arith.index_cast %add3A_1004 : i32 to index
        %get3A_1006 = tpu.vector_load %arg6[%get3A_1005] {strides = array<i32>} : memref<49152xf32, #tpu.memory_space<vmem>>, vector<16xf32>,
        %get3A_1007 = arith.index_cast %add3A_996 : i32 to index
        %get3A_1008 = tpu.vector_load %arg7[%get3A_1007] {strides = array<i32>} : memref<16384xf32, #tpu.memory_space<vmem>>, vector<16xf32>,
        %mul3A_1009 = vector.broadcast %squeeze3A_226 : f32 to vector<16xf32>
        %mul3A_1010 = arith.mulf %mul3A_1009, %get3A_1006 : vector<16xf32>
        %add3A_1011 = arith.addf %get3A_1008, %mul3A_1010 : vector<16xf32>
        %mul3A_1012 = vector.broadcast %squeeze3A_210 : f32 to vector<16xf32>
        %mul3A_1013 = arith.mulf %mul3A_1012, %get3A_1002 : vector<16xf32>
        %add3A_1014 = arith.addf %add3A_1011, %mul3A_1013 : vector<16xf32>
        %mul3A_1015 = vector.broadcast %squeeze3A_194 : f32 to vector<16xf32>
        %mul3A_1016 = arith.mulf %mul3A_1015, %get3A_998 : vector<16xf32>
        %add3A_1017 = arith.addf %add3A_1014, %mul3A_1016 : vector<16xf32>
        %min3A_1018 = arith.minimumf %min3A_924, %add3A_1017 : vector<16xf32>
        %mul3A_1019 = vector.broadcast %squeeze3A_228 : f32 to vector<16xf32>
        %mul3A_1020 = arith.mulf %mul3A_1019, %get3A_1006 : vector<16xf32>
        %add3A_1021 = arith.addf %get3A_1008, %mul3A_1020 : vector<16xf32>
        %mul3A_1022 = vector.broadcast %squeeze3A_212 : f32 to vector<16xf32>
        %mul3A_1023 = arith.mulf %mul3A_1022, %get3A_1002 : vector<16xf32>
        %add3A_1024 = arith.addf %add3A_1021, %mul3A_1023 : vector<16xf32>
        %mul3A_1025 = vector.broadcast %squeeze3A_196 : f32 to vector<16xf32>
        %mul3A_1026 = arith.mulf %mul3A_1025, %get3A_998 : vector<16xf32>
        %add3A_1027 = arith.addf %add3A_1024, %mul3A_1026 : vector<16xf32>
        %min3A_1028 = arith.minimumf %min3A_934, %add3A_1027 : vector<16xf32>
        %mul3A_1029 = vector.broadcast %squeeze3A_230 : f32 to vector<16xf32>
        %mul3A_1030 = arith.mulf %mul3A_1029, %get3A_1006 : vector<16xf32>
        %add3A_1031 = arith.addf %get3A_1008, %mul3A_1030 : vector<16xf32>
        %mul3A_1032 = vector.broadcast %squeeze3A_214 : f32 to vector<16xf32>
        %mul3A_1033 = arith.mulf %mul3A_1032, %get3A_1002 : vector<16xf32>
        %add3A_1034 = arith.addf %add3A_1031, %mul3A_1033 : vector<16xf32>
        %mul3A_1035 = vector.broadcast %squeeze3A_198 : f32 to vector<16xf32>
        %mul3A_1036 = arith.mulf %mul3A_1035, %get3A_998 : vector<16xf32>
        %add3A_1037 = arith.addf %add3A_1034, %mul3A_1036 : vector<16xf32>
        %min3A_1038 = arith.minimumf %min3A_944, %add3A_1037 : vector<16xf32>
        %mul3A_1039 = vector.broadcast %squeeze3A_232 : f32 to vector<16xf32>
        %mul3A_1040 = arith.mulf %mul3A_1039, %get3A_1006 : vector<16xf32>
        %add3A_1041 = arith.addf %get3A_1008, %mul3A_1040 : vector<16xf32>
        %mul3A_1042 = vector.broadcast %squeeze3A_216 : f32 to vector<16xf32>
        %mul3A_1043 = arith.mulf %mul3A_1042, %get3A_1002 : vector<16xf32>
        %add3A_1044 = arith.addf %add3A_1041, %mul3A_1043 : vector<16xf32>
        %mul3A_1045 = vector.broadcast %squeeze3A_200 : f32 to vector<16xf32>
        %mul3A_1046 = arith.mulf %mul3A_1045, %get3A_998 : vector<16xf32>
        %add3A_1047 = arith.addf %add3A_1044, %mul3A_1046 : vector<16xf32>
        %min3A_1048 = arith.minimumf %min3A_954, %add3A_1047 : vector<16xf32>
        %mul3A_1049 = vector.broadcast %squeeze3A_234 : f32 to vector<16xf32>
        %mul3A_1050 = arith.mulf %mul3A_1049, %get3A_1006 : vector<16xf32>
        %add3A_1051 = arith.addf %get3A_1008, %mul3A_1050 : vector<16xf32>
        %mul3A_1052 = vector.broadcast %squeeze3A_218 : f32 to vector<16xf32>
        %mul3A_1053 = arith.mulf %mul3A_1052, %get3A_1002 : vector<16xf32>
        %add3A_1054 = arith.addf %add3A_1051, %mul3A_1053 : vector<16xf32>
        %mul3A_1055 = vector.broadcast %squeeze3A_202 : f32 to vector<16xf32>
        %mul3A_1056 = arith.mulf %mul3A_1055, %get3A_998 : vector<16xf32>
        %add3A_1057 = arith.addf %add3A_1054, %mul3A_1056 : vector<16xf32>
        %min3A_1058 = arith.minimumf %min3A_964, %add3A_1057 : vector<16xf32>
        %mul3A_1059 = vector.broadcast %squeeze3A_236 : f32 to vector<16xf32>
        %mul3A_1060 = arith.mulf %mul3A_1059, %get3A_1006 : vector<16xf32>
        %add3A_1061 = arith.addf %get3A_1008, %mul3A_1060 : vector<16xf32>
        %mul3A_1062 = vector.broadcast %squeeze3A_220 : f32 to vector<16xf32>
        %mul3A_1063 = arith.mulf %mul3A_1062, %get3A_1002 : vector<16xf32>
        %add3A_1064 = arith.addf %add3A_1061, %mul3A_1063 : vector<16xf32>
        %mul3A_1065 = vector.broadcast %squeeze3A_204 : f32 to vector<16xf32>
        %mul3A_1066 = arith.mulf %mul3A_1065, %get3A_998 : vector<16xf32>
        %add3A_1067 = arith.addf %add3A_1064, %mul3A_1066 : vector<16xf32>
        %min3A_1068 = arith.minimumf %min3A_974, %add3A_1067 : vector<16xf32>
        %mul3A_1069 = vector.broadcast %squeeze3A_238 : f32 to vector<16xf32>
        %mul3A_1070 = arith.mulf %mul3A_1069, %get3A_1006 : vector<16xf32>
        %add3A_1071 = arith.addf %get3A_1008, %mul3A_1070 : vector<16xf32>
        %mul3A_1072 = vector.broadcast %squeeze3A_222 : f32 to vector<16xf32>
        %mul3A_1073 = arith.mulf %mul3A_1072, %get3A_1002 : vector<16xf32>
        %add3A_1074 = arith.addf %add3A_1071, %mul3A_1073 : vector<16xf32>
        %mul3A_1075 = vector.broadcast %squeeze3A_206 : f32 to vector<16xf32>
        %mul3A_1076 = arith.mulf %mul3A_1075, %get3A_998 : vector<16xf32>
        %add3A_1077 = arith.addf %add3A_1074, %mul3A_1076 : vector<16xf32>
        %min3A_1078 = arith.minimumf %min3A_984, %add3A_1077 : vector<16xf32>
        %mul3A_1079 = vector.broadcast %squeeze3A_240 : f32 to vector<16xf32>
        %mul3A_1080 = arith.mulf %mul3A_1079, %get3A_1006 : vector<16xf32>
        %add3A_1081 = arith.addf %get3A_1008, %mul3A_1080 : vector<16xf32>
        %mul3A_1082 = vector.broadcast %squeeze3A_224 : f32 to vector<16xf32>
        %mul3A_1083 = arith.mulf %mul3A_1082, %get3A_1002 : vector<16xf32>
        %add3A_1084 = arith.addf %add3A_1081, %mul3A_1083 : vector<16xf32>
        %mul3A_1085 = vector.broadcast %squeeze3A_208 : f32 to vector<16xf32>
        %mul3A_1086 = arith.mulf %mul3A_1085, %get3A_998 : vector<16xf32>
        %add3A_1087 = arith.addf %add3A_1084, %mul3A_1086 : vector<16xf32>
        %min3A_1088 = arith.minimumf %min3A_994, %add3A_1087 : vector<16xf32>
        scf.yield %min3A_1018, %min3A_1028, %min3A_1038, %min3A_1048, %min3A_1058, %min3A_1068, %min3A_1078, %min3A_1088 : vector<16xf32>, vector<16xf32>, vector<16xf32>, vector<16xf32>, vector<16xf32>, vector<16xf32>, vector<16xf32>, vector<16xf32>
      }
      %scan3A_262 = arith.constant 128 : i32
      %slice3A_263 = vector.extract_strided_slice %get3A_59 {offsets = [8], sizes = [1], strides = [1]} : vector<16xf32> to vector<1xf32>
      %squeeze3A_264 = vector.extract %slice3A_263[0] : f32 from vector<1xf32>
      %reduce_min3A_265 = arith.constant true
      %reduce_min3A_266 = vector.broadcast %reduce_min3A_265 : i1 to vector<16xi1>
      %reduce_min3A_267 = tpu.scan <min>, %scan3A_261#0 masked %reduce_min3A_266 : vector<16xf32>, vector<16xi1> -> vector<16xf32>
      %reduce_min3A_268 = vector.extract %reduce_min3A_267[15] : f32 from vector<16xf32>
      %add3A_269 = arith.addf %squeeze3A_264, %reduce_min3A_268 : f32
      %add3A_270 = arith.addf %add3A_192, %add3A_269 : f32
      %slice3A_271 = vector.extract_strided_slice %get3A_59 {offsets = [9], sizes = [1], strides = [1]} : vector<16xf32> to vector<1xf32>
      %squeeze3A_272 = vector.extract %slice3A_271[0] : f32 from vector<1xf32>
      %reduce_min3A_273 = arith.constant true
      %reduce_min3A_274 = vector.broadcast %reduce_min3A_273 : i1 to vector<16xi1>
      %reduce_min3A_275 = tpu.scan <min>, %scan3A_261#1 masked %reduce_min3A_274 : vector<16xf32>, vector<16xi1> -> vector<16xf32>
      %reduce_min3A_276 = vector.extract %reduce_min3A_275[15] : f32 from vector<16xf32>
      %add3A_277 = arith.addf %squeeze3A_272, %reduce_min3A_276 : f32
      %add3A_278 = arith.addf %add3A_270, %add3A_277 : f32
      %slice3A_279 = vector.extract_strided_slice %get3A_59 {offsets = [10], sizes = [1], strides = [1]} : vector<16xf32> to vector<1xf32>
      %squeeze3A_280 = vector.extract %slice3A_279[0] : f32 from vector<1xf32>
      %reduce_min3A_281 = arith.constant true
      %reduce_min3A_282 = vector.broadcast %reduce_min3A_281 : i1 to vector<16xi1>
      %reduce_min3A_283 = tpu.scan <min>, %scan3A_261#2 masked %reduce_min3A_282 : vector<16xf32>, vector<16xi1> -> vector<16xf32>
      %reduce_min3A_284 = vector.extract %reduce_min3A_283[15] : f32 from vector<16xf32>
      %add3A_285 = arith.addf %squeeze3A_280, %reduce_min3A_284 : f32
      %add3A_286 = arith.addf %add3A_278, %add3A_285 : f32
      %slice3A_287 = vector.extract_strided_slice %get3A_59 {offsets = [11], sizes = [1], strides = [1]} : vector<16xf32> to vector<1xf32>
      %squeeze3A_288 = vector.extract %slice3A_287[0] : f32 from vector<1xf32>
      %reduce_min3A_289 = arith.constant true
      %reduce_min3A_290 = vector.broadcast %reduce_min3A_289 : i1 to vector<16xi1>
      %reduce_min3A_291 = tpu.scan <min>, %scan3A_261#3 masked %reduce_min3A_290 : vector<16xf32>, vector<16xi1> -> vector<16xf32>
      %reduce_min3A_292 = vector.extract %reduce_min3A_291[15] : f32 from vector<16xf32>
      %add3A_293 = arith.addf %squeeze3A_288, %reduce_min3A_292 : f32
      %add3A_294 = arith.addf %add3A_286, %add3A_293 : f32
      %slice3A_295 = vector.extract_strided_slice %get3A_59 {offsets = [12], sizes = [1], strides = [1]} : vector<16xf32> to vector<1xf32>
      %squeeze3A_296 = vector.extract %slice3A_295[0] : f32 from vector<1xf32>
      %reduce_min3A_297 = arith.constant true
      %reduce_min3A_298 = vector.broadcast %reduce_min3A_297 : i1 to vector<16xi1>
      %reduce_min3A_299 = tpu.scan <min>, %scan3A_261#4 masked %reduce_min3A_298 : vector<16xf32>, vector<16xi1> -> vector<16xf32>
      %reduce_min3A_300 = vector.extract %reduce_min3A_299[15] : f32 from vector<16xf32>
      %add3A_301 = arith.addf %squeeze3A_296, %reduce_min3A_300 : f32
      %add3A_302 = arith.addf %add3A_294, %add3A_301 : f32
      %slice3A_303 = vector.extract_strided_slice %get3A_59 {offsets = [13], sizes = [1], strides = [1]} : vector<16xf32> to vector<1xf32>
      %squeeze3A_304 = vector.extract %slice3A_303[0] : f32 from vector<1xf32>
      %reduce_min3A_305 = arith.constant true
      %reduce_min3A_306 = vector.broadcast %reduce_min3A_305 : i1 to vector<16xi1>
      %reduce_min3A_307 = tpu.scan <min>, %scan3A_261#5 masked %reduce_min3A_306 : vector<16xf32>, vector<16xi1> -> vector<16xf32>
      %reduce_min3A_308 = vector.extract %reduce_min3A_307[15] : f32 from vector<16xf32>
      %add3A_309 = arith.addf %squeeze3A_304, %reduce_min3A_308 : f32
      %add3A_310 = arith.addf %add3A_302, %add3A_309 : f32
      %slice3A_311 = vector.extract_strided_slice %get3A_59 {offsets = [14], sizes = [1], strides = [1]} : vector<16xf32> to vector<1xf32>
      %squeeze3A_312 = vector.extract %slice3A_311[0] : f32 from vector<1xf32>
      %reduce_min3A_313 = arith.constant true
      %reduce_min3A_314 = vector.broadcast %reduce_min3A_313 : i1 to vector<16xi1>
      %reduce_min3A_315 = tpu.scan <min>, %scan3A_261#6 masked %reduce_min3A_314 : vector<16xf32>, vector<16xi1> -> vector<16xf32>
      %reduce_min3A_316 = vector.extract %reduce_min3A_315[15] : f32 from vector<16xf32>
      %add3A_317 = arith.addf %squeeze3A_312, %reduce_min3A_316 : f32
      %add3A_318 = arith.addf %add3A_310, %add3A_317 : f32
      %slice3A_319 = vector.extract_strided_slice %get3A_59 {offsets = [15], sizes = [1], strides = [1]} : vector<16xf32> to vector<1xf32>
      %squeeze3A_320 = vector.extract %slice3A_319[0] : f32 from vector<1xf32>
      %reduce_min3A_321 = arith.constant true
      %reduce_min3A_322 = vector.broadcast %reduce_min3A_321 : i1 to vector<16xi1>
      %reduce_min3A_323 = tpu.scan <min>, %scan3A_261#7 masked %reduce_min3A_322 : vector<16xf32>, vector<16xi1> -> vector<16xf32>
      %reduce_min3A_324 = vector.extract %reduce_min3A_323[15] : f32 from vector<16xf32>
      %add3A_325 = arith.addf %squeeze3A_320, %reduce_min3A_324 : f32
      %add3A_326 = arith.addf %add3A_318, %add3A_325 : f32
      scf.yield %add3A_326 : f32
    }
    %scan3A_33 = arith.constant 8 : i32
    %broadcast_in_dim3A = arith.constant 0.000000e+00 : f32
    %broadcast_in_dim3A_34 = vector.broadcast %broadcast_in_dim3A : f32 to vector<16xf32>
    %add3A_35 = vector.broadcast %scan3A_32 : f32 to vector<16xf32>
    %add3A_36 = arith.addf %broadcast_in_dim3A_34, %add3A_35 : vector<16xf32>
    %swap3A = arith.constant 0 : index
    %swap3A_37 = tpu.vector_load %arg12[%swap3A] {strides = array<i32>} : memref<16xf32, #tpu.memory_space<vmem>>, vector<16xf32>,
    tpu.vector_store %arg12[%swap3A], %add3A_36 {strides = array<i32>} : memref<16xf32, #tpu.memory_space<vmem>>, vector<16xf32>,
    "tpu.region"() ({
      %run_scoped3A = tpu.sem_alloc : memref<!tpu.dma_semaphore, #tpu.memory_space<semaphore_mem>>
      %dma_start3A = arith.constant 0 : i32
      %dma_start3A_38 = tpu.memref_slice %arg5[%add3A, %dma_start3A] : memref<32x16xf32, #tpu.memory_space<hbm>> -> memref<1x16xf32, #tpu.memory_space<hbm>>
      %dma_start3A_39 = tpu.memref_squeeze %dma_start3A_38 : memref<1x16xf32, #tpu.memory_space<hbm>> -> memref<16xf32, #tpu.memory_space<hbm>>
      %dma_start3A_40 = arith.constant 0 : i32
      %dma_start3A_41 = tpu.memref_slice %arg5[%add3A, %dma_start3A_40] : memref<32x16xf32, #tpu.memory_space<hbm>> -> memref<1x16xf32, #tpu.memory_space<hbm>>
      %dma_start3A_42 = tpu.memref_squeeze %dma_start3A_41 : memref<1x16xf32, #tpu.memory_space<hbm>> -> memref<16xf32, #tpu.memory_space<hbm>>
      tpu.enqueue_dma source(%arg12 : memref<16xf32, #tpu.memory_space<vmem>>) target(%dma_start3A_42 : memref<16xf32, #tpu.memory_space<hbm>>) target_semaphore(%run_scoped3A : memref<!tpu.dma_semaphore, #tpu.memory_space<semaphore_mem>>)
      %dma_wait3A = arith.constant 0 : i32
      %dma_wait3A_43 = tpu.memref_slice %arg5[%add3A, %dma_wait3A] : memref<32x16xf32, #tpu.memory_space<hbm>> -> memref<1x16xf32, #tpu.memory_space<hbm>>
      %dma_wait3A_44 = tpu.memref_squeeze %dma_wait3A_43 : memref<1x16xf32, #tpu.memory_space<hbm>> -> memref<16xf32, #tpu.memory_space<hbm>>
      %dma_wait3A_45 = arith.constant 0 : i32
      %dma_wait3A_46 = tpu.memref_slice %arg5[%add3A, %dma_wait3A_45] : memref<32x16xf32, #tpu.memory_space<hbm>> -> memref<1x16xf32, #tpu.memory_space<hbm>>
      %dma_wait3A_47 = tpu.memref_squeeze %dma_wait3A_46 : memref<1x16xf32, #tpu.memory_space<hbm>> -> memref<16xf32, #tpu.memory_space<hbm>>
      tpu.wait_dma2 semaphore(%run_scoped3A : memref<!tpu.dma_semaphore, #tpu.memory_space<semaphore_mem>>) src(%arg12 : memref<16xf32, #tpu.memory_space<vmem>>) dst(%dma_wait3A_47 : memref<16xf32, #tpu.memory_space<hbm>>)
      tpu.yield
    }) : () -> ()
    return
  }
}

module attributes {stable_mosaic.version = 14 : i64} {
  func.func @_finish_body(%arg0: memref<32x16xf32, #tpu.memory_space<vmem>>, %arg1: memref<1x1xf32, #tpu.memory_space<vmem>>, %arg2: memref<1x1xf32, #tpu.memory_space<vmem>>) attributes {dimension_semantics = [], scalar_prefetch = 0 : i64, scratch_operands = 0 : i64, tpu.core_type = #tpu.core_type<tc>} {
    %get3A = arith.constant 0 : index
    %get3A_0 = arith.constant 0 : index
    %get3A_1 = vector.load %arg0[%get3A, %get3A_0] : memref<32x16xf32, #tpu.memory_space<vmem>>, vector<32x1xf32>
    %reduce_sum3A = vector.shape_cast %get3A_1 : vector<32x1xf32> to vector<1x32x1xf32>
    %reduce_sum3A_2 = arith.constant dense<0.000000e+00> : vector<1xf32>
    %reduce_sum3A_3 = vector.multi_reduction <add>, %reduce_sum3A, %reduce_sum3A_2 [1, 2] : vector<1x32x1xf32> to vector<1xf32>
    %reduce_sum3A_4 = vector.shape_cast %reduce_sum3A_3 : vector<1xf32> to vector<1x1x1xf32>
    %reduce_sum3A_5 = vector.extract %reduce_sum3A_4[0, 0, 0] : f32 from vector<1x1x1xf32>
    %broadcast_in_dim3A = vector.broadcast %reduce_sum3A_5 : f32 to vector<1x1xf32>
    %div3A = arith.constant 4.096000e+03 : f32
    %div3A_6 = vector.broadcast %div3A : f32 to vector<1x1xf32>
    %div3A_7 = arith.divf %broadcast_in_dim3A, %div3A_6 : vector<1x1xf32>
    %get3A_8 = arith.constant 0 : index
    %get3A_9 = arith.constant 0 : index
    %get3A_10 = vector.load %arg1[%get3A_8, %get3A_9] : memref<1x1xf32, #tpu.memory_space<vmem>>, vector<1x1xf32>
    %neg3A = arith.constant 0.000000e+00 : f32
    %neg3A_11 = vector.broadcast %neg3A : f32 to vector<1x1xf32>
    %neg3A_12 = arith.subf %neg3A_11, %get3A_10 : vector<1x1xf32>
    %max3A = arith.constant 0.000000e+00 : f32
    %max3A_13 = vector.broadcast %max3A : f32 to vector<1x1xf32>
    %max3A_14 = arith.maximumf %neg3A_12, %max3A_13 : vector<1x1xf32>
    %mul3A = arith.constant 1.000000e-01 : f32
    %mul3A_15 = vector.broadcast %mul3A : f32 to vector<1x1xf32>
    %mul3A_16 = arith.mulf %mul3A_15, %max3A_14 : vector<1x1xf32>
    %add3A = arith.addf %div3A_7, %mul3A_16 : vector<1x1xf32>
    %swap3A = arith.constant 0 : index
    %swap3A_17 = arith.constant 0 : index
    %swap3A_18 = vector.load %arg2[%swap3A, %swap3A_17] : memref<1x1xf32, #tpu.memory_space<vmem>>, vector<1x1xf32>
    tpu.vector_store %arg2[%swap3A, %swap3A_17], %add3A {strides = array<i32>} : memref<1x1xf32, #tpu.memory_space<vmem>>, vector<1x1xf32>,
    return
  }
}

</mosaic_0001>

<sc_bundles>
// kernel: kernel.4.cloned.1.call-start
scs
__scs_entry_jumppad:
0x0: {  	(pc) =	sbr.rel $0x88, $3  }
0x1: {  	(tag) =	ssettag $0x0;
	lr =	simm.s32 $0x1  }
0x2: {  	[smem:$0x3F9D] =	sst lr;
	_ =	strace $0xD0000000  }
0x3: {  	_ = 	snop  }
0x4: {  	_ = 	snop  }
0x5: {  	_ = 	snop  }
0x6: {  	_ = 	snop  }
0x7: {  	_ = 	snop  }
__scs_overlays_trampoline_lowered:
0x8: {  	[smem:$0x3FAC] =	sst s0  }
0x9: {  	[smem:$0x3FAD] =	sst s1  }
0xa: {  	[smem:$0x3FAE] =	sst s2  }
0xb: {  	[smem:$0x3FAF] =	sst s3  }
0xc: {  	[smem:$0x3FB0] =	sst s4  }
0xd: {  	[smem:$0x3FB1] =	sst s5  }
0xe: {  	[smem:$0x3FB2] =	sst s6  }
0xf: {  	[smem:$0x3FB3] =	sst s7  }
0x10: {  	[smem:$0x3FB4] =	sst s8  }
0x11: {  	[smem:$0x3FB5] =	sst s9;
	s0 =	simm.s32 @!p0 $0x0  }
0x12: {  	s1 =	sld [smem:$0x3F9B];
	s0 =	simm.s32 @p0 $0x1  }
0x13: {  	[smem:$0x3FB6] =	sst s0;
	s0 =	simm.s32 @!p1 $0x0  }
0x14: {  	s2 =	sld [smem:$0x3F9A];
	s0 =	simm.s32 @p1 $0x1  }
0x15: {  	[smem:$0x3FB7] =	sst s0;
	s0 =	simm.s32 @!p2 $0x0  }
0x16: {  	s3 =	sld [smem:$0x3FDB];
	s0 =	simm.s32 @p2 $0x1  }
0x17: {  	s4 =	simm.s32 $0x1BF5;
	[smem:$0x3FB9] =	sst s0  }
0x18: {  	s0 =	sld [smem:$0x3F9C];
	_ =	swait.ge [sflag:s4], $0x0  }
0x19: {  	s7 =	sld [smem:$0x3F9D]  }
0x1a: {  	s8 =	sadd.s32 $0xFFFFE003, lr  }
0x1b: {  	s9 =	sadd.s32 $0xFFFFFEF7, lr;
	s5 =	simm.s32 $0xFFFFFFFF;
	p2 =	slt.u32 s8, $0xFFFFF086  }
0x1c: {  	p1 =	slt.u32 s9, $0xF7A;
	s5 =	simm.s32 @!p2 $0x0  }
0x1d: {  	s5 =	simm.s32 @p1 $0x1;
	p0 =	seq.s32 s7, s2  }
0x1e: {  	s7 =	smul.u32 @!p0 $0xF7A, s2;
	p2 =	seq.s32 @!p0 s5, $0x0  }
0x1f: {  	s9 =	smul.u32 $0xF7A, s1;
	s8 =	simm.s32 @!p0 $0x1BF5;
	p2 =	por !p2, p0  }
0x20: {  	[sflag:s8] =	ssyncset.s32 @!p0 $0xFFFFF086;
	s6 =	sadd.s32 @!p0 s3, s7;
	s7 =	simm.s32 @!p0 $0x108  }
0x21: {  	s3 =	sadd.s32 s3, s9;
	s6 =	sadd.s32 @!p0 $0x88, s6;
	s7 =	simm.s32 @p2 $0x1082  }
0x22: {  	[simem:s7], [sflag:s8] =	dma.local @!p0 [hbm:s6], $0xF7A  }
0x23: {  	s9 =	sor.u32 $0xD0000000, s2;
	s6 =	simm.s32 $0x108;
	_ =	swait.ge @!p0 [sflag:s8], $0x0  }
0x24: {  	s3 =	sadd.s32 $0x88, s3;
	s6 =	simm.s32 @!p1 $0x1082;
	[sflag:s4] =	ssyncset.s32 $0xFFFFF086  }
0x25: {  	[simem:s6], [sflag:s4] =	dma.local [hbm:s3], $0xF7A  }
0x26: {  	[smem:$0x3F9D] =	sst s1;
	(tag) =	ssettag s2;
	_ =	strace s9  }
0x27: {  	s1 =	sld [smem:$0x3FAD]  }
0x28: {  	s2 =	sld [smem:$0x3FAE]  }
0x29: {  	s4 =	sld [smem:$0x3FB0]  }
0x2a: {  	p0 =	seq.s32 s5, $0x0;
	s5 =	sld [smem:$0x3FB1]  }
0x2b: {  	s6 =	sld [smem:$0x3FB2]  }
0x2c: {  	s7 =	sld [smem:$0x3FB3]  }
0x2d: {  	s3 =	simm.s32 $0x108;
	s8 =	sld [smem:$0x3FB4]  }
0x2e: {  	s3 =	simm.s32 @!p0 $0x1082;
	s9 =	sld [smem:$0x3FB5]  }
0x2f: {  	lr =	sadd.s32 s0, s3;
	s0 =	sld [smem:$0x3FAC]  }
0x30: {  	s3 =	sld [smem:$0x3FAF]  }
0x31: {  	[smem:$0x3FB8] =	sst s10  }
0x32: {  	s10 =	sld [smem:$0x3FB6];
	_ =	sdelay $0x3  }
0x33: {  	p0 =	seq.s32 s10, $0x1;
	s10 =	sld [smem:$0x3FB8];
	_ =	sdelay $0x3  }
0x34: {  	[smem:$0x3FB8] =	sst s10  }
0x35: {  	s10 =	sld [smem:$0x3FB7];
	_ =	sdelay $0x3  }
0x36: {  	p1 =	seq.s32 s10, $0x1;
	s10 =	sld [smem:$0x3FB8];
	_ =	sdelay $0x3  }
0x37: {  	[smem:$0x3FB8] =	sst s10  }
0x38: {  	s10 =	sld [smem:$0x3FB9]  }
0x39: {  	_ = 	snop;
	(pc) =	sbr.ind lr, $3  }
0x3a: {  	_ = 	snop  }
0x3b: {  	_ = 	snop  }
0x3c: {  	p2 =	seq.s32 s10, $0x1;
	s10 =	sld [smem:$0x3FB8]  }
0x3d: {  	_ =	shalt  }
0x3e: {  	_ =	shalt  }
0x3f: {  	_ =	shalt  }
0x40: {  	_ =	shalt  }
0x41: {  	_ =	shalt  }
0x42: {  	_ =	shalt  }
0x43: {  	_ =	shalt  }
0x44: {  	_ =	shalt  }
0x45: {  	_ =	shalt  }
0x46: {  	_ =	shalt  }
0x47: {  	_ =	shalt  }
0x48: {  	_ =	shalt  }
0x49: {  	_ =	shalt  }
0x4a: {  	_ =	shalt  }
0x4b: {  	_ =	shalt  }
0x4c: {  	_ =	shalt  }
0x4d: {  	_ =	shalt  }
0x4e: {  	_ =	shalt  }
0x4f: {  	_ =	shalt  }
0x50: {  	_ =	shalt  }
0x51: {  	_ =	shalt  }
0x52: {  	_ =	shalt  }
0x53: {  	_ =	shalt  }
0x54: {  	_ =	shalt  }
0x55: {  	_ =	shalt  }
0x56: {  	_ =	shalt  }
0x57: {  	_ =	shalt  }
0x58: {  	_ =	shalt  }
0x59: {  	_ =	shalt  }
0x5a: {  	_ =	shalt  }
0x5b: {  	_ =	shalt  }
0x5c: {  	_ =	shalt  }
0x5d: {  	_ =	shalt  }
0x5e: {  	_ =	shalt  }
0x5f: {  	_ =	shalt  }
0x60: {  	_ =	shalt  }
0x61: {  	_ =	shalt  }
0x62: {  	_ =	shalt  }
0x63: {  	_ =	shalt  }
0x64: {  	_ =	shalt  }
0x65: {  	_ =	shalt  }
0x66: {  	_ =	shalt  }
0x67: {  	_ =	shalt  }
0x68: {  	_ =	shalt  }
0x69: {  	_ =	shalt  }
0x6a: {  	_ =	shalt  }
0x6b: {  	_ =	shalt  }
0x6c: {  	_ =	shalt  }
0x6d: {  	_ =	shalt  }
0x6e: {  	_ =	shalt  }
0x6f: {  	_ =	shalt  }
0x70: {  	_ =	shalt  }
0x71: {  	_ =	shalt  }
0x72: {  	_ =	shalt  }
0x73: {  	_ =	shalt  }
0x74: {  	_ =	shalt  }
0x75: {  	_ =	shalt  }
0x76: {  	_ =	shalt  }
0x77: {  	_ =	shalt  }
0x78: {  	_ =	shalt  }
0x79: {  	_ =	shalt  }
0x7a: {  	_ =	shalt  }
0x7b: {  	_ =	shalt  }
0x7c: {  	_ =	shalt  }
0x7d: {  	_ =	shalt  }
0x7e: {  	_ =	shalt  }
0x7f: {  	_ =	shalt  }
0x80: {  	_ =	shalt  }
0x81: {  	_ =	shalt  }
0x82: {  	_ =	shalt  }
0x83: {  	_ =	shalt  }
0x84: {  	_ =	shalt  }
0x85: {  	_ =	shalt  }
0x86: {  	_ =	shalt  }
0x87: {  	_ =	shalt  }
.Lfunc_end0:
.L_simem_size_0:
called_computation_lowered:
.L_overlay_start_0:
0x88: {  	s2 =	sld [smem:$0x3FD9]  }
0x89: {  	s3 =	sld [smem:$0x3FFE];
	_ =	sdelay $0x1  }
0x8a: {  	s1 =	srdreg.scid  }
0x8b: {  	s0 =	sand.u32 $0x1, s1  }
0x8c: {  	s17 =	sshll.u32 s0, $0xA;
	s2 =	sadd.s32 s3, s2  }
0x8d: {  	s2 =	sadd.s32 s2, s17  }
0x8e: {  	[smem:$0x3FC4] =	sst s2  }
0x8f: {  	_ = 	snop  }
0x90: {  	s2 =	sld [smem:$0x3FD0];
	(tm) =	ssettm $0x1  }
0x91: {  	s18 =	sld [smem:$0x3FFB];
	_ =	sdelay $0x3  }
0x92: {  	_ =	strace s18  }
0x93: {  	s3 =	sld [smem:$0x3FFC];
	_ =	sdelay $0x3  }
0x94: {  	_ =	strace s3  }
0x95: {  	s3 =	sld [smem:$0x3FFD];
	_ =	sdelay $0x3  }
0x96: {  	_ =	strace s3  }
0x97: {  	_ =	strace $0x8FFFFFFF  }
0x98: {  	s19 =	sld [smem:$0x3FDB];
	_ =	sdelay $0x1  }
0x99: {  	s4 =	simm.s32 $_scs_section_size  }
0x9a: {  	s5 =	simm.s32 $_size__tile_overlayer_lowered;
	s6 =	simm.s32 $_tile_overlayer_lowered  }
0x9b: {  	s22 =	simm.s32 $0x1BFF;
	s21 =	sshll.u32 s6, $0x1;
	s3 =	sadd.s32 s4, s19  }
0x9c: {  	s7 =	simm.s32 $0x0;
	s20 =	sshll.u32 s5, $0x1;
	s5 =	sadd.s32 s21, s3  }
0x9d: {  	[timem:s7], [sflag:s22] =	dma.local [hbm:s5], s20  }
0x9e: {  	_ =	swait.ge [sflag:s22], s20  }
0x9f: {  	s4 =	ssub.s32 $0x0, s20;
	[sflag:s22] =	ssyncset.done $0x0  }
0xa0: {  	[sflag:s22] =	ssyncadd.s32 s4;
	_ =	sdelay $0x1  }
0xa1: {  	s23 =	simm.s32 $0x1B8B  }
0xa2: {  	_ =	swait.ge [sflag:s23], $0x1  }
0xa3: {  	[sflag:s23] =	ssyncset.done $0x0  }
0xa4: {  	s25 =	simm.s32 $0x1B8E;
	s24 =	sld [smem:$0x3FFE];
	[sflag:s23] =	ssyncadd.s32 $0xFFFFFFFF  }
0xa5: {  	s26 =	simm.s32 $execute0_lowered;
	[smem:$0x3FD2] =	sst s25  }
0xa6: {  	s5 =	sshll.u32 s26, $0x1;
	_ =	strace $0x80000046;
	[dreg:$0x1] =	wrdreg $0xFFFFFFFF  }
0xa7: {  	s28 =	simm.s32 $_size_execute0_lowered;
	s3 =	sadd.s32 s3, s5;
	[dreg:$0x0] =	wrdreg $0x0  }
0xa8: {  	s5 =	sshll.u32 s28, $0x1;
	[dreg:$0x2] =	wrdreg s3  }
0xa9: {  	[dreg:$0x3] =	wrdreg s5  }
0xaa: {  	[dreg:$0x4] =	wrdreg $0xC0  }
0xab: {  	_ =	task [dreg:s7], $0x5FFFF  }
0xac: {  	[dreg:$0x1] =	wrdreg $0xFFFFFFFF  }
0xad: {  	[dreg:$0x0] =	wrdreg $0x60  }
0xae: {  	[dreg:$0x2] =	wrdreg s24  }
0xaf: {  	[dreg:$0x3] =	wrdreg s2  }
0xb0: {  	[dreg:$0x4] =	wrdreg $0x9  }
0xb1: {  	_ =	task.clear_ibuf [dreg:s7], $0x5FFFF;
	_ =	strace $0x90000046  }
0xb2: {  	s29 =	simm.s32 $0x9;
	_ =	strace $0x80000048  }
0xb3: {  	_ =	swait.ge [sflag:s29], $0x1  }
0xb4: {  	[sflag:s29] =	ssyncadd.s32 $0xFFFFFFFF  }
0xb5: {  	_ =	strace $0x90000048  }
0xb6: {  	_ =	sfence  }
0xb7: {  	s30 =	sld [smem:$0x0];
	_ =	sdelay $0x2  }
0xb8: {  	s31 =	sshll.u32 s1, $0xD;
	s1 =	sshrl.u32 s1, $0x2  }
0xb9: {  	s3 =	sand.u32 $0x4000, s31;
	s1 =	sadd.s32 s1, s30  }
0xba: {  	s0 =	sor.u32 s3, s0;
	s1 =	sshll.u32 s1, $0x11  }
0xbb: {  	s0 =	sor.u32 s1, s0  }
0xbc: {  	s0 =	sadd.s32 $0x8F2B, s0  }
0xbd: {  	[sflag:s0] =	ssyncadd.remote.s32 $0x1  }
0xbe: {  	_ =	sfence.sel $0xFFFF  }
0xbf: {  	[dreg:$0x0] =	wrdreg $0xFFFFFFFF;
	(pc) =	sbr.abs _section_cstart, $3  }
0xc0: {  	[dreg:$0x1] =	wrdreg $0xFFFFFFFF  }
0xc1: {  	_ =	task.clear_ibuf [dreg:s7], $0x2FFFF;
	_ =	strace $0x9FFFFFFF  }
0xc2: {  	(tm) =	ssettm $0x7FFFFFFF  }
0xc3: {  	_ =	shalt  }
tec
execute0_lowered:
.L_overlay_start_1:
0x0: {  	(tag) =	ssettag $0x1  }
0x1: {  	s5 =	rddreg [dreg:$0x0]  }
0x2: {  	s1 =	rddreg [dreg:$0x1]  }
0x3: {  	s0 =	rddreg [dreg:$0x2];
	s3 =	simm.s32 $0x0;
	s4 =	srdreg.scid  }
0x4: {  	s2 =	stileid.u32;
	s11 =	simm.s32 $0x1;
	s12 =	simm.s32 $0x10000  }
0x5: {  	s13 =	simm.s32 $0x10080;
	s14 =	simm.s32 $0x10100;
	s15 =	simm.s32 $0x10400  }
0x6: {  	s16 =	simm.s32 $0x0;
	[smem:$0x7FF] =	sst s3;
	s4 =	sand.u32 $0x1, s4  }
0x7: {  	s6 =	sshll.u32 s2, $0x5;
	s7 =	sshll.u32 s4, $0x4;
	s8 =	ssub.s32 $0x2, s4  }
0x8: {  	_ =	strace $0x80000047;
	s6 =	sor.u32 s7, s6;
	s31 =	sshrl.u32 s8, $0x1  }
0x9: {  	s4 =	sadd.s32 $0x1000, s5;
	s9 =	sadd.s32 s6, s5;
	s10 =	ssub.s32 s8, s31  }
0xa: {  	s5 =	sadd.s32 $0xA00, s9;
	s6 =	sadd.s32 $0xC00, s9;
	s7 =	sadd.s32 $0xE00, s9  }
0xb: {  	s8 =	sadd.s32 $0x2800, s9;
	s9 =	smax.u32 s10, $0x1;
	s10 =	simm.s32 $0x10380  }
.LBB2_1:
0xc: {  	[tilespmem:s10], [sflag:$0x1] =	stream.linear.gather [hbm4b:s1+s3], $0x80, $0x38;
	[tilespmem:$0x10480] =	vst v63  }
0xd: {  	_ =	swait.ge [sflag:s11], $0x80  }
0xe: {  	[sflag:s11] =	ssyncset.done $0x0  }
0xf: {  	[sflag:s11] =	ssyncadd.s32 $0xFFFFFF80  }
0x10: {  	[tilespmem:s3], [sflag:$0x1] =	stream.linear.gather [hbm4b:s4+s3], $0xC000, $0x38;
	[tilespmem:$0x10480] =	vst v63  }
0x11: {  	_ =	swait.ge [sflag:s11], $0xC000  }
0x12: {  	[sflag:s11] =	ssyncset.done $0x0  }
0x13: {  	[sflag:s11] =	ssyncadd.s32 $0xFFFF4000  }
0x14: {  	[tilespmem:s12], [sflag:$0x1] =	stream.linear.gather [hbm4b:s5+s3], $0x80, $0x38;
	[tilespmem:$0x10480] =	vst v63  }
0x15: {  	_ =	swait.ge [sflag:s11], $0x80  }
0x16: {  	[sflag:s11] =	ssyncset.done $0x0  }
0x17: {  	[sflag:s11] =	ssyncadd.s32 $0xFFFFFF80  }
0x18: {  	[tilespmem:s13], [sflag:$0x1] =	stream.linear.gather [hbm4b:s6+s3], $0x80, $0x38;
	[tilespmem:$0x10480] =	vst v63  }
0x19: {  	_ =	swait.ge [sflag:s11], $0x80  }
0x1a: {  	[sflag:s11] =	ssyncset.done $0x0  }
0x1b: {  	[sflag:s11] =	ssyncadd.s32 $0xFFFFFF80  }
0x1c: {  	[tilespmem:s14], [sflag:$0x1] =	stream.linear.gather [hbm4b:s7+s3], $0x80, $0x38;
	[tilespmem:$0x10480] =	vst v63  }
0x1d: {  	_ =	swait.ge [sflag:s11], $0x80  }
0x1e: {  	[sflag:s11] =	ssyncset.done $0x0  }
0x1f: {  	[sflag:s11] =	ssyncadd.s32 $0xFFFFFF80  }
0x20: {  	v0 =	vld [tilespmem:$0x10380];
	_ =	sdelay $0x4  }
0x21: {  	v1 =	vmul.f32 $1.442695020e+00, v0;
	_ =	sdelay $0x1  }
0x22: {  	(erf) = vpow2.f32 v1;
	_ =	sdelay $0x5  }
0x23: {  	s18 =	simm.s32 $0x0  }
0x24: {  	v3 =	vld [tilespmem:s18+$0x10100]  }
0x25: {  	v4 =	vld [tilespmem:s18+$0x10000]  }
0x26: {  	v5 =	vld [tilespmem:s18+$0x10080];
	v1 =	vpop (erf)  }
0x27: {  	s17 =	simm.s32 $0x10;
	v2 =	vbroadcast v1, $0x0  }
0x28: {  	v9 =	vld [tilespmem:s17+$0x10100]  }
0x29: {  	v1 =	vbroadcast v0, $0x3;
	v6 =	vmul.f32 v3, v2  }
0x2a: {  	v3 =	vbroadcast v0, $0x1;
	v4 =	vmul.f32 v4, v2  }
0x2b: {  	v0 =	vbroadcast v0, $0x2;
	v5 =	vmul.f32 v5, v2;
	v6 =	vadd.f32 v6, v1  }
0x2c: {  	v4 =	vadd.f32 v4, v3  }
0x2d: {  	v9 =	vmul.f32 v9, v2;
	v5 =	vadd.f32 v5, v0;
	v7 =	vshrl.u32 v6, $0x10  }
0x2e: {  	v8 =	vmul.f32 v6, v6;
	v10 =	vshrl.u32 v4, $0x10;
	v11 =	vmul.f32 v4, v4  }
0x2f: {  	v12 =	vld [tilespmem:s17+$0x10000];
	v13 =	vshrl.u32 v5, $0x10;
	v14 =	vmul.f32 v5, v5;
	v7 =	vand.u32 $0x1, v7  }
0x30: {  	v10 =	vand.u32 $0x1, v10;
	v13 =	vand.u32 $0x1, v13;
	v6 =	vadd.s32 v7, v6;
	v7 =	vld [tilespmem:s17+$0x10080]  }
0x31: {  	v4 =	vadd.s32 v10, v4;
	v5 =	vadd.s32 v13, v5;
	v6 =	vadd.s32 $0x7FFF, v6  }
0x32: {  	v10 =	vadd.f32 v14, v11;
	v4 =	vadd.s32 $0x7FFF, v4;
	v6 =	vand.u32 $0xFFFF0000, v6  }
0x33: {  	v5 =	vadd.s32 $0x7FFF, v5;
	v4 =	vand.u32 $0xFFFF0000, v4;
	v6 =	vmul.f32 $-2.000000000e+00, v6  }
0x34: {  	v11 =	vmul.f32 v12, v2;
	v5 =	vand.u32 $0xFFFF0000, v5;
	v4 =	vmul.f32 $-2.000000000e+00, v4  }
0x35: {  	v63 =	vmul.f32 $-2.000000000e+00, v5;
	[tilespmem:s18+$0x10280] =	vst v6;
	v7 =	vmul.f32 v7, v2;
	v6 =	vadd.f32 v9, v1  }
0x36: {  	v8 =	vadd.f32 v8, v10;
	v5 =	vadd.f32 v11, v3;
	[tilespmem:s18+$0x10180] =	vst v4  }
0x37: {  	s19 =	simm.s32 $0x20;
	s20 =	simm.s32 $0xC0;
	[tilespmem:s18+$0x10200] =	vst v63;
	v7 =	vadd.f32 v7, v0;
	v9 =	vshrl.u32 v6, $0x10;
	v4 =	vmul.f32 v6, v6  }
.LBB2_2:
0x38: {  	p0 =	sne.s32 s20, $0x1C0;
	v10 =	vld [tilespmem:s19+$0x10100];
	v11 =	vshrl.u32 v5, $0x10;
	v9 =	vand.u32 $0x1, v9;
	v12 =	vmul.f32 v5, v5;
	[tilespmem:s18+$0x10300] =	vst v8;
	s18 =	smov.u32 s17;
	s17 =	smov.u32 s19  }
0x39: {  	v8 =	vld [tilespmem:s17+$0x10000];
	v11 =	vand.u32 $0x1, v11;
	v13 =	vshrl.u32 v7, $0x10;
	v6 =	vadd.s32 v9, v6  }
0x3a: {  	v14 =	vmul.f32 v7, v7;
	v9 =	vld [tilespmem:s17+$0x10080];
	v13 =	vand.u32 $0x1, v13;
	v6 =	vadd.s32 $0x7FFF, v6  }
0x3b: {  	v5 =	vadd.s32 v11, v5;
	v7 =	vadd.s32 v13, v7;
	v6 =	vand.u32 $0xFFFF0000, v6  }
0x3c: {  	v5 =	vadd.s32 $0x7FFF, v5;
	v7 =	vadd.s32 $0x7FFF, v7;
	v6 =	vmul.f32 $-2.000000000e+00, v6  }
.Ltmp0:
0x3d: {  	v11 =	vadd.f32 v14, v12;
	v5 =	vand.u32 $0xFFFF0000, v5;
	v10 =	vmul.f32 v10, v2;
	(pc) =	sbr.rel @p0 .LBB2_2-.Ltmp0, $4  }
0x3e: {  	v12 =	vmul.f32 $-2.000000000e+00, v5;
	v5 =	vand.u32 $0xFFFF0000, v7;
	v8 =	vmul.f32 v8, v2;
	[tilespmem:s18+$0x10280] =	vst v6  }
0x3f: {  	v7 =	vmul.f32 v9, v2;
	v6 =	vadd.f32 v10, v1;
	v10 =	vmul.f32 $-2.000000000e+00, v5  }
0x40: {  	v5 =	vadd.f32 v8, v3;
	[tilespmem:s18+$0x10180] =	vst v12;
	v8 =	vadd.f32 v4, v11  }
0x41: {  	s19 =	sshra.s32 s20, $0x2;
	s20 =	sadd.s32 $0x40, s20;
	v7 =	vadd.f32 v7, v0;
	v9 =	vshrl.u32 v6, $0x10;
	v4 =	vmul.f32 v6, v6;
	[tilespmem:s18+$0x10200] =	vst v10  }
0x42: {  	v10 =	vld [tilespmem:s19+$0x10100];
	[tilespmem:s18+$0x10300] =	vst v8  }
0x43: {  	v49 =	vshrl.u32 v5, $0x10;
	v9 =	vand.u32 $0x1, v9;
	v11 =	vmul.f32 v5, v5;
	v12 =	vld [tilespmem:s19+$0x10000]  }
0x44: {  	v8 =	vand.u32 $0x1, v49;
	v13 =	vshrl.u32 v7, $0x10;
	v6 =	vadd.s32 v9, v6;
	v50 =	vld [tilespmem:s19+$0x10080]  }
0x45: {  	v14 =	vmul.f32 v7, v7;
	v13 =	vand.u32 $0x1, v13;
	v6 =	vadd.s32 $0x7FFF, v6  }
0x46: {  	v51 =	vadd.s32 v8, v5;
	v52 =	vadd.s32 v13, v7;
	v6 =	vand.u32 $0xFFFF0000, v6  }
0x47: {  	v5 =	vadd.s32 $0x7FFF, v51;
	v11 =	vadd.f32 v14, v11;
	v6 =	vmul.f32 $-2.000000000e+00, v6  }
0x48: {  	v5 =	vand.u32 $0xFFFF0000, v5;
	v53 =	vmul.f32 v10, v2;
	v54 =	vmul.f32 v12, v2  }
0x49: {  	v7 =	vadd.s32 $0x7FFF, v52;
	v5 =	vmul.f32 $-2.000000000e+00, v5;
	v2 =	vmul.f32 v50, v2  }
0x4a: {  	v7 =	vand.u32 $0xFFFF0000, v7;
	v1 =	vadd.f32 v53, v1;
	v3 =	vadd.f32 v54, v3  }
0x4b: {  	v4 =	vadd.f32 v4, v11;
	v7 =	vmul.f32 $-2.000000000e+00, v7;
	v0 =	vadd.f32 v2, v0  }
0x4c: {  	v2 =	vshrl.u32 v1, $0x10;
	v8 =	vmul.f32 v1, v1;
	v55 =	vshrl.u32 v3, $0x10  }
0x4d: {  	v2 =	vand.u32 $0x1, v2;
	v10 =	vmul.f32 v3, v3;
	v56 =	vshrl.u32 v0, $0x10  }
0x4e: {  	v57 =	vmul.f32 v0, v0;
	v9 =	vand.u32 $0x1, v55;
	v1 =	vadd.s32 v2, v1  }
0x4f: {  	[tilespmem:s17+$0x10280] =	vst v6;
	v2 =	vand.u32 $0x1, v56;
	v1 =	vadd.s32 $0x7FFF, v1;
	v3 =	vadd.s32 v9, v3  }
0x50: {  	[tilespmem:s17+$0x10180] =	vst v5;
	v0 =	vadd.s32 v2, v0;
	v1 =	vand.u32 $0xFFFF0000, v1;
	v2 =	vadd.s32 $0x7FFF, v3  }
0x51: {  	[tilespmem:s17+$0x10300] =	vst v4;
	v0 =	vadd.s32 $0x7FFF, v0;
	v1 =	vmul.f32 $-2.000000000e+00, v1;
	v2 =	vand.u32 $0xFFFF0000, v2  }
0x52: {  	[tilespmem:s17+$0x10200] =	vst v7;
	v3 =	vadd.f32 v57, v10;
	v0 =	vand.u32 $0xFFFF0000, v0;
	v2 =	vmul.f32 $-2.000000000e+00, v2  }
0x53: {  	v0 =	vmul.f32 $-2.000000000e+00, v0;
	[tilespmem:s19+$0x10280] =	vst v1  }
0x54: {  	v1 =	vadd.f32 v8, v3;
	[tilespmem:s19+$0x10180] =	vst v2  }
0x55: {  	s17 =	simm.s32 $0x0;
	[tilespmem:s19+$0x10200] =	vst v0  }
0x56: {  	s18 =	sand.u32 $0x3FF0, s17;
	[tilespmem:s19+$0x10300] =	vst v1  }
0x57: {  	v0 =	vld [tilespmem:s18+$0x4000]  }
0x58: {  	v1 =	vld [tilespmem:s17+$0x0];
	_ =	sdelay $0x1  }
0x59: {  	v2 =	vld [tilespmem:s18+$0x8000];
	_ =	sdelay $0x2  }
0x5a: {  	v3 =	vmul.f32 v1, v1;
	v58 =	vmul.f32 v0, v0  }
0x5b: {  	v59 =	vshrl.u32 v0, $0x10;
	v60 =	vshrl.u32 v1, $0x10  }
0x5c: {  	v61 =	vmul.f32 v2, v2;
	v62 =	vshrl.u32 v2, $0x10;
	v3 =	vadd.f32 v58, v3  }
0x5d: {  	v6 =	vand.u32 $0x1, v60;
	v5 =	vand.u32 $0x1, v59;
	v63 =	vand.u32 $0x1, v62  }
0x5e: {  	v1 =	vadd.s32 v6, v1;
	v0 =	vadd.s32 v5, v0;
	v3 =	vadd.f32 v61, v3  }
0x5f: {  	s19 =	simm.s32 $0xC000;
	v2 =	vadd.s32 v63, v2;
	v1 =	vadd.s32 $0x7FFF, v1;
	v0 =	vadd.s32 $0x7FFF, v0  }
0x60: {  	s20 =	simm.s32 $0x10;
	s21 =	simm.s32 $0x0;
	v2 =	vadd.s32 $0x7FFF, v2;
	v0 =	vand.u32 $0xFFFF0000, v0;
	v1 =	vand.u32 $0xFFFF0000, v1;
	[tilespmem:s19+$0x0] =	vst v3  }
.LBB2_4:
0x61: {  	p0 =	sne.s32 s20, $0x3FF0;
	[tilespmem:s21+$0x0] =	vst v1;
	v1 =	vand.u32 $0xFFFF0000, v2;
	s21 =	sadd.s32 $0x10, s21;
	s19 =	sadd.s32 $0x10, s19  }
0x62: {  	s22 =	sand.u32 $0x3FF0, s20;
	s20 =	sadd.s32 $0x10, s20;
	[tilespmem:s18+$0x4000] =	vst v0  }
0x63: {  	v0 =	vld [tilespmem:s22+$0x4000];
	[tilespmem:s18+$0x8000] =	vst v1;
	s18 =	smov.u32 s22  }
0x64: {  	v1 =	vld [tilespmem:s21+$0x0];
	_ =	sdelay $0x1  }
0x65: {  	v2 =	vld [tilespmem:s18+$0x8000];
	_ =	sdelay $0x1  }
0x66: {  	v3 =	vshrl.u32 v0, $0x10  }
0x67: {  	v5 =	vmul.f32 v0, v0;
	v4 =	vmul.f32 v1, v1;
	v6 =	vshrl.u32 v1, $0x10  }
0x68: {  	v3 =	vand.u32 $0x1, v3;
	v6 =	vand.u32 $0x1, v6  }
.Ltmp1:
0x69: {  	v4 =	vadd.f32 v5, v4;
	v5 =	vmul.f32 v2, v2;
	v1 =	vadd.s32 v6, v1;
	(pc) =	sbr.rel @p0 .LBB2_4-.Ltmp1, $4  }
0x6a: {  	v0 =	vadd.s32 v3, v0;
	v3 =	vshrl.u32 v2, $0x10;
	v1 =	vadd.s32 $0x7FFF, v1  }
0x6b: {  	v0 =	vadd.s32 $0x7FFF, v0;
	v3 =	vand.u32 $0x1, v3;
	v4 =	vadd.f32 v5, v4  }
0x6c: {  	v0 =	vand.u32 $0xFFFF0000, v0;
	v2 =	vadd.s32 v3, v2  }
0x6d: {  	v1 =	vand.u32 $0xFFFF0000, v1;
	v2 =	vadd.s32 $0x7FFF, v2;
	[tilespmem:s19+$0x0] =	vst v4  }
0x6e: {  	[tilespmem:s21+$0x0] =	vst v1  }
0x6f: {  	v63 =	vand.u32 $0xFFFF0000, v2;
	[tilespmem:s18+$0x4000] =	vst v0  }
0x70: {  	[tilespmem:s18+$0x8000] =	vst v63;
	s18 =	simm.f32 $0.0e+00  }
.LBB2_6:
0x71: {  	s20 =	sshll.u32 s17, $0x4  }
0x72: {  	v2 =	vld [tilespmem:s20+$0x10280];
	_ =	sdelay $0x2  }
0x73: {  	s19 =	simm.s32 $0x0  }
0x74: {  	v0 =	vld [tilespmem:s19+$0x8070]  }
0x75: {  	v43 =	vbroadcast v2, $0x0;
	v51 =	vbroadcast v2, $0x1  }
0x76: {  	v4 =	vbroadcast v2, $0x2;
	v5 =	vbroadcast v2, $0x3  }
0x77: {  	v6 =	vbroadcast v2, $0x4;
	v7 =	vbroadcast v2, $0x5  }
0x78: {  	v1 =	vld [tilespmem:s19+$0x8060];
	v8 =	vbroadcast v2, $0x6;
	[tilespmem:$0x1FAB0] =	vst v2;
	v2 =	vbroadcast v2, $0x7  }
0x79: {  	v33 =	vmul.f32 v0, v43;
	v3 =	vmul.f32 v0, v51  }
0x7a: {  	v29 =	vmul.f32 v0, v4;
	v34 =	vmul.f32 v0, v5  }
0x7b: {  	v35 =	vmul.f32 v0, v6;
	v36 =	vmul.f32 v0, v7  }
0x7c: {  	v9 =	vld [tilespmem:s19+$0x8050];
	v39 =	vmul.f32 v0, v8;
	v0 =	vmul.f32 v0, v2  }
0x7d: {  	v10 =	vmul.f32 v1, v43;
	v11 =	vmul.f32 v1, v51  }
0x7e: {  	v16 =	vld [tilespmem:s19+$0x8040];
	v12 =	vmul.f32 v1, v4;
	v13 =	vmul.f32 v1, v5  }
0x7f: {  	v21 =	vld [tilespmem:s19+$0xC070];
	v14 =	vmul.f32 v1, v6;
	v15 =	vmul.f32 v1, v7  }
0x80: {  	v17 =	vmul.f32 v1, v8;
	v1 =	vmul.f32 v1, v2  }
0x81: {  	v19 =	vmul.f32 v9, v51;
	v20 =	vmul.f32 v9, v4  }
0x82: {  	v22 =	vmul.f32 v9, v5;
	v23 =	vmul.f32 v9, v6  }
0x83: {  	v30 =	vld [tilespmem:s19+$0xC060];
	v24 =	vmul.f32 v9, v7;
	v26 =	vmul.f32 v16, v43  }
0x84: {  	v31 =	vld [tilespmem:s19+$0x8030];
	v27 =	vmul.f32 v16, v51;
	v28 =	vmul.f32 v16, v4;
	v33 =	vadd.f32 v33, v21  }
0x85: {  	v32 =	vmul.f32 v16, v5;
	v38 =	vadd.f32 v3, v21;
	v45 =	vadd.f32 v29, v21;
	v3 =	vld [tilespmem:s19+$0xC050]  }
0x86: {  	v41 =	vmul.f32 v16, v6;
	v46 =	vadd.f32 v34, v21;
	v50 =	vadd.f32 v35, v21  }
0x87: {  	v37 =	vmul.f32 v16, v7;
	v53 =	vadd.f32 v36, v21;
	v55 =	vadd.f32 v39, v21  }
0x88: {  	v48 =	vmul.f32 v16, v8;
	v59 =	vadd.f32 v0, v21;
	v35 =	vadd.f32 v13, v30;
	v13 =	vld [tilespmem:s19+$0xC040]  }
0x89: {  	v40 =	vmul.f32 v31, v6;
	v62 =	vadd.f32 v10, v30;
	v11 =	vadd.f32 v11, v30  }
0x8a: {  	v0 =	vmul.f32 v16, v2;
	v29 =	vadd.f32 v12, v30;
	v36 =	vadd.f32 v23, v3;
	v23 =	vld [tilespmem:s19+$0xC030]  }
0x8b: {  	v10 =	vmul.f32 v31, v43;
	v52 =	vadd.f32 v14, v30;
	v39 =	vadd.f32 v15, v30  }
0x8c: {  	v12 =	vmul.f32 v31, v51;
	v15 =	vadd.f32 v17, v30;
	v47 =	vadd.f32 v1, v30  }
0x8d: {  	v21 =	vmul.f32 v31, v5;
	v56 =	vadd.f32 v19, v3;
	v0 =	vadd.f32 v0, v13  }
0x8e: {  	v14 =	vmul.f32 v31, v4;
	v16 =	vld [tilespmem:s19+$0x8020];
	v19 =	vadd.f32 v20, v3;
	v44 =	vadd.f32 v22, v3  }
0x8f: {  	v20 =	vmul.f32 v31, v7;
	v30 =	vadd.f32 v24, v3;
	[tilespmem:$0x1FB60] =	vst v0;
	v0 =	vadd.f32 v21, v23  }
0x90: {  	v22 =	vmul.f32 v31, v8;
	v24 =	vmul.f32 v31, v2;
	v31 =	vadd.f32 v28, v13;
	v28 =	vld [tilespmem:s19+$0xC020]  }
0x91: {  	[tilespmem:$0x1FB70] =	vst v0;
	v0 =	vadd.f32 v40, v23  }
0x92: {  	v1 =	vadd.f32 v37, v13  }
0x93: {  	v61 =	vadd.f32 v27, v13;
	v27 =	vmul.f32 v16, v51;
	[tilespmem:$0x1FB80] =	vst v0;
	v0 =	vadd.f32 v20, v23  }
0x94: {  	[tilespmem:$0x1FB50] =	vst v1  }
0x95: {  	v1 =	vmul.f32 v16, v4;
	[tilespmem:$0x1FB90] =	vst v0;
	v0 =	vadd.f32 v27, v28;
	_ =	sdelay $0x1  }
0x96: {  	v49 =	vmul.f32 v16, v5;
	[tilespmem:$0x1FBA0] =	vst v0;
	v0 =	vadd.f32 v1, v28  }
0x97: {  	v57 =	vadd.f32 v26, v13;
	v60 =	vadd.f32 v32, v13;
	v32 =	vld [tilespmem:s19+$0x8010]  }
0x98: {  	v63 =	vadd.f32 v41, v13;
	v40 =	vmul.f32 v16, v8;
	[tilespmem:$0x1FBB0] =	vst v0;
	v0 =	vadd.f32 v49, v28  }
0x99: {  	v42 =	vld [tilespmem:s19+$0xC010];
	v18 =	vmul.f32 v9, v43;
	v34 =	vadd.f32 v48, v13;
	v37 =	vadd.f32 v12, v23  }
0x9a: {  	v12 =	vadd.f32 v22, v23;
	v22 =	vmul.f32 v16, v2;
	[tilespmem:$0x1FBC0] =	vst v0;
	v0 =	vadd.f32 v40, v28  }
0x9b: {  	v25 =	vmul.f32 v9, v8;
	v13 =	vadd.f32 v10, v23;
	v14 =	vadd.f32 v14, v23  }
0x9c: {  	v20 =	vadd.f32 v24, v23;
	v23 =	vmul.f32 v32, v43;
	[tilespmem:$0x1FBD0] =	vst v0;
	v0 =	vadd.f32 v22, v28  }
0x9d: {  	v9 =	vmul.f32 v9, v2;
	v54 =	vadd.f32 v18, v3  }
0x9e: {  	v25 =	vadd.f32 v25, v3;
	v48 =	vld [tilespmem:s19+$0x8000];
	v27 =	vmul.f32 v32, v51;
	[tilespmem:$0x1FBE0] =	vst v0;
	v0 =	vadd.f32 v23, v42  }
0x9f: {  	v58 =	vadd.f32 v9, v3;
	v26 =	vmul.f32 v16, v43;
	v21 =	vmul.f32 v16, v7  }
0xa0: {  	v10 =	vmul.f32 v16, v6;
	v49 =	vld [tilespmem:s19+$0xC000];
	v23 =	vmul.f32 v32, v7;
	[tilespmem:$0x1FBF0] =	vst v0;
	v0 =	vadd.f32 v27, v42  }
0xa1: {  	v26 =	vadd.f32 v26, v28;
	v41 =	vadd.f32 v21, v28;
	v27 =	vmul.f32 v32, v8  }
0xa2: {  	v21 =	vmul.f32 v32, v5;
	v24 =	vadd.f32 v10, v28;
	[tilespmem:$0x1FC00] =	vst v0;
	v0 =	vadd.f32 v23, v42  }
0xa3: {  	[tilespmem:$0x1FAC0] =	vst v43;
	v10 =	vmul.f32 v32, v4;
	v1 =	vadd.f32 v27, v42;
	v27 =	vmul.f32 v48, v4  }
0xa4: {  	v22 =	vmul.f32 v32, v6;
	v28 =	vadd.f32 v21, v42;
	v32 =	vmul.f32 v32, v2;
	[tilespmem:$0x1FC20] =	vst v0;
	v0 =	vld [tilespmem:s20+$0x10200]  }
0xa5: {  	v21 =	vmul.f32 v48, v43;
	v43 =	vmul.f32 v48, v5;
	[tilespmem:$0x1FC30] =	vst v1;
	v1 =	vadd.f32 v27, v49  }
0xa6: {  	v40 =	vadd.f32 v22, v42;
	v22 =	vmul.f32 v48, v51;
	v23 =	vadd.f32 v32, v42;
	v32 =	vld [tilespmem:s19+$0x4070]  }
0xa7: {  	v10 =	vadd.f32 v10, v42;
	v43 =	vadd.f32 v43, v49;
	[tilespmem:$0x1FC80] =	vst v1;
	v1 =	vmul.f32 v48, v8  }
0xa8: {  	[tilespmem:$0x1FAD0] =	vst v51;
	v51 =	vadd.f32 v22, v49;
	v22 =	vmul.f32 v48, v6;
	v42 =	vadd.f32 v21, v49  }
0xa9: {  	[tilespmem:$0x1FB20] =	vst v8;
	v27 =	vmul.f32 v48, v7;
	v1 =	vadd.f32 v1, v49;
	v8 =	vbroadcast v0, $0x0  }
0xaa: {  	[tilespmem:$0x1FB30] =	vst v2;
	v22 =	vadd.f32 v22, v49;
	v48 =	vmul.f32 v48, v2;
	v9 =	vbroadcast v0, $0x1  }
0xab: {  	v2 =	vadd.f32 v27, v49;
	v17 =	vbroadcast v0, $0x2;
	[tilespmem:$0x1FCF0] =	vst v1;
	v1 =	vmul.f32 v32, v8  }
0xac: {  	v27 =	vadd.f32 v48, v49;
	v18 =	vbroadcast v0, $0x3;
	v49 =	vmul.f32 v32, v9  }
0xad: {  	[tilespmem:$0x1FAF0] =	vst v5;
	v48 =	vld [tilespmem:s19+$0x4060];
	v16 =	vbroadcast v0, $0x4;
	v1 =	vadd.f32 v33, v1;
	v33 =	vmul.f32 v32, v17  }
0xae: {  	[tilespmem:$0x1FCD0] =	vst v2;
	v3 =	vbroadcast v0, $0x5;
	v49 =	vadd.f32 v38, v49;
	v38 =	vmul.f32 v32, v18  }
0xaf: {  	v2 =	vbroadcast v0, $0x6;
	v5 =	vbroadcast v0, $0x7;
	[tilespmem:$0x1FD20] =	vst v1;
	v1 =	vadd.f32 v45, v33  }
0xb0: {  	[tilespmem:$0x1FB40] =	vst v0;
	v33 =	vmul.f32 v32, v16;
	v0 =	vadd.f32 v46, v38;
	v38 =	vmul.f32 v32, v3  }
0xb1: {  	v46 =	vmul.f32 v32, v2;
	v32 =	vmul.f32 v32, v5  }
0xb2: {  	[tilespmem:$0x1FD60] =	vst v1;
	v33 =	vadd.f32 v50, v33;
	v50 =	vmul.f32 v48, v8;
	v1 =	vmul.f32 v48, v18  }
0xb3: {  	[tilespmem:$0x1FD80] =	vst v0;
	v45 =	vadd.f32 v53, v38;
	v0 =	vld [tilespmem:s19+$0x4050];
	v53 =	vadd.f32 v59, v32  }
0xb4: {  	v32 =	vadd.f32 v62, v50;
	v50 =	vadd.f32 v35, v1;
	v1 =	vmul.f32 v48, v5;
	_ =	sdelay $0x1  }
0xb5: {  	v38 =	vmul.f32 v48, v9;
	v59 =	vmul.f32 v48, v17;
	v1 =	vadd.f32 v47, v1  }
0xb6: {  	[tilespmem:$0x1FB00] =	vst v6;
	v6 =	vmul.f32 v48, v3;
	v46 =	vadd.f32 v55, v46;
	v55 =	vmul.f32 v48, v16  }
0xb7: {  	v62 =	vadd.f32 v11, v38;
	v38 =	vadd.f32 v29, v59;
	[tilespmem:$0x1FE00] =	vst v1;
	v1 =	vmul.f32 v0, v9  }
0xb8: {  	v59 =	vmul.f32 v48, v2;
	v52 =	vadd.f32 v52, v55;
	v55 =	vadd.f32 v39, v6;
	v48 =	vld [tilespmem:s19+$0x4040]  }
0xb9: {  	[tilespmem:$0x1FAE0] =	vst v4;
	v6 =	vmul.f32 v0, v8;
	v29 =	vadd.f32 v56, v1;
	v1 =	vmul.f32 v0, v3  }
0xba: {  	[tilespmem:$0x1FB10] =	vst v7;
	v4 =	vadd.f32 v15, v59;
	v7 =	vmul.f32 v0, v17;
	v39 =	vmul.f32 v0, v16  }
0xbb: {  	v21 =	vadd.f32 v54, v6;
	v6 =	vmul.f32 v0, v18;
	v1 =	vadd.f32 v30, v1  }
0xbc: {  	[tilespmem:$0x1FDF0] =	vst v4;
	v56 =	vadd.f32 v19, v7;
	v7 =	vmul.f32 v0, v2;
	v0 =	vmul.f32 v0, v5  }
0xbd: {  	v4 =	vld [tilespmem:$0x1FB50];
	v36 =	vadd.f32 v36, v39;
	[tilespmem:$0x1FE40] =	vst v1;
	v1 =	vmul.f32 v48, v8  }
0xbe: {  	v15 =	vmul.f32 v48, v9;
	v54 =	vadd.f32 v58, v0;
	v0 =	vmul.f32 v48, v18  }
0xbf: {  	v59 =	vmul.f32 v48, v17;
	v39 =	vadd.f32 v25, v7;
	v25 =	vadd.f32 v57, v1  }
0xc0: {  	v1 =	vmul.f32 v48, v16;
	v57 =	vadd.f32 v60, v0;
	v0 =	vmul.f32 v48, v3  }
0xc1: {  	v6 =	vadd.f32 v44, v6;
	v44 =	vadd.f32 v61, v15;
	v15 =	vmul.f32 v48, v2  }
0xc2: {  	v30 =	vadd.f32 v63, v1;
	v1 =	vmul.f32 v48, v5;
	v48 =	vadd.f32 v4, v0;
	v4 =	vld [tilespmem:$0x1FB60]  }
0xc3: {  	v11 =	vld [tilespmem:s19+$0x4030];
	_ =	sdelay $0x3  }
0xc4: {  	v35 =	vadd.f32 v31, v59;
	v31 =	vadd.f32 v4, v1;
	v4 =	vld [tilespmem:$0x1FB70]  }
0xc5: {  	v19 =	vmul.f32 v11, v8;
	v0 =	vmul.f32 v11, v9;
	_ =	sdelay $0x1  }
0xc6: {  	v63 =	vadd.f32 v13, v19;
	v19 =	vadd.f32 v37, v0;
	v0 =	vmul.f32 v11, v18;
	_ =	sdelay $0x1  }
0xc7: {  	v47 =	vadd.f32 v34, v15;
	v34 =	vadd.f32 v4, v0;
	v0 =	vld [tilespmem:$0x1FB80]  }
0xc8: {  	v4 =	vld [tilespmem:$0x1FB90]  }
0xc9: {  	v1 =	vmul.f32 v11, v17  }
0xca: {  	v13 =	vmul.f32 v11, v16  }
0xcb: {  	v15 =	vld [tilespmem:s19+$0x4020];
	v59 =	vadd.f32 v14, v1;
	v1 =	vmul.f32 v11, v3  }
0xcc: {  	v37 =	vadd.f32 v0, v13;
	v0 =	vmul.f32 v11, v5  }
0xcd: {  	v14 =	vmul.f32 v11, v2;
	v58 =	vadd.f32 v4, v1;
	v4 =	vld [tilespmem:$0x1FBA0]  }
0xce: {  	v0 =	vadd.f32 v20, v0  }
0xcf: {  	v1 =	vadd.f32 v12, v14  }
0xd0: {  	[tilespmem:$0x1FE60] =	vst v0;
	v0 =	vmul.f32 v15, v9  }
0xd1: {  	[tilespmem:$0x1FE50] =	vst v1;
	v1 =	vmul.f32 v15, v8  }
0xd2: {  	v0 =	vadd.f32 v4, v0;
	v4 =	vld [tilespmem:$0x1FBC0]  }
0xd3: {  	v1 =	vadd.f32 v26, v1;
	_ =	sdelay $0x1  }
0xd4: {  	[tilespmem:$0x1FE70] =	vst v1;
	v1 =	vmul.f32 v15, v18;
	_ =	sdelay $0x1  }
0xd5: {  	v13 =	vmul.f32 v15, v16;
	[tilespmem:$0x1FE80] =	vst v0;
	v0 =	vld [tilespmem:$0x1FBB0];
	v1 =	vadd.f32 v4, v1  }
0xd6: {  	v7 =	vld [tilespmem:$0x1FBD0]  }
0xd7: {  	[tilespmem:$0x1FEA0] =	vst v1;
	v1 =	vadd.f32 v24, v13  }
0xd8: {  	v12 =	vmul.f32 v15, v17  }
0xd9: {  	[tilespmem:$0x1FEB0] =	vst v1;
	v1 =	vmul.f32 v15, v2  }
0xda: {  	v0 =	vadd.f32 v0, v12  }
0xdb: {  	v1 =	vadd.f32 v7, v1;
	v7 =	vld [tilespmem:$0x1FBE0]  }
0xdc: {  	[tilespmem:$0x1FE90] =	vst v0;
	v0 =	vmul.f32 v15, v3;
	_ =	sdelay $0x1  }
0xdd: {  	v24 =	vadd.f32 v41, v0;
	v0 =	vmul.f32 v15, v5;
	_ =	sdelay $0x1  }
0xde: {  	v11 =	vld [tilespmem:s19+$0x4010];
	v0 =	vadd.f32 v7, v0;
	_ =	sdelay $0x1  }
0xdf: {  	[tilespmem:$0x1FED0] =	vst v0;
	v0 =	vld [tilespmem:$0x1FBF0];
	_ =	sdelay $0x2  }
0xe0: {  	v4 =	vmul.f32 v11, v8;
	_ =	sdelay $0x1  }
0xe1: {  	v0 =	vadd.f32 v0, v4;
	v4 =	vld [tilespmem:$0x1FC00];
	_ =	sdelay $0x2  }
0xe2: {  	[tilespmem:$0x1FEC0] =	vst v1;
	v1 =	vmul.f32 v11, v9;
	_ =	sdelay $0x1  }
0xe3: {  	v13 =	vmul.f32 v11, v17;
	v1 =	vadd.f32 v4, v1;
	_ =	sdelay $0x1  }
0xe4: {  	[tilespmem:$0x1FEF0] =	vst v1;
	v1 =	vadd.f32 v10, v13  }
0xe5: {  	[tilespmem:$0x1FEE0] =	vst v0;
	v0 =	vmul.f32 v11, v18  }
0xe6: {  	v7 =	vld [tilespmem:$0x1FC20];
	[tilespmem:$0x1FF10] =	vst v1;
	v1 =	vmul.f32 v11, v16  }
0xe7: {  	v0 =	vadd.f32 v28, v0  }
0xe8: {  	v1 =	vadd.f32 v40, v1  }
0xe9: {  	v12 =	vld [tilespmem:s19+$0x4000];
	[tilespmem:$0x1FF30] =	vst v0;
	v0 =	vmul.f32 v11, v3  }
0xea: {  	[tilespmem:$0x1FF40] =	vst v1;
	v1 =	vmul.f32 v11, v5  }
0xeb: {  	v0 =	vadd.f32 v7, v0;
	v7 =	vld [tilespmem:$0x1FC80]  }
0xec: {  	v1 =	vadd.f32 v23, v1;
	_ =	sdelay $0x1  }
0xed: {  	[tilespmem:$0x1FF80] =	vst v1;
	v1 =	vmul.f32 v12, v17;
	_ =	sdelay $0x1  }
0xee: {  	[tilespmem:$0x1FC90] =	vst v3;
	v1 =	vadd.f32 v7, v1  }
0xef: {  	[tilespmem:$0x1FF50] =	vst v0;
	v0 =	vld [tilespmem:$0x1FC30]  }
0xf0: {  	[tilespmem:$0x1FF90] =	vst v1;
	v1 =	vmul.f32 v12, v3;
	v3 =	vld [tilespmem:$0x1FCD0];
	_ =	sdelay $0x1  }
0xf1: {  	v13 =	vmul.f32 v11, v2;
	_ =	sdelay $0x1  }
0xf2: {  	v0 =	vadd.f32 v0, v13  }
0xf3: {  	v1 =	vadd.f32 v3, v1  }
0xf4: {  	v4 =	vld [tilespmem:s20+$0x10180];
	[tilespmem:$0x1FF70] =	vst v0  }
0xf5: {  	v0 =	vmul.f32 v12, v9;
	[tilespmem:$0x1FCE0] =	vst v1;
	v1 =	vld [tilespmem:$0x1FCF0];
	_ =	sdelay $0x1  }
0xf6: {  	[tilespmem:$0x1FC10] =	vst v8;
	v10 =	vmul.f32 v12, v8;
	v8 =	vmul.f32 v12, v18;
	v13 =	vadd.f32 v51, v0;
	v0 =	vld [tilespmem:s19+$0x70]  }
0xf7: {  	v14 =	vmul.f32 v12, v2  }
0xf8: {  	[tilespmem:$0x1FCA0] =	vst v2;
	v2 =	vadd.f32 v43, v8;
	v3 =	vld [tilespmem:$0x1FD20]  }
0xf9: {  	v26 =	vbroadcast v4, $0x0;
	v1 =	vadd.f32 v1, v14  }
0xfa: {  	[tilespmem:$0x1FCB0] =	vst v2  }
0xfb: {  	v2 =	vmul.f32 v12, v5;
	[tilespmem:$0x1FD00] =	vst v1;
	v1 =	vmul.f32 v0, v26;
	_ =	sdelay $0x1  }
0xfc: {  	v28 =	vbroadcast v4, $0x1;
	v2 =	vadd.f32 v27, v2;
	v1 =	vadd.f32 v3, v1;
	v3 =	vld [tilespmem:$0x1FD60]  }
0xfd: {  	v41 =	vbroadcast v4, $0x3;
	v40 =	vbroadcast v4, $0x2  }
0xfe: {  	v43 =	vbroadcast v4, $0x5;
	[tilespmem:$0x1FD10] =	vst v2;
	v2 =	vmul.f32 v0, v28  }
0xff: {  	v11 =	vadd.f32 v42, v10;
	v42 =	vbroadcast v4, $0x4;
	[tilespmem:$0x1FD30] =	vst v1;
	v1 =	vmul.f32 v0, v40  }
0x100: {  	v10 =	vmul.f32 v12, v16;
	v51 =	vbroadcast v4, $0x6;
	v2 =	vadd.f32 v49, v2  }
0x101: {  	v7 =	vbroadcast v4, $0x7;
	v12 =	vmul.f32 v0, v42;
	v1 =	vadd.f32 v3, v1  }
0x102: {  	v8 =	vadd.f32 v22, v10;
	v10 =	vld [tilespmem:s19+$0x60];
	[tilespmem:$0x1FD50] =	vst v2;
	v2 =	vmul.f32 v0, v41;
	v14 =	vmul.f32 v0, v51  }
0x103: {  	[tilespmem:$0x1FD70] =	vst v1;
	v1 =	vmul.f32 v0, v43;
	v0 =	vmul.f32 v0, v7;
	_ =	sdelay $0x1  }
0x104: {  	v0 =	vadd.f32 v53, v0;
	_ =	sdelay $0x1  }
0x105: {  	[tilespmem:$0x1FDB0] =	vst v0;
	v0 =	vmul.f32 v10, v28;
	_ =	sdelay $0x1  }
0x106: {  	v15 =	vmul.f32 v10, v42;
	v3 =	vld [tilespmem:$0x1FD80];
	v0 =	vadd.f32 v62, v0  }
0x107: {  	v45 =	vadd.f32 v45, v1;
	v1 =	vmul.f32 v10, v26  }
0x108: {  	[tilespmem:$0x1FDD0] =	vst v0;
	v0 =	vadd.f32 v52, v15  }
0x109: {  	v1 =	vadd.f32 v32, v1  }
0x10a: {  	v60 =	vadd.f32 v46, v14;
	v14 =	vmul.f32 v10, v40;
	[tilespmem:$0x1FDE0] =	vst v0;
	v0 =	vld [tilespmem:$0x1FDF0]  }
0x10b: {  	v2 =	vadd.f32 v3, v2;
	[tilespmem:$0x1FDC0] =	vst v1;
	v1 =	vmul.f32 v10, v41  }
0x10c: {  	v49 =	vadd.f32 v38, v14;
	v14 =	vmul.f32 v10, v43  }
0x10d: {  	[tilespmem:$0x1FD90] =	vst v2;
	v2 =	vadd.f32 v33, v12;
	v12 =	vld [tilespmem:s19+$0x50];
	v62 =	vadd.f32 v50, v1;
	v1 =	vmul.f32 v10, v51;
	_ =	sdelay $0x1  }
0x10e: {  	v50 =	vadd.f32 v55, v14;
	v55 =	vadd.f32 v0, v1;
	v0 =	vld [tilespmem:$0x1FE00];
	_ =	sdelay $0x2  }
0x10f: {  	[tilespmem:$0x1FC70] =	vst v16;
	v10 =	vmul.f32 v10, v7;
	v16 =	vmul.f32 v12, v40  }
0x110: {  	v1 =	vmul.f32 v12, v28  }
0x111: {  	v61 =	vadd.f32 v0, v10;
	v10 =	vmul.f32 v12, v41;
	v0 =	vadd.f32 v56, v16;
	_ =	sdelay $0x1  }
0x112: {  	v33 =	vadd.f32 v29, v1;
	v1 =	vmul.f32 v12, v42;
	[tilespmem:$0x1FE10] =	vst v0;
	v0 =	vadd.f32 v6, v10;
	_ =	sdelay $0x1  }
0x113: {  	[tilespmem:$0x1FE20] =	vst v0;
	v0 =	vadd.f32 v36, v1  }
0x114: {  	v15 =	vld [tilespmem:s19+$0x40]  }
0x115: {  	[tilespmem:$0x1FE30] =	vst v0;
	v0 =	vld [tilespmem:$0x1FE40];
	_ =	sdelay $0x1  }
0x116: {  	v14 =	vmul.f32 v12, v26  }
0x117: {  	[tilespmem:$0x1FCC0] =	vst v5;
	v5 =	vmul.f32 v12, v43;
	v6 =	vmul.f32 v12, v51  }
0x118: {  	v32 =	vadd.f32 v21, v14;
	v10 =	vmul.f32 v12, v7  }
0x119: {  	v36 =	vadd.f32 v39, v6;
	v6 =	vld [tilespmem:s19+$0x30];
	v46 =	vadd.f32 v0, v5;
	v5 =	vmul.f32 v15, v28  }
0x11a: {  	v12 =	vmul.f32 v15, v26;
	v39 =	vadd.f32 v54, v10;
	v10 =	vmul.f32 v15, v40  }
0x11b: {  	v3 =	vmul.f32 v15, v41;
	v56 =	vadd.f32 v44, v5;
	v5 =	vmul.f32 v15, v42  }
0x11c: {  	v53 =	vadd.f32 v25, v12;
	v12 =	vmul.f32 v15, v51;
	v35 =	vadd.f32 v35, v10  }
0x11d: {  	[tilespmem:$0x1FC40] =	vst v9;
	v10 =	vmul.f32 v15, v43;
	v30 =	vadd.f32 v30, v5;
	v5 =	vmul.f32 v15, v7  }
0x11e: {  	[tilespmem:$0x1FD40] =	vst v4;
	v29 =	vadd.f32 v57, v3;
	v4 =	vmul.f32 v6, v26;
	v9 =	vmul.f32 v6, v40;
	v0 =	vld [tilespmem:$0x1FE50]  }
0x11f: {  	v3 =	vadd.f32 v47, v12;
	v47 =	vadd.f32 v31, v5;
	v5 =	vmul.f32 v6, v28  }
0x120: {  	v14 =	vadd.f32 v63, v4;
	v4 =	vmul.f32 v6, v41;
	v59 =	vadd.f32 v59, v9  }
0x121: {  	v9 =	vmul.f32 v6, v51;
	v15 =	vadd.f32 v19, v5;
	v5 =	vmul.f32 v6, v43  }
0x122: {  	v63 =	vadd.f32 v34, v4  }
0x123: {  	v4 =	vadd.f32 v58, v5;
	v5 =	vadd.f32 v0, v9;
	v0 =	vld [tilespmem:$0x1FE60];
	_ =	sdelay $0x2  }
0x124: {  	v16 =	vld [tilespmem:s19+$0x20];
	v25 =	vadd.f32 v48, v10;
	v10 =	vmul.f32 v6, v42;
	v6 =	vmul.f32 v6, v7;
	_ =	sdelay $0x1  }
0x125: {  	v6 =	vadd.f32 v0, v6;
	v0 =	vld [tilespmem:$0x1FE70];
	_ =	sdelay $0x2  }
0x126: {  	v31 =	vadd.f32 v37, v10;
	v10 =	vmul.f32 v16, v26;
	_ =	sdelay $0x1  }
0x127: {  	v21 =	vadd.f32 v0, v10;
	v0 =	vld [tilespmem:$0x1FE80];
	_ =	sdelay $0x1  }
0x128: {  	v1 =	vld [tilespmem:$0x1FEA0]  }
0x129: {  	v9 =	vmul.f32 v16, v28;
	_ =	sdelay $0x1  }
0x12a: {  	v10 =	vmul.f32 v16, v41;
	v22 =	vadd.f32 v0, v9;
	v0 =	vld [tilespmem:$0x1FE90];
	_ =	sdelay $0x1  }
0x12b: {  	v10 =	vadd.f32 v1, v10;
	v1 =	vld [tilespmem:$0x1FEB0]  }
0x12c: {  	v12 =	vmul.f32 v16, v40;
	_ =	sdelay $0x1  }
0x12d: {  	v9 =	vadd.f32 v0, v12;
	v12 =	vmul.f32 v16, v42;
	_ =	sdelay $0x1  }
0x12e: {  	v12 =	vadd.f32 v1, v12;
	v1 =	vld [tilespmem:$0x1FEC0];
	_ =	sdelay $0x2  }
0x12f: {  	[tilespmem:$0x1FC60] =	vst v18;
	v18 =	vmul.f32 v16, v51;
	_ =	sdelay $0x1  }
0x130: {  	v37 =	vadd.f32 v1, v18;
	v1 =	vld [tilespmem:$0x1FED0];
	_ =	sdelay $0x2  }
0x131: {  	[tilespmem:$0x1FC50] =	vst v17;
	v20 =	vld [tilespmem:s19+$0x10];
	v17 =	vmul.f32 v16, v43;
	v16 =	vmul.f32 v16, v7;
	_ =	sdelay $0x1  }
0x132: {  	v58 =	vadd.f32 v1, v16;
	v1 =	vld [tilespmem:$0x1FEE0];
	_ =	sdelay $0x2  }
0x133: {  	v19 =	vmul.f32 v20, v26;
	_ =	sdelay $0x1  }
0x134: {  	v23 =	vadd.f32 v1, v19;
	v1 =	vld [tilespmem:$0x1FEF0];
	_ =	sdelay $0x2  }
0x135: {  	v57 =	vadd.f32 v24, v17;
	v17 =	vmul.f32 v20, v28;
	_ =	sdelay $0x1  }
0x136: {  	v24 =	vadd.f32 v1, v17;
	v1 =	vld [tilespmem:$0x1FF10];
	_ =	sdelay $0x2  }
0x137: {  	v16 =	vmul.f32 v20, v40;
	_ =	sdelay $0x1  }
0x138: {  	v17 =	vadd.f32 v1, v16;
	v1 =	vld [tilespmem:$0x1FF30];
	_ =	sdelay $0x2  }
0x139: {  	v0 =	vld [tilespmem:s19+$0x0];
	v18 =	vmul.f32 v20, v41;
	_ =	sdelay $0x1  }
0x13a: {  	v18 =	vadd.f32 v1, v18;
	v1 =	vld [tilespmem:$0x1FF40];
	_ =	sdelay $0x2  }
0x13b: {  	v19 =	vmul.f32 v0, v26;
	v16 =	vmul.f32 v20, v42;
	_ =	sdelay $0x1  }
0x13c: {  	v27 =	vadd.f32 v11, v19;
	v19 =	vadd.f32 v1, v16;
	v1 =	vld [tilespmem:$0x1FF50];
	_ =	sdelay $0x2  }
0x13d: {  	v11 =	vmul.f32 v20, v43;
	_ =	sdelay $0x1  }
0x13e: {  	v11 =	vadd.f32 v1, v11;
	v1 =	vld [tilespmem:$0x1FF70];
	_ =	sdelay $0x2  }
0x13f: {  	v16 =	vmul.f32 v20, v51;
	_ =	sdelay $0x1  }
0x140: {  	[tilespmem:$0x1FF00] =	vst v26;
	v26 =	vmul.f32 v0, v28;
	v16 =	vadd.f32 v1, v16;
	v1 =	vld [tilespmem:$0x1FF80];
	_ =	sdelay $0x1  }
0x141: {  	v13 =	vadd.f32 v13, v26  }
0x142: {  	v38 =	vimm.f32 $3.000000010e+38;
	v20 =	vmul.f32 v20, v7  }
0x143: {  	v13 =	vmin.f32 v38, v13  }
0x144: {  	[tilespmem:$0x1FF20] =	vst v28;
	v28 =	vmin.f32 v13, v24;
	v13 =	vadd.f32 v1, v20;
	v1 =	vld [tilespmem:$0x1FF90];
	_ =	sdelay $0x2  }
0x145: {  	v26 =	vmin.f32 v38, v27;
	v27 =	vmul.f32 v0, v40  }
0x146: {  	[tilespmem:$0x1FFA0] =	vst v41;
	v23 =	vmin.f32 v26, v23;
	v26 =	vmul.f32 v0, v41;
	v24 =	vmul.f32 v0, v42  }
0x147: {  	[tilespmem:$0x1FFC0] =	vst v43;
	v28 =	vmin.f32 v28, v22;
	v22 =	vmul.f32 v0, v43;
	v20 =	vadd.f32 v1, v27  }
0x148: {  	[tilespmem:$0x1FF60] =	vst v40;
	v27 =	vmin.f32 v23, v21;
	v23 =	vmul.f32 v0, v51;
	v21 =	vmul.f32 v0, v7;
	v0 =	vld [tilespmem:s20+$0x10300]  }
0x149: {  	[tilespmem:$0x1FFB0] =	vst v42  }
0x14a: {  	[tilespmem:$0x1FFD0] =	vst v51  }
0x14b: {  	[tilespmem:$0x1FFE0] =	vst v7  }
0x14c: {  	[tilespmem:$0x1FDA0] =	vst v2;
	v44 =	vimm.f32 $3.000000010e+38;
	v40 =	vimm.f32 $3.000000010e+38  }
0x14d: {  	s19 =	simm.s32 $0x200;
	v41 =	vimm.f32 $3.000000010e+38;
	v43 =	vimm.f32 $3.000000010e+38;
	v42 =	vimm.f32 $3.000000010e+38;
	[tilespmem:$0x1FFF0] =	vst v0  }
.LBB2_7:
0x14e: {  	v0 =	vld [tilespmem:$0x1FCB0];
	_ =	sdelay $0x4  }
0x14f: {  	v26 =	vadd.f32 v0, v26;
	v0 =	vld [tilespmem:$0x1FCE0];
	_ =	sdelay $0x3  }
0x150: {  	v14 =	vmin.f32 v27, v14  }
0x151: {  	v7 =	vmin.f32 v14, v53;
	v14 =	vadd.f32 v0, v22;
	v0 =	vld [tilespmem:$0x1FD00];
	_ =	sdelay $0x3  }
0x152: {  	v15 =	vmin.f32 v28, v15  }
0x153: {  	v24 =	vadd.f32 v8, v24;
	v8 =	vmin.f32 v15, v56;
	v15 =	vadd.f32 v0, v23;
	v0 =	vld [tilespmem:$0x1FDC0];
	_ =	sdelay $0x3  }
0x154: {  	v7 =	vmin.f32 v7, v32  }
0x155: {  	v2 =	vmin.f32 v7, v0;
	v0 =	vld [tilespmem:$0x1FDD0];
	_ =	sdelay $0x3  }
0x156: {  	v8 =	vmin.f32 v8, v33  }
0x157: {  	v7 =	vmin.f32 v8, v0;
	v0 =	vld [tilespmem:$0x1FD10];
	_ =	sdelay $0x4  }
0x158: {  	v8 =	vadd.f32 v0, v21;
	v0 =	vld [tilespmem:$0x1FD30];
	_ =	sdelay $0x4  }
0x159: {  	v0 =	vmin.f32 v2, v0  }
0x15a: {  	[tilespmem:$0x1FA30] =	vst v0;
	v0 =	vld [tilespmem:$0x1FD50];
	_ =	sdelay $0x4  }
0x15b: {  	v0 =	vmin.f32 v7, v0  }
0x15c: {  	v2 =	vmin.f32 v38, v20;
	[tilespmem:$0x1FA40] =	vst v0;
	v0 =	vld [tilespmem:$0x1FE10]  }
0x15d: {  	v2 =	vmin.f32 v2, v17  }
0x15e: {  	v2 =	vmin.f32 v2, v9  }
0x15f: {  	v2 =	vmin.f32 v2, v59  }
0x160: {  	v2 =	vmin.f32 v2, v35  }
0x161: {  	v7 =	vmin.f32 v43, v26;
	v2 =	vmin.f32 v2, v0;
	v0 =	vld [tilespmem:$0x1FE20]  }
0x162: {  	v7 =	vmin.f32 v7, v18  }
0x163: {  	v7 =	vmin.f32 v7, v10  }
0x164: {  	v7 =	vmin.f32 v7, v63  }
0x165: {  	v7 =	vmin.f32 v7, v29  }
0x166: {  	v20 =	vmin.f32 v44, v24;
	v7 =	vmin.f32 v7, v0;
	v0 =	vld [tilespmem:$0x1FE30]  }
0x167: {  	v17 =	vmin.f32 v20, v19  }
0x168: {  	v9 =	vmin.f32 v17, v12  }
0x169: {  	v9 =	vmin.f32 v9, v31  }
0x16a: {  	v9 =	vmin.f32 v9, v30  }
0x16b: {  	v1 =	vmin.f32 v9, v0;
	v0 =	vld [tilespmem:$0x1FDE0];
	_ =	sdelay $0x4  }
0x16c: {  	v0 =	vmin.f32 v1, v0;
	v1 =	vld [tilespmem:$0x1FD70];
	_ =	sdelay $0x3  }
0x16d: {  	v2 =	vmin.f32 v2, v49  }
0x16e: {  	v1 =	vmin.f32 v2, v1  }
0x16f: {  	[tilespmem:$0x1F9A0] =	vst v1;
	v1 =	vld [tilespmem:$0x1FD90];
	_ =	sdelay $0x3  }
0x170: {  	v7 =	vmin.f32 v7, v62  }
0x171: {  	v1 =	vmin.f32 v7, v1  }
0x172: {  	[tilespmem:$0x1FA00] =	vst v1;
	v1 =	vld [tilespmem:$0x1FDA0];
	_ =	sdelay $0x4  }
0x173: {  	v0 =	vmin.f32 v0, v1  }
0x174: {  	[tilespmem:$0x1F9B0] =	vst v0;
	v0 =	vmin.f32 v40, v14  }
0x175: {  	v1 =	vmin.f32 v41, v15;
	v0 =	vmin.f32 v0, v11  }
0x176: {  	v1 =	vmin.f32 v1, v16;
	v0 =	vmin.f32 v0, v57  }
0x177: {  	v1 =	vmin.f32 v1, v37;
	v0 =	vmin.f32 v0, v4  }
0x178: {  	v1 =	vmin.f32 v1, v5;
	v0 =	vmin.f32 v0, v25  }
0x179: {  	v2 =	vmin.f32 v42, v8;
	v1 =	vmin.f32 v1, v3;
	v0 =	vmin.f32 v0, v46  }
0x17a: {  	s20 =	sshra.s32 s19, $0x2;
	v2 =	vmin.f32 v2, v13;
	v1 =	vmin.f32 v1, v36;
	v0 =	vmin.f32 v0, v50  }
0x17b: {  	v2 =	vmin.f32 v2, v58;
	v7 =	vld [tilespmem:s20+$0x70];
	v1 =	vmin.f32 v1, v55;
	v0 =	vmin.f32 v0, v45  }
0x17c: {  	v2 =	vmin.f32 v2, v6;
	[tilespmem:$0x1F9E0] =	vst v0;
	v0 =	vmin.f32 v1, v60;
	v1 =	vld [tilespmem:$0x1FFD0]  }
0x17d: {  	v2 =	vmin.f32 v2, v47;
	[tilespmem:$0x1FA90] =	vst v0;
	v0 =	vld [tilespmem:$0x1FDB0]  }
0x17e: {  	v2 =	vmin.f32 v2, v39  }
0x17f: {  	v2 =	vmin.f32 v2, v61;
	_ =	sdelay $0x2  }
0x180: {  	v4 =	vmul.f32 v7, v1;
	v0 =	vmin.f32 v2, v0;
	v2 =	vmov v1;
	v1 =	vld [tilespmem:$0x1FFE0]  }
0x181: {  	v3 =	vld [tilespmem:s20+$0x60]  }
0x182: {  	v55 =	vld [tilespmem:$0x1FF00];
	_ =	sdelay $0x1  }
0x183: {  	v57 =	vld [tilespmem:$0x1FF20]  }
0x184: {  	[tilespmem:$0x1F640] =	vst v4;
	v4 =	vmul.f32 v7, v1  }
0x185: {  	v58 =	vld [tilespmem:$0x1FF60]  }
0x186: {  	[tilespmem:$0x1F650] =	vst v4;
	v4 =	vmul.f32 v3, v55  }
0x187: {  	v60 =	vld [tilespmem:$0x1FFA0];
	[tilespmem:$0x1FAA0] =	vst v0;
	v0 =	vmul.f32 v7, v55  }
0x188: {  	[tilespmem:$0x1F660] =	vst v4;
	v4 =	vmul.f32 v3, v57  }
0x189: {  	v52 =	vld [tilespmem:$0x1FFB0];
	[tilespmem:$0x1F5C0] =	vst v0;
	v0 =	vmul.f32 v7, v57  }
0x18a: {  	[tilespmem:$0x1F680] =	vst v4;
	v4 =	vmul.f32 v3, v58  }
0x18b: {  	v6 =	vld [tilespmem:$0x1FFC0];
	[tilespmem:$0x1F5E0] =	vst v0;
	v0 =	vmul.f32 v7, v58  }
0x18c: {  	[tilespmem:$0x1F6A0] =	vst v4;
	v4 =	vmul.f32 v3, v60  }
0x18d: {  	[tilespmem:$0x1F600] =	vst v0;
	v0 =	vmul.f32 v7, v60  }
0x18e: {  	[tilespmem:$0x1F6C0] =	vst v4;
	v4 =	vmul.f32 v3, v52  }
0x18f: {  	[tilespmem:$0x1F610] =	vst v0;
	v0 =	vmul.f32 v7, v52  }
0x190: {  	[tilespmem:$0x1F6E0] =	vst v4;
	v4 =	vmul.f32 v3, v6  }
0x191: {  	[tilespmem:$0x1F620] =	vst v0;
	v0 =	vmul.f32 v7, v6;
	_ =	sdelay $0x1  }
0x192: {  	[tilespmem:$0x1F630] =	vst v0;
	v0 =	vld [tilespmem:s20+$0x50]  }
0x193: {  	[tilespmem:$0x1F6F0] =	vst v4;
	v4 =	vmov v2;
	v2 =	vmul.f32 v3, v2;
	_ =	sdelay $0x1  }
0x194: {  	[tilespmem:$0x1F710] =	vst v2;
	v2 =	vmul.f32 v3, v1;
	_ =	sdelay $0x1  }
0x195: {  	[tilespmem:$0x1F730] =	vst v2;
	v2 =	vmul.f32 v0, v55;
	_ =	sdelay $0x1  }
0x196: {  	[tilespmem:$0x1F750] =	vst v2;
	v2 =	vmul.f32 v0, v57;
	_ =	sdelay $0x1  }
0x197: {  	[tilespmem:$0x1F770] =	vst v2;
	v2 =	vmul.f32 v0, v58;
	_ =	sdelay $0x1  }
0x198: {  	v10 =	vld [tilespmem:$0x1FC10];
	[tilespmem:$0x1F790] =	vst v2;
	v2 =	vmul.f32 v0, v60  }
0x199: {  	v3 =	vmov v1;
	v1 =	vld [tilespmem:s20+$0x4070]  }
0x19a: {  	[tilespmem:$0x1F7A0] =	vst v2;
	v2 =	vmul.f32 v0, v52  }
0x19b: {  	v14 =	vld [tilespmem:$0x1FC40];
	v7 =	vmul.f32 v0, v4  }
0x19c: {  	[tilespmem:$0x1F7B0] =	vst v2;
	v2 =	vmul.f32 v0, v6;
	v0 =	vmul.f32 v0, v3  }
0x19d: {  	v20 =	vld [tilespmem:$0x1FC50]  }
0x19e: {  	[tilespmem:$0x1F810] =	vst v0;
	v0 =	vmul.f32 v1, v10  }
0x19f: {  	v21 =	vld [tilespmem:$0x1FC60]  }
0x1a0: {  	[tilespmem:$0x1F130] =	vst v0;
	v0 =	vmul.f32 v1, v14  }
0x1a1: {  	v23 =	vld [tilespmem:$0x1FC70]  }
0x1a2: {  	[tilespmem:$0x1F150] =	vst v0;
	v0 =	vmul.f32 v1, v20  }
0x1a3: {  	v25 =	vld [tilespmem:$0x1FC90]  }
0x1a4: {  	[tilespmem:$0x1F170] =	vst v0;
	v0 =	vmul.f32 v1, v21  }
0x1a5: {  	v27 =	vld [tilespmem:$0x1FCA0]  }
0x1a6: {  	[tilespmem:$0x1F190] =	vst v0;
	v0 =	vmul.f32 v1, v23  }
0x1a7: {  	v34 =	vld [tilespmem:$0x1FCC0]  }
0x1a8: {  	[tilespmem:$0x1F1B0] =	vst v0;
	v0 =	vmul.f32 v1, v25  }
0x1a9: {  	[tilespmem:$0x1F7D0] =	vst v2;
	v2 =	vld [tilespmem:s20+$0x40]  }
0x1aa: {  	[tilespmem:$0x1F1D0] =	vst v0;
	v0 =	vmul.f32 v1, v27;
	_ =	sdelay $0x1  }
0x1ab: {  	[tilespmem:$0x1F1F0] =	vst v0;
	v0 =	vmul.f32 v1, v34;
	_ =	sdelay $0x1  }
0x1ac: {  	[tilespmem:$0x1F210] =	vst v0;
	v0 =	vmul.f32 v2, v55;
	_ =	sdelay $0x1  }
0x1ad: {  	[tilespmem:$0x1F830] =	vst v0;
	v0 =	vmul.f32 v2, v57;
	_ =	sdelay $0x1  }
0x1ae: {  	[tilespmem:$0x1F840] =	vst v0;
	v0 =	vmul.f32 v2, v58;
	_ =	sdelay $0x1  }
0x1af: {  	[tilespmem:$0x1F850] =	vst v0;
	v0 =	vmul.f32 v2, v60;
	_ =	sdelay $0x1  }
0x1b0: {  	[tilespmem:$0x1F860] =	vst v0;
	v0 =	vmul.f32 v2, v52;
	_ =	sdelay $0x1  }
0x1b1: {  	[tilespmem:$0x1F870] =	vst v0;
	v0 =	vmul.f32 v2, v6  }
0x1b2: {  	v5 =	vmov v4;
	v4 =	vmov v3;
	v3 =	vld [tilespmem:s20+$0x4060]  }
0x1b3: {  	[tilespmem:$0x1F890] =	vst v0;
	v0 =	vmul.f32 v2, v5;
	_ =	sdelay $0x1  }
0x1b4: {  	[tilespmem:$0x1F8A0] =	vst v0;
	v0 =	vmul.f32 v2, v4;
	_ =	sdelay $0x1  }
0x1b5: {  	[tilespmem:$0x1F8C0] =	vst v0;
	v0 =	vmul.f32 v3, v10;
	_ =	sdelay $0x1  }
0x1b6: {  	[tilespmem:$0x1F230] =	vst v0;
	v0 =	vmul.f32 v3, v14;
	_ =	sdelay $0x1  }
0x1b7: {  	[tilespmem:$0x1F250] =	vst v0;
	v0 =	vmul.f32 v3, v20;
	_ =	sdelay $0x1  }
0x1b8: {  	[tilespmem:$0x1F270] =	vst v0;
	v0 =	vmul.f32 v3, v21;
	_ =	sdelay $0x1  }
0x1b9: {  	[tilespmem:$0x1F290] =	vst v0;
	v0 =	vmul.f32 v3, v23;
	_ =	sdelay $0x1  }
0x1ba: {  	[tilespmem:$0x1F2B0] =	vst v0;
	v0 =	vmul.f32 v3, v25  }
0x1bb: {  	v36 =	vld [tilespmem:s20+$0x30]  }
0x1bc: {  	[tilespmem:$0x1F2C0] =	vst v0;
	v0 =	vmul.f32 v3, v27;
	_ =	sdelay $0x1  }
0x1bd: {  	[tilespmem:$0x1F2E0] =	vst v0;
	v0 =	vmul.f32 v3, v34  }
0x1be: {  	v1 =	vld [tilespmem:s20+$0x4050]  }
0x1bf: {  	[tilespmem:$0x1F300] =	vst v0;
	v0 =	vmul.f32 v36, v55;
	_ =	sdelay $0x1  }
0x1c0: {  	[tilespmem:$0x1F8E0] =	vst v0;
	v0 =	vmul.f32 v36, v57;
	_ =	sdelay $0x1  }
0x1c1: {  	[tilespmem:$0x1F900] =	vst v0;
	v0 =	vmul.f32 v1, v10;
	_ =	sdelay $0x1  }
0x1c2: {  	[tilespmem:$0x1F320] =	vst v0;
	v0 =	vmul.f32 v1, v14;
	_ =	sdelay $0x1  }
0x1c3: {  	v54 =	vld [tilespmem:$0x1FB10];
	[tilespmem:$0x1F340] =	vst v0;
	v0 =	vmul.f32 v1, v20  }
0x1c4: {  	v38 =	vld [tilespmem:$0x1FAE0]  }
0x1c5: {  	v17 =	vld [tilespmem:s20+$0x8040];
	[tilespmem:$0x1F360] =	vst v0;
	v0 =	vmul.f32 v1, v21  }
0x1c6: {  	v35 =	vld [tilespmem:$0x1FAC0]  }
0x1c7: {  	v2 =	vld [tilespmem:s20+$0x8070];
	[tilespmem:$0x1F380] =	vst v0;
	v0 =	vmul.f32 v1, v23  }
0x1c8: {  	v19 =	vld [tilespmem:s20+$0xC070]  }
0x1c9: {  	v47 =	vld [tilespmem:$0x1FAF0];
	[tilespmem:$0x1F3A0] =	vst v0;
	v0 =	vmul.f32 v1, v25  }
0x1ca: {  	v3 =	vld [tilespmem:s20+$0x4040]  }
0x1cb: {  	v48 =	vld [tilespmem:$0x1FB00];
	[tilespmem:$0x1F3C0] =	vst v0;
	v0 =	vmul.f32 v1, v27  }
0x1cc: {  	v32 =	vmul.f32 v17, v35;
	v15 =	vld [tilespmem:$0x1FB20];
	v5 =	vmul.f32 v2, v38  }
0x1cd: {  	v61 =	vmul.f32 v17, v38;
	v16 =	vld [tilespmem:$0x1FB30];
	[tilespmem:$0x1F3E0] =	vst v0;
	v0 =	vmul.f32 v1, v34  }
0x1ce: {  	v63 =	vmul.f32 v17, v47;
	v37 =	vld [tilespmem:$0x1FAD0];
	[tilespmem:$0x1F7F0] =	vst v7;
	v6 =	vmul.f32 v2, v47;
	v5 =	vadd.f32 v5, v19  }
0x1cf: {  	v41 =	vmul.f32 v17, v54;
	[tilespmem:$0x1F3F0] =	vst v0;
	v0 =	vmul.f32 v3, v10  }
0x1d0: {  	v24 =	vld [tilespmem:s20+$0x8030];
	v40 =	vmul.f32 v17, v48;
	v7 =	vmul.f32 v2, v48;
	[tilespmem:$0x1F180] =	vst v5;
	v5 =	vadd.f32 v6, v19  }
0x1d1: {  	v9 =	vld [tilespmem:s20+$0x8060];
	v42 =	vmul.f32 v17, v15;
	[tilespmem:$0x1F410] =	vst v0;
	v0 =	vmul.f32 v3, v14  }
0x1d2: {  	v59 =	vmul.f32 v17, v16;
	v8 =	vmul.f32 v2, v54;
	v6 =	vadd.f32 v7, v19;
	[tilespmem:$0x1F1A0] =	vst v5  }
0x1d3: {  	v33 =	vmul.f32 v17, v37;
	v17 =	vld [tilespmem:s20+$0xC060];
	[tilespmem:$0x1F420] =	vst v0;
	v0 =	vmul.f32 v3, v20  }
0x1d4: {  	v51 =	vmul.f32 v2, v15;
	[tilespmem:$0x1F1C0] =	vst v6;
	v6 =	vadd.f32 v8, v19  }
0x1d5: {  	v53 =	vmul.f32 v24, v38;
	[tilespmem:$0x1F430] =	vst v0;
	v0 =	vmul.f32 v3, v21  }
0x1d6: {  	v43 =	vmul.f32 v9, v54;
	v11 =	vmul.f32 v9, v35;
	v8 =	vadd.f32 v51, v19;
	[tilespmem:$0x1F1E0] =	vst v6  }
0x1d7: {  	v18 =	vmul.f32 v9, v15;
	[tilespmem:$0x1F450] =	vst v0;
	v0 =	vmul.f32 v3, v25  }
0x1d8: {  	v46 =	vmul.f32 v24, v35;
	v12 =	vmul.f32 v9, v37;
	[tilespmem:$0x1F200] =	vst v8;
	v8 =	vadd.f32 v11, v17  }
0x1d9: {  	v49 =	vmul.f32 v24, v37;
	[tilespmem:$0x1F470] =	vst v0;
	v0 =	vmul.f32 v3, v27  }
0x1da: {  	v4 =	vmul.f32 v2, v37;
	[tilespmem:$0x1F240] =	vst v8;
	v8 =	vadd.f32 v12, v17;
	v1 =	vmul.f32 v2, v35  }
0x1db: {  	v2 =	vmul.f32 v2, v16;
	[tilespmem:$0x1F480] =	vst v0;
	v0 =	vmul.f32 v3, v34  }
0x1dc: {  	v5 =	vmul.f32 v24, v48;
	v6 =	vmul.f32 v24, v54;
	[tilespmem:$0x1F260] =	vst v8;
	v1 =	vadd.f32 v1, v19  }
0x1dd: {  	v8 =	vmul.f32 v24, v16;
	v2 =	vadd.f32 v2, v19;
	[tilespmem:$0x1F490] =	vst v0;
	v0 =	vmul.f32 v9, v48  }
0x1de: {  	v62 =	vmul.f32 v3, v23;
	[tilespmem:$0x1F140] =	vst v1;
	v1 =	vadd.f32 v4, v19;
	v4 =	vmul.f32 v24, v47;
	v3 =	vld [tilespmem:s20+$0x8050]  }
0x1df: {  	[tilespmem:$0x1F220] =	vst v2;
	v2 =	vmul.f32 v24, v15;
	v24 =	vadd.f32 v0, v17;
	v0 =	vadd.f32 v43, v17  }
0x1e0: {  	v13 =	vmul.f32 v9, v38;
	v7 =	vld [tilespmem:s20+$0xC050]  }
0x1e1: {  	v50 =	vmul.f32 v9, v47;
	v9 =	vmul.f32 v9, v16;
	[tilespmem:$0x1F2D0] =	vst v0;
	v0 =	vadd.f32 v18, v17;
	_ =	sdelay $0x1  }
0x1e2: {  	v22 =	vmul.f32 v3, v35;
	[tilespmem:$0x1F2F0] =	vst v0;
	v0 =	vadd.f32 v9, v17;
	_ =	sdelay $0x1  }
0x1e3: {  	v26 =	vmul.f32 v3, v37;
	[tilespmem:$0x1F310] =	vst v0;
	v0 =	vadd.f32 v22, v7;
	_ =	sdelay $0x1  }
0x1e4: {  	v44 =	vmul.f32 v3, v38;
	[tilespmem:$0x1F330] =	vst v0;
	v0 =	vadd.f32 v26, v7;
	_ =	sdelay $0x1  }
0x1e5: {  	v28 =	vmul.f32 v3, v47;
	[tilespmem:$0x1F350] =	vst v0;
	v0 =	vadd.f32 v44, v7  }
0x1e6: {  	[tilespmem:$0x1F160] =	vst v1  }
0x1e7: {  	v1 =	vld [tilespmem:s20+$0x8020];
	v29 =	vmul.f32 v3, v48;
	[tilespmem:$0x1F370] =	vst v0;
	v0 =	vadd.f32 v28, v7  }
0x1e8: {  	v11 =	vadd.f32 v13, v17  }
0x1e9: {  	v30 =	vmul.f32 v3, v54;
	[tilespmem:$0x1F390] =	vst v0;
	v0 =	vadd.f32 v29, v7  }
0x1ea: {  	[tilespmem:$0x1F280] =	vst v11;
	v11 =	vadd.f32 v50, v17;
	v12 =	vld [tilespmem:s20+$0xC040]  }
0x1eb: {  	v31 =	vmul.f32 v3, v15;
	v3 =	vmul.f32 v3, v16;
	[tilespmem:$0x1F3B0] =	vst v0;
	v0 =	vadd.f32 v30, v7  }
0x1ec: {  	[tilespmem:$0x1F2A0] =	vst v11;
	v13 =	vmul.f32 v1, v35;
	v11 =	vmul.f32 v1, v37  }
0x1ed: {  	v9 =	vmul.f32 v1, v38;
	v22 =	vmul.f32 v1, v47;
	[tilespmem:$0x1F3D0] =	vst v0;
	v0 =	vadd.f32 v3, v7  }
0x1ee: {  	v26 =	vmul.f32 v1, v48;
	v28 =	vld [tilespmem:s20+$0xC030];
	v29 =	vmul.f32 v1, v54  }
0x1ef: {  	v3 =	vmul.f32 v1, v15;
	[tilespmem:$0x1F400] =	vst v0;
	v0 =	vmul.f32 v1, v16;
	v1 =	vadd.f32 v61, v12;
	_ =	sdelay $0x1  }
0x1f0: {  	[tilespmem:$0x1F440] =	vst v1;
	v1 =	vadd.f32 v40, v12;
	_ =	sdelay $0x1  }
0x1f1: {  	[tilespmem:$0x1F460] =	vst v1;
	v1 =	vadd.f32 v46, v28;
	_ =	sdelay $0x1  }
0x1f2: {  	[tilespmem:$0x1F4A0] =	vst v1;
	v1 =	vadd.f32 v53, v28;
	_ =	sdelay $0x1  }
0x1f3: {  	[tilespmem:$0x1F4B0] =	vst v1;
	v1 =	vadd.f32 v4, v28  }
0x1f4: {  	v44 =	vadd.f32 v31, v7;
	v31 =	vld [tilespmem:s20+$0xC020]  }
0x1f5: {  	[tilespmem:$0x1F4C0] =	vst v1;
	v1 =	vadd.f32 v6, v28;
	_ =	sdelay $0x1  }
0x1f6: {  	v18 =	vld [tilespmem:s20+$0x8010];
	[tilespmem:$0x1F4D0] =	vst v1;
	v1 =	vadd.f32 v8, v28  }
0x1f7: {  	v50 =	vadd.f32 v32, v12;
	v32 =	vld [tilespmem:s20+$0x8000]  }
0x1f8: {  	v40 =	vadd.f32 v5, v28;
	v5 =	vld [tilespmem:s20+$0xC010];
	[tilespmem:$0x1F4E0] =	vst v1;
	v1 =	vadd.f32 v11, v31  }
0x1f9: {  	v39 =	vadd.f32 v9, v31;
	v9 =	vadd.f32 v26, v31;
	v26 =	vld [tilespmem:s20+$0xC000]  }
0x1fa: {  	v61 =	vadd.f32 v63, v12;
	[tilespmem:$0x1F4F0] =	vst v1;
	v1 =	vadd.f32 v22, v31  }
0x1fb: {  	[tilespmem:$0x1F510] =	vst v9;
	v63 =	vadd.f32 v42, v12;
	v42 =	vadd.f32 v2, v28;
	v2 =	vmul.f32 v18, v15  }
0x1fc: {  	v9 =	vadd.f32 v29, v31;
	v29 =	vmul.f32 v32, v37;
	[tilespmem:$0x1F500] =	vst v1;
	v1 =	vmul.f32 v32, v35  }
0x1fd: {  	v7 =	vmul.f32 v18, v35;
	v2 =	vadd.f32 v2, v5;
	v8 =	vmul.f32 v18, v16  }
0x1fe: {  	v35 =	vadd.f32 v1, v26;
	v1 =	vadd.f32 v29, v26;
	v29 =	vmul.f32 v32, v16  }
0x1ff: {  	[tilespmem:$0x1F580] =	vst v2;
	v2 =	vadd.f32 v8, v5  }
0x200: {  	[tilespmem:$0x1F5A0] =	vst v1;
	v1 =	vadd.f32 v29, v26  }
0x201: {  	[tilespmem:$0x1F590] =	vst v2;
	v2 =	vld [tilespmem:$0x1F140]  }
0x202: {  	[tilespmem:$0x1F5B0] =	vst v1;
	v1 =	vld [tilespmem:$0x1F130];
	_ =	sdelay $0x4  }
0x203: {  	v1 =	vadd.f32 v2, v1  }
0x204: {  	v2 =	vld [tilespmem:$0x1F160]  }
0x205: {  	v3 =	vadd.f32 v3, v31;
	[tilespmem:$0x1F5D0] =	vst v1;
	v1 =	vld [tilespmem:$0x1F150]  }
0x206: {  	v51 =	vadd.f32 v33, v12  }
0x207: {  	v59 =	vadd.f32 v59, v12;
	[tilespmem:$0x1F530] =	vst v3;
	v0 =	vadd.f32 v0, v31;
	v3 =	vmul.f32 v32, v38  }
0x208: {  	v43 =	vadd.f32 v41, v12;
	v41 =	vadd.f32 v49, v28  }
0x209: {  	v30 =	vmul.f32 v18, v37;
	[tilespmem:$0x1F540] =	vst v0;
	v37 =	vadd.f32 v3, v26;
	v3 =	vld [tilespmem:$0x1F180];
	v0 =	vadd.f32 v7, v5  }
0x20a: {  	v4 =	vmul.f32 v18, v48;
	v6 =	vmul.f32 v18, v54;
	v1 =	vadd.f32 v2, v1;
	v2 =	vld [tilespmem:$0x1F170]  }
0x20b: {  	v46 =	vadd.f32 v30, v5;
	v7 =	vmul.f32 v32, v47;
	v30 =	vmul.f32 v32, v48  }
0x20c: {  	v49 =	vadd.f32 v4, v5;
	v4 =	vadd.f32 v6, v5;
	v6 =	vmul.f32 v32, v54  }
0x20d: {  	v12 =	vmul.f32 v18, v38;
	v38 =	vadd.f32 v7, v26;
	v8 =	vmul.f32 v32, v15  }
0x20e: {  	v56 =	vmul.f32 v18, v47;
	v47 =	vadd.f32 v30, v26;
	v48 =	vadd.f32 v6, v26  }
0x20f: {  	v54 =	vadd.f32 v8, v26;
	v26 =	vadd.f32 v3, v2;
	v2 =	vld [tilespmem:$0x1F190]  }
0x210: {  	v3 =	vld [tilespmem:$0x1F1A0];
	_ =	sdelay $0x4  }
0x211: {  	v29 =	vadd.f32 v3, v2;
	v2 =	vld [tilespmem:$0x1F1B0]  }
0x212: {  	v3 =	vld [tilespmem:$0x1F1C0];
	_ =	sdelay $0x4  }
0x213: {  	v30 =	vadd.f32 v3, v2;
	v2 =	vld [tilespmem:$0x1F1D0]  }
0x214: {  	v3 =	vld [tilespmem:$0x1F1E0];
	_ =	sdelay $0x4  }
0x215: {  	v45 =	vadd.f32 v13, v31;
	v31 =	vadd.f32 v3, v2;
	v2 =	vld [tilespmem:$0x1F1F0]  }
0x216: {  	v3 =	vld [tilespmem:$0x1F200];
	_ =	sdelay $0x4  }
0x217: {  	v32 =	vadd.f32 v3, v2;
	v2 =	vld [tilespmem:$0x1F210]  }
0x218: {  	v3 =	vld [tilespmem:$0x1F220];
	_ =	sdelay $0x4  }
0x219: {  	v33 =	vadd.f32 v3, v2;
	v2 =	vld [tilespmem:$0x1F230]  }
0x21a: {  	v3 =	vld [tilespmem:$0x1F240];
	_ =	sdelay $0x2  }
0x21b: {  	[tilespmem:$0x1F550] =	vst v0;
	v0 =	vadd.f32 v56, v5;
	_ =	sdelay $0x1  }
0x21c: {  	[tilespmem:$0x1F560] =	vst v0;
	v0 =	vld [tilespmem:s20+$0x4030];
	v2 =	vadd.f32 v3, v2  }
0x21d: {  	v3 =	vld [tilespmem:$0x1F260]  }
0x21e: {  	[tilespmem:$0x1F670] =	vst v2;
	v2 =	vld [tilespmem:$0x1F250];
	_ =	sdelay $0x2  }
0x21f: {  	v18 =	vmul.f32 v0, v10;
	v22 =	vmul.f32 v0, v20  }
0x220: {  	v15 =	vmul.f32 v0, v21;
	v19 =	vmul.f32 v0, v23  }
0x221: {  	v13 =	vmul.f32 v0, v25;
	v17 =	vmul.f32 v0, v27;
	v2 =	vadd.f32 v3, v2  }
0x222: {  	v11 =	vmul.f32 v0, v34;
	v16 =	vmul.f32 v0, v14;
	v0 =	vld [tilespmem:$0x1F270]  }
0x223: {  	[tilespmem:$0x1F690] =	vst v2;
	v2 =	vld [tilespmem:$0x1F280];
	_ =	sdelay $0x4  }
0x224: {  	v0 =	vadd.f32 v2, v0  }
0x225: {  	v2 =	vld [tilespmem:$0x1F2A0]  }
0x226: {  	[tilespmem:$0x1F6B0] =	vst v0;
	v0 =	vld [tilespmem:$0x1F290];
	_ =	sdelay $0x4  }
0x227: {  	v0 =	vadd.f32 v2, v0;
	_ =	sdelay $0x1  }
0x228: {  	[tilespmem:$0x1F6D0] =	vst v0;
	v0 =	vld [tilespmem:$0x1F2B0];
	_ =	sdelay $0x3  }
0x229: {  	v2 =	vld [tilespmem:$0x1F2D0]  }
0x22a: {  	v24 =	vadd.f32 v24, v0;
	v0 =	vld [tilespmem:$0x1F2C0];
	_ =	sdelay $0x4  }
0x22b: {  	v0 =	vadd.f32 v2, v0  }
0x22c: {  	v2 =	vld [tilespmem:$0x1F2F0]  }
0x22d: {  	[tilespmem:$0x1F700] =	vst v0;
	v0 =	vld [tilespmem:$0x1F2E0];
	_ =	sdelay $0x4  }
0x22e: {  	v0 =	vadd.f32 v2, v0  }
0x22f: {  	v2 =	vld [tilespmem:$0x1F310]  }
0x230: {  	[tilespmem:$0x1F720] =	vst v0;
	v0 =	vld [tilespmem:$0x1F300];
	_ =	sdelay $0x4  }
0x231: {  	v0 =	vadd.f32 v2, v0  }
0x232: {  	v2 =	vld [tilespmem:$0x1F330]  }
0x233: {  	[tilespmem:$0x1F740] =	vst v0;
	v0 =	vld [tilespmem:$0x1F320];
	_ =	sdelay $0x4  }
0x234: {  	v0 =	vadd.f32 v2, v0  }
0x235: {  	v2 =	vld [tilespmem:$0x1F350]  }
0x236: {  	[tilespmem:$0x1F760] =	vst v0;
	v0 =	vld [tilespmem:$0x1F340];
	_ =	sdelay $0x3  }
0x237: {  	v3 =	vld [tilespmem:$0x1F370]  }
0x238: {  	v0 =	vadd.f32 v2, v0;
	v2 =	vld [tilespmem:$0x1F360];
	_ =	sdelay $0x4  }
0x239: {  	v56 =	vadd.f32 v3, v2;
	v2 =	vld [tilespmem:$0x1F380]  }
0x23a: {  	v3 =	vld [tilespmem:$0x1F390];
	_ =	sdelay $0x4  }
0x23b: {  	v53 =	vadd.f32 v3, v2;
	v2 =	vld [tilespmem:$0x1F3A0]  }
0x23c: {  	v3 =	vld [tilespmem:$0x1F3B0];
	_ =	sdelay $0x4  }
0x23d: {  	v2 =	vadd.f32 v3, v2  }
0x23e: {  	v3 =	vld [tilespmem:$0x1F3D0]  }
0x23f: {  	[tilespmem:$0x1F7C0] =	vst v2;
	v2 =	vld [tilespmem:$0x1F3C0];
	_ =	sdelay $0x4  }
0x240: {  	v2 =	vadd.f32 v3, v2;
	_ =	sdelay $0x1  }
0x241: {  	[tilespmem:$0x1F7E0] =	vst v2;
	v2 =	vld [tilespmem:$0x1F3E0];
	_ =	sdelay $0x4  }
0x242: {  	v2 =	vadd.f32 v44, v2  }
0x243: {  	v3 =	vld [tilespmem:$0x1F400]  }
0x244: {  	[tilespmem:$0x1F800] =	vst v2;
	v2 =	vld [tilespmem:$0x1F3F0];
	_ =	sdelay $0x4  }
0x245: {  	v2 =	vadd.f32 v3, v2;
	_ =	sdelay $0x1  }
0x246: {  	[tilespmem:$0x1F820] =	vst v2;
	v2 =	vld [tilespmem:$0x1F410]  }
0x247: {  	[tilespmem:$0x1F5F0] =	vst v1;
	v1 =	vld [tilespmem:s20+$0x4020];
	_ =	sdelay $0x3  }
0x248: {  	v50 =	vadd.f32 v50, v2;
	v2 =	vld [tilespmem:$0x1F420]  }
0x249: {  	[tilespmem:$0x1F520] =	vst v9;
	v28 =	vadd.f32 v12, v5;
	v12 =	vmul.f32 v1, v10;
	v9 =	vmul.f32 v1, v14  }
0x24a: {  	v8 =	vmul.f32 v1, v20;
	v7 =	vmul.f32 v1, v21  }
0x24b: {  	v6 =	vmul.f32 v1, v23;
	v5 =	vmul.f32 v1, v25  }
0x24c: {  	[tilespmem:$0x1F570] =	vst v4;
	v4 =	vmul.f32 v1, v27;
	v3 =	vmul.f32 v1, v34;
	v1 =	vld [tilespmem:$0x1F430]  }
0x24d: {  	v44 =	vadd.f32 v51, v2;
	v2 =	vld [tilespmem:$0x1F440];
	_ =	sdelay $0x4  }
0x24e: {  	v51 =	vadd.f32 v2, v1;
	v1 =	vld [tilespmem:$0x1F450];
	_ =	sdelay $0x4  }
0x24f: {  	v61 =	vadd.f32 v61, v1;
	v1 =	vld [tilespmem:$0x1F460];
	_ =	sdelay $0x4  }
0x250: {  	v1 =	vadd.f32 v1, v62;
	v62 =	vld [tilespmem:$0x1F480];
	_ =	sdelay $0x4  }
0x251: {  	v42 =	vadd.f32 v42, v17;
	v17 =	vld [tilespmem:$0x1F4E0];
	v62 =	vadd.f32 v63, v62  }
0x252: {  	v63 =	vld [tilespmem:$0x1F4B0]  }
0x253: {  	v12 =	vadd.f32 v45, v12;
	[tilespmem:$0x1F8B0] =	vst v62;
	v62 =	vld [tilespmem:$0x1F490]  }
0x254: {  	v16 =	vadd.f32 v41, v16;
	v41 =	vadd.f32 v40, v19;
	v19 =	vld [tilespmem:$0x1F4D0]  }
0x255: {  	[tilespmem:$0x1F940] =	vst v12;
	v12 =	vld [tilespmem:$0x1F4F0]  }
0x256: {  	[tilespmem:$0x1F780] =	vst v0;
	v0 =	vld [tilespmem:s20+$0x4010]  }
0x257: {  	[tilespmem:$0x1F880] =	vst v1;
	v1 =	vld [tilespmem:$0x1F470];
	v22 =	vadd.f32 v63, v22  }
0x258: {  	v59 =	vadd.f32 v59, v62;
	v62 =	vld [tilespmem:$0x1F4A0]  }
0x259: {  	[tilespmem:$0x1F920] =	vst v22;
	v22 =	vld [tilespmem:$0x1F4C0]  }
0x25a: {  	v11 =	vadd.f32 v17, v11  }
0x25b: {  	v40 =	vadd.f32 v19, v13;
	v13 =	vmul.f32 v0, v25  }
0x25c: {  	[tilespmem:$0x1F930] =	vst v11;
	v45 =	vadd.f32 v12, v9;
	v11 =	vmul.f32 v0, v27;
	v9 =	vmul.f32 v0, v34  }
0x25d: {  	v2 =	vmul.f32 v0, v10;
	v43 =	vadd.f32 v43, v1;
	v18 =	vadd.f32 v62, v18  }
0x25e: {  	v1 =	vmul.f32 v0, v14;
	[tilespmem:$0x1F8D0] =	vst v59;
	v59 =	vmul.f32 v0, v20;
	v63 =	vadd.f32 v22, v15  }
0x25f: {  	v15 =	vmul.f32 v0, v23;
	[tilespmem:$0x1F8F0] =	vst v18;
	v18 =	vmul.f32 v0, v21;
	v0 =	vadd.f32 v39, v8;
	_ =	sdelay $0x1  }
0x260: {  	[tilespmem:$0x1F950] =	vst v0;
	v0 =	vld [tilespmem:$0x1F500];
	_ =	sdelay $0x4  }
0x261: {  	v0 =	vadd.f32 v0, v7;
	_ =	sdelay $0x1  }
0x262: {  	[tilespmem:$0x1F960] =	vst v0;
	v0 =	vld [tilespmem:$0x1F510];
	_ =	sdelay $0x4  }
0x263: {  	v0 =	vadd.f32 v0, v6;
	_ =	sdelay $0x1  }
0x264: {  	[tilespmem:$0x1F970] =	vst v0;
	v0 =	vld [tilespmem:$0x1F520];
	_ =	sdelay $0x4  }
0x265: {  	v0 =	vadd.f32 v0, v5;
	_ =	sdelay $0x1  }
0x266: {  	[tilespmem:$0x1F980] =	vst v0;
	v0 =	vld [tilespmem:$0x1F530];
	_ =	sdelay $0x4  }
0x267: {  	v0 =	vadd.f32 v0, v4;
	v4 =	vld [tilespmem:$0x1F540];
	_ =	sdelay $0x3  }
0x268: {  	v6 =	vld [tilespmem:$0x1F580]  }
0x269: {  	v3 =	vadd.f32 v4, v3;
	v4 =	vld [tilespmem:$0x1F550];
	_ =	sdelay $0x3  }
0x26a: {  	v6 =	vadd.f32 v6, v11  }
0x26b: {  	v22 =	vadd.f32 v4, v2;
	v2 =	vadd.f32 v28, v59  }
0x26c: {  	[tilespmem:$0x1FA50] =	vst v6;
	v6 =	vld [tilespmem:$0x1F590]  }
0x26d: {  	v4 =	vadd.f32 v49, v15;
	[tilespmem:$0x1F9C0] =	vst v2;
	v2 =	vld [tilespmem:$0x1F560]  }
0x26e: {  	[tilespmem:$0x1F910] =	vst v16;
	v16 =	vld [tilespmem:s20+$0x4000]  }
0x26f: {  	[tilespmem:$0x1FA10] =	vst v4;
	v4 =	vld [tilespmem:$0x1F570];
	_ =	sdelay $0x1  }
0x270: {  	v6 =	vadd.f32 v6, v9  }
0x271: {  	v2 =	vadd.f32 v2, v18  }
0x272: {  	[tilespmem:$0x1FA60] =	vst v6;
	v6 =	vld [tilespmem:$0x1F5A0]  }
0x273: {  	v4 =	vadd.f32 v4, v13;
	[tilespmem:$0x1F9D0] =	vst v2;
	v2 =	vmul.f32 v16, v23;
	_ =	sdelay $0x1  }
0x274: {  	v5 =	vmul.f32 v16, v14;
	[tilespmem:$0x1FA20] =	vst v4;
	v4 =	vmul.f32 v16, v25;
	v2 =	vadd.f32 v47, v2;
	_ =	sdelay $0x1  }
0x275: {  	v13 =	vadd.f32 v6, v5;
	v5 =	vmul.f32 v16, v27;
	[tilespmem:$0x1F9F0] =	vst v2;
	v2 =	vadd.f32 v48, v4;
	_ =	sdelay $0x1  }
0x276: {  	[tilespmem:$0x1FCE0] =	vst v2;
	v2 =	vadd.f32 v54, v5  }
0x277: {  	v17 =	vadd.f32 v46, v1;
	v1 =	vmul.f32 v16, v21  }
0x278: {  	[tilespmem:$0x1FD00] =	vst v2;
	v2 =	vld [tilespmem:$0x1F5B0]  }
0x279: {  	v1 =	vadd.f32 v38, v1;
	_ =	sdelay $0x1  }
0x27a: {  	[tilespmem:$0x1FCB0] =	vst v1;
	v1 =	vmul.f32 v16, v34;
	_ =	sdelay $0x1  }
0x27b: {  	v1 =	vadd.f32 v2, v1  }
0x27c: {  	v2 =	vld [tilespmem:$0x1F5D0]  }
0x27d: {  	[tilespmem:$0x1FD10] =	vst v1;
	v1 =	vld [tilespmem:$0x1F5C0];
	_ =	sdelay $0x4  }
0x27e: {  	v1 =	vadd.f32 v2, v1  }
0x27f: {  	v2 =	vld [tilespmem:$0x1F5F0]  }
0x280: {  	[tilespmem:$0x1FD30] =	vst v1;
	v1 =	vld [tilespmem:$0x1F5E0];
	_ =	sdelay $0x4  }
0x281: {  	v1 =	vadd.f32 v2, v1;
	_ =	sdelay $0x1  }
0x282: {  	[tilespmem:$0x1FD50] =	vst v1;
	v1 =	vld [tilespmem:$0x1F600];
	_ =	sdelay $0x4  }
0x283: {  	v1 =	vadd.f32 v26, v1;
	_ =	sdelay $0x1  }
0x284: {  	[tilespmem:$0x1FD70] =	vst v1;
	v1 =	vld [tilespmem:$0x1F610];
	_ =	sdelay $0x4  }
0x285: {  	v1 =	vadd.f32 v29, v1;
	_ =	sdelay $0x1  }
0x286: {  	[tilespmem:$0x1FD90] =	vst v1;
	v1 =	vld [tilespmem:$0x1F620];
	_ =	sdelay $0x4  }
0x287: {  	v1 =	vadd.f32 v30, v1;
	_ =	sdelay $0x1  }
0x288: {  	[tilespmem:$0x1FDA0] =	vst v1;
	v1 =	vld [tilespmem:$0x1F630];
	_ =	sdelay $0x4  }
0x289: {  	v1 =	vadd.f32 v31, v1;
	_ =	sdelay $0x1  }
0x28a: {  	[tilespmem:$0x1FA80] =	vst v1;
	v1 =	vld [tilespmem:$0x1F640];
	_ =	sdelay $0x4  }
0x28b: {  	v27 =	vadd.f32 v32, v1;
	v1 =	vld [tilespmem:$0x1F650];
	_ =	sdelay $0x4  }
0x28c: {  	v1 =	vadd.f32 v33, v1  }
0x28d: {  	v2 =	vld [tilespmem:$0x1F670]  }
0x28e: {  	[tilespmem:$0x1FDB0] =	vst v1;
	v1 =	vld [tilespmem:$0x1F660];
	_ =	sdelay $0x4  }
0x28f: {  	v1 =	vadd.f32 v2, v1  }
0x290: {  	v2 =	vld [tilespmem:$0x1F690]  }
0x291: {  	[tilespmem:$0x1FDC0] =	vst v1;
	v1 =	vld [tilespmem:$0x1F680];
	_ =	sdelay $0x4  }
0x292: {  	v1 =	vadd.f32 v2, v1  }
0x293: {  	v2 =	vld [tilespmem:$0x1F6B0]  }
0x294: {  	[tilespmem:$0x1FDD0] =	vst v1;
	v1 =	vld [tilespmem:$0x1F6A0];
	_ =	sdelay $0x4  }
0x295: {  	v11 =	vadd.f32 v2, v1;
	v1 =	vld [tilespmem:$0x1F6C0]  }
0x296: {  	v2 =	vld [tilespmem:$0x1F6D0];
	_ =	sdelay $0x4  }
0x297: {  	v62 =	vadd.f32 v2, v1;
	v1 =	vld [tilespmem:$0x1F6E0];
	_ =	sdelay $0x4  }
0x298: {  	v1 =	vadd.f32 v24, v1  }
0x299: {  	v2 =	vld [tilespmem:$0x1F700]  }
0x29a: {  	[tilespmem:$0x1FDE0] =	vst v1;
	v1 =	vld [tilespmem:$0x1F6F0];
	_ =	sdelay $0x4  }
0x29b: {  	v49 =	vadd.f32 v2, v1;
	v1 =	vld [tilespmem:$0x1F710]  }
0x29c: {  	v2 =	vld [tilespmem:$0x1F720];
	_ =	sdelay $0x4  }
0x29d: {  	v26 =	vadd.f32 v2, v1;
	v1 =	vld [tilespmem:$0x1F730]  }
0x29e: {  	v2 =	vld [tilespmem:$0x1F740];
	_ =	sdelay $0x3  }
0x29f: {  	v15 =	vld [tilespmem:$0x1F760]  }
0x2a0: {  	v2 =	vadd.f32 v2, v1;
	v1 =	vld [tilespmem:$0x1F750];
	_ =	sdelay $0x4  }
0x2a1: {  	v34 =	vadd.f32 v15, v1;
	v1 =	vld [tilespmem:$0x1F770]  }
0x2a2: {  	v15 =	vld [tilespmem:$0x1F780];
	_ =	sdelay $0x4  }
0x2a3: {  	v33 =	vadd.f32 v15, v1;
	v1 =	vld [tilespmem:$0x1F790];
	_ =	sdelay $0x4  }
0x2a4: {  	v1 =	vadd.f32 v56, v1;
	_ =	sdelay $0x1  }
0x2a5: {  	[tilespmem:$0x1FE10] =	vst v1;
	v1 =	vld [tilespmem:$0x1F7A0];
	_ =	sdelay $0x4  }
0x2a6: {  	v1 =	vadd.f32 v53, v1  }
0x2a7: {  	v14 =	vld [tilespmem:$0x1F7C0];
	[tilespmem:$0x1F990] =	vst v3;
	v3 =	vmul.f32 v16, v20  }
0x2a8: {  	[tilespmem:$0x1FE20] =	vst v1;
	v1 =	vld [tilespmem:$0x1F7B0]  }
0x2a9: {  	v3 =	vadd.f32 v37, v3  }
0x2aa: {  	v8 =	vld [tilespmem:$0x1FFD0];
	v7 =	vmul.f32 v16, v10  }
0x2ab: {  	[tilespmem:$0x1FA70] =	vst v3;
	v3 =	vld [tilespmem:s20+$0x20]  }
0x2ac: {  	v28 =	vadd.f32 v35, v7;
	v7 =	vld [tilespmem:$0x1FFE0]  }
0x2ad: {  	v25 =	vld [tilespmem:$0x1FFC0];
	v1 =	vadd.f32 v14, v1  }
0x2ae: {  	v14 =	vld [tilespmem:$0x1F7D0]  }
0x2af: {  	[tilespmem:$0x1FE30] =	vst v1;
	v1 =	vld [tilespmem:$0x1F7E0]  }
0x2b0: {  	v19 =	vmul.f32 v3, v58;
	v21 =	vmul.f32 v3, v60  }
0x2b1: {  	v37 =	vmul.f32 v3, v8;
	v18 =	vmul.f32 v3, v57  }
0x2b2: {  	v16 =	vmul.f32 v3, v55;
	v23 =	vmul.f32 v3, v52  }
0x2b3: {  	v54 =	vmul.f32 v3, v7;
	v24 =	vmul.f32 v3, v25;
	v3 =	vld [tilespmem:$0x1F7F0]  }
0x2b4: {  	v46 =	vadd.f32 v1, v14;
	v1 =	vld [tilespmem:$0x1F800];
	_ =	sdelay $0x2  }
0x2b5: {  	v10 =	vmul.f32 v36, v8;
	v12 =	vmul.f32 v36, v7  }
0x2b6: {  	v6 =	vmul.f32 v36, v52;
	v4 =	vmul.f32 v36, v58  }
0x2b7: {  	v9 =	vmul.f32 v36, v25;
	v5 =	vmul.f32 v36, v60;
	v36 =	vadd.f32 v1, v3;
	v3 =	vld [tilespmem:$0x1F810]  }
0x2b8: {  	v1 =	vld [tilespmem:$0x1F820];
	_ =	sdelay $0x4  }
0x2b9: {  	v39 =	vadd.f32 v1, v3;
	v3 =	vld [tilespmem:$0x1F830];
	_ =	sdelay $0x4  }
0x2ba: {  	v53 =	vadd.f32 v50, v3;
	v3 =	vld [tilespmem:$0x1F840];
	_ =	sdelay $0x4  }
0x2bb: {  	v56 =	vadd.f32 v44, v3;
	v3 =	vld [tilespmem:$0x1F850];
	_ =	sdelay $0x4  }
0x2bc: {  	v32 =	vadd.f32 v51, v3;
	v3 =	vld [tilespmem:$0x1F860];
	_ =	sdelay $0x3  }
0x2bd: {  	v1 =	vld [tilespmem:$0x1F880]  }
0x2be: {  	v29 =	vadd.f32 v61, v3;
	v3 =	vld [tilespmem:$0x1F870];
	_ =	sdelay $0x4  }
0x2bf: {  	v30 =	vadd.f32 v1, v3;
	v3 =	vld [tilespmem:$0x1F890];
	_ =	sdelay $0x3  }
0x2c0: {  	v14 =	vld [tilespmem:$0x1F8A0]  }
0x2c1: {  	v1 =	vadd.f32 v43, v3;
	v3 =	vld [tilespmem:$0x1F8B0];
	_ =	sdelay $0x3  }
0x2c2: {  	v15 =	vld [tilespmem:$0x1F8D0]  }
0x2c3: {  	v3 =	vadd.f32 v3, v14;
	v14 =	vld [tilespmem:$0x1F8C0];
	_ =	sdelay $0x4  }
0x2c4: {  	v35 =	vadd.f32 v15, v14;
	v14 =	vld [tilespmem:$0x1F8E0]  }
0x2c5: {  	v15 =	vld [tilespmem:$0x1F8F0];
	_ =	sdelay $0x1  }
0x2c6: {  	v20 =	vld [tilespmem:s20+$0x10]  }
0x2c7: {  	v31 =	vld [tilespmem:$0x1F910]  }
0x2c8: {  	v43 =	vld [tilespmem:s20+$0x0]  }
0x2c9: {  	v14 =	vadd.f32 v15, v14;
	v15 =	vld [tilespmem:$0x1F900]  }
0x2ca: {  	v37 =	vadd.f32 v0, v37;
	v0 =	vld [tilespmem:$0x1F990];
	_ =	sdelay $0x1  }
0x2cb: {  	v38 =	vmul.f32 v20, v55;
	v63 =	vadd.f32 v63, v5  }
0x2cc: {  	v47 =	vmul.f32 v20, v25;
	v5 =	vadd.f32 v42, v10;
	v42 =	vadd.f32 v45, v18  }
0x2cd: {  	v50 =	vmul.f32 v20, v58;
	v45 =	vmul.f32 v43, v58;
	v15 =	vadd.f32 v31, v15;
	v31 =	vld [tilespmem:$0x1F920]  }
0x2ce: {  	v58 =	vadd.f32 v0, v54;
	v0 =	vadd.f32 v22, v38;
	v22 =	vmul.f32 v43, v25;
	v25 =	vmovc v1;
	v1 =	vld [tilespmem:$0x1F9C0];
	_ =	sdelay $0x2  }
0x2cf: {  	v18 =	vld [tilespmem:$0x1F980];
	v44 =	vmul.f32 v20, v57;
	v51 =	vmul.f32 v20, v60  }
0x2d0: {  	v59 =	vadd.f32 v31, v4;
	v4 =	vadd.f32 v40, v9;
	v40 =	vmul.f32 v43, v55;
	v9 =	vld [tilespmem:$0x1F940];
	v55 =	vmovc v26  }
0x2d1: {  	v26 =	vmul.f32 v43, v60;
	v60 =	vmovc v27;
	v27 =	vadd.f32 v17, v44;
	v17 =	vadd.f32 v1, v50;
	v1 =	vld [tilespmem:$0x1F9D0];
	_ =	sdelay $0x3  }
0x2d2: {  	v31 =	vadd.f32 v41, v6;
	v41 =	vadd.f32 v9, v16;
	v9 =	vld [tilespmem:$0x1F950]  }
0x2d3: {  	v16 =	vmul.f32 v43, v57;
	v57 =	vadd.f32 v18, v24;
	v18 =	vadd.f32 v1, v51;
	v1 =	vld [tilespmem:$0x1FA10];
	_ =	sdelay $0x2  }
0x2d4: {  	v61 =	vmul.f32 v20, v52  }
0x2d5: {  	v13 =	vadd.f32 v13, v16;
	v16 =	vld [tilespmem:$0x1FA30]  }
0x2d6: {  	v9 =	vadd.f32 v9, v19;
	v19 =	vadd.f32 v1, v61;
	v1 =	vld [tilespmem:$0x1FA20];
	_ =	sdelay $0x1  }
0x2d7: {  	v28 =	vadd.f32 v28, v40;
	_ =	sdelay $0x1  }
0x2d8: {  	v28 =	vmin.f32 v16, v28;
	v16 =	vld [tilespmem:$0x1FA40]  }
0x2d9: {  	v50 =	vmov v49;
	v49 =	vmov v11;
	v11 =	vadd.f32 v1, v47;
	v1 =	vld [tilespmem:$0x1FA50]  }
0x2da: {  	v6 =	vld [tilespmem:$0x1F930];
	_ =	sdelay $0x1  }
0x2db: {  	v48 =	vmul.f32 v20, v8  }
0x2dc: {  	v10 =	vld [tilespmem:$0x1F960]  }
0x2dd: {  	v13 =	vmin.f32 v16, v13;
	v16 =	vadd.f32 v1, v48;
	v1 =	vld [tilespmem:$0x1FA60]  }
0x2de: {  	v6 =	vadd.f32 v6, v12;
	v12 =	vld [tilespmem:$0x1F970]  }
0x2df: {  	v38 =	vld [tilespmem:$0x1F9A0]  }
0x2e0: {  	v20 =	vmul.f32 v20, v7;
	v44 =	vld [tilespmem:$0x1F9B0]  }
0x2e1: {  	v40 =	vld [tilespmem:$0x1F9E0]  }
0x2e2: {  	p0 =	sne.s32 s19, $0xFE00;
	v0 =	vmin.f32 v28, v0;
	v28 =	vmin.f32 v13, v27;
	v13 =	vadd.f32 v1, v20;
	v1 =	vld [tilespmem:$0x1FA70]  }
.Ltmp2:
0x2e3: {  	v12 =	vadd.f32 v12, v23;
	v23 =	vmul.f32 v43, v8;
	v8 =	vld [tilespmem:$0x1F9F0];
	(pc) =	sbr.rel @p0 .LBB2_7-.Ltmp2, $4  }
0x2e4: {  	v10 =	vadd.f32 v10, v21;
	v21 =	vmul.f32 v43, v7;
	v24 =	vmul.f32 v43, v52;
	v43 =	vld [tilespmem:$0x1FA00]  }
0x2e5: {  	v27 =	vmin.f32 v0, v41;
	v41 =	vld [tilespmem:$0x1FA90]  }
0x2e6: {  	v28 =	vmin.f32 v28, v42;
	v42 =	vld [tilespmem:$0x1FAA0]  }
0x2e7: {  	s19 =	sadd.s32 $0x200, s19;
	v61 =	vmovc v2;
	v47 =	vmovc v35;
	v35 =	vmov v32;
	v32 =	vmov v34;
	v20 =	vadd.f32 v1, v45;
	v45 =	vld [tilespmem:$0x1FA80]  }
0x2e8: {  	v2 =	vld [tilespmem:$0x1FCE0];
	_ =	sdelay $0x3  }
0x2e9: {  	v14 =	vmin.f32 v27, v14;
	v1 =	vld [tilespmem:$0x1FDC0]  }
0x2ea: {  	v7 =	vmin.f32 v14, v53;
	v14 =	vadd.f32 v2, v22;
	v2 =	vld [tilespmem:$0x1FD00];
	_ =	sdelay $0x3  }
0x2eb: {  	v15 =	vmin.f32 v28, v15;
	v24 =	vadd.f32 v8, v24;
	v7 =	vmin.f32 v7, v32  }
0x2ec: {  	v8 =	vmin.f32 v15, v56;
	v15 =	vadd.f32 v2, v23;
	v2 =	vmin.f32 v7, v1;
	v1 =	vld [tilespmem:$0x1FDD0];
	_ =	sdelay $0x3  }
0x2ed: {  	v8 =	vmin.f32 v8, v33  }
0x2ee: {  	v7 =	vmin.f32 v8, v1;
	v8 =	vld [tilespmem:$0x1FD10];
	_ =	sdelay $0x4  }
0x2ef: {  	v8 =	vadd.f32 v8, v21;
	v21 =	vld [tilespmem:$0x1FD30];
	_ =	sdelay $0x4  }
0x2f0: {  	v2 =	vmin.f32 v2, v21  }
0x2f1: {  	[tilespmem:$0x1EBA0] =	vst v2;
	v2 =	vld [tilespmem:$0x1FD50];
	_ =	sdelay $0x3  }
0x2f2: {  	v0 =	vld [tilespmem:$0x1FCB0]  }
0x2f3: {  	v2 =	vmin.f32 v7, v2  }
0x2f4: {  	v1 =	vld [tilespmem:$0x1FE10];
	[tilespmem:$0x1EBB0] =	vst v2;
	v2 =	vmin.f32 v38, v20  }
0x2f5: {  	v2 =	vmin.f32 v2, v17  }
0x2f6: {  	v2 =	vmin.f32 v2, v9  }
0x2f7: {  	v0 =	vadd.f32 v0, v26;
	v2 =	vmin.f32 v2, v59  }
0x2f8: {  	v2 =	vmin.f32 v2, v35  }
0x2f9: {  	v0 =	vmin.f32 v43, v0;
	v2 =	vmin.f32 v2, v1;
	v1 =	vld [tilespmem:$0x1FE20]  }
0x2fa: {  	v0 =	vmin.f32 v0, v18  }
0x2fb: {  	v0 =	vmin.f32 v0, v10  }
0x2fc: {  	v0 =	vmin.f32 v0, v63  }
0x2fd: {  	v0 =	vmin.f32 v0, v29  }
0x2fe: {  	v7 =	vmin.f32 v44, v24;
	v0 =	vmin.f32 v0, v1;
	v1 =	vld [tilespmem:$0x1FE30]  }
0x2ff: {  	v7 =	vmin.f32 v7, v19  }
0x300: {  	v7 =	vmin.f32 v7, v12  }
0x301: {  	v7 =	vmin.f32 v7, v31  }
0x302: {  	v7 =	vmin.f32 v7, v30  }
0x303: {  	v1 =	vmin.f32 v7, v1;
	v7 =	vld [tilespmem:$0x1FDE0];
	_ =	sdelay $0x4  }
0x304: {  	v1 =	vmin.f32 v1, v7;
	v7 =	vld [tilespmem:$0x1FD70];
	_ =	sdelay $0x3  }
0x305: {  	v2 =	vmin.f32 v2, v49  }
0x306: {  	v2 =	vmin.f32 v2, v7  }
0x307: {  	[tilespmem:$0x1EBC0] =	vst v2;
	v2 =	vld [tilespmem:$0x1FD90];
	_ =	sdelay $0x3  }
0x308: {  	v0 =	vmin.f32 v0, v62  }
0x309: {  	v0 =	vmin.f32 v0, v2;
	v2 =	vmin.f32 v42, v8;
	v8 =	vld [tilespmem:$0x1FAB0];
	_ =	sdelay $0x1  }
0x30a: {  	s19 =	simm.s32 $0x0  }
0x30b: {  	v7 =	vld [tilespmem:s19+$0x8070]  }
0x30c: {  	[tilespmem:$0x1EBD0] =	vst v0;
	v0 =	vld [tilespmem:$0x1FDA0]  }
0x30d: {  	v2 =	vmin.f32 v2, v13;
	v52 =	vbroadcast v8, $0x8  }
0x30e: {  	v12 =	vld [tilespmem:s19+$0x8050];
	v2 =	vmin.f32 v2, v58;
	v58 =	vbroadcast v8, $0x9;
	v59 =	vbroadcast v8, $0xA  }
0x30f: {  	v10 =	vbroadcast v8, $0xB;
	v13 =	vbroadcast v8, $0xD  }
0x310: {  	v9 =	vmin.f32 v2, v6;
	v6 =	vbroadcast v8, $0xE;
	v2 =	vbroadcast v8, $0xF  }
0x311: {  	v0 =	vmin.f32 v1, v0;
	v1 =	vmin.f32 v41, v15;
	v30 =	vmul.f32 v7, v52  }
0x312: {  	[tilespmem:$0x1EBE0] =	vst v0;
	v0 =	vmin.f32 v40, v14;
	v24 =	vmul.f32 v7, v59;
	v31 =	vmul.f32 v7, v13  }
0x313: {  	v18 =	vld [tilespmem:s19+$0xC070];
	v1 =	vmin.f32 v1, v16;
	v63 =	vmul.f32 v7, v6;
	v22 =	vmul.f32 v12, v52  }
0x314: {  	v14 =	vmin.f32 v9, v47;
	v23 =	vmul.f32 v12, v58;
	v28 =	vmul.f32 v12, v13  }
0x315: {  	v29 =	vmul.f32 v12, v6;
	v0 =	vmin.f32 v0, v11;
	v1 =	vmin.f32 v1, v37  }
0x316: {  	v11 =	vbroadcast v8, $0xC;
	v8 =	vmul.f32 v7, v10;
	v21 =	vmin.f32 v14, v39  }
0x317: {  	v0 =	vmin.f32 v0, v57;
	v1 =	vmin.f32 v1, v5;
	v5 =	vmul.f32 v7, v58  }
0x318: {  	v38 =	vadd.f32 v30, v18;
	v30 =	vmul.f32 v12, v2;
	v57 =	vadd.f32 v24, v18  }
0x319: {  	v56 =	vadd.f32 v63, v18;
	v0 =	vmin.f32 v0, v4;
	v4 =	vld [tilespmem:s19+$0x8060];
	v1 =	vmin.f32 v1, v3  }
0x31a: {  	v9 =	vmul.f32 v7, v11;
	v7 =	vmul.f32 v7, v2;
	v3 =	vmin.f32 v21, v61  }
0x31b: {  	v26 =	vmul.f32 v12, v11;
	v0 =	vmin.f32 v0, v25;
	v1 =	vmin.f32 v1, v36  }
0x31c: {  	v27 =	vld [tilespmem:s19+$0xC060];
	[tilespmem:$0x1F050] =	vst v3;
	v25 =	vmul.f32 v12, v59;
	v43 =	vadd.f32 v5, v18;
	v3 =	vadd.f32 v8, v18  }
0x31d: {  	v21 =	vld [tilespmem:s19+$0x8040];
	v8 =	vadd.f32 v31, v18;
	v0 =	vmin.f32 v0, v46;
	v1 =	vmin.f32 v1, v55  }
0x31e: {  	v24 =	vadd.f32 v9, v18;
	v9 =	vld [tilespmem:s19+$0xC050];
	v46 =	vmul.f32 v4, v52;
	v14 =	vmul.f32 v4, v58  }
0x31f: {  	v34 =	vadd.f32 v7, v18;
	v15 =	vmul.f32 v4, v59;
	v16 =	vmul.f32 v4, v10  }
0x320: {  	v0 =	vmin.f32 v0, v50;
	v17 =	vmul.f32 v4, v11;
	v19 =	vmul.f32 v4, v13  }
0x321: {  	v18 =	vld [tilespmem:s19+$0x8030];
	v0 =	vmin.f32 v0, v45;
	v20 =	vmul.f32 v4, v6;
	v4 =	vmul.f32 v4, v2  }
0x322: {  	[tilespmem:$0x1EBF0] =	vst v0;
	v0 =	vmin.f32 v1, v60;
	v60 =	vadd.f32 v46, v27;
	v35 =	vadd.f32 v16, v27;
	v16 =	vld [tilespmem:s19+$0xC040]  }
0x323: {  	v5 =	vmul.f32 v21, v52;
	v45 =	vadd.f32 v22, v9;
	v22 =	vadd.f32 v26, v9;
	v26 =	vld [tilespmem:s19+$0xC030]  }
0x324: {  	v33 =	vmul.f32 v21, v58;
	v61 =	vadd.f32 v14, v27;
	v39 =	vadd.f32 v15, v27  }
0x325: {  	[tilespmem:$0x1EC00] =	vst v0;
	v0 =	vmul.f32 v21, v59;
	v48 =	vadd.f32 v17, v27;
	v54 =	vadd.f32 v19, v27  }
0x326: {  	v7 =	vadd.f32 v20, v27;
	v62 =	vadd.f32 v4, v27;
	v27 =	vmul.f32 v18, v59  }
0x327: {  	v31 =	vmul.f32 v21, v10;
	v40 =	vadd.f32 v28, v9;
	v42 =	vadd.f32 v30, v9  }
0x328: {  	v28 =	vmul.f32 v18, v10;
	v30 =	vadd.f32 v0, v16;
	v0 =	vadd.f32 v27, v26  }
0x329: {  	v14 =	vmul.f32 v21, v11;
	v15 =	vmul.f32 v21, v13  }
0x32a: {  	v36 =	vadd.f32 v29, v9;
	v29 =	vmul.f32 v18, v11;
	[tilespmem:$0x1EC90] =	vst v0;
	v0 =	vadd.f32 v28, v26  }
0x32b: {  	v17 =	vmul.f32 v21, v6;
	v19 =	vmul.f32 v21, v2;
	v41 =	vadd.f32 v5, v16;
	v5 =	vld [tilespmem:s19+$0x8020]  }
0x32c: {  	v4 =	vadd.f32 v23, v9;
	v32 =	vmul.f32 v18, v13;
	[tilespmem:$0x1ECA0] =	vst v0;
	v0 =	vadd.f32 v29, v26  }
0x32d: {  	v47 =	vld [tilespmem:s19+$0xC020];
	v21 =	vadd.f32 v25, v9;
	v23 =	vmul.f32 v18, v52;
	v25 =	vmul.f32 v18, v58  }
0x32e: {  	v63 =	vmul.f32 v18, v6;
	v18 =	vmul.f32 v18, v2;
	[tilespmem:$0x1ECB0] =	vst v0;
	v0 =	vadd.f32 v32, v26;
	_ =	sdelay $0x1  }
0x32f: {  	v53 =	vadd.f32 v23, v26;
	v23 =	vmul.f32 v5, v58;
	[tilespmem:$0x1ECC0] =	vst v0;
	v0 =	vadd.f32 v18, v26;
	_ =	sdelay $0x1  }
0x330: {  	v1 =	vmul.f32 v12, v10;
	v18 =	vmul.f32 v5, v59;
	[tilespmem:$0x1ECD0] =	vst v0;
	v0 =	vadd.f32 v23, v47;
	_ =	sdelay $0x1  }
0x331: {  	v20 =	vadd.f32 v1, v9;
	v28 =	vmul.f32 v5, v13;
	[tilespmem:$0x1ECE0] =	vst v0;
	v0 =	vadd.f32 v18, v47  }
0x332: {  	v9 =	vadd.f32 v33, v16;
	v55 =	vadd.f32 v25, v26;
	v25 =	vld [tilespmem:s19+$0x8010]  }
0x333: {  	v51 =	vadd.f32 v19, v16;
	v29 =	vmul.f32 v5, v6;
	[tilespmem:$0x1ECF0] =	vst v0;
	v0 =	vadd.f32 v28, v47  }
0x334: {  	v33 =	vadd.f32 v63, v26;
	v27 =	vld [tilespmem:s19+$0xC010];
	v19 =	vmul.f32 v5, v52;
	v26 =	vmul.f32 v5, v11  }
0x335: {  	v23 =	vmul.f32 v5, v10;
	v5 =	vmul.f32 v5, v2;
	[tilespmem:$0x1ED00] =	vst v0;
	v0 =	vadd.f32 v29, v47;
	_ =	sdelay $0x1  }
0x336: {  	v18 =	vadd.f32 v23, v47;
	v23 =	vmul.f32 v25, v52;
	[tilespmem:$0x1ED10] =	vst v0;
	v0 =	vadd.f32 v5, v47  }
0x337: {  	v29 =	vld [tilespmem:s19+$0x8000]  }
0x338: {  	v5 =	vmul.f32 v25, v58;
	[tilespmem:$0x1ED20] =	vst v0;
	v0 =	vadd.f32 v23, v27  }
0x339: {  	v50 =	vld [tilespmem:s19+$0xC000];
	v37 =	vmul.f32 v25, v11  }
0x33a: {  	v49 =	vmul.f32 v25, v2;
	[tilespmem:$0x1ED30] =	vst v0;
	v0 =	vadd.f32 v5, v27;
	v5 =	vmul.f32 v25, v13  }
0x33b: {  	v19 =	vadd.f32 v19, v47;
	v32 =	vadd.f32 v26, v47;
	v47 =	vmul.f32 v25, v6  }
0x33c: {  	v26 =	vmul.f32 v25, v59;
	[tilespmem:$0x1ED40] =	vst v0;
	v0 =	vadd.f32 v5, v27;
	v5 =	vmul.f32 v29, v52  }
0x33d: {  	v23 =	vmul.f32 v25, v10;
	v25 =	vadd.f32 v37, v27;
	v37 =	vadd.f32 v47, v27  }
0x33e: {  	v47 =	vadd.f32 v49, v27;
	v49 =	vadd.f32 v5, v50;
	v5 =	vmul.f32 v29, v10;
	_ =	sdelay $0x1  }
0x33f: {  	[tilespmem:$0x1ED60] =	vst v0;
	v0 =	vadd.f32 v5, v50;
	_ =	sdelay $0x1  }
0x340: {  	v31 =	vadd.f32 v31, v16;
	[tilespmem:$0x1EDD0] =	vst v0;
	v0 =	vld [tilespmem:$0x1FB40]  }
0x341: {  	[tilespmem:$0x1EC10] =	vst v52;
	v44 =	vadd.f32 v14, v16;
	v46 =	vadd.f32 v15, v16  }
0x342: {  	[tilespmem:$0x1EC20] =	vst v58;
	v1 =	vld [tilespmem:s19+$0x4070];
	v17 =	vadd.f32 v17, v16;
	v63 =	vadd.f32 v23, v27;
	v23 =	vmul.f32 v29, v58  }
0x343: {  	[tilespmem:$0x1EC80] =	vst v2;
	v28 =	vadd.f32 v26, v27;
	v26 =	vmul.f32 v29, v59;
	v2 =	vmul.f32 v29, v2  }
0x344: {  	[tilespmem:$0x1EC30] =	vst v59;
	v59 =	vadd.f32 v23, v50;
	v23 =	vmul.f32 v29, v11;
	v52 =	vmul.f32 v29, v13  }
0x345: {  	[tilespmem:$0x1EC50] =	vst v11;
	v58 =	vmul.f32 v29, v6;
	v26 =	vadd.f32 v26, v50;
	v11 =	vbroadcast v0, $0x8  }
0x346: {  	[tilespmem:$0x1EC60] =	vst v13;
	v27 =	vadd.f32 v23, v50;
	v5 =	vadd.f32 v52, v50;
	v13 =	vbroadcast v0, $0x9  }
0x347: {  	v52 =	vadd.f32 v2, v50;
	v15 =	vbroadcast v0, $0xA;
	v23 =	vmul.f32 v1, v11  }
0x348: {  	[tilespmem:$0x1EE10] =	vst v5;
	v5 =	vadd.f32 v58, v50;
	v16 =	vbroadcast v0, $0xB;
	v14 =	vbroadcast v0, $0xC  }
0x349: {  	v2 =	vmul.f32 v1, v13;
	v50 =	vadd.f32 v38, v23;
	v38 =	vmul.f32 v1, v15  }
0x34a: {  	[tilespmem:$0x1EC40] =	vst v10;
	v58 =	vld [tilespmem:s19+$0x4060];
	v12 =	vbroadcast v0, $0xD;
	v10 =	vbroadcast v0, $0xE  }
0x34b: {  	[tilespmem:$0x1EE30] =	vst v5;
	v5 =	vbroadcast v0, $0xF;
	v23 =	vadd.f32 v43, v2;
	v2 =	vadd.f32 v57, v38  }
0x34c: {  	v43 =	vmul.f32 v1, v16;
	v38 =	vmul.f32 v1, v14  }
0x34d: {  	v0 =	vmul.f32 v1, v5;
	[tilespmem:$0x1EE60] =	vst v2;
	v2 =	vmul.f32 v1, v12  }
0x34e: {  	v43 =	vadd.f32 v3, v43;
	v57 =	vmul.f32 v1, v10;
	v38 =	vadd.f32 v24, v38  }
0x34f: {  	v1 =	vmul.f32 v58, v11;
	v24 =	vadd.f32 v8, v2;
	v2 =	vmul.f32 v58, v13  }
0x350: {  	v56 =	vadd.f32 v56, v57;
	v57 =	vadd.f32 v34, v0;
	v0 =	vmul.f32 v58, v15  }
0x351: {  	v3 =	vld [tilespmem:s19+$0x4050];
	v34 =	vadd.f32 v60, v1;
	v1 =	vadd.f32 v61, v2;
	v2 =	vmul.f32 v58, v14  }
0x352: {  	v39 =	vadd.f32 v39, v0;
	v0 =	vmul.f32 v58, v12;
	v60 =	vmul.f32 v58, v10  }
0x353: {  	v61 =	vadd.f32 v48, v2;
	v2 =	vmul.f32 v58, v5  }
0x354: {  	[tilespmem:$0x1EE90] =	vst v1;
	v1 =	vmul.f32 v58, v16;
	v58 =	vadd.f32 v54, v0;
	v0 =	vadd.f32 v7, v60  }
0x355: {  	v2 =	vadd.f32 v62, v2  }
0x356: {  	v7 =	vld [tilespmem:s19+$0x4040];
	[tilespmem:$0x1EED0] =	vst v0;
	v0 =	vmul.f32 v3, v11  }
0x357: {  	v48 =	vmul.f32 v3, v15;
	[tilespmem:$0x1EEE0] =	vst v2;
	v2 =	vmul.f32 v3, v13  }
0x358: {  	v1 =	vadd.f32 v35, v1;
	v54 =	vadd.f32 v45, v0;
	v0 =	vmul.f32 v3, v16  }
0x359: {  	v35 =	vmul.f32 v3, v14;
	v62 =	vadd.f32 v4, v2;
	v4 =	vmul.f32 v3, v12  }
0x35a: {  	v60 =	vadd.f32 v20, v0;
	v0 =	vmul.f32 v3, v10;
	v3 =	vmul.f32 v3, v5  }
0x35b: {  	v8 =	vld [tilespmem:s19+$0x4030];
	v2 =	vadd.f32 v21, v48;
	v48 =	vmul.f32 v7, v15;
	v4 =	vadd.f32 v40, v4  }
0x35c: {  	v21 =	vadd.f32 v36, v0;
	v0 =	vadd.f32 v42, v3;
	v3 =	vmul.f32 v7, v16  }
0x35d: {  	[tilespmem:$0x1EC70] =	vst v6;
	v35 =	vadd.f32 v22, v35;
	v36 =	vmul.f32 v7, v13;
	v6 =	vadd.f32 v30, v48  }
0x35e: {  	v22 =	vmul.f32 v7, v10;
	[tilespmem:$0x1EF20] =	vst v4;
	v4 =	vmul.f32 v7, v11;
	v3 =	vadd.f32 v31, v3  }
0x35f: {  	v20 =	vadd.f32 v9, v36;
	[tilespmem:$0x1EF30] =	vst v6;
	v9 =	vmul.f32 v7, v14;
	v6 =	vmul.f32 v7, v5  }
0x360: {  	[tilespmem:$0x1EF50] =	vst v3;
	v3 =	vmul.f32 v7, v12;
	v7 =	vmul.f32 v8, v11  }
0x361: {  	v29 =	vadd.f32 v44, v9;
	v9 =	vadd.f32 v17, v22;
	v17 =	vld [tilespmem:$0x1EC90]  }
0x362: {  	v44 =	vadd.f32 v51, v6;
	v6 =	vadd.f32 v53, v7;
	_ =	sdelay $0x1  }
0x363: {  	[tilespmem:$0x1EF80] =	vst v6;
	v6 =	vmul.f32 v8, v15  }
0x364: {  	v45 =	vadd.f32 v46, v3;
	v3 =	vmul.f32 v8, v13  }
0x365: {  	v48 =	vadd.f32 v17, v6;
	v17 =	vld [tilespmem:$0x1ECA0]  }
0x366: {  	v3 =	vadd.f32 v55, v3;
	_ =	sdelay $0x1  }
0x367: {  	[tilespmem:$0x1EF90] =	vst v3;
	v3 =	vmul.f32 v8, v16;
	_ =	sdelay $0x1  }
0x368: {  	v31 =	vadd.f32 v17, v3;
	v3 =	vld [tilespmem:$0x1ECB0];
	_ =	sdelay $0x2  }
0x369: {  	v7 =	vmul.f32 v8, v14;
	_ =	sdelay $0x1  }
0x36a: {  	v30 =	vmul.f32 v8, v10;
	v46 =	vadd.f32 v3, v7;
	v7 =	vld [tilespmem:$0x1ECC0]  }
0x36b: {  	v6 =	vmul.f32 v8, v12;
	v3 =	vmul.f32 v8, v5;
	v8 =	vld [tilespmem:$0x1ECD0];
	_ =	sdelay $0x1  }
0x36c: {  	v22 =	vld [tilespmem:s19+$0x4020];
	_ =	sdelay $0x1  }
0x36d: {  	v17 =	vld [tilespmem:$0x1ECE0];
	v51 =	vadd.f32 v7, v6;
	v6 =	vadd.f32 v33, v30  }
0x36e: {  	v3 =	vadd.f32 v8, v3  }
0x36f: {  	[tilespmem:$0x1EFA0] =	vst v6  }
0x370: {  	v6 =	vmul.f32 v22, v11;
	[tilespmem:$0x1EFC0] =	vst v3;
	v3 =	vmul.f32 v22, v13;
	_ =	sdelay $0x1  }
0x371: {  	v42 =	vadd.f32 v19, v6;
	v19 =	vadd.f32 v17, v3;
	v3 =	vld [tilespmem:$0x1ECF0];
	_ =	sdelay $0x1  }
0x372: {  	v6 =	vmul.f32 v22, v16  }
0x373: {  	v8 =	vmul.f32 v22, v15;
	v30 =	vmul.f32 v22, v14  }
0x374: {  	v17 =	vld [tilespmem:$0x1ED10];
	v18 =	vadd.f32 v18, v6  }
0x375: {  	v6 =	vadd.f32 v32, v30;
	v33 =	vadd.f32 v3, v8;
	v8 =	vld [tilespmem:$0x1ED00];
	_ =	sdelay $0x1  }
0x376: {  	[tilespmem:$0x1EFD0] =	vst v6;
	v6 =	vmul.f32 v22, v10  }
0x377: {  	v3 =	vmul.f32 v22, v12  }
0x378: {  	v6 =	vadd.f32 v17, v6;
	v17 =	vld [tilespmem:$0x1ED20]  }
0x379: {  	v3 =	vadd.f32 v8, v3;
	_ =	sdelay $0x1  }
0x37a: {  	v7 =	vld [tilespmem:s19+$0x4010];
	[tilespmem:$0x1EFE0] =	vst v3;
	v3 =	vmul.f32 v22, v5;
	_ =	sdelay $0x1  }
0x37b: {  	v36 =	vadd.f32 v17, v3;
	v3 =	vld [tilespmem:$0x1ED30];
	_ =	sdelay $0x2  }
0x37c: {  	v8 =	vmul.f32 v7, v11;
	_ =	sdelay $0x1  }
0x37d: {  	v4 =	vadd.f32 v41, v4;
	v41 =	vadd.f32 v3, v8;
	v8 =	vld [tilespmem:$0x1ED40];
	_ =	sdelay $0x2  }
0x37e: {  	[tilespmem:$0x1EFF0] =	vst v6;
	v6 =	vmul.f32 v7, v13;
	_ =	sdelay $0x1  }
0x37f: {  	v22 =	vmul.f32 v7, v15;
	v6 =	vadd.f32 v8, v6;
	_ =	sdelay $0x1  }
0x380: {  	[tilespmem:$0x1F000] =	vst v6;
	v6 =	vadd.f32 v28, v22  }
0x381: {  	v30 =	vld [tilespmem:s19+$0x4000];
	v3 =	vmul.f32 v7, v16  }
0x382: {  	[tilespmem:$0x1F020] =	vst v6;
	v6 =	vmul.f32 v7, v14  }
0x383: {  	v3 =	vadd.f32 v63, v3  }
0x384: {  	[tilespmem:$0x1ED50] =	vst v11;
	v6 =	vadd.f32 v25, v6  }
0x385: {  	[tilespmem:$0x1F040] =	vst v3;
	v3 =	vmul.f32 v7, v12;
	v8 =	vmul.f32 v7, v10  }
0x386: {  	[tilespmem:$0x1F070] =	vst v6;
	v6 =	vmul.f32 v7, v5;
	v7 =	vmul.f32 v30, v11;
	v11 =	vld [tilespmem:$0x1ED60];
	_ =	sdelay $0x1  }
0x387: {  	[tilespmem:$0x1EDC0] =	vst v10;
	v25 =	vmul.f32 v30, v10;
	v10 =	vld [tilespmem:$0x1EDD0];
	_ =	sdelay $0x2  }
0x388: {  	v53 =	vadd.f32 v49, v7;
	v7 =	vmul.f32 v30, v16;
	v3 =	vadd.f32 v11, v3;
	_ =	sdelay $0x1  }
0x389: {  	v7 =	vadd.f32 v10, v7;
	[tilespmem:$0x1F080] =	vst v3;
	v3 =	vadd.f32 v37, v8;
	v8 =	vmul.f32 v30, v14  }
0x38a: {  	[tilespmem:$0x1EDF0] =	vst v5;
	v6 =	vadd.f32 v47, v6  }
0x38b: {  	[tilespmem:$0x1EDE0] =	vst v7;
	v7 =	vmul.f32 v30, v5;
	v5 =	vadd.f32 v27, v8  }
0x38c: {  	[tilespmem:$0x1F0B0] =	vst v6;
	v6 =	vmul.f32 v30, v15  }
0x38d: {  	[tilespmem:$0x1EE00] =	vst v5;
	v5 =	vld [tilespmem:$0x1EE10]  }
0x38e: {  	v6 =	vadd.f32 v26, v6;
	_ =	sdelay $0x1  }
0x38f: {  	[tilespmem:$0x1F0C0] =	vst v6;
	v6 =	vmul.f32 v30, v12  }
0x390: {  	[tilespmem:$0x1F0A0] =	vst v3;
	v3 =	vmul.f32 v30, v13  }
0x391: {  	v26 =	vld [tilespmem:$0x1FD40];
	v5 =	vadd.f32 v5, v6  }
0x392: {  	v22 =	vadd.f32 v59, v3;
	v3 =	vld [tilespmem:s19+$0x70]  }
0x393: {  	[tilespmem:$0x1EE20] =	vst v5;
	v5 =	vld [tilespmem:$0x1EE30];
	_ =	sdelay $0x2  }
0x394: {  	v28 =	vbroadcast v26, $0x8;
	_ =	sdelay $0x1  }
0x395: {  	v6 =	vmul.f32 v3, v28;
	v5 =	vadd.f32 v5, v25;
	_ =	sdelay $0x1  }
0x396: {  	[tilespmem:$0x1EE40] =	vst v5;
	v5 =	vadd.f32 v50, v6;
	_ =	sdelay $0x1  }
0x397: {  	v32 =	vbroadcast v26, $0x9;
	v47 =	vbroadcast v26, $0xA;
	[tilespmem:$0x1EE50] =	vst v5;
	v5 =	vld [tilespmem:$0x1EE60]  }
0x398: {  	v49 =	vbroadcast v26, $0xB;
	v55 =	vbroadcast v26, $0xC  }
0x399: {  	[tilespmem:$0x1ED70] =	vst v13;
	v13 =	vadd.f32 v52, v7;
	v8 =	vld [tilespmem:s19+$0x60];
	v59 =	vbroadcast v26, $0xD;
	v7 =	vbroadcast v26, $0xE  }
0x39a: {  	v50 =	vbroadcast v26, $0xF;
	v26 =	vmul.f32 v3, v47;
	_ =	sdelay $0x1  }
0x39b: {  	v5 =	vadd.f32 v5, v26;
	v26 =	vmul.f32 v3, v59;
	_ =	sdelay $0x1  }
0x39c: {  	v40 =	vadd.f32 v24, v26;
	v24 =	vmul.f32 v8, v28;
	_ =	sdelay $0x1  }
0x39d: {  	v25 =	vmul.f32 v3, v32;
	[tilespmem:$0x1EE70] =	vst v5;
	v5 =	vadd.f32 v34, v24  }
0x39e: {  	[tilespmem:$0x1EDA0] =	vst v14  }
0x39f: {  	v27 =	vmul.f32 v3, v7;
	v14 =	vadd.f32 v23, v25;
	v23 =	vmul.f32 v3, v49;
	[tilespmem:$0x1EE80] =	vst v5;
	v5 =	vld [tilespmem:$0x1EE90]  }
0x3a0: {  	v25 =	vmul.f32 v3, v55;
	v3 =	vmul.f32 v3, v50;
	_ =	sdelay $0x1  }
0x3a1: {  	v63 =	vadd.f32 v43, v23;
	v43 =	vadd.f32 v57, v3;
	v3 =	vmul.f32 v8, v32  }
0x3a2: {  	v23 =	vld [tilespmem:s19+$0x50];
	v24 =	vmul.f32 v8, v49  }
0x3a3: {  	v3 =	vadd.f32 v5, v3;
	v5 =	vld [tilespmem:$0x1EED0]  }
0x3a4: {  	v1 =	vadd.f32 v1, v24  }
0x3a5: {  	v38 =	vadd.f32 v38, v25;
	v25 =	vmul.f32 v8, v47  }
0x3a6: {  	[tilespmem:$0x1EEC0] =	vst v1;
	v1 =	vmul.f32 v8, v7  }
0x3a7: {  	v52 =	vadd.f32 v56, v27;
	[tilespmem:$0x1EEA0] =	vst v3;
	v3 =	vadd.f32 v39, v25  }
0x3a8: {  	v24 =	vld [tilespmem:s19+$0x40];
	v25 =	vmul.f32 v23, v47;
	v56 =	vadd.f32 v5, v1;
	v1 =	vmul.f32 v23, v32;
	_ =	sdelay $0x1  }
0x3a9: {  	v37 =	vadd.f32 v62, v1;
	v1 =	vadd.f32 v2, v25;
	_ =	sdelay $0x1  }
0x3aa: {  	[tilespmem:$0x1EEF0] =	vst v1;
	v1 =	vmul.f32 v23, v55  }
0x3ab: {  	[tilespmem:$0x1EDB0] =	vst v12;
	v12 =	vmul.f32 v24, v28  }
0x3ac: {  	v5 =	vld [tilespmem:$0x1EEE0];
	v1 =	vadd.f32 v35, v1  }
0x3ad: {  	v10 =	vadd.f32 v4, v12;
	v4 =	vld [tilespmem:$0x1EF30];
	[tilespmem:$0x1EEB0] =	vst v3;
	v3 =	vmul.f32 v8, v59  }
0x3ae: {  	v26 =	vmul.f32 v8, v55;
	[tilespmem:$0x1EF10] =	vst v1;
	v1 =	vmul.f32 v23, v50  }
0x3af: {  	v57 =	vadd.f32 v58, v3;
	v3 =	vmul.f32 v8, v50;
	v8 =	vmul.f32 v23, v28  }
0x3b0: {  	v34 =	vadd.f32 v0, v1;
	v0 =	vmul.f32 v24, v47  }
0x3b1: {  	v39 =	vadd.f32 v5, v3;
	v3 =	vadd.f32 v54, v8;
	v8 =	vmul.f32 v23, v49  }
0x3b2: {  	v5 =	vld [tilespmem:$0x1EF20];
	v0 =	vadd.f32 v4, v0  }
0x3b3: {  	v2 =	vadd.f32 v60, v8  }
0x3b4: {  	[tilespmem:$0x1EF40] =	vst v0;
	v0 =	vld [tilespmem:$0x1EF50]  }
0x3b5: {  	[tilespmem:$0x1EF00] =	vst v2;
	v2 =	vmul.f32 v23, v59;
	_ =	sdelay $0x1  }
0x3b6: {  	v1 =	vmul.f32 v24, v49;
	v54 =	vadd.f32 v5, v2;
	v2 =	vmul.f32 v24, v32  }
0x3b7: {  	v8 =	vmul.f32 v23, v7  }
0x3b8: {  	v17 =	vadd.f32 v20, v2;
	v2 =	vmul.f32 v24, v55;
	v0 =	vadd.f32 v0, v1;
	_ =	sdelay $0x1  }
0x3b9: {  	v25 =	vadd.f32 v21, v8;
	v8 =	vld [tilespmem:s19+$0x30];
	[tilespmem:$0x1EF60] =	vst v0;
	v0 =	vadd.f32 v29, v2;
	_ =	sdelay $0x1  }
0x3ba: {  	[tilespmem:$0x1EF70] =	vst v0;
	v0 =	vld [tilespmem:$0x1EF80];
	_ =	sdelay $0x2  }
0x3bb: {  	v2 =	vmul.f32 v8, v28;
	_ =	sdelay $0x1  }
0x3bc: {  	v20 =	vadd.f32 v0, v2;
	v0 =	vld [tilespmem:$0x1EF90]  }
0x3bd: {  	v1 =	vmul.f32 v24, v50  }
0x3be: {  	v4 =	vmul.f32 v24, v59  }
0x3bf: {  	v5 =	vld [tilespmem:$0x1EFA0];
	v35 =	vadd.f32 v44, v1;
	v1 =	vmul.f32 v8, v32  }
0x3c0: {  	v62 =	vadd.f32 v45, v4;
	v4 =	vmul.f32 v8, v47;
	v2 =	vmul.f32 v8, v49  }
0x3c1: {  	v21 =	vadd.f32 v0, v1  }
0x3c2: {  	v0 =	vadd.f32 v48, v4;
	v4 =	vadd.f32 v31, v2;
	v2 =	vmul.f32 v8, v7  }
0x3c3: {  	v12 =	vmul.f32 v24, v7  }
0x3c4: {  	v2 =	vadd.f32 v5, v2;
	v5 =	vld [tilespmem:$0x1EFC0]  }
0x3c5: {  	v60 =	vadd.f32 v9, v12;
	v9 =	vld [tilespmem:s19+$0x20];
	v1 =	vmul.f32 v8, v59;
	_ =	sdelay $0x1  }
0x3c6: {  	[tilespmem:$0x1ED90] =	vst v16;
	v16 =	vadd.f32 v51, v1;
	v1 =	vmul.f32 v8, v50;
	_ =	sdelay $0x1  }
0x3c7: {  	v51 =	vadd.f32 v5, v1;
	v5 =	vld [tilespmem:$0x1EFD0]  }
0x3c8: {  	[tilespmem:$0x1EFB0] =	vst v2;
	v2 =	vmul.f32 v9, v32  }
0x3c9: {  	v12 =	vmul.f32 v8, v55;
	v8 =	vmul.f32 v9, v28  }
0x3ca: {  	v24 =	vadd.f32 v19, v2;
	v2 =	vmul.f32 v9, v55;
	v1 =	vmul.f32 v9, v49  }
0x3cb: {  	v23 =	vadd.f32 v42, v8  }
0x3cc: {  	v42 =	vadd.f32 v18, v1;
	v18 =	vadd.f32 v5, v2;
	v5 =	vld [tilespmem:$0x1EFE0];
	_ =	sdelay $0x2  }
0x3cd: {  	v1 =	vmul.f32 v9, v59  }
0x3ce: {  	[tilespmem:$0x1ED80] =	vst v15;
	v15 =	vld [tilespmem:s19+$0x10]  }
0x3cf: {  	v58 =	vadd.f32 v5, v1;
	v1 =	vld [tilespmem:$0x1EFF0];
	_ =	sdelay $0x1  }
0x3d0: {  	v5 =	vld [tilespmem:$0x1F000]  }
0x3d1: {  	v8 =	vmul.f32 v9, v7  }
0x3d2: {  	v11 =	vmul.f32 v9, v47  }
0x3d3: {  	v2 =	vmul.f32 v9, v50;
	v9 =	vadd.f32 v1, v8;
	v1 =	vmul.f32 v15, v32;
	_ =	sdelay $0x1  }
0x3d4: {  	v1 =	vadd.f32 v5, v1;
	v5 =	vld [tilespmem:$0x1F020];
	_ =	sdelay $0x2  }
0x3d5: {  	v19 =	vadd.f32 v33, v11;
	v33 =	vadd.f32 v36, v2;
	v2 =	vmul.f32 v15, v47  }
0x3d6: {  	v30 =	vld [tilespmem:s19+$0x0]  }
0x3d7: {  	v2 =	vadd.f32 v5, v2;
	v5 =	vld [tilespmem:$0x1F040];
	_ =	sdelay $0x2  }
0x3d8: {  	v8 =	vmul.f32 v15, v49  }
0x3d9: {  	v6 =	vld [tilespmem:$0x1FDB0]  }
0x3da: {  	[tilespmem:$0x1F030] =	vst v32;
	v29 =	vmul.f32 v30, v32;
	v32 =	vadd.f32 v5, v8;
	v5 =	vld [tilespmem:$0x1F050];
	_ =	sdelay $0x4  }
0x3db: {  	v6 =	vmin.f32 v5, v6;
	v5 =	vld [tilespmem:$0x1F070]  }
0x3dc: {  	v27 =	vmul.f32 v30, v28;
	v22 =	vadd.f32 v22, v29  }
0x3dd: {  	v61 =	vadd.f32 v61, v26;
	v12 =	vadd.f32 v46, v12;
	v46 =	vimm.f32 $3.000000010e+38  }
0x3de: {  	[tilespmem:$0x1F010] =	vst v28;
	v26 =	vmul.f32 v15, v28;
	v22 =	vmin.f32 v46, v22;
	v28 =	vmul.f32 v15, v55  }
0x3df: {  	v22 =	vmin.f32 v22, v1;
	v1 =	vld [tilespmem:$0x1F0B0]  }
0x3e0: {  	v8 =	vadd.f32 v5, v28;
	v5 =	vld [tilespmem:$0x1F080]  }
0x3e1: {  	v31 =	vmul.f32 v15, v59  }
0x3e2: {  	v28 =	vmul.f32 v15, v7;
	v15 =	vmul.f32 v15, v50;
	_ =	sdelay $0x1  }
0x3e3: {  	[tilespmem:$0x1F090] =	vst v47;
	v27 =	vadd.f32 v53, v27;
	v15 =	vadd.f32 v1, v15;
	v1 =	vld [tilespmem:$0x1F0C0]  }
0x3e4: {  	[tilespmem:$0x1F0D0] =	vst v49;
	v26 =	vadd.f32 v41, v26;
	v41 =	vadd.f32 v5, v31;
	v5 =	vld [tilespmem:$0x1F0A0]  }
0x3e5: {  	[tilespmem:$0x1F0E0] =	vst v55;
	v45 =	vimm.f32 $3.000000010e+38;
	v27 =	vmin.f32 v46, v27  }
0x3e6: {  	[tilespmem:$0x1F0F0] =	vst v59;
	v26 =	vmin.f32 v27, v26;
	v44 =	vimm.f32 $3.000000010e+38;
	v29 =	vmul.f32 v30, v47  }
0x3e7: {  	[tilespmem:$0x1F100] =	vst v7;
	v48 =	vimm.f32 $3.000000010e+38;
	v27 =	vmin.f32 v26, v23;
	v26 =	vmul.f32 v30, v55  }
0x3e8: {  	[tilespmem:$0x1F110] =	vst v50;
	v23 =	vmul.f32 v30, v7;
	v1 =	vadd.f32 v1, v29;
	v29 =	vmin.f32 v22, v24  }
0x3e9: {  	[tilespmem:$0x1F060] =	vst v6;
	v24 =	vmul.f32 v30, v59;
	v36 =	vadd.f32 v5, v28;
	v5 =	vimm.f32 $3.000000010e+38  }
0x3ea: {  	s19 =	simm.s32 $0x200;
	v47 =	vimm.f32 $3.000000010e+38;
	v22 =	vmul.f32 v30, v50;
	v28 =	vmul.f32 v30, v49;
	[tilespmem:$0x1F120] =	vst v5  }
.LBB2_9:
0x3eb: {  	v6 =	vld [tilespmem:$0x1EE40];
	_ =	sdelay $0x2  }
0x3ec: {  	v20 =	vmin.f32 v27, v20  }
0x3ed: {  	v20 =	vmin.f32 v20, v10  }
0x3ee: {  	v3 =	vmin.f32 v20, v3;
	v20 =	vadd.f32 v6, v23;
	v6 =	vld [tilespmem:$0x1EE80];
	_ =	sdelay $0x4  }
0x3ef: {  	v3 =	vmin.f32 v3, v6;
	v6 =	vld [tilespmem:$0x1EEA0];
	_ =	sdelay $0x1  }
0x3f0: {  	v21 =	vmin.f32 v29, v21  }
0x3f1: {  	v21 =	vmin.f32 v21, v17;
	v1 =	vmin.f32 v46, v1  }
0x3f2: {  	v5 =	vld [tilespmem:$0x1EDE0];
	v10 =	vmin.f32 v21, v37;
	v1 =	vmin.f32 v1, v2  }
0x3f3: {  	v1 =	vmin.f32 v1, v19;
	v10 =	vmin.f32 v10, v6;
	v6 =	vld [tilespmem:$0x1EE50]  }
0x3f4: {  	v1 =	vmin.f32 v1, v0;
	v0 =	vld [tilespmem:$0x1EF40];
	_ =	sdelay $0x3  }
0x3f5: {  	v28 =	vadd.f32 v5, v28;
	v5 =	vld [tilespmem:$0x1EE00];
	v3 =	vmin.f32 v3, v6  }
0x3f6: {  	v1 =	vmin.f32 v1, v0;
	v0 =	vld [tilespmem:$0x1EF60];
	[tilespmem:$0x1EB10] =	vst v3;
	v3 =	vmin.f32 v10, v14  }
0x3f7: {  	[tilespmem:$0x1EB20] =	vst v3;
	v3 =	vmin.f32 v47, v28  }
0x3f8: {  	v2 =	vmin.f32 v3, v32  }
0x3f9: {  	v2 =	vmin.f32 v2, v42  }
0x3fa: {  	v26 =	vadd.f32 v5, v26;
	v2 =	vmin.f32 v2, v4  }
0x3fb: {  	v0 =	vmin.f32 v2, v0;
	v2 =	vld [tilespmem:$0x1EF70]  }
0x3fc: {  	v6 =	vmin.f32 v48, v26  }
0x3fd: {  	v3 =	vmin.f32 v6, v8  }
0x3fe: {  	v3 =	vmin.f32 v3, v18  }
0x3ff: {  	v3 =	vmin.f32 v3, v12  }
0x400: {  	v2 =	vmin.f32 v3, v2;
	v3 =	vld [tilespmem:$0x1EEF0];
	_ =	sdelay $0x4  }
0x401: {  	v1 =	vmin.f32 v1, v3;
	v3 =	vld [tilespmem:$0x1EF00];
	_ =	sdelay $0x4  }
0x402: {  	v0 =	vmin.f32 v0, v3;
	v3 =	vld [tilespmem:$0x1EF10];
	_ =	sdelay $0x4  }
0x403: {  	v2 =	vmin.f32 v2, v3;
	v3 =	vld [tilespmem:$0x1EEB0];
	_ =	sdelay $0x4  }
0x404: {  	v1 =	vmin.f32 v1, v3;
	v3 =	vld [tilespmem:$0x1EEC0];
	_ =	sdelay $0x2  }
0x405: {  	v5 =	vld [tilespmem:$0x1EE20];
	_ =	sdelay $0x1  }
0x406: {  	v0 =	vmin.f32 v0, v3;
	v3 =	vld [tilespmem:$0x1EE70];
	_ =	sdelay $0x2  }
0x407: {  	v5 =	vadd.f32 v5, v24;
	v4 =	vld [tilespmem:$0x1EFB0];
	v2 =	vmin.f32 v2, v61;
	v0 =	vmin.f32 v0, v63  }
0x408: {  	[tilespmem:$0x1EB90] =	vst v0;
	v0 =	vmin.f32 v2, v38;
	v2 =	vld [tilespmem:$0x1F120]  }
0x409: {  	[tilespmem:$0x1EB40] =	vst v0;
	v0 =	vmin.f32 v45, v5;
	v1 =	vmin.f32 v1, v3  }
0x40a: {  	v0 =	vmin.f32 v0, v41;
	[tilespmem:$0x1EAD0] =	vst v1;
	v1 =	vmin.f32 v44, v20  }
0x40b: {  	s20 =	sshra.s32 s19, $0x2;
	v21 =	vadd.f32 v13, v22;
	v5 =	vld [tilespmem:$0x1F0F0];
	v0 =	vmin.f32 v0, v58;
	v1 =	vmin.f32 v1, v36  }
0x40c: {  	v3 =	vld [tilespmem:s20+$0x70];
	v0 =	vmin.f32 v0, v16;
	v1 =	vmin.f32 v1, v9  }
0x40d: {  	v2 =	vmin.f32 v2, v21;
	v0 =	vmin.f32 v0, v62;
	v1 =	vmin.f32 v1, v4  }
0x40e: {  	v2 =	vmin.f32 v2, v15;
	v0 =	vmin.f32 v0, v54;
	v1 =	vmin.f32 v1, v60  }
0x40f: {  	v2 =	vmin.f32 v2, v33;
	v0 =	vmin.f32 v0, v57;
	v1 =	vmin.f32 v1, v25  }
0x410: {  	v57 =	vld [tilespmem:$0x1F010];
	v2 =	vmin.f32 v2, v51;
	v0 =	vmin.f32 v0, v40;
	v1 =	vmin.f32 v1, v56  }
0x411: {  	v2 =	vmin.f32 v2, v35;
	[tilespmem:$0x1EAC0] =	vst v0;
	v0 =	vmin.f32 v1, v52;
	v1 =	vmul.f32 v3, v5  }
0x412: {  	v58 =	vld [tilespmem:$0x1F030];
	v2 =	vmin.f32 v2, v34  }
0x413: {  	v2 =	vmin.f32 v2, v39;
	[tilespmem:$0x1E710] =	vst v1;
	v1 =	vld [tilespmem:$0x1F100]  }
0x414: {  	v8 =	vld [tilespmem:$0x1F090];
	[tilespmem:$0x1EAB0] =	vst v0;
	v0 =	vmin.f32 v2, v43  }
0x415: {  	[tilespmem:$0x1F120] =	vst v0;
	v0 =	vmul.f32 v3, v57  }
0x416: {  	v7 =	vld [tilespmem:$0x1F0D0]  }
0x417: {  	v61 =	vld [tilespmem:$0x1F0E0];
	[tilespmem:$0x1E6A0] =	vst v0;
	v0 =	vmul.f32 v3, v58  }
0x418: {  	v6 =	vmul.f32 v3, v1;
	v2 =	vmov v1;
	v1 =	vld [tilespmem:$0x1F110]  }
0x419: {  	[tilespmem:$0x1E6C0] =	vst v0;
	v0 =	vmul.f32 v3, v8;
	_ =	sdelay $0x1  }
0x41a: {  	[tilespmem:$0x1E6E0] =	vst v0;
	v0 =	vmul.f32 v3, v7  }
0x41b: {  	v4 =	vld [tilespmem:s20+$0x60]  }
0x41c: {  	[tilespmem:$0x1E6F0] =	vst v0;
	v0 =	vmul.f32 v3, v61;
	v3 =	vmul.f32 v3, v1;
	_ =	sdelay $0x2  }
0x41d: {  	[tilespmem:$0x1E700] =	vst v0;
	v0 =	vld [tilespmem:s20+$0x50]  }
0x41e: {  	[tilespmem:$0x1E730] =	vst v3;
	v3 =	vmov v2;
	v2 =	vmul.f32 v4, v2;
	_ =	sdelay $0x1  }
0x41f: {  	[tilespmem:$0x1E800] =	vst v2;
	v2 =	vmul.f32 v4, v1;
	_ =	sdelay $0x1  }
0x420: {  	[tilespmem:$0x1E820] =	vst v2;
	v2 =	vmul.f32 v0, v57;
	_ =	sdelay $0x1  }
0x421: {  	[tilespmem:$0x1E840] =	vst v2;
	v2 =	vmul.f32 v0, v58  }
0x422: {  	v10 =	vmul.f32 v4, v7  }
0x423: {  	[tilespmem:$0x1E860] =	vst v2;
	v2 =	vmul.f32 v0, v8  }
0x424: {  	v13 =	vmul.f32 v4, v57;
	[tilespmem:$0x1E7A0] =	vst v10  }
0x425: {  	v12 =	vmul.f32 v4, v58;
	[tilespmem:$0x1E880] =	vst v2;
	v2 =	vmul.f32 v0, v7  }
0x426: {  	v11 =	vmul.f32 v4, v8;
	v10 =	vld [tilespmem:$0x1ED50];
	[tilespmem:$0x1E720] =	vst v6;
	v6 =	vmul.f32 v4, v5  }
0x427: {  	v9 =	vmul.f32 v4, v61;
	v4 =	vmov v1;
	v1 =	vld [tilespmem:s20+$0x4070];
	[tilespmem:$0x1E8A0] =	vst v2;
	v2 =	vmul.f32 v0, v61;
	_ =	sdelay $0x1  }
0x428: {  	v19 =	vld [tilespmem:$0x1ED70];
	[tilespmem:$0x1E8C0] =	vst v2;
	v2 =	vmul.f32 v0, v5  }
0x429: {  	[tilespmem:$0x1E7E0] =	vst v6;
	v6 =	vmov v5;
	v5 =	vmul.f32 v0, v3;
	v0 =	vmul.f32 v0, v4  }
0x42a: {  	v20 =	vld [tilespmem:$0x1ED80]  }
0x42b: {  	[tilespmem:$0x1E920] =	vst v0;
	v0 =	vmul.f32 v1, v10  }
0x42c: {  	v24 =	vld [tilespmem:$0x1ED90]  }
0x42d: {  	v31 =	vld [tilespmem:$0x1EDA0];
	[tilespmem:$0x1E240] =	vst v0;
	v0 =	vmul.f32 v1, v19  }
0x42e: {  	v41 =	vld [tilespmem:$0x1EDF0]  }
0x42f: {  	v40 =	vld [tilespmem:$0x1EDC0];
	[tilespmem:$0x1E260] =	vst v0;
	v0 =	vmul.f32 v1, v20  }
0x430: {  	v34 =	vld [tilespmem:$0x1EDB0]  }
0x431: {  	[tilespmem:$0x1E280] =	vst v0;
	v0 =	vmul.f32 v1, v24  }
0x432: {  	[tilespmem:$0x1E8E0] =	vst v2;
	v2 =	vld [tilespmem:s20+$0x40]  }
0x433: {  	[tilespmem:$0x1E2A0] =	vst v0;
	v0 =	vmul.f32 v1, v31  }
0x434: {  	[tilespmem:$0x1E900] =	vst v5;
	v5 =	vmul.f32 v1, v40  }
0x435: {  	[tilespmem:$0x1E2C0] =	vst v0;
	v0 =	vmul.f32 v1, v34;
	v1 =	vmul.f32 v1, v41;
	_ =	sdelay $0x1  }
0x436: {  	[tilespmem:$0x1E320] =	vst v1;
	v1 =	vmul.f32 v2, v57;
	_ =	sdelay $0x1  }
0x437: {  	[tilespmem:$0x1E940] =	vst v1;
	v1 =	vmul.f32 v2, v58;
	_ =	sdelay $0x1  }
0x438: {  	[tilespmem:$0x1E950] =	vst v1;
	v1 =	vmul.f32 v2, v8;
	_ =	sdelay $0x1  }
0x439: {  	[tilespmem:$0x1E960] =	vst v1;
	v1 =	vmul.f32 v2, v7;
	_ =	sdelay $0x1  }
0x43a: {  	[tilespmem:$0x1E970] =	vst v1;
	v1 =	vmul.f32 v2, v61  }
0x43b: {  	[tilespmem:$0x1E2E0] =	vst v0;
	v0 =	vld [tilespmem:s20+$0x4060]  }
0x43c: {  	[tilespmem:$0x1E980] =	vst v1;
	v1 =	vmul.f32 v2, v6;
	_ =	sdelay $0x1  }
0x43d: {  	[tilespmem:$0x1E990] =	vst v1;
	v1 =	vmul.f32 v2, v3;
	_ =	sdelay $0x1  }
0x43e: {  	[tilespmem:$0x1E9A0] =	vst v1;
	v1 =	vmul.f32 v2, v4;
	v2 =	vmul.f32 v0, v10;
	_ =	sdelay $0x1  }
0x43f: {  	[tilespmem:$0x1E340] =	vst v2;
	v2 =	vmul.f32 v0, v19;
	_ =	sdelay $0x1  }
0x440: {  	[tilespmem:$0x1E360] =	vst v2;
	v2 =	vmul.f32 v0, v20;
	_ =	sdelay $0x1  }
0x441: {  	[tilespmem:$0x1E380] =	vst v2;
	v2 =	vmul.f32 v0, v24;
	_ =	sdelay $0x1  }
0x442: {  	[tilespmem:$0x1E3A0] =	vst v2;
	v2 =	vmul.f32 v0, v31  }
0x443: {  	[tilespmem:$0x1E9C0] =	vst v1;
	v1 =	vld [tilespmem:s20+$0x4050]  }
0x444: {  	[tilespmem:$0x1E3C0] =	vst v2;
	v2 =	vmul.f32 v0, v34;
	_ =	sdelay $0x1  }
0x445: {  	[tilespmem:$0x1E3E0] =	vst v2;
	v2 =	vmul.f32 v0, v40;
	_ =	sdelay $0x1  }
0x446: {  	[tilespmem:$0x1E400] =	vst v2;
	v2 =	vmul.f32 v1, v10;
	_ =	sdelay $0x1  }
0x447: {  	[tilespmem:$0x1E440] =	vst v2;
	v2 =	vmul.f32 v1, v19;
	_ =	sdelay $0x1  }
0x448: {  	[tilespmem:$0x1E460] =	vst v2;
	v2 =	vmul.f32 v1, v20;
	_ =	sdelay $0x1  }
0x449: {  	v43 =	vld [tilespmem:s20+$0x30];
	[tilespmem:$0x1E480] =	vst v2;
	v2 =	vmul.f32 v1, v24;
	_ =	sdelay $0x1  }
0x44a: {  	[tilespmem:$0x1E4A0] =	vst v2;
	v2 =	vmul.f32 v1, v31  }
0x44b: {  	[tilespmem:$0x1E740] =	vst v13;
	v0 =	vmul.f32 v0, v41  }
0x44c: {  	[tilespmem:$0x1E4C0] =	vst v2;
	v2 =	vmul.f32 v1, v34  }
0x44d: {  	v17 =	vld [tilespmem:s20+$0xC070];
	[tilespmem:$0x1E420] =	vst v0;
	v0 =	vmul.f32 v43, v57  }
0x44e: {  	[tilespmem:$0x1E4E0] =	vst v2;
	v2 =	vld [tilespmem:s20+$0x4040]  }
0x44f: {  	v37 =	vld [tilespmem:$0x1EC40];
	[tilespmem:$0x1E9E0] =	vst v0;
	v0 =	vmul.f32 v43, v58  }
0x450: {  	v36 =	vld [tilespmem:$0x1EC30];
	[tilespmem:$0x1E760] =	vst v12  }
0x451: {  	[tilespmem:$0x1EA00] =	vst v0;
	v0 =	vld [tilespmem:s20+$0x8070]  }
0x452: {  	v14 =	vld [tilespmem:$0x1EC70];
	[tilespmem:$0x1E780] =	vst v11  }
0x453: {  	v35 =	vld [tilespmem:$0x1EC20];
	[tilespmem:$0x1E7C0] =	vst v9;
	v11 =	vmul.f32 v2, v10  }
0x454: {  	v38 =	vld [tilespmem:$0x1EC50];
	[tilespmem:$0x1E300] =	vst v5;
	v3 =	vmul.f32 v1, v40  }
0x455: {  	v39 =	vld [tilespmem:$0x1EC60];
	[tilespmem:$0x1E530] =	vst v11;
	v11 =	vmul.f32 v2, v19  }
0x456: {  	v18 =	vld [tilespmem:$0x1EC10];
	[tilespmem:$0x1E500] =	vst v3;
	v4 =	vmul.f32 v0, v36;
	v1 =	vmul.f32 v1, v41  }
0x457: {  	v15 =	vld [tilespmem:$0x1EC80];
	[tilespmem:$0x1E540] =	vst v11;
	v11 =	vmul.f32 v2, v20  }
0x458: {  	v3 =	vmul.f32 v0, v35;
	v5 =	vmul.f32 v0, v37;
	v4 =	vadd.f32 v4, v17;
	[tilespmem:$0x1E510] =	vst v1  }
0x459: {  	v6 =	vmul.f32 v0, v38;
	[tilespmem:$0x1E550] =	vst v11;
	v11 =	vmul.f32 v2, v24  }
0x45a: {  	v7 =	vmul.f32 v0, v39;
	v9 =	vmul.f32 v0, v14;
	[tilespmem:$0x1E290] =	vst v4;
	v4 =	vadd.f32 v5, v17  }
0x45b: {  	v62 =	vmov v8;
	v8 =	vld [tilespmem:s20+$0x8060];
	v1 =	vmul.f32 v0, v18;
	[tilespmem:$0x1E560] =	vst v11;
	v11 =	vmul.f32 v2, v34  }
0x45c: {  	v0 =	vmul.f32 v0, v15;
	v5 =	vadd.f32 v6, v17;
	[tilespmem:$0x1E2B0] =	vst v4;
	v60 =	vmul.f32 v2, v31  }
0x45d: {  	v63 =	vld [tilespmem:s20+$0xC060];
	[tilespmem:$0x1E570] =	vst v11;
	v11 =	vmul.f32 v2, v40;
	v2 =	vmul.f32 v2, v41  }
0x45e: {  	v1 =	vadd.f32 v1, v17;
	[tilespmem:$0x1E2D0] =	vst v5  }
0x45f: {  	v0 =	vadd.f32 v0, v17;
	[tilespmem:$0x1E5A0] =	vst v2;
	v2 =	vld [tilespmem:s20+$0x8050]  }
0x460: {  	v12 =	vmul.f32 v8, v36;
	v5 =	vadd.f32 v7, v17;
	v7 =	vadd.f32 v9, v17;
	[tilespmem:$0x1E250] =	vst v1  }
0x461: {  	v49 =	vmul.f32 v8, v18;
	v6 =	vld [tilespmem:s20+$0xC050];
	[tilespmem:$0x1E330] =	vst v0  }
0x462: {  	v13 =	vmul.f32 v8, v37;
	v22 =	vmul.f32 v8, v14;
	v9 =	vadd.f32 v12, v63;
	[tilespmem:$0x1E310] =	vst v7  }
0x463: {  	v50 =	vmul.f32 v8, v38;
	v7 =	vadd.f32 v49, v63;
	[tilespmem:$0x1E590] =	vst v11;
	v11 =	vmul.f32 v8, v35  }
0x464: {  	[tilespmem:$0x1E390] =	vst v9;
	v9 =	vadd.f32 v13, v63;
	v13 =	vadd.f32 v22, v63;
	v23 =	vmul.f32 v2, v18  }
0x465: {  	v42 =	vmul.f32 v8, v39;
	[tilespmem:$0x1E350] =	vst v7;
	v7 =	vadd.f32 v11, v63;
	v11 =	vadd.f32 v50, v63  }
0x466: {  	[tilespmem:$0x1E410] =	vst v13;
	v51 =	vmul.f32 v2, v35;
	v13 =	vadd.f32 v23, v6  }
0x467: {  	[tilespmem:$0x1E3D0] =	vst v11;
	v11 =	vadd.f32 v42, v63  }
0x468: {  	v16 =	vld [tilespmem:s20+$0x8040];
	v25 =	vmul.f32 v2, v36;
	[tilespmem:$0x1E450] =	vst v13;
	v13 =	vadd.f32 v51, v6  }
0x469: {  	v21 =	vld [tilespmem:s20+$0x8030];
	v1 =	vadd.f32 v3, v17;
	v26 =	vmul.f32 v2, v37;
	[tilespmem:$0x1E3F0] =	vst v11  }
0x46a: {  	v27 =	vmul.f32 v2, v38;
	v28 =	vmul.f32 v2, v39;
	v11 =	vld [tilespmem:s20+$0xC040];
	[tilespmem:$0x1E470] =	vst v13;
	v13 =	vadd.f32 v25, v6  }
0x46b: {  	[tilespmem:$0x1E270] =	vst v1;
	v1 =	vld [tilespmem:s20+$0x8020];
	v29 =	vmul.f32 v2, v14;
	v2 =	vmul.f32 v2, v15  }
0x46c: {  	v8 =	vmul.f32 v8, v15;
	[tilespmem:$0x1E490] =	vst v13;
	v13 =	vadd.f32 v26, v6;
	v26 =	vld [tilespmem:s20+$0xC030]  }
0x46d: {  	v56 =	vmul.f32 v16, v39;
	[tilespmem:$0x1E2F0] =	vst v5;
	v2 =	vadd.f32 v2, v6  }
0x46e: {  	[tilespmem:$0x1E3B0] =	vst v9;
	v8 =	vadd.f32 v8, v63;
	v51 =	vadd.f32 v29, v6;
	v29 =	vld [tilespmem:s20+$0xC020]  }
0x46f: {  	v0 =	vmul.f32 v21, v14;
	[tilespmem:$0x1E520] =	vst v2;
	v2 =	vadd.f32 v56, v11  }
0x470: {  	v46 =	vmul.f32 v21, v18;
	[tilespmem:$0x1E430] =	vst v8  }
0x471: {  	v12 =	vmul.f32 v1, v35;
	[tilespmem:$0x1E580] =	vst v2;
	v0 =	vadd.f32 v0, v26  }
0x472: {  	v47 =	vmul.f32 v21, v35;
	[tilespmem:$0x1E4B0] =	vst v13;
	v2 =	vadd.f32 v46, v26  }
0x473: {  	v8 =	vmul.f32 v1, v36;
	[tilespmem:$0x1E5F0] =	vst v0;
	v0 =	vadd.f32 v12, v29  }
0x474: {  	v4 =	vmul.f32 v21, v38;
	v22 =	vld [tilespmem:s20+$0x8010];
	[tilespmem:$0x1E5B0] =	vst v2;
	v2 =	vadd.f32 v47, v26  }
0x475: {  	v30 =	vmul.f32 v16, v18;
	v23 =	vmul.f32 v1, v37;
	[tilespmem:$0x1E600] =	vst v0;
	v0 =	vadd.f32 v8, v29  }
0x476: {  	v5 =	vmul.f32 v21, v39;
	v9 =	vmul.f32 v1, v18;
	[tilespmem:$0x1E5C0] =	vst v2;
	v2 =	vadd.f32 v4, v26;
	v4 =	vld [tilespmem:s20+$0xC010]  }
0x477: {  	v42 =	vmul.f32 v1, v14;
	v25 =	vmul.f32 v1, v38;
	[tilespmem:$0x1E610] =	vst v0;
	v0 =	vadd.f32 v23, v29  }
0x478: {  	v13 =	vadd.f32 v27, v6;
	v27 =	vmul.f32 v1, v39;
	v1 =	vmul.f32 v1, v15;
	[tilespmem:$0x1E5D0] =	vst v2  }
0x479: {  	v2 =	vadd.f32 v5, v26;
	v5 =	vmul.f32 v22, v39;
	[tilespmem:$0x1E620] =	vst v0;
	v0 =	vadd.f32 v25, v29  }
0x47a: {  	v33 =	vmul.f32 v22, v14;
	[tilespmem:$0x1E370] =	vst v7;
	v50 =	vadd.f32 v30, v11;
	v30 =	vld [tilespmem:s20+$0x8000]  }
0x47b: {  	v7 =	vmul.f32 v21, v15;
	[tilespmem:$0x1E630] =	vst v0;
	v0 =	vadd.f32 v1, v29;
	v1 =	vadd.f32 v5, v4  }
0x47c: {  	v25 =	vld [tilespmem:s20+$0xC000]  }
0x47d: {  	v47 =	vadd.f32 v7, v26;
	v7 =	vmul.f32 v22, v15;
	[tilespmem:$0x1E660] =	vst v1;
	v1 =	vadd.f32 v33, v4  }
0x47e: {  	[tilespmem:$0x1E5E0] =	vst v2  }
0x47f: {  	v2 =	vmul.f32 v30, v35;
	[tilespmem:$0x1E670] =	vst v1;
	v1 =	vadd.f32 v7, v4;
	_ =	sdelay $0x1  }
0x480: {  	[tilespmem:$0x1E680] =	vst v1;
	v1 =	vadd.f32 v2, v25  }
0x481: {  	v2 =	vld [tilespmem:$0x1E250]  }
0x482: {  	[tilespmem:$0x1E690] =	vst v1;
	v1 =	vld [tilespmem:$0x1E240];
	_ =	sdelay $0x3  }
0x483: {  	v53 =	vmul.f32 v16, v37  }
0x484: {  	v32 =	vmul.f32 v16, v36;
	v52 =	vmul.f32 v16, v35;
	v1 =	vadd.f32 v2, v1  }
0x485: {  	v54 =	vmul.f32 v16, v38;
	v44 =	vmul.f32 v16, v14;
	v2 =	vld [tilespmem:$0x1E270]  }
0x486: {  	v3 =	vmul.f32 v21, v37;
	v59 =	vadd.f32 v52, v11;
	v52 =	vadd.f32 v32, v11;
	[tilespmem:$0x1E6B0] =	vst v1;
	v1 =	vld [tilespmem:$0x1E260]  }
0x487: {  	v45 =	vmul.f32 v16, v15;
	v53 =	vadd.f32 v53, v11;
	v55 =	vadd.f32 v54, v11  }
0x488: {  	v56 =	vadd.f32 v44, v11;
	v49 =	vadd.f32 v3, v26;
	v3 =	vmul.f32 v22, v38  }
0x489: {  	v54 =	vadd.f32 v45, v11;
	v11 =	vmul.f32 v22, v36;
	v23 =	vadd.f32 v27, v29  }
0x48a: {  	v32 =	vmul.f32 v22, v37;
	v27 =	vadd.f32 v42, v29;
	v42 =	vadd.f32 v3, v4;
	v3 =	vld [tilespmem:$0x1E290]  }
0x48b: {  	[tilespmem:$0x1E4D0] =	vst v13;
	v13 =	vadd.f32 v28, v6;
	v6 =	vmul.f32 v22, v18;
	v1 =	vadd.f32 v2, v1;
	v2 =	vld [tilespmem:$0x1E280]  }
0x48c: {  	v28 =	vmul.f32 v22, v35;
	v22 =	vmul.f32 v30, v18;
	_ =	sdelay $0x1  }
0x48d: {  	v33 =	vadd.f32 v22, v25;
	v22 =	vmul.f32 v30, v15  }
0x48e: {  	v48 =	vmul.f32 v21, v36  }
0x48f: {  	v63 =	vadd.f32 v22, v25;
	v22 =	vadd.f32 v3, v2;
	v2 =	vld [tilespmem:$0x1E2A0]  }
0x490: {  	v48 =	vadd.f32 v48, v26;
	v26 =	vadd.f32 v9, v29;
	v3 =	vld [tilespmem:$0x1E2B0]  }
0x491: {  	v44 =	vadd.f32 v28, v4;
	v28 =	vmul.f32 v30, v38;
	v29 =	vmul.f32 v30, v36  }
0x492: {  	v5 =	vmul.f32 v30, v39;
	[tilespmem:$0x1E640] =	vst v0;
	v0 =	vadd.f32 v6, v4;
	v6 =	vmul.f32 v30, v37  }
0x493: {  	v35 =	vadd.f32 v29, v25;
	v37 =	vadd.f32 v28, v25;
	v7 =	vmul.f32 v30, v14  }
0x494: {  	v38 =	vadd.f32 v5, v25;
	v36 =	vadd.f32 v6, v25  }
0x495: {  	v39 =	vadd.f32 v7, v25;
	v25 =	vadd.f32 v3, v2;
	v2 =	vld [tilespmem:$0x1E2C0]  }
0x496: {  	v3 =	vld [tilespmem:$0x1E2D0];
	_ =	sdelay $0x4  }
0x497: {  	v28 =	vadd.f32 v3, v2;
	v2 =	vld [tilespmem:$0x1E2E0]  }
0x498: {  	v3 =	vld [tilespmem:$0x1E2F0];
	_ =	sdelay $0x4  }
0x499: {  	v29 =	vadd.f32 v3, v2;
	v2 =	vld [tilespmem:$0x1E300]  }
0x49a: {  	v3 =	vld [tilespmem:$0x1E310];
	_ =	sdelay $0x4  }
0x49b: {  	v30 =	vadd.f32 v3, v2;
	v2 =	vld [tilespmem:$0x1E320]  }
0x49c: {  	v3 =	vld [tilespmem:$0x1E330];
	_ =	sdelay $0x4  }
0x49d: {  	v46 =	vadd.f32 v32, v4;
	v32 =	vadd.f32 v3, v2;
	v2 =	vld [tilespmem:$0x1E340]  }
0x49e: {  	v3 =	vld [tilespmem:$0x1E350];
	_ =	sdelay $0x4  }
0x49f: {  	[tilespmem:$0x1E650] =	vst v0;
	v0 =	vld [tilespmem:s20+$0x4030];
	v2 =	vadd.f32 v3, v2  }
0x4a0: {  	v3 =	vld [tilespmem:$0x1E370]  }
0x4a1: {  	[tilespmem:$0x1E750] =	vst v2;
	v2 =	vld [tilespmem:$0x1E360];
	_ =	sdelay $0x2  }
0x4a2: {  	v18 =	vmul.f32 v0, v10;
	v16 =	vmul.f32 v0, v19  }
0x4a3: {  	v21 =	vmul.f32 v0, v20;
	v15 =	vmul.f32 v0, v24  }
0x4a4: {  	[tilespmem:$0x1E4F0] =	vst v13;
	v17 =	vmul.f32 v0, v31;
	v13 =	vmul.f32 v0, v34;
	v2 =	vadd.f32 v3, v2  }
0x4a5: {  	v14 =	vmul.f32 v0, v40;
	v12 =	vmul.f32 v0, v41;
	v0 =	vld [tilespmem:$0x1E380]  }
0x4a6: {  	[tilespmem:$0x1E770] =	vst v2;
	v2 =	vld [tilespmem:$0x1E390];
	_ =	sdelay $0x4  }
0x4a7: {  	v0 =	vadd.f32 v2, v0  }
0x4a8: {  	v2 =	vld [tilespmem:$0x1E3B0]  }
0x4a9: {  	[tilespmem:$0x1E790] =	vst v0;
	v0 =	vld [tilespmem:$0x1E3A0];
	_ =	sdelay $0x4  }
0x4aa: {  	v0 =	vadd.f32 v2, v0  }
0x4ab: {  	v2 =	vld [tilespmem:$0x1E3D0]  }
0x4ac: {  	[tilespmem:$0x1E7B0] =	vst v0;
	v0 =	vld [tilespmem:$0x1E3C0];
	_ =	sdelay $0x4  }
0x4ad: {  	v0 =	vadd.f32 v2, v0  }
0x4ae: {  	v2 =	vld [tilespmem:$0x1E3F0]  }
0x4af: {  	[tilespmem:$0x1E7D0] =	vst v0;
	v0 =	vld [tilespmem:$0x1E3E0];
	_ =	sdelay $0x4  }
0x4b0: {  	v0 =	vadd.f32 v2, v0  }
0x4b1: {  	v2 =	vld [tilespmem:$0x1E410]  }
0x4b2: {  	[tilespmem:$0x1E7F0] =	vst v0;
	v0 =	vld [tilespmem:$0x1E400];
	_ =	sdelay $0x4  }
0x4b3: {  	v0 =	vadd.f32 v2, v0  }
0x4b4: {  	v2 =	vld [tilespmem:$0x1E430]  }
0x4b5: {  	[tilespmem:$0x1E810] =	vst v0;
	v0 =	vld [tilespmem:$0x1E420];
	_ =	sdelay $0x4  }
0x4b6: {  	v0 =	vadd.f32 v2, v0  }
0x4b7: {  	v2 =	vld [tilespmem:$0x1E450]  }
0x4b8: {  	[tilespmem:$0x1E830] =	vst v0;
	v0 =	vld [tilespmem:$0x1E440];
	_ =	sdelay $0x4  }
0x4b9: {  	v0 =	vadd.f32 v2, v0  }
0x4ba: {  	v2 =	vld [tilespmem:$0x1E470]  }
0x4bb: {  	[tilespmem:$0x1E850] =	vst v0;
	v0 =	vld [tilespmem:$0x1E460];
	_ =	sdelay $0x3  }
0x4bc: {  	v3 =	vld [tilespmem:$0x1E490]  }
0x4bd: {  	v0 =	vadd.f32 v2, v0;
	v2 =	vld [tilespmem:$0x1E480];
	_ =	sdelay $0x4  }
0x4be: {  	v2 =	vadd.f32 v3, v2  }
0x4bf: {  	v3 =	vld [tilespmem:$0x1E4B0]  }
0x4c0: {  	[tilespmem:$0x1E890] =	vst v2;
	v2 =	vld [tilespmem:$0x1E4A0];
	_ =	sdelay $0x4  }
0x4c1: {  	v2 =	vadd.f32 v3, v2  }
0x4c2: {  	v3 =	vld [tilespmem:$0x1E4D0]  }
0x4c3: {  	[tilespmem:$0x1E8B0] =	vst v2;
	v2 =	vld [tilespmem:$0x1E4C0];
	_ =	sdelay $0x4  }
0x4c4: {  	v2 =	vadd.f32 v3, v2  }
0x4c5: {  	v3 =	vld [tilespmem:$0x1E4F0]  }
0x4c6: {  	[tilespmem:$0x1E8D0] =	vst v2;
	v2 =	vld [tilespmem:$0x1E4E0];
	_ =	sdelay $0x4  }
0x4c7: {  	v2 =	vadd.f32 v3, v2;
	_ =	sdelay $0x1  }
0x4c8: {  	[tilespmem:$0x1E8F0] =	vst v2;
	v2 =	vld [tilespmem:$0x1E500];
	_ =	sdelay $0x3  }
0x4c9: {  	[tilespmem:$0x1E6D0] =	vst v1;
	v1 =	vld [tilespmem:s20+$0x4020]  }
0x4ca: {  	v2 =	vadd.f32 v51, v2  }
0x4cb: {  	v3 =	vld [tilespmem:$0x1E520]  }
0x4cc: {  	[tilespmem:$0x1E910] =	vst v2;
	v2 =	vld [tilespmem:$0x1E510];
	_ =	sdelay $0x1  }
0x4cd: {  	v45 =	vadd.f32 v11, v4;
	v11 =	vmul.f32 v1, v10;
	v9 =	vmul.f32 v1, v19  }
0x4ce: {  	v8 =	vmul.f32 v1, v20;
	v7 =	vmul.f32 v1, v24  }
0x4cf: {  	v6 =	vmul.f32 v1, v31;
	v5 =	vmul.f32 v1, v34  }
0x4d0: {  	v4 =	vmul.f32 v1, v40;
	v2 =	vadd.f32 v3, v2;
	v3 =	vmul.f32 v1, v41;
	v1 =	vld [tilespmem:$0x1E550];
	_ =	sdelay $0x3  }
0x4d1: {  	[tilespmem:$0x1E930] =	vst v2;
	v2 =	vld [tilespmem:$0x1E530]  }
0x4d2: {  	v52 =	vadd.f32 v52, v1;
	v1 =	vld [tilespmem:$0x1E560];
	_ =	sdelay $0x2  }
0x4d3: {  	v55 =	vadd.f32 v55, v60;
	v60 =	vld [tilespmem:$0x1E580]  }
0x4d4: {  	v50 =	vadd.f32 v50, v2;
	v2 =	vld [tilespmem:$0x1E540]  }
0x4d5: {  	v53 =	vadd.f32 v53, v1;
	v1 =	vld [tilespmem:$0x1E570];
	_ =	sdelay $0x4  }
0x4d6: {  	v51 =	vadd.f32 v59, v2;
	v59 =	vadd.f32 v60, v1;
	v60 =	vld [tilespmem:$0x1E590];
	_ =	sdelay $0x1  }
0x4d7: {  	[tilespmem:$0x1E870] =	vst v0;
	v0 =	vld [tilespmem:s20+$0x4010]  }
0x4d8: {  	v48 =	vadd.f32 v48, v21;
	v21 =	vld [tilespmem:$0x1E5D0];
	_ =	sdelay $0x1  }
0x4d9: {  	v11 =	vadd.f32 v26, v11;
	v56 =	vadd.f32 v56, v60;
	v60 =	vld [tilespmem:$0x1E5A0];
	_ =	sdelay $0x1  }
0x4da: {  	[tilespmem:$0x1EA40] =	vst v11;
	v11 =	vld [tilespmem:$0x1E600];
	v1 =	vmul.f32 v0, v19  }
0x4db: {  	v49 =	vadd.f32 v49, v15;
	v15 =	vmul.f32 v0, v31;
	[tilespmem:$0x1E9B0] =	vst v56;
	v56 =	vadd.f32 v21, v17;
	v17 =	vld [tilespmem:$0x1E5E0]  }
0x4dc: {  	v44 =	vadd.f32 v44, v1  }
0x4dd: {  	v1 =	vadd.f32 v42, v15;
	v54 =	vadd.f32 v54, v60;
	v60 =	vld [tilespmem:$0x1E5B0];
	_ =	sdelay $0x1  }
0x4de: {  	v9 =	vadd.f32 v11, v9;
	[tilespmem:$0x1EAE0] =	vst v1;
	v1 =	vld [tilespmem:$0x1E660]  }
0x4df: {  	v13 =	vadd.f32 v17, v13  }
0x4e0: {  	[tilespmem:$0x1EA50] =	vst v9  }
0x4e1: {  	v9 =	vld [tilespmem:$0x1E610];
	[tilespmem:$0x1EA20] =	vst v13;
	v13 =	vmul.f32 v0, v34;
	v18 =	vadd.f32 v60, v18;
	_ =	sdelay $0x1  }
0x4e2: {  	v1 =	vadd.f32 v1, v13;
	[tilespmem:$0x1E9F0] =	vst v18;
	v18 =	vld [tilespmem:$0x1E5C0]  }
0x4e3: {  	v27 =	vadd.f32 v27, v4;
	v4 =	vld [tilespmem:$0x1E640]  }
0x4e4: {  	[tilespmem:$0x1EAF0] =	vst v1;
	v1 =	vld [tilespmem:$0x1E670]  }
0x4e5: {  	v8 =	vadd.f32 v9, v8;
	_ =	sdelay $0x1  }
0x4e6: {  	v47 =	vadd.f32 v47, v12;
	[tilespmem:$0x1EA60] =	vst v8;
	v8 =	vld [tilespmem:$0x1E620];
	v12 =	vmul.f32 v0, v40;
	v16 =	vadd.f32 v18, v16  }
0x4e7: {  	v3 =	vadd.f32 v4, v3;
	v4 =	vld [tilespmem:$0x1E650]  }
0x4e8: {  	v1 =	vadd.f32 v1, v12;
	[tilespmem:$0x1EA10] =	vst v16;
	v16 =	vld [tilespmem:s20+$0x4000];
	_ =	sdelay $0x1  }
0x4e9: {  	[tilespmem:$0x1EB30] =	vst v1;
	v1 =	vld [tilespmem:$0x1E680]  }
0x4ea: {  	v26 =	vadd.f32 v8, v7;
	v8 =	vld [tilespmem:$0x1E630];
	v2 =	vmul.f32 v0, v10  }
0x4eb: {  	[tilespmem:$0x1E9D0] =	vst v54;
	v54 =	vmul.f32 v0, v20;
	v18 =	vmul.f32 v0, v24  }
0x4ec: {  	[tilespmem:$0x1EA90] =	vst v3;
	v2 =	vadd.f32 v4, v2;
	v0 =	vmul.f32 v0, v41;
	v3 =	vmul.f32 v16, v20;
	_ =	sdelay $0x1  }
0x4ed: {  	[tilespmem:$0x1EAA0] =	vst v2;
	v2 =	vmul.f32 v16, v24;
	v0 =	vadd.f32 v1, v0;
	v1 =	vadd.f32 v35, v3  }
0x4ee: {  	v6 =	vadd.f32 v8, v6  }
0x4ef: {  	v4 =	vmul.f32 v16, v31;
	[tilespmem:$0x1EB60] =	vst v1;
	v1 =	vadd.f32 v36, v2  }
0x4f0: {  	[tilespmem:$0x1EA70] =	vst v6  }
0x4f1: {  	v6 =	vmul.f32 v16, v34;
	[tilespmem:$0x1EDE0] =	vst v1;
	v1 =	vadd.f32 v37, v4;
	_ =	sdelay $0x1  }
0x4f2: {  	[tilespmem:$0x1EE00] =	vst v1;
	v1 =	vadd.f32 v38, v6  }
0x4f3: {  	v3 =	vld [tilespmem:$0x1E6A0]  }
0x4f4: {  	[tilespmem:$0x1EE20] =	vst v1;
	v1 =	vld [tilespmem:$0x1E6B0];
	_ =	sdelay $0x4  }
0x4f5: {  	v1 =	vadd.f32 v1, v3  }
0x4f6: {  	v3 =	vld [tilespmem:$0x1E6C0]  }
0x4f7: {  	[tilespmem:$0x1EE50] =	vst v1;
	v1 =	vld [tilespmem:$0x1E6D0];
	_ =	sdelay $0x4  }
0x4f8: {  	v8 =	vadd.f32 v1, v3;
	v3 =	vld [tilespmem:$0x1E6E0];
	_ =	sdelay $0x4  }
0x4f9: {  	v1 =	vadd.f32 v22, v3;
	v3 =	vld [tilespmem:$0x1E6F0];
	_ =	sdelay $0x4  }
0x4fa: {  	[tilespmem:$0x1EE70] =	vst v1;
	v1 =	vadd.f32 v25, v3;
	v3 =	vld [tilespmem:$0x1E700];
	_ =	sdelay $0x4  }
0x4fb: {  	[tilespmem:$0x1EB70] =	vst v1;
	v1 =	vadd.f32 v28, v3;
	v3 =	vld [tilespmem:$0x1E710];
	_ =	sdelay $0x3  }
0x4fc: {  	[tilespmem:$0x1EB50] =	vst v0;
	v0 =	vld [tilespmem:$0x1E690]  }
0x4fd: {  	[tilespmem:$0x1EB80] =	vst v1;
	v1 =	vadd.f32 v29, v3;
	v3 =	vld [tilespmem:$0x1E720]  }
0x4fe: {  	v5 =	vadd.f32 v23, v5;
	_ =	sdelay $0x1  }
0x4ff: {  	[tilespmem:$0x1EA80] =	vst v5;
	v5 =	vmul.f32 v16, v19;
	_ =	sdelay $0x1  }
0x500: {  	v23 =	vadd.f32 v0, v5;
	v0 =	vmul.f32 v16, v40;
	v40 =	vadd.f32 v30, v3;
	v3 =	vld [tilespmem:$0x1E730];
	_ =	sdelay $0x3  }
0x501: {  	[tilespmem:$0x1EB00] =	vst v1;
	v1 =	vld [tilespmem:$0x1E750]  }
0x502: {  	v31 =	vadd.f32 v32, v3;
	v3 =	vld [tilespmem:$0x1E740];
	_ =	sdelay $0x4  }
0x503: {  	v1 =	vadd.f32 v1, v3  }
0x504: {  	v3 =	vld [tilespmem:$0x1E760]  }
0x505: {  	[tilespmem:$0x1EE80] =	vst v1;
	v1 =	vld [tilespmem:$0x1E770];
	_ =	sdelay $0x4  }
0x506: {  	v1 =	vadd.f32 v1, v3  }
0x507: {  	v3 =	vld [tilespmem:$0x1E780]  }
0x508: {  	[tilespmem:$0x1EEA0] =	vst v1;
	v1 =	vld [tilespmem:$0x1E790];
	_ =	sdelay $0x4  }
0x509: {  	v1 =	vadd.f32 v1, v3  }
0x50a: {  	v3 =	vld [tilespmem:$0x1E7A0]  }
0x50b: {  	[tilespmem:$0x1EEB0] =	vst v1;
	v1 =	vld [tilespmem:$0x1E7B0];
	_ =	sdelay $0x4  }
0x50c: {  	v1 =	vadd.f32 v1, v3  }
0x50d: {  	v3 =	vld [tilespmem:$0x1E7C0]  }
0x50e: {  	[tilespmem:$0x1EEC0] =	vst v1;
	v1 =	vld [tilespmem:$0x1E7D0];
	_ =	sdelay $0x4  }
0x50f: {  	v9 =	vmul.f32 v43, v61;
	v7 =	vmul.f32 v16, v10;
	v10 =	vmovc v61;
	v61 =	vadd.f32 v1, v3;
	v3 =	vld [tilespmem:$0x1E7E0]  }
0x510: {  	v1 =	vld [tilespmem:$0x1E7F0];
	_ =	sdelay $0x4  }
0x511: {  	v42 =	vadd.f32 v1, v3;
	v3 =	vld [tilespmem:$0x1E800]  }
0x512: {  	v1 =	vld [tilespmem:$0x1E810];
	_ =	sdelay $0x1  }
0x513: {  	v2 =	vmul.f32 v16, v41;
	_ =	sdelay $0x1  }
0x514: {  	v11 =	vadd.f32 v63, v2  }
0x515: {  	v0 =	vadd.f32 v39, v0;
	v63 =	vadd.f32 v1, v3;
	v3 =	vld [tilespmem:$0x1E820]  }
0x516: {  	v1 =	vld [tilespmem:$0x1E830]  }
0x517: {  	[tilespmem:$0x1EE40] =	vst v0;
	v0 =	vld [tilespmem:s20+$0x20];
	_ =	sdelay $0x3  }
0x518: {  	v39 =	vadd.f32 v1, v3;
	v3 =	vld [tilespmem:$0x1E840]  }
0x519: {  	v15 =	vadd.f32 v33, v7;
	v33 =	vmul.f32 v0, v10;
	v1 =	vmov v10;
	v10 =	vld [tilespmem:$0x1E850];
	_ =	sdelay $0x4  }
0x51a: {  	v38 =	vadd.f32 v10, v3;
	v10 =	vld [tilespmem:$0x1E860]  }
0x51b: {  	v3 =	vld [tilespmem:$0x1E870];
	_ =	sdelay $0x3  }
0x51c: {  	v6 =	vld [tilespmem:$0x1E880]  }
0x51d: {  	v37 =	vadd.f32 v3, v10;
	v3 =	vld [tilespmem:$0x1E890];
	_ =	sdelay $0x1  }
0x51e: {  	v13 =	vld [tilespmem:$0x1F0D0]  }
0x51f: {  	v24 =	vld [tilespmem:$0x1F0F0]  }
0x520: {  	v7 =	vld [tilespmem:$0x1F110]  }
0x521: {  	v5 =	vld [tilespmem:$0x1F100];
	v3 =	vadd.f32 v3, v6  }
0x522: {  	v6 =	vld [tilespmem:$0x1E8A0]  }
0x523: {  	[tilespmem:$0x1EEF0] =	vst v3;
	v3 =	vld [tilespmem:$0x1E8B0];
	_ =	sdelay $0x1  }
0x524: {  	v4 =	vmul.f32 v43, v62;
	v2 =	vmul.f32 v43, v13  }
0x525: {  	v46 =	vadd.f32 v46, v18;
	v16 =	vmul.f32 v43, v24;
	v18 =	vmul.f32 v43, v5  }
0x526: {  	v41 =	vmul.f32 v0, v5;
	v22 =	vmul.f32 v43, v7;
	v43 =	vmov v5;
	v5 =	vld [tilespmem:$0x1E8C0]  }
0x527: {  	v6 =	vadd.f32 v3, v6;
	v3 =	vld [tilespmem:$0x1E8D0];
	_ =	sdelay $0x4  }
0x528: {  	v5 =	vadd.f32 v3, v5  }
0x529: {  	v3 =	vld [tilespmem:$0x1E8F0]  }
0x52a: {  	[tilespmem:$0x1EF10] =	vst v5;
	v5 =	vld [tilespmem:$0x1E8E0];
	_ =	sdelay $0x1  }
0x52b: {  	v19 =	vmul.f32 v0, v62;
	v36 =	vmul.f32 v0, v24  }
0x52c: {  	v28 =	vmul.f32 v0, v57;
	v29 =	vmul.f32 v0, v58  }
0x52d: {  	v32 =	vmul.f32 v0, v13;
	[tilespmem:$0x1EF00] =	vst v6;
	v6 =	vmul.f32 v0, v7;
	v0 =	vld [tilespmem:$0x1E900]  }
0x52e: {  	v45 =	vadd.f32 v45, v54;
	v54 =	vadd.f32 v3, v5;
	v3 =	vld [tilespmem:$0x1E910];
	_ =	sdelay $0x4  }
0x52f: {  	v25 =	vadd.f32 v3, v0;
	v0 =	vld [tilespmem:$0x1E920]  }
0x530: {  	v3 =	vld [tilespmem:$0x1E930];
	_ =	sdelay $0x4  }
0x531: {  	v34 =	vadd.f32 v3, v0;
	v0 =	vld [tilespmem:$0x1E940];
	_ =	sdelay $0x3  }
0x532: {  	v17 =	vld [tilespmem:$0x1E5F0]  }
0x533: {  	v10 =	vadd.f32 v50, v0;
	v0 =	vld [tilespmem:$0x1E950];
	_ =	sdelay $0x4  }
0x534: {  	v14 =	vadd.f32 v17, v14;
	v17 =	vadd.f32 v51, v0;
	v0 =	vld [tilespmem:$0x1E960];
	_ =	sdelay $0x4  }
0x535: {  	v0 =	vadd.f32 v52, v0;
	_ =	sdelay $0x1  }
0x536: {  	[tilespmem:$0x1EF40] =	vst v0;
	v0 =	vld [tilespmem:$0x1E970];
	_ =	sdelay $0x1  }
0x537: {  	v12 =	vld [tilespmem:$0x1E980];
	_ =	sdelay $0x2  }
0x538: {  	v0 =	vadd.f32 v53, v0  }
0x539: {  	v30 =	vld [tilespmem:s20+$0x10]  }
0x53a: {  	[tilespmem:$0x1EF60] =	vst v0;
	v0 =	vadd.f32 v55, v12;
	v12 =	vld [tilespmem:$0x1E990];
	_ =	sdelay $0x3  }
0x53b: {  	[tilespmem:$0x1EF70] =	vst v0;
	v0 =	vld [tilespmem:$0x1E9B0]  }
0x53c: {  	[tilespmem:$0x1EA30] =	vst v14;
	v14 =	vmov v62;
	v53 =	vmul.f32 v30, v62;
	v62 =	vadd.f32 v59, v12;
	v12 =	vld [tilespmem:$0x1E9A0];
	_ =	sdelay $0x4  }
0x53d: {  	v60 =	vadd.f32 v0, v12;
	v12 =	vld [tilespmem:$0x1E9C0]  }
0x53e: {  	v0 =	vld [tilespmem:$0x1E9D0];
	_ =	sdelay $0x4  }
0x53f: {  	v35 =	vadd.f32 v0, v12;
	v12 =	vld [tilespmem:$0x1E9E0]  }
0x540: {  	v0 =	vld [tilespmem:$0x1E9F0];
	_ =	sdelay $0x4  }
0x541: {  	v20 =	vadd.f32 v0, v12;
	v12 =	vld [tilespmem:$0x1EA00]  }
0x542: {  	v0 =	vld [tilespmem:$0x1EA10];
	_ =	sdelay $0x4  }
0x543: {  	v21 =	vadd.f32 v0, v12  }
0x544: {  	v0 =	vadd.f32 v48, v4;
	v4 =	vadd.f32 v49, v2;
	v2 =	vld [tilespmem:$0x1EA20];
	_ =	sdelay $0x4  }
0x545: {  	v16 =	vadd.f32 v2, v16;
	v2 =	vld [tilespmem:$0x1EA30];
	_ =	sdelay $0x4  }
0x546: {  	v2 =	vadd.f32 v2, v18;
	_ =	sdelay $0x1  }
0x547: {  	[tilespmem:$0x1EFB0] =	vst v2;
	v2 =	vld [tilespmem:$0x1EA40];
	_ =	sdelay $0x4  }
0x548: {  	v51 =	vadd.f32 v47, v22;
	v47 =	vadd.f32 v2, v28;
	v2 =	vld [tilespmem:$0x1EA50];
	_ =	sdelay $0x4  }
0x549: {  	v29 =	vadd.f32 v2, v29;
	v2 =	vld [tilespmem:$0x1EA60];
	_ =	sdelay $0x4  }
0x54a: {  	v19 =	vadd.f32 v2, v19;
	v2 =	vld [tilespmem:$0x1EA70];
	_ =	sdelay $0x3  }
0x54b: {  	v59 =	vld [tilespmem:s20+$0x0]  }
0x54c: {  	v18 =	vadd.f32 v2, v33;
	v2 =	vld [tilespmem:$0x1EA80];
	_ =	sdelay $0x2  }
0x54d: {  	v5 =	vmov v7;
	v7 =	vmul.f32 v30, v57;
	v3 =	vmul.f32 v30, v1  }
0x54e: {  	v22 =	vmul.f32 v59, v57;
	v57 =	vmovc v42;
	v42 =	vadd.f32 v26, v32;
	v26 =	vmul.f32 v59, v1;
	v1 =	vld [tilespmem:$0x1EAA0]  }
0x54f: {  	v50 =	vmul.f32 v30, v58;
	v49 =	vmul.f32 v59, v58;
	v58 =	vadd.f32 v2, v36;
	v2 =	vld [tilespmem:$0x1EA90];
	_ =	sdelay $0x4  }
0x550: {  	v33 =	vadd.f32 v2, v6;
	v6 =	vadd.f32 v1, v7;
	v1 =	vld [tilespmem:$0x1EAE0];
	_ =	sdelay $0x4  }
0x551: {  	v12 =	vadd.f32 v56, v9;
	v56 =	vmul.f32 v59, v14;
	v14 =	vmovc v8;
	v8 =	vadd.f32 v1, v3;
	v1 =	vld [tilespmem:$0x1EAF0];
	_ =	sdelay $0x2  }
0x552: {  	v52 =	vmul.f32 v30, v24;
	_ =	sdelay $0x1  }
0x553: {  	v55 =	vmul.f32 v30, v13;
	v9 =	vadd.f32 v27, v41;
	v41 =	vadd.f32 v1, v52;
	v1 =	vld [tilespmem:$0x1EB30];
	_ =	sdelay $0x1  }
0x554: {  	v24 =	vmul.f32 v59, v24;
	v32 =	vadd.f32 v46, v55  }
0x555: {  	v55 =	vld [tilespmem:$0x1EB10];
	v15 =	vadd.f32 v15, v22;
	v22 =	vmul.f32 v59, v5;
	v48 =	vmul.f32 v30, v43  }
0x556: {  	v27 =	vadd.f32 v23, v49;
	v23 =	vmul.f32 v59, v43;
	v28 =	vmul.f32 v59, v13;
	v59 =	vld [tilespmem:$0x1EB20]  }
0x557: {  	v36 =	vadd.f32 v1, v48;
	v1 =	vld [tilespmem:$0x1EB50];
	_ =	sdelay $0x1  }
0x558: {  	v46 =	vld [tilespmem:$0x1EAD0]  }
0x559: {  	v30 =	vmul.f32 v30, v5;
	v7 =	vadd.f32 v44, v50;
	v44 =	vld [tilespmem:$0x1EAB0]  }
0x55a: {  	v15 =	vmin.f32 v55, v15;
	v2 =	vadd.f32 v45, v53;
	v45 =	vld [tilespmem:$0x1EAC0]  }
0x55b: {  	p0 =	sne.s32 s19, $0xFE00;
	v27 =	vmin.f32 v59, v27;
	v6 =	vmin.f32 v15, v6;
	v15 =	vadd.f32 v1, v30;
	v1 =	vld [tilespmem:$0x1EB60]  }
.Ltmp3:
0x55c: {  	v7 =	vmin.f32 v27, v7;
	v27 =	vmin.f32 v6, v47;
	v47 =	vld [tilespmem:$0x1EB90];
	(pc) =	sbr.rel @p0 .LBB2_9-.Ltmp3, $4  }
0x55d: {  	v3 =	vmov v38;
	v38 =	vld [tilespmem:$0x1EB80]  }
0x55e: {  	v52 =	vmov v40;
	v40 =	vld [tilespmem:$0x1EB00]  }
0x55f: {  	v48 =	vld [tilespmem:$0x1EB40]  }
0x560: {  	s19 =	sadd.s32 $0x200, s19;
	v43 =	vmovc v31;
	v13 =	vmovc v11;
	v29 =	vmin.f32 v7, v29;
	v1 =	vadd.f32 v1, v56;
	v56 =	vmov v63;
	v63 =	vld [tilespmem:$0x1EB70]  }
0x561: {  	v6 =	vld [tilespmem:$0x1EBA0];
	_ =	sdelay $0x2  }
0x562: {  	v55 =	vld [tilespmem:$0x1EBB0];
	_ =	sdelay $0x1  }
0x563: {  	v59 =	vld [tilespmem:$0x1EBC0];
	(xrf0) =	vmin.scan.msk.f32 $0xffff, v6  }
0x564: {  	v30 =	vld [tilespmem:$0x1FFF0];
	_ =	sdelay $0x1  }
0x565: {  	(xrf0) =	vmin.scan.msk.f32 $0xffff, v55  }
0x566: {  	v31 =	vld [tilespmem:$0x1EBD0]  }
0x567: {  	v50 =	vld [tilespmem:$0x1EBE0]  }
0x568: {  	v5 =	vld [tilespmem:$0x1EDE0];
	(v2sf) =	vpush v30, $0x0;
	(xrf0) =	vmin.scan.msk.f32 $0xffff, v59;
	v11, _, _ =	vpop (xrf0)  }
0x569: {  	v20 =	vmin.f32 v27, v20;
	v27 =	vld [tilespmem:$0x1EE00];
	(v2sf) =	vpush v11, $0xF;
	_ =	sdelay $0x1  }
0x56a: {  	(xrf0) =	vmin.scan.msk.f32 $0xffff, v31;
	v49, _, _ =	vpop (xrf0);
	(v2sf) =	vpush v30, $0x1  }
0x56b: {  	v55 =	vld [tilespmem:$0x1EBF0];
	v11 =	vmin.f32 v29, v21;
	(v2sf) =	vpush v49, $0xF  }
0x56c: {  	v7 =	vadd.f32 v5, v28;
	v6 =	vmin.f32 v11, v17;
	v11 =	vld [tilespmem:$0x1EE80]  }
0x56d: {  	v28 =	vadd.f32 v27, v26;
	v26 =	vld [tilespmem:$0x1EEB0];
	(xrf0) =	vmin.scan.msk.f32 $0xffff, v50;
	v53, _, _ =	vpop (xrf0);
	(v2sf) =	vpush v30, $0x2  }
0x56e: {  	v31 =	vld [tilespmem:$0x1EC00];
	(v2sf) =	vpush v53, $0xF  }
0x56f: {  	v20 =	vmin.f32 v20, v10;
	v29 =	vld [tilespmem:$0x1EE20]  }
0x570: {  	v3 =	vmin.f32 v20, v3;
	v50 =	vld [tilespmem:$0x1EE40];
	(xrf0) =	vmin.scan.msk.f32 $0xffff, v55;
	(v2sf) =	vpush v30, $0x3;
	v59, _, _ =	vpop (xrf0)  }
0x571: {  	(v2sf) =	vpush v59, $0xF;
	v3 =	vmin.f32 v3, v11;
	v11 =	vld [tilespmem:$0x1F060]  }
0x572: {  	v1 =	vmin.f32 v46, v1;
	v53 =	vld [tilespmem:$0x1EEA0]  }
0x573: {  	v1 =	vmin.f32 v1, v2;
	(xrf0) =	vmin.scan.msk.f32 $0xffff, v31;
	v49, _, _ =	vpop (xrf0);
	v59 =	vld [tilespmem:$0x1EE50];
	(v2sf) =	vpush v30, $0x4  }
0x574: {  	v1 =	vmin.f32 v1, v19;
	v27 =	vld [tilespmem:$0x1EF60];
	(v2sf) =	vpush v49, $0xF  }
0x575: {  	v1 =	vmin.f32 v1, v0;
	v21 =	vmin.f32 v48, v28;
	v28 =	vld [tilespmem:$0x1EF70]  }
0x576: {  	v7 =	vmin.f32 v47, v7;
	v55 =	vadd.f32 v13, v22;
	v22 =	vld [tilespmem:$0x1EF40];
	v13, _, _ =	vpop (xrf0);
	s19 =	spop (v2sf);
	(v2sf) =	vpush v30, $0x5;
	(xrf0) =	vmin.scan.msk.f32 $0xffff, v11  }
0x577: {  	v6 =	vmin.f32 v6, v37;
	v10 =	vadd.f32 v50, v23;
	v23 =	vld [tilespmem:$0x1EEF0];
	(v2sf) =	vpush v13, $0xF;
	s20 =	spop (v2sf)  }
0x578: {  	v5 =	vadd.f32 v29, v24;
	v29 =	vld [tilespmem:$0x1EE70];
	v6 =	vmin.f32 v6, v53;
	v3 =	vmin.f32 v3, v59;
	s19 =	sadd.f32 s20, s19  }
0x579: {  	v31 =	vld [tilespmem:$0x1EF00];
	v6 =	vmin.f32 v6, v14;
	v14 =	vmin.f32 v7, v32;
	v17, _, _ =	vpop (xrf0);
	(xrf0) =	vmin.scan.msk.f32 $0xffff, v3;
	(v2sf) =	vpush v30, $0x6;
	s21 =	spop (v2sf)  }
0x57a: {  	v19 =	vmin.f32 v21, v8;
	v2 =	vmin.f32 v14, v42;
	v42 =	vld [tilespmem:$0x1EEC0];
	(v2sf) =	vpush v17, $0xF;
	s22 =	spop (v2sf);
	s18 =	sadd.f32 s19, s18  }
0x57b: {  	v21 =	vmin.f32 v19, v18;
	v1 =	vmin.f32 v1, v22;
	v53 =	vld [tilespmem:$0x1F120];
	s19 =	sadd.f32 s22, s21  }
0x57c: {  	v1 =	vmin.f32 v1, v23;
	v32 =	vld [tilespmem:$0x1EF10];
	v2 =	vmin.f32 v2, v4;
	(xrf0) =	vmin.scan.msk.f32 $0xffff, v6;
	(v2sf) =	vpush v30, $0x7;
	v24, _, _ =	vpop (xrf0);
	s23 =	spop (v2sf)  }
0x57d: {  	v1 =	vmin.f32 v1, v26;
	v0 =	vmin.f32 v2, v27;
	(v2sf) =	vpush v24, $0xF;
	s24 =	spop (v2sf);
	s18 =	sadd.f32 s19, s18  }
0x57e: {  	v46 =	vmin.f32 v45, v5;
	v1 =	vmin.f32 v1, v29;
	v0 =	vmin.f32 v0, v31;
	s19 =	sadd.f32 s24, s23  }
0x57f: {  	v3 =	vmin.f32 v21, v12;
	v0 =	vmin.f32 v0, v42;
	(xrf0) =	vmin.scan.msk.f32 $0xffff, v1;
	v37, _, _ =	vpop (xrf0);
	(v2sf) =	vpush v30, $0x8;
	s25 =	spop (v2sf)  }
0x580: {  	v2 =	vmin.f32 v3, v28;
	v0 =	vmin.f32 v0, v63;
	(v2sf) =	vpush v37, $0xF;
	s26 =	spop (v2sf);
	s18 =	sadd.f32 s19, s18  }
0x581: {  	v48 =	vmin.f32 v46, v41;
	v2 =	vmin.f32 v2, v32;
	(xrf0) =	vmin.scan.msk.f32 $0xffff, v0;
	v0 =	vmin.f32 v53, v55;
	v55 =	vld [tilespmem:$0x1EFB0];
	s19 =	sadd.f32 s26, s25  }
0x582: {  	v47 =	vmin.f32 v2, v61;
	v2 =	vmin.f32 v48, v58;
	v49, _, _ =	vpop (xrf0);
	(v2sf) =	vpush v30, $0x9;
	s28 =	spop (v2sf)  }
0x583: {  	v50 =	vmin.f32 v44, v10;
	v2 =	vmin.f32 v2, v16;
	(v2sf) =	vpush v49, $0xF;
	s29 =	spop (v2sf);
	s18 =	sadd.f32 s19, s18  }
0x584: {  	v3 =	vmin.f32 v50, v36;
	v1 =	vmin.f32 v47, v38;
	v2 =	vmin.f32 v2, v62;
	s19 =	sadd.f32 s29, s28  }
0x585: {  	v3 =	vmin.f32 v3, v9;
	v2 =	vmin.f32 v2, v54;
	(xrf0) =	vmin.scan.msk.f32 $0xffff, v1;
	v54, _, _ =	vpop (xrf0);
	s30 =	spop (v2sf);
	(v2sf) =	vpush v30, $0xA  }
0x586: {  	v2 =	vmin.f32 v2, v57;
	v3 =	vmin.f32 v3, v55;
	(v2sf) =	vpush v54, $0xF;
	s31 =	spop (v2sf);
	s18 =	sadd.f32 s19, s18  }
0x587: {  	v0 =	vmin.f32 v0, v15;
	v2 =	vmin.f32 v2, v40;
	v58 =	vmin.f32 v3, v60;
	s19 =	sadd.f32 s31, s30  }
0x588: {  	v0 =	vmin.f32 v0, v33;
	(xrf0) =	vmin.scan.msk.f32 $0xffff, v2;
	v59, _, _ =	vpop (xrf0);
	v1 =	vmin.f32 v58, v25;
	s21 =	spop (v2sf);
	(v2sf) =	vpush v30, $0xB  }
0x589: {  	v0 =	vmin.f32 v0, v51;
	v1 =	vmin.f32 v1, v56;
	s18 =	sadd.f32 s19, s18;
	(v2sf) =	vpush v59, $0xF;
	s22 =	spop (v2sf)  }
0x58a: {  	v0 =	vmin.f32 v0, v35;
	v1 =	vmin.f32 v1, v52;
	s19 =	sadd.f32 s22, s21  }
0x58b: {  	v0 =	vmin.f32 v0, v34;
	v60, _, _ =	vpop (xrf0);
	(xrf0) =	vmin.scan.msk.f32 $0xffff, v1;
	s23 =	spop (v2sf);
	(v2sf) =	vpush v30, $0xC  }
0x58c: {  	v0 =	vmin.f32 v0, v39;
	(v2sf) =	vpush v60, $0xF;
	s24 =	spop (v2sf);
	s18 =	sadd.f32 s19, s18  }
0x58d: {  	v0 =	vmin.f32 v0, v43;
	s19 =	sadd.f32 s24, s23  }
0x58e: {  	(xrf0) =	vmin.scan.msk.f32 $0xffff, v0;
	v61, _, _ =	vpop (xrf0);
	s25 =	spop (v2sf);
	(v2sf) =	vpush v30, $0xD  }
0x58f: {  	s26 =	spop (v2sf);
	(v2sf) =	vpush v61, $0xF;
	s18 =	sadd.f32 s19, s18  }
0x590: {  	s19 =	sadd.f32 s26, s25  }
0x591: {  	v62, _, _ =	vpop (xrf0);
	s28 =	spop (v2sf);
	(v2sf) =	vpush v30, $0xE  }
0x592: {  	(v2sf) =	vpush v62, $0xF;
	s29 =	spop (v2sf);
	s18 =	sadd.f32 s19, s18  }
0x593: {  	s19 =	sadd.f32 s29, s28  }
0x594: {  	v63, _, _ =	vpop (xrf0);
	s30 =	spop (v2sf);
	(v2sf) =	vpush v30, $0xF  }
0x595: {  	(v2sf) =	vpush v63, $0xF;
	s18 =	sadd.f32 s19, s18;
	s31 =	spop (v2sf)  }
0x596: {  	s19 =	sadd.f32 s31, s30  }
0x597: {  	s21 =	spop (v2sf)  }
0x598: {  	s18 =	sadd.f32 s19, s18;
	s22 =	spop (v2sf)  }
0x599: {  	s19 =	sadd.f32 s22, s21  }
0x59a: {  	s23 =	spop (v2sf)  }
0x59b: {  	s24 =	spop (v2sf);
	s18 =	sadd.f32 s19, s18  }
0x59c: {  	s19 =	sadd.f32 s24, s23  }
0x59d: {  	s25 =	spop (v2sf)  }
0x59e: {  	s26 =	spop (v2sf);
	s18 =	sadd.f32 s19, s18  }
0x59f: {  	s19 =	sadd.f32 s26, s25  }
0x5a0: {  	s28 =	spop (v2sf)  }
0x5a1: {  	s17 =	sadd.s32 $0x1, s17;
	s29 =	spop (v2sf);
	s18 =	sadd.f32 s19, s18  }
0x5a2: {  	p0 =	sne.s32 s17, $0x8;
	s19 =	sadd.f32 s29, s28  }
.Ltmp4:
0x5a3: {  	s30 =	spop (v2sf);
	(pc) =	sbr.rel @p0 .LBB2_6-.Ltmp4, $3  }
0x5a4: {  	s18 =	sadd.f32 s19, s18;
	s31 =	spop (v2sf)  }
0x5a5: {  	s19 =	sadd.f32 s31, s30;
	_ =	sdelay $0x1  }
0x5a6: {  	s18 =	sadd.f32 s19, s18  }
0x5a7: {  	_ = 	snop  }
0x5a8: {  	v0 =	vmov s18  }
0x5a9: {  	v0 =	vadd.f32 $0.0e+00, v0;
	_ =	sdelay $0x1  }
0x5aa: {  	s16 =	sadd.s32 $0x1, s16;
	v0 =	vbroadcast v0, $0x0  }
0x5ab: {  	p0 =	sne.s32 s16, s9  }
.Ltmp5:
0x5ac: {  	[tilespmem:$0x10400] =	vst v0;
	(pc) =	sbr.rel @p0 .LBB2_1-.Ltmp5, $4  }
0x5ad: {  	[hbm4b:s8+s3] =	stream.linear.scatter [tilespmem:s15], [sflag:$0x1], $0x80, $0x38;
	[tilespmem:$0x10480] =	vst v63  }
0x5ae: {  	_ =	swait.ge [sflag:s11], $0x80  }
0x5af: {  	[sflag:s11] =	ssyncset.done $0x0  }
0x5b0: {  	[sflag:s11] =	ssyncadd.s32 $0xFFFFFF80  }
0x5b1: {  	_ =	sfence.sel $0x180000  }
0x5b2: {  	[bflag:$0x0] =	sbarrier.arrive $0xFFFF  }
0x5b3: {  	p0 =	sne.s32 s2, $0x0;
	_ =	strace $0x90000047  }
0x5b4: {  	s0 =	sadd.s32 @!p0 $0x100000, s0;
	[bflag:$0x2] =	sbarrier.arrive $0xFFFF  }
0x5b5: {  	[sflag:s0] =	ssyncadd.tile.s32 @!p0 $0x1;
	_ =	shalt  }
.Lfunc_end2:
_tile_overlayer_lowered:
.L_overlay_start_2:
0x5b6: {  	(tag) =	ssettag $0x2  }
0x5b7: {  	s0 =	rddreg [dreg:$0x0];
	s2 =	stileid.u32  }
0x5b8: {  	s1 =	rddreg [dreg:$0x1];
	p0 =	sne.s32 s2, $0x0  }
0x5b9: {  	s3 =	rddreg [dreg:$0x2];
	[bflag:$0x3] =	sbarrier.arrive $0xFFFF;
	s2 =	simm.s32 @!p0 $0x1C01  }
0x5ba: {  	[timem:s3], [sflag:s2] =	dma.local @!p0 [hbm:s0], s1  }
0x5bb: {  	s0 =	simm.s32 @!p0 $0x1  }
0x5bc: {  	_ =	swait.ge @!p0 [sflag:s0], s1  }
0x5bd: {  	s1 =	ssub.s32 @!p0 $0x0, s1;
	[sflag:s0] =	ssyncset.done @!p0 $0x0  }
0x5be: {  	[sflag:s0] =	ssyncadd.s32 @!p0 s1  }
0x5bf: {  	[bflag:$0x3] =	sbarrier.arrive $0xFFFF  }
0x5c0: {  	_ =	shalt  }

</sc_bundles>
